<compile_context>
chip_gen: v7x
topology: tpu7x:2x2x1
jax: 0.10.2.dev20260603
libtpu: 0.0.44.dev20260713+nightly
codegen_flags: <defaults>
</compile_context>

<pallas_src>
import functools

import jax
import jax.numpy as jnp
from jax import lax
from jax.experimental import pallas as pl
from jax.experimental.pallas import tpu as pltpu
from jax.experimental.pallas import tpu_sc as plsc

N_NODES = 10000
N_EDGES = 320000
N_LABEL = 128
D = 128
DSUB = 8

NC = 2
NS = 16
NW = NC * NS
CHUNK = 200
SPLITS = (198400, 121600)
OFFS = (0, 198400)
GSPLIT = ((0, 104), (104, 96))


def _fire_gathers(h, idxa, idxb, bufa, bufb, sem):
    for off, ln in GSPLIT:
        pltpu.async_copy(h.at[idxa.at[pl.ds(off, ln)]],
                         bufa.at[pl.ds(off, ln)], sem)
        pltpu.async_copy(h.at[idxb.at[pl.ds(off, ln)]],
                         bufb.at[pl.ds(off, ln)], sem)


def _wait_gathers(h, idxa, idxb, bufa, bufb, sem):
    for off, ln in GSPLIT:
        pltpu.make_async_copy(h.at[idxa.at[pl.ds(off, ln)]],
                              bufa.at[pl.ds(off, ln)], sem).wait()
        pltpu.make_async_copy(h.at[idxb.at[pl.ds(off, ln)]],
                              bufb.at[pl.ds(off, ln)], sem).wait()


def _add_rows(bufa, bufb):
    def body(e2, carry):
        for r in range(2):
            e = e2 * 2 + r
            for c in range(DSUB):
                sl = pl.ds(c * 16, 16)
                bufa[e, sl] = bufa[e, sl] + bufb[e, sl]
        return carry
    lax.fori_loop(0, CHUNK // 2, body, 0)


def _sc_gather_body(do_label, n_edges, offset,
                    h, ne0, ne1, le0, le1, s2, rla, rlb,
                    idxa0, idxb0, idxa1, idxb1,
                    bufa0, bufb0, bufa1, bufb1, idxl,
                    gsem0, gsem1, wsem0, wsem1, lsem):
    epw = n_edges // NW
    nchunk = epw // CHUNK
    npair = (nchunk - 1) // 2
    c = lax.axis_index("c")
    s = lax.axis_index("s")
    wid = s * NC + c
    base0 = wid * epw

    if do_label:
        @pl.when(wid == 0)
        def _label():
            pltpu.sync_copy(le0, idxl)
            pltpu.async_copy(h.at[idxl], bufa0.at[pl.ds(0, N_LABEL)],
                             lsem).wait()
            pltpu.sync_copy(bufa0.at[pl.ds(0, N_LABEL)], rla)
            pltpu.sync_copy(le1, idxl)
            pltpu.async_copy(h.at[idxl], bufa0.at[pl.ds(0, N_LABEL)],
                             lsem).wait()
            pltpu.sync_copy(bufa0.at[pl.ds(0, N_LABEL)], rlb)

    def load_idx(j, idxa, idxb):
        base = pl.multiple_of(offset + base0 + j * CHUNK, 8)
        pltpu.sync_copy(ne0.at[pl.ds(base, CHUNK)], idxa)
        pltpu.sync_copy(ne1.at[pl.ds(base, CHUNK)], idxb)
        return base

    def process(j, idxa, idxb, bufa, bufb, gsem, wsem):
        _wait_gathers(h, idxa, idxb, bufa, bufb, gsem)
        _add_rows(bufa, bufb)
        b = pl.multiple_of(base0 + j * CHUNK, 8)
        pltpu.async_copy(bufa, s2.at[pl.ds(b, CHUNK)], wsem)

    load_idx(0, idxa0, idxb0)
    _fire_gathers(h, idxa0, idxb0, bufa0, bufb0, gsem0)

    def body(k, carry):
        j0 = 2 * k
        @pl.when(k > 0)
        def _():
            pltpu.make_async_copy(bufa1, s2.at[pl.ds(base0, CHUNK)],
                                  wsem1).wait()
        load_idx(j0 + 1, idxa1, idxb1)
        _fire_gathers(h, idxa1, idxb1, bufa1, bufb1, gsem1)
        process(j0, idxa0, idxb0, bufa0, bufb0, gsem0, wsem0)
        pltpu.make_async_copy(bufa0, s2.at[pl.ds(base0, CHUNK)],
                              wsem0).wait()
        load_idx(j0 + 2, idxa0, idxb0)
        _fire_gathers(h, idxa0, idxb0, bufa0, bufb0, gsem0)
        process(j0 + 1, idxa1, idxb1, bufa1, bufb1, gsem1, wsem1)
        return carry

    lax.fori_loop(0, npair, body, 0)

    process(nchunk - 1, idxa0, idxb0, bufa0, bufb0, gsem0, wsem0)
    pltpu.make_async_copy(bufa0, s2.at[pl.ds(base0, CHUNK)], wsem0).wait()
    pltpu.make_async_copy(bufa1, s2.at[pl.ds(base0, CHUNK)], wsem1).wait()


@functools.cache
def _make_sc_gather(do_label, n_edges, offset):
    return functools.partial(
        pl.kernel,
        out_type=[
            jax.ShapeDtypeStruct((n_edges, D), jnp.float32),
            jax.ShapeDtypeStruct((N_LABEL, D), jnp.float32),
            jax.ShapeDtypeStruct((N_LABEL, D), jnp.float32),
        ],
        mesh=plsc.VectorSubcoreMesh(core_axis_name="c", subcore_axis_name="s"),
        scratch_types=[
            pltpu.VMEM((CHUNK,), jnp.int32),
            pltpu.VMEM((CHUNK,), jnp.int32),
            pltpu.VMEM((CHUNK,), jnp.int32),
            pltpu.VMEM((CHUNK,), jnp.int32),
            pltpu.VMEM((CHUNK, D), jnp.float32),
            pltpu.VMEM((CHUNK, D), jnp.float32),
            pltpu.VMEM((CHUNK, D), jnp.float32),
            pltpu.VMEM((CHUNK, D), jnp.float32),
            pltpu.VMEM((N_LABEL,), jnp.int32),
            pltpu.SemaphoreType.DMA,
            pltpu.SemaphoreType.DMA,
            pltpu.SemaphoreType.DMA,
            pltpu.SemaphoreType.DMA,
            pltpu.SemaphoreType.DMA,
        ],
    )(functools.partial(_sc_gather_body, do_label, n_edges, offset))


B2 = 6400


def _tc_body(s2_ref, rla_ref, rlb_ref, le_ref,
             score_ref, idx_ref, pe_ref):
    en = s2_ref[...] * 0.5
    el = (rla_ref[...] + rlb_ref[...]) * 0.5
    sq_l = jnp.sum(el * el, axis=1, keepdims=True)
    dott = lax.dot_general(el, en, (((1,), (1,)), ((), ())),
                           preferred_element_type=jnp.float32)
    sq_nt = lax.dot_general(jnp.ones((1, D), jnp.float32), en * en,
                            (((1,), (1,)), ((), ())),
                            preferred_element_type=jnp.float32)
    d2t = jnp.maximum(sq_l + sq_nt - 2.0 * dott, 1e-12)
    mt = jnp.min(d2t, axis=0, keepdims=True)
    iot = lax.broadcasted_iota(jnp.int32, (N_LABEL, B2), 0)
    idxt = jnp.min(jnp.where(d2t == mt, iot, jnp.int32(N_LABEL)),
                   axis=0, keepdims=True)
    ohf = (iot == idxt).astype(jnp.float32)
    pe = lax.dot_general(le_ref[...].astype(jnp.float32), ohf,
                         (((1,), (0,)), ((), ())),
                         preferred_element_type=jnp.float32)
    score_ref[...] = -jnp.sqrt(mt)
    idx_ref[...] = idxt
    pe_ref[...] = pe.astype(jnp.int32)


@functools.cache
def _make_tc_math(n_edges):
    return pl.pallas_call(
        _tc_body,
        grid=(n_edges // B2,),
        in_specs=[
            pl.BlockSpec((B2, D), lambda i: (i, 0)),
            pl.BlockSpec((N_LABEL, D), lambda i: (0, 0)),
            pl.BlockSpec((N_LABEL, D), lambda i: (0, 0)),
            pl.BlockSpec((2, N_LABEL), lambda i: (0, 0)),
        ],
        out_specs=[
            pl.BlockSpec((1, B2), lambda i: (0, i)),
            pl.BlockSpec((1, B2), lambda i: (0, i)),
            pl.BlockSpec((2, B2), lambda i: (0, i)),
        ],
        out_shape=[
            jax.ShapeDtypeStruct((1, n_edges), jnp.float32),
            jax.ShapeDtypeStruct((1, n_edges), jnp.int32),
            jax.ShapeDtypeStruct((2, n_edges), jnp.int32),
        ],
    )


def kernel(h, node_edge, label_edge):
    le0, le1 = label_edge[0], label_edge[1]
    ne0, ne1 = node_edge[0], node_edge[1]
    parts = []
    rla = rlb = None
    for i, (sz, off) in enumerate(zip(SPLITS, OFFS)):
        s2_i, rla_i, rlb_i = _make_sc_gather(i == 0, sz, off)(
            h, ne0, ne1, le0, le1)
        if i == 0:
            rla, rlb = rla_i, rlb_i
        parts.append(s2_i)
    outs = [_make_tc_math(sz)(s2_i, rla, rlb, label_edge)
            for sz, s2_i in zip(SPLITS, parts)]
    n = node_edge.shape[1]
    return (jnp.concatenate([o[0] for o in outs], axis=1).reshape(n),
            jnp.concatenate([o[1] for o in outs], axis=1).reshape(n),
            jnp.concatenate([o[2] for o in outs], axis=1))

# --- scband reference (transcript-rebuilt; emitter-appended) ---
"""Pipeline reference for scband-explain-gnn-41987600286245 (READ-ONLY COPY).

The authoritative reference and input builder live on the scoring server;
editing this copy changes nothing except your own understanding.
"""

import jax, jax.numpy as jnp
import numpy as np


def setup_inputs(seed: int = 0) -> dict:
    key = jax.random.key(seed)
    k1, k2, k3 = jax.random.split(key, 3)
    n_nodes = 10000
    n_edges = 320000
    n_label_edges = 128
    d = 128
    h = jax.random.normal(k1, (n_nodes, d), dtype=jnp.float32)
    node_edge = jax.random.randint(k2, (2, n_edges), 0, n_nodes, dtype=jnp.int32)
    label_edge = jax.random.randint(k3, (2, n_label_edges), 0, n_nodes, dtype=jnp.int32)
    return {"h": h, "node_edge": node_edge, "label_edge": label_edge}


def reference(h, node_edge, label_edge):
    # Explainer.explain / explain_structure core of ExplainGNN:
    # edge features = mean of endpoint embeddings (gather), then kNN (top-1)
    # retrieval against label-edge features via negative euclidean distance.
    edge_feature_n = (jnp.take(h, node_edge[0], axis=0) + jnp.take(h, node_edge[1], axis=0)) * 0.5
    edge_feature_l = (jnp.take(h, label_edge[0], axis=0) + jnp.take(h, label_edge[1], axis=0)) * 0.5
    # cdist (p=2) expanded as ||a||^2 + ||b||^2 - 2 a.b
    sq_n = jnp.sum(edge_feature_n * edge_feature_n, axis=1, keepdims=True)
    sq_l = jnp.sum(edge_feature_l * edge_feature_l, axis=1)[None, :]
    d2 = sq_n + sq_l - 2.0 * (edge_feature_n @ edge_feature_l.T)
    dist = jnp.sqrt(jnp.clip(d2, 1e-12, None))
    edge_matrix = -dist
    # explain_structure: per-query best score; explain: retrieved key edge
    score = jnp.max(edge_matrix, axis=1)
    indices = jnp.argmax(edge_matrix, axis=1)
    pair_edge = jnp.take(label_edge, indices, axis=1)
    return score, indices, pair_edge

if __name__ == "__main__":
    import jax
    _d = setup_inputs()
    print(jax.jit(kernel)(*tuple(_d.values())))

</pallas_src>

<mosaic_0001>
#map = affine_map<(d0, d1) -> (0, 0)>
#map1 = affine_map<(d0, d1) -> (0)>
module attributes {stable_mosaic.version = 14 : i64} {
  func.func @_sc_gather_body(%arg0: i32, %arg1: i32, %arg2: memref<10000x128xf32, #tpu.memory_space<hbm>>, %arg3: memref<320000xi32, #tpu.memory_space<hbm>>, %arg4: memref<320000xi32, #tpu.memory_space<hbm>>, %arg5: memref<128xi32, #tpu.memory_space<hbm>>, %arg6: memref<128xi32, #tpu.memory_space<hbm>>, %arg7: memref<121600x128xf32, #tpu.memory_space<hbm>>, %arg8: memref<128x128xf32, #tpu.memory_space<hbm>>, %arg9: memref<128x128xf32, #tpu.memory_space<hbm>>, %arg10: memref<200xi32, #tpu.memory_space<vmem>>, %arg11: memref<200xi32, #tpu.memory_space<vmem>>, %arg12: memref<200xi32, #tpu.memory_space<vmem>>, %arg13: memref<200xi32, #tpu.memory_space<vmem>>, %arg14: memref<200x128xf32, #tpu.memory_space<vmem>>, %arg15: memref<200x128xf32, #tpu.memory_space<vmem>>, %arg16: memref<200x128xf32, #tpu.memory_space<vmem>>, %arg17: memref<200x128xf32, #tpu.memory_space<vmem>>, %arg18: memref<128xi32, #tpu.memory_space<vmem>>, %arg19: memref<!tpu.dma_semaphore, #tpu.memory_space<semaphore_mem>>, %arg20: memref<!tpu.dma_semaphore, #tpu.memory_space<semaphore_mem>>, %arg21: memref<!tpu.dma_semaphore, #tpu.memory_space<semaphore_mem>>, %arg22: memref<!tpu.dma_semaphore, #tpu.memory_space<semaphore_mem>>, %arg23: memref<!tpu.dma_semaphore, #tpu.memory_space<semaphore_mem>>) attributes {dimension_semantics = [#tpu.dimension_semantics<core_parallel>, #tpu.dimension_semantics<subcore_parallel>], iteration_bounds = array<i64: 2, 16>, scalar_prefetch = 0 : i64, scratch_operands = 14 : i64, tpu.core_type = #tpu.core_type<sc_vector_subcore>, window_params = [{transform_indices = #map}, {transform_indices = #map1}, {transform_indices = #map1}, {transform_indices = #map1}, {transform_indices = #map1}, {transform_indices = #map}, {transform_indices = #map}, {transform_indices = #map}]} {
    %mul3A = arith.constant 2 : i32
    %mul3A_0 = arith.muli %arg1, %mul3A : i32
    %add3A = arith.addi %mul3A_0, %arg0 : i32
    %mul3A_1 = arith.constant 3800 : i32
    %mul3A_2 = arith.muli %add3A, %mul3A_1 : i32
    %add3A_3 = arith.constant 198400 : i32
    %add3A_4 = arith.addi %add3A_3, %mul3A_2 : i32
    %add3A_5 = arith.constant 0 : i32
    %add3A_6 = arith.addi %add3A_4, %add3A_5 : i32
    %multiple_of3A = tpu.assume_multiple %add3A_6, 8 : i32
    "tpu.region"() ({
      %run_scoped3A = tpu.sem_alloc : memref<!tpu.dma_semaphore, #tpu.memory_space<semaphore_mem>>
      %dma_start3A_95 = tpu.memref_slice %arg3[%multiple_of3A] : memref<320000xi32, #tpu.memory_space<hbm>> -> memref<200xi32, #tpu.memory_space<hbm>>
      %dma_start3A_96 = tpu.memref_slice %arg3[%multiple_of3A] : memref<320000xi32, #tpu.memory_space<hbm>> -> memref<200xi32, #tpu.memory_space<hbm>>
      tpu.enqueue_dma source(%dma_start3A_96 : memref<200xi32, #tpu.memory_space<hbm>>) target(%arg10 : memref<200xi32, #tpu.memory_space<vmem>>) target_semaphore(%run_scoped3A : memref<!tpu.dma_semaphore, #tpu.memory_space<semaphore_mem>>)
      %dma_wait3A_97 = tpu.memref_slice %arg3[%multiple_of3A] : memref<320000xi32, #tpu.memory_space<hbm>> -> memref<200xi32, #tpu.memory_space<hbm>>
      %dma_wait3A_98 = tpu.memref_slice %arg3[%multiple_of3A] : memref<320000xi32, #tpu.memory_space<hbm>> -> memref<200xi32, #tpu.memory_space<hbm>>
      tpu.wait_dma2 semaphore(%run_scoped3A : memref<!tpu.dma_semaphore, #tpu.memory_space<semaphore_mem>>) src(%dma_wait3A_98 : memref<200xi32, #tpu.memory_space<hbm>>) dst(%arg10 : memref<200xi32, #tpu.memory_space<vmem>>)
      tpu.yield
    }) : () -> ()
    "tpu.region"() ({
      %run_scoped3A = tpu.sem_alloc : memref<!tpu.dma_semaphore, #tpu.memory_space<semaphore_mem>>
      %dma_start3A_95 = tpu.memref_slice %arg4[%multiple_of3A] : memref<320000xi32, #tpu.memory_space<hbm>> -> memref<200xi32, #tpu.memory_space<hbm>>
      %dma_start3A_96 = tpu.memref_slice %arg4[%multiple_of3A] : memref<320000xi32, #tpu.memory_space<hbm>> -> memref<200xi32, #tpu.memory_space<hbm>>
      tpu.enqueue_dma source(%dma_start3A_96 : memref<200xi32, #tpu.memory_space<hbm>>) target(%arg11 : memref<200xi32, #tpu.memory_space<vmem>>) target_semaphore(%run_scoped3A : memref<!tpu.dma_semaphore, #tpu.memory_space<semaphore_mem>>)
      %dma_wait3A_97 = tpu.memref_slice %arg4[%multiple_of3A] : memref<320000xi32, #tpu.memory_space<hbm>> -> memref<200xi32, #tpu.memory_space<hbm>>
      %dma_wait3A_98 = tpu.memref_slice %arg4[%multiple_of3A] : memref<320000xi32, #tpu.memory_space<hbm>> -> memref<200xi32, #tpu.memory_space<hbm>>
      tpu.wait_dma2 semaphore(%run_scoped3A : memref<!tpu.dma_semaphore, #tpu.memory_space<semaphore_mem>>) src(%dma_wait3A_98 : memref<200xi32, #tpu.memory_space<hbm>>) dst(%arg11 : memref<200xi32, #tpu.memory_space<vmem>>)
      tpu.yield
    }) : () -> ()
    %dma_start3A = arith.constant 0 : i32
    %dma_start3A_7 = arith.constant 0 : i32
    %dma_start3A_8 = tpu.memref_slice %arg14[%dma_start3A, %dma_start3A_7] : memref<200x128xf32, #tpu.memory_space<vmem>> -> memref<104x128xf32, #tpu.memory_space<vmem>>
    %dma_start3A_9 = arith.constant 0 : i32
    %dma_start3A_10 = tpu.memref_slice %arg10[%dma_start3A_9] : memref<200xi32, #tpu.memory_space<vmem>> -> memref<104xi32, #tpu.memory_space<vmem>>
    %dma_start3A_11 = arith.constant 0 : i32
    %dma_start3A_12 = arith.constant 0 : i32
    %dma_start3A_13 = tpu.memref_slice %arg2[%dma_start3A_11, %dma_start3A_12] : memref<10000x128xf32, #tpu.memory_space<hbm>> -> memref<10000x128xf32, #tpu.memory_space<hbm>>
    tpu.enqueue_indirect_dma source(%dma_start3A_13 : memref<10000x128xf32, #tpu.memory_space<hbm>>) target(%dma_start3A_8 : memref<104x128xf32, #tpu.memory_space<vmem>>) offsets(%dma_start3A_10 : memref<104xi32, #tpu.memory_space<vmem>>) semaphore(%arg19 : memref<!tpu.dma_semaphore, #tpu.memory_space<semaphore_mem>>)
    %dma_start3A_14 = arith.constant 0 : i32
    %dma_start3A_15 = arith.constant 0 : i32
    %dma_start3A_16 = tpu.memref_slice %arg15[%dma_start3A_14, %dma_start3A_15] : memref<200x128xf32, #tpu.memory_space<vmem>> -> memref<104x128xf32, #tpu.memory_space<vmem>>
    %dma_start3A_17 = arith.constant 0 : i32
    %dma_start3A_18 = tpu.memref_slice %arg11[%dma_start3A_17] : memref<200xi32, #tpu.memory_space<vmem>> -> memref<104xi32, #tpu.memory_space<vmem>>
    %dma_start3A_19 = arith.constant 0 : i32
    %dma_start3A_20 = arith.constant 0 : i32
    %dma_start3A_21 = tpu.memref_slice %arg2[%dma_start3A_19, %dma_start3A_20] : memref<10000x128xf32, #tpu.memory_space<hbm>> -> memref<10000x128xf32, #tpu.memory_space<hbm>>
    tpu.enqueue_indirect_dma source(%dma_start3A_21 : memref<10000x128xf32, #tpu.memory_space<hbm>>) target(%dma_start3A_16 : memref<104x128xf32, #tpu.memory_space<vmem>>) offsets(%dma_start3A_18 : memref<104xi32, #tpu.memory_space<vmem>>) semaphore(%arg19 : memref<!tpu.dma_semaphore, #tpu.memory_space<semaphore_mem>>)
    %dma_start3A_22 = arith.constant 104 : i32
    %dma_start3A_23 = arith.constant 0 : i32
    %dma_start3A_24 = tpu.memref_slice %arg14[%dma_start3A_22, %dma_start3A_23] : memref<200x128xf32, #tpu.memory_space<vmem>> -> memref<96x128xf32, #tpu.memory_space<vmem>>
    %dma_start3A_25 = arith.constant 104 : i32
    %dma_start3A_26 = tpu.memref_slice %arg10[%dma_start3A_25] : memref<200xi32, #tpu.memory_space<vmem>> -> memref<96xi32, #tpu.memory_space<vmem>>
    %dma_start3A_27 = arith.constant 0 : i32
    %dma_start3A_28 = arith.constant 0 : i32
    %dma_start3A_29 = tpu.memref_slice %arg2[%dma_start3A_27, %dma_start3A_28] : memref<10000x128xf32, #tpu.memory_space<hbm>> -> memref<10000x128xf32, #tpu.memory_space<hbm>>
    tpu.enqueue_indirect_dma source(%dma_start3A_29 : memref<10000x128xf32, #tpu.memory_space<hbm>>) target(%dma_start3A_24 : memref<96x128xf32, #tpu.memory_space<vmem>>) offsets(%dma_start3A_26 : memref<96xi32, #tpu.memory_space<vmem>>) semaphore(%arg19 : memref<!tpu.dma_semaphore, #tpu.memory_space<semaphore_mem>>)
    %dma_start3A_30 = arith.constant 104 : i32
    %dma_start3A_31 = arith.constant 0 : i32
    %dma_start3A_32 = tpu.memref_slice %arg15[%dma_start3A_30, %dma_start3A_31] : memref<200x128xf32, #tpu.memory_space<vmem>> -> memref<96x128xf32, #tpu.memory_space<vmem>>
    %dma_start3A_33 = arith.constant 104 : i32
    %dma_start3A_34 = tpu.memref_slice %arg11[%dma_start3A_33] : memref<200xi32, #tpu.memory_space<vmem>> -> memref<96xi32, #tpu.memory_space<vmem>>
    %dma_start3A_35 = arith.constant 0 : i32
    %dma_start3A_36 = arith.constant 0 : i32
    %dma_start3A_37 = tpu.memref_slice %arg2[%dma_start3A_35, %dma_start3A_36] : memref<10000x128xf32, #tpu.memory_space<hbm>> -> memref<10000x128xf32, #tpu.memory_space<hbm>>
    tpu.enqueue_indirect_dma source(%dma_start3A_37 : memref<10000x128xf32, #tpu.memory_space<hbm>>) target(%dma_start3A_32 : memref<96x128xf32, #tpu.memory_space<vmem>>) offsets(%dma_start3A_34 : memref<96xi32, #tpu.memory_space<vmem>>) semaphore(%arg19 : memref<!tpu.dma_semaphore, #tpu.memory_space<semaphore_mem>>)
    %scan3A = arith.constant 0 : i32
    %scan3A_38 = arith.constant 0 : i32
    %scan3A_39 = arith.constant 9 : i32
    %scan3A_40 = arith.addi %scan3A_38, %scan3A_39 : i32
    %scan3A_41 = arith.constant 1 : i32
    scf.for %scan3A_95 = %scan3A_38 to %scan3A_40 step %scan3A_41  : i32 {
      %mul3A_96 = arith.constant 2 : i32
      %mul3A_97 = arith.muli %mul3A_96, %scan3A_95 : i32
      %gt3A = arith.constant 0 : i32
      %gt3A_98 = arith.cmpi sgt, %scan3A_95, %gt3A : i32
      %convert_element_type3A = arith.extui %gt3A_98 : i1 to i32
      %cond3A = arith.constant 0 : i32
      %cond3A_99 = arith.cmpi ne, %convert_element_type3A, %cond3A : i32
      scf.if %cond3A_99 {
        %dma_wait3A_278 = arith.constant 0 : i32
        %dma_wait3A_279 = tpu.memref_slice %arg7[%mul3A_2, %dma_wait3A_278] : memref<121600x128xf32, #tpu.memory_space<hbm>> -> memref<200x128xf32, #tpu.memory_space<hbm>>
        %dma_wait3A_280 = arith.constant 0 : i32
        %dma_wait3A_281 = tpu.memref_slice %arg7[%mul3A_2, %dma_wait3A_280] : memref<121600x128xf32, #tpu.memory_space<hbm>> -> memref<200x128xf32, #tpu.memory_space<hbm>>
        tpu.wait_dma2 semaphore(%arg22 : memref<!tpu.dma_semaphore, #tpu.memory_space<semaphore_mem>>) src(%arg16 : memref<200x128xf32, #tpu.memory_space<vmem>>) dst(%dma_wait3A_281 : memref<200x128xf32, #tpu.memory_space<hbm>>)
      } else {
      }
      %add3A_100 = arith.constant 1 : i32
      %add3A_101 = arith.addi %mul3A_97, %add3A_100 : i32
      %add3A_102 = arith.constant 198400 : i32
      %add3A_103 = arith.addi %add3A_102, %mul3A_2 : i32
      %mul3A_104 = arith.constant 200 : i32
      %mul3A_105 = arith.muli %add3A_101, %mul3A_104 : i32
      %add3A_106 = arith.addi %add3A_103, %mul3A_105 : i32
      %multiple_of3A_107 = tpu.assume_multiple %add3A_106, 8 : i32
      "tpu.region"() ({
        %run_scoped3A = tpu.sem_alloc : memref<!tpu.dma_semaphore, #tpu.memory_space<semaphore_mem>>
        %dma_start3A_278 = tpu.memref_slice %arg3[%multiple_of3A_107] : memref<320000xi32, #tpu.memory_space<hbm>> -> memref<200xi32, #tpu.memory_space<hbm>>
        %dma_start3A_279 = tpu.memref_slice %arg3[%multiple_of3A_107] : memref<320000xi32, #tpu.memory_space<hbm>> -> memref<200xi32, #tpu.memory_space<hbm>>
        tpu.enqueue_dma source(%dma_start3A_279 : memref<200xi32, #tpu.memory_space<hbm>>) target(%arg12 : memref<200xi32, #tpu.memory_space<vmem>>) target_semaphore(%run_scoped3A : memref<!tpu.dma_semaphore, #tpu.memory_space<semaphore_mem>>)
        %dma_wait3A_280 = tpu.memref_slice %arg3[%multiple_of3A_107] : memref<320000xi32, #tpu.memory_space<hbm>> -> memref<200xi32, #tpu.memory_space<hbm>>
        %dma_wait3A_281 = tpu.memref_slice %arg3[%multiple_of3A_107] : memref<320000xi32, #tpu.memory_space<hbm>> -> memref<200xi32, #tpu.memory_space<hbm>>
        tpu.wait_dma2 semaphore(%run_scoped3A : memref<!tpu.dma_semaphore, #tpu.memory_space<semaphore_mem>>) src(%dma_wait3A_281 : memref<200xi32, #tpu.memory_space<hbm>>) dst(%arg12 : memref<200xi32, #tpu.memory_space<vmem>>)
        tpu.yield
      }) : () -> ()
      "tpu.region"() ({
        %run_scoped3A = tpu.sem_alloc : memref<!tpu.dma_semaphore, #tpu.memory_space<semaphore_mem>>
        %dma_start3A_278 = tpu.memref_slice %arg4[%multiple_of3A_107] : memref<320000xi32, #tpu.memory_space<hbm>> -> memref<200xi32, #tpu.memory_space<hbm>>
        %dma_start3A_279 = tpu.memref_slice %arg4[%multiple_of3A_107] : memref<320000xi32, #tpu.memory_space<hbm>> -> memref<200xi32, #tpu.memory_space<hbm>>
        tpu.enqueue_dma source(%dma_start3A_279 : memref<200xi32, #tpu.memory_space<hbm>>) target(%arg13 : memref<200xi32, #tpu.memory_space<vmem>>) target_semaphore(%run_scoped3A : memref<!tpu.dma_semaphore, #tpu.memory_space<semaphore_mem>>)
        %dma_wait3A_280 = tpu.memref_slice %arg4[%multiple_of3A_107] : memref<320000xi32, #tpu.memory_space<hbm>> -> memref<200xi32, #tpu.memory_space<hbm>>
        %dma_wait3A_281 = tpu.memref_slice %arg4[%multiple_of3A_107] : memref<320000xi32, #tpu.memory_space<hbm>> -> memref<200xi32, #tpu.memory_space<hbm>>
        tpu.wait_dma2 semaphore(%run_scoped3A : memref<!tpu.dma_semaphore, #tpu.memory_space<semaphore_mem>>) src(%dma_wait3A_281 : memref<200xi32, #tpu.memory_space<hbm>>) dst(%arg13 : memref<200xi32, #tpu.memory_space<vmem>>)
        tpu.yield
      }) : () -> ()
      %dma_start3A_108 = arith.constant 0 : i32
      %dma_start3A_109 = arith.constant 0 : i32
      %dma_start3A_110 = tpu.memref_slice %arg16[%dma_start3A_108, %dma_start3A_109] : memref<200x128xf32, #tpu.memory_space<vmem>> -> memref<104x128xf32, #tpu.memory_space<vmem>>
      %dma_start3A_111 = arith.constant 0 : i32
      %dma_start3A_112 = tpu.memref_slice %arg12[%dma_start3A_111] : memref<200xi32, #tpu.memory_space<vmem>> -> memref<104xi32, #tpu.memory_space<vmem>>
      %dma_start3A_113 = arith.constant 0 : i32
      %dma_start3A_114 = arith.constant 0 : i32
      %dma_start3A_115 = tpu.memref_slice %arg2[%dma_start3A_113, %dma_start3A_114] : memref<10000x128xf32, #tpu.memory_space<hbm>> -> memref<10000x128xf32, #tpu.memory_space<hbm>>
      tpu.enqueue_indirect_dma source(%dma_start3A_115 : memref<10000x128xf32, #tpu.memory_space<hbm>>) target(%dma_start3A_110 : memref<104x128xf32, #tpu.memory_space<vmem>>) offsets(%dma_start3A_112 : memref<104xi32, #tpu.memory_space<vmem>>) semaphore(%arg20 : memref<!tpu.dma_semaphore, #tpu.memory_space<semaphore_mem>>)
      %dma_start3A_116 = arith.constant 0 : i32
      %dma_start3A_117 = arith.constant 0 : i32
      %dma_start3A_118 = tpu.memref_slice %arg17[%dma_start3A_116, %dma_start3A_117] : memref<200x128xf32, #tpu.memory_space<vmem>> -> memref<104x128xf32, #tpu.memory_space<vmem>>
      %dma_start3A_119 = arith.constant 0 : i32
      %dma_start3A_120 = tpu.memref_slice %arg13[%dma_start3A_119] : memref<200xi32, #tpu.memory_space<vmem>> -> memref<104xi32, #tpu.memory_space<vmem>>
      %dma_start3A_121 = arith.constant 0 : i32
      %dma_start3A_122 = arith.constant 0 : i32
      %dma_start3A_123 = tpu.memref_slice %arg2[%dma_start3A_121, %dma_start3A_122] : memref<10000x128xf32, #tpu.memory_space<hbm>> -> memref<10000x128xf32, #tpu.memory_space<hbm>>
      tpu.enqueue_indirect_dma source(%dma_start3A_123 : memref<10000x128xf32, #tpu.memory_space<hbm>>) target(%dma_start3A_118 : memref<104x128xf32, #tpu.memory_space<vmem>>) offsets(%dma_start3A_120 : memref<104xi32, #tpu.memory_space<vmem>>) semaphore(%arg20 : memref<!tpu.dma_semaphore, #tpu.memory_space<semaphore_mem>>)
      %dma_start3A_124 = arith.constant 104 : i32
      %dma_start3A_125 = arith.constant 0 : i32
      %dma_start3A_126 = tpu.memref_slice %arg16[%dma_start3A_124, %dma_start3A_125] : memref<200x128xf32, #tpu.memory_space<vmem>> -> memref<96x128xf32, #tpu.memory_space<vmem>>
      %dma_start3A_127 = arith.constant 104 : i32
      %dma_start3A_128 = tpu.memref_slice %arg12[%dma_start3A_127] : memref<200xi32, #tpu.memory_space<vmem>> -> memref<96xi32, #tpu.memory_space<vmem>>
      %dma_start3A_129 = arith.constant 0 : i32
      %dma_start3A_130 = arith.constant 0 : i32
      %dma_start3A_131 = tpu.memref_slice %arg2[%dma_start3A_129, %dma_start3A_130] : memref<10000x128xf32, #tpu.memory_space<hbm>> -> memref<10000x128xf32, #tpu.memory_space<hbm>>
      tpu.enqueue_indirect_dma source(%dma_start3A_131 : memref<10000x128xf32, #tpu.memory_space<hbm>>) target(%dma_start3A_126 : memref<96x128xf32, #tpu.memory_space<vmem>>) offsets(%dma_start3A_128 : memref<96xi32, #tpu.memory_space<vmem>>) semaphore(%arg20 : memref<!tpu.dma_semaphore, #tpu.memory_space<semaphore_mem>>)
      %dma_start3A_132 = arith.constant 104 : i32
      %dma_start3A_133 = arith.constant 0 : i32
      %dma_start3A_134 = tpu.memref_slice %arg17[%dma_start3A_132, %dma_start3A_133] : memref<200x128xf32, #tpu.memory_space<vmem>> -> memref<96x128xf32, #tpu.memory_space<vmem>>
      %dma_start3A_135 = arith.constant 104 : i32
      %dma_start3A_136 = tpu.memref_slice %arg13[%dma_start3A_135] : memref<200xi32, #tpu.memory_space<vmem>> -> memref<96xi32, #tpu.memory_space<vmem>>
      %dma_start3A_137 = arith.constant 0 : i32
      %dma_start3A_138 = arith.constant 0 : i32
      %dma_start3A_139 = tpu.memref_slice %arg2[%dma_start3A_137, %dma_start3A_138] : memref<10000x128xf32, #tpu.memory_space<hbm>> -> memref<10000x128xf32, #tpu.memory_space<hbm>>
      tpu.enqueue_indirect_dma source(%dma_start3A_139 : memref<10000x128xf32, #tpu.memory_space<hbm>>) target(%dma_start3A_134 : memref<96x128xf32, #tpu.memory_space<vmem>>) offsets(%dma_start3A_136 : memref<96xi32, #tpu.memory_space<vmem>>) semaphore(%arg20 : memref<!tpu.dma_semaphore, #tpu.memory_space<semaphore_mem>>)
      %dma_wait3A_140 = arith.constant 0 : i32
      %dma_wait3A_141 = arith.constant 0 : i32
      %dma_wait3A_142 = tpu.memref_slice %arg14[%dma_wait3A_140, %dma_wait3A_141] : memref<200x128xf32, #tpu.memory_space<vmem>> -> memref<104x128xf32, #tpu.memory_space<vmem>>
      %dma_wait3A_143 = arith.constant 0 : i32
      %dma_wait3A_144 = tpu.memref_slice %arg10[%dma_wait3A_143] : memref<200xi32, #tpu.memory_space<vmem>> -> memref<104xi32, #tpu.memory_space<vmem>>
      %dma_wait3A_145 = arith.constant 0 : i32
      %dma_wait3A_146 = arith.constant 0 : i32
      %dma_wait3A_147 = tpu.memref_slice %arg2[%dma_wait3A_145, %dma_wait3A_146] : memref<10000x128xf32, #tpu.memory_space<hbm>> -> memref<10000x128xf32, #tpu.memory_space<hbm>>
      tpu.wait_indirect_dma semaphore(%arg19 : memref<!tpu.dma_semaphore, #tpu.memory_space<semaphore_mem>>) src(%dma_wait3A_147 : memref<10000x128xf32, #tpu.memory_space<hbm>>) dst(%dma_wait3A_142 : memref<104x128xf32, #tpu.memory_space<vmem>>)
      %dma_wait3A_148 = arith.constant 0 : i32
      %dma_wait3A_149 = arith.constant 0 : i32
      %dma_wait3A_150 = tpu.memref_slice %arg15[%dma_wait3A_148, %dma_wait3A_149] : memref<200x128xf32, #tpu.memory_space<vmem>> -> memref<104x128xf32, #tpu.memory_space<vmem>>
      %dma_wait3A_151 = arith.constant 0 : i32
      %dma_wait3A_152 = tpu.memref_slice %arg11[%dma_wait3A_151] : memref<200xi32, #tpu.memory_space<vmem>> -> memref<104xi32, #tpu.memory_space<vmem>>
      %dma_wait3A_153 = arith.constant 0 : i32
      %dma_wait3A_154 = arith.constant 0 : i32
      %dma_wait3A_155 = tpu.memref_slice %arg2[%dma_wait3A_153, %dma_wait3A_154] : memref<10000x128xf32, #tpu.memory_space<hbm>> -> memref<10000x128xf32, #tpu.memory_space<hbm>>
      tpu.wait_indirect_dma semaphore(%arg19 : memref<!tpu.dma_semaphore, #tpu.memory_space<semaphore_mem>>) src(%dma_wait3A_155 : memref<10000x128xf32, #tpu.memory_space<hbm>>) dst(%dma_wait3A_150 : memref<104x128xf32, #tpu.memory_space<vmem>>)
      %dma_wait3A_156 = arith.constant 104 : i32
      %dma_wait3A_157 = arith.constant 0 : i32
      %dma_wait3A_158 = tpu.memref_slice %arg14[%dma_wait3A_156, %dma_wait3A_157] : memref<200x128xf32, #tpu.memory_space<vmem>> -> memref<96x128xf32, #tpu.memory_space<vmem>>
      %dma_wait3A_159 = arith.constant 104 : i32
      %dma_wait3A_160 = tpu.memref_slice %arg10[%dma_wait3A_159] : memref<200xi32, #tpu.memory_space<vmem>> -> memref<96xi32, #tpu.memory_space<vmem>>
      %dma_wait3A_161 = arith.constant 0 : i32
      %dma_wait3A_162 = arith.constant 0 : i32
      %dma_wait3A_163 = tpu.memref_slice %arg2[%dma_wait3A_161, %dma_wait3A_162] : memref<10000x128xf32, #tpu.memory_space<hbm>> -> memref<10000x128xf32, #tpu.memory_space<hbm>>
      tpu.wait_indirect_dma semaphore(%arg19 : memref<!tpu.dma_semaphore, #tpu.memory_space<semaphore_mem>>) src(%dma_wait3A_163 : memref<10000x128xf32, #tpu.memory_space<hbm>>) dst(%dma_wait3A_158 : memref<96x128xf32, #tpu.memory_space<vmem>>)
      %dma_wait3A_164 = arith.constant 104 : i32
      %dma_wait3A_165 = arith.constant 0 : i32
      %dma_wait3A_166 = tpu.memref_slice %arg15[%dma_wait3A_164, %dma_wait3A_165] : memref<200x128xf32, #tpu.memory_space<vmem>> -> memref<96x128xf32, #tpu.memory_space<vmem>>
      %dma_wait3A_167 = arith.constant 104 : i32
      %dma_wait3A_168 = tpu.memref_slice %arg11[%dma_wait3A_167] : memref<200xi32, #tpu.memory_space<vmem>> -> memref<96xi32, #tpu.memory_space<vmem>>
      %dma_wait3A_169 = arith.constant 0 : i32
      %dma_wait3A_170 = arith.constant 0 : i32
      %dma_wait3A_171 = tpu.memref_slice %arg2[%dma_wait3A_169, %dma_wait3A_170] : memref<10000x128xf32, #tpu.memory_space<hbm>> -> memref<10000x128xf32, #tpu.memory_space<hbm>>
      tpu.wait_indirect_dma semaphore(%arg19 : memref<!tpu.dma_semaphore, #tpu.memory_space<semaphore_mem>>) src(%dma_wait3A_171 : memref<10000x128xf32, #tpu.memory_space<hbm>>) dst(%dma_wait3A_166 : memref<96x128xf32, #tpu.memory_space<vmem>>)
      %scan3A_172 = arith.constant 0 : i32
      %scan3A_173 = arith.constant 0 : i32
      %scan3A_174 = arith.constant 100 : i32
      %scan3A_175 = arith.addi %scan3A_173, %scan3A_174 : i32
      %scan3A_176 = arith.constant 1 : i32
      scf.for %scan3A_278 = %scan3A_173 to %scan3A_175 step %scan3A_176  : i32 {
        %mul3A_279 = arith.constant 2 : i32
        %mul3A_280 = arith.muli %scan3A_278, %mul3A_279 : i32
        %add3A_281 = arith.constant 0 : i32
        %add3A_282 = arith.addi %mul3A_280, %add3A_281 : i32
        %get3A = arith.index_cast %add3A_282 : i32 to index
        %get3A_283 = arith.constant 0 : index
        %get3A_284 = tpu.vector_load %arg14[%get3A, %get3A_283] {strides = array<i32>} : memref<200x128xf32, #tpu.memory_space<vmem>>, vector<1x16xf32>,
        %get3A_285 = vector.shape_cast %get3A_284 : vector<1x16xf32> to vector<16xf32>
        %get3A_286 = arith.index_cast %add3A_282 : i32 to index
        %get3A_287 = arith.constant 0 : index
        %get3A_288 = tpu.vector_load %arg15[%get3A_286, %get3A_287] {strides = array<i32>} : memref<200x128xf32, #tpu.memory_space<vmem>>, vector<1x16xf32>,
        %get3A_289 = vector.shape_cast %get3A_288 : vector<1x16xf32> to vector<16xf32>
        %add3A_290 = arith.addf %get3A_285, %get3A_289 : vector<16xf32>
        %swap3A = arith.index_cast %add3A_282 : i32 to index
        %swap3A_291 = arith.constant 0 : index
        %swap3A_292 = tpu.vector_load %arg14[%swap3A, %swap3A_291] {strides = array<i32>} : memref<200x128xf32, #tpu.memory_space<vmem>>, vector<1x16xf32>,
        %swap3A_293 = vector.shape_cast %swap3A_292 : vector<1x16xf32> to vector<16xf32>
        %swap3A_294 = vector.shape_cast %add3A_290 : vector<16xf32> to vector<1x16xf32>
        tpu.vector_store %arg14[%swap3A, %swap3A_291], %swap3A_294 {strides = array<i32>} : memref<200x128xf32, #tpu.memory_space<vmem>>, vector<1x16xf32>,
        %get3A_295 = arith.index_cast %add3A_282 : i32 to index
        %get3A_296 = arith.constant 16 : index
        %get3A_297 = tpu.vector_load %arg14[%get3A_295, %get3A_296] {strides = array<i32>} : memref<200x128xf32, #tpu.memory_space<vmem>>, vector<1x16xf32>,
        %get3A_298 = vector.shape_cast %get3A_297 : vector<1x16xf32> to vector<16xf32>
        %get3A_299 = arith.index_cast %add3A_282 : i32 to index
        %get3A_300 = arith.constant 16 : index
        %get3A_301 = tpu.vector_load %arg15[%get3A_299, %get3A_300] {strides = array<i32>} : memref<200x128xf32, #tpu.memory_space<vmem>>, vector<1x16xf32>,
        %get3A_302 = vector.shape_cast %get3A_301 : vector<1x16xf32> to vector<16xf32>
        %add3A_303 = arith.addf %get3A_298, %get3A_302 : vector<16xf32>
        %swap3A_304 = arith.index_cast %add3A_282 : i32 to index
        %swap3A_305 = arith.constant 16 : index
        %swap3A_306 = tpu.vector_load %arg14[%swap3A_304, %swap3A_305] {strides = array<i32>} : memref<200x128xf32, #tpu.memory_space<vmem>>, vector<1x16xf32>,
        %swap3A_307 = vector.shape_cast %swap3A_306 : vector<1x16xf32> to vector<16xf32>
        %swap3A_308 = vector.shape_cast %add3A_303 : vector<16xf32> to vector<1x16xf32>
        tpu.vector_store %arg14[%swap3A_304, %swap3A_305], %swap3A_308 {strides = array<i32>} : memref<200x128xf32, #tpu.memory_space<vmem>>, vector<1x16xf32>,
        %get3A_309 = arith.index_cast %add3A_282 : i32 to index
        %get3A_310 = arith.constant 32 : index
        %get3A_311 = tpu.vector_load %arg14[%get3A_309, %get3A_310] {strides = array<i32>} : memref<200x128xf32, #tpu.memory_space<vmem>>, vector<1x16xf32>,
        %get3A_312 = vector.shape_cast %get3A_311 : vector<1x16xf32> to vector<16xf32>
        %get3A_313 = arith.index_cast %add3A_282 : i32 to index
        %get3A_314 = arith.constant 32 : index
        %get3A_315 = tpu.vector_load %arg15[%get3A_313, %get3A_314] {strides = array<i32>} : memref<200x128xf32, #tpu.memory_space<vmem>>, vector<1x16xf32>,
        %get3A_316 = vector.shape_cast %get3A_315 : vector<1x16xf32> to vector<16xf32>
        %add3A_317 = arith.addf %get3A_312, %get3A_316 : vector<16xf32>
        %swap3A_318 = arith.index_cast %add3A_282 : i32 to index
        %swap3A_319 = arith.constant 32 : index
        %swap3A_320 = tpu.vector_load %arg14[%swap3A_318, %swap3A_319] {strides = array<i32>} : memref<200x128xf32, #tpu.memory_space<vmem>>, vector<1x16xf32>,
        %swap3A_321 = vector.shape_cast %swap3A_320 : vector<1x16xf32> to vector<16xf32>
        %swap3A_322 = vector.shape_cast %add3A_317 : vector<16xf32> to vector<1x16xf32>
        tpu.vector_store %arg14[%swap3A_318, %swap3A_319], %swap3A_322 {strides = array<i32>} : memref<200x128xf32, #tpu.memory_space<vmem>>, vector<1x16xf32>,
        %get3A_323 = arith.index_cast %add3A_282 : i32 to index
        %get3A_324 = arith.constant 48 : index
        %get3A_325 = tpu.vector_load %arg14[%get3A_323, %get3A_324] {strides = array<i32>} : memref<200x128xf32, #tpu.memory_space<vmem>>, vector<1x16xf32>,
        %get3A_326 = vector.shape_cast %get3A_325 : vector<1x16xf32> to vector<16xf32>
        %get3A_327 = arith.index_cast %add3A_282 : i32 to index
        %get3A_328 = arith.constant 48 : index
        %get3A_329 = tpu.vector_load %arg15[%get3A_327, %get3A_328] {strides = array<i32>} : memref<200x128xf32, #tpu.memory_space<vmem>>, vector<1x16xf32>,
        %get3A_330 = vector.shape_cast %get3A_329 : vector<1x16xf32> to vector<16xf32>
        %add3A_331 = arith.addf %get3A_326, %get3A_330 : vector<16xf32>
        %swap3A_332 = arith.index_cast %add3A_282 : i32 to index
        %swap3A_333 = arith.constant 48 : index
        %swap3A_334 = tpu.vector_load %arg14[%swap3A_332, %swap3A_333] {strides = array<i32>} : memref<200x128xf32, #tpu.memory_space<vmem>>, vector<1x16xf32>,
        %swap3A_335 = vector.shape_cast %swap3A_334 : vector<1x16xf32> to vector<16xf32>
        %swap3A_336 = vector.shape_cast %add3A_331 : vector<16xf32> to vector<1x16xf32>
        tpu.vector_store %arg14[%swap3A_332, %swap3A_333], %swap3A_336 {strides = array<i32>} : memref<200x128xf32, #tpu.memory_space<vmem>>, vector<1x16xf32>,
        %get3A_337 = arith.index_cast %add3A_282 : i32 to index
        %get3A_338 = arith.constant 64 : index
        %get3A_339 = tpu.vector_load %arg14[%get3A_337, %get3A_338] {strides = array<i32>} : memref<200x128xf32, #tpu.memory_space<vmem>>, vector<1x16xf32>,
        %get3A_340 = vector.shape_cast %get3A_339 : vector<1x16xf32> to vector<16xf32>
        %get3A_341 = arith.index_cast %add3A_282 : i32 to index
        %get3A_342 = arith.constant 64 : index
        %get3A_343 = tpu.vector_load %arg15[%get3A_341, %get3A_342] {strides = array<i32>} : memref<200x128xf32, #tpu.memory_space<vmem>>, vector<1x16xf32>,
        %get3A_344 = vector.shape_cast %get3A_343 : vector<1x16xf32> to vector<16xf32>
        %add3A_345 = arith.addf %get3A_340, %get3A_344 : vector<16xf32>
        %swap3A_346 = arith.index_cast %add3A_282 : i32 to index
        %swap3A_347 = arith.constant 64 : index
        %swap3A_348 = tpu.vector_load %arg14[%swap3A_346, %swap3A_347] {strides = array<i32>} : memref<200x128xf32, #tpu.memory_space<vmem>>, vector<1x16xf32>,
        %swap3A_349 = vector.shape_cast %swap3A_348 : vector<1x16xf32> to vector<16xf32>
        %swap3A_350 = vector.shape_cast %add3A_345 : vector<16xf32> to vector<1x16xf32>
        tpu.vector_store %arg14[%swap3A_346, %swap3A_347], %swap3A_350 {strides = array<i32>} : memref<200x128xf32, #tpu.memory_space<vmem>>, vector<1x16xf32>,
        %get3A_351 = arith.index_cast %add3A_282 : i32 to index
        %get3A_352 = arith.constant 80 : index
        %get3A_353 = tpu.vector_load %arg14[%get3A_351, %get3A_352] {strides = array<i32>} : memref<200x128xf32, #tpu.memory_space<vmem>>, vector<1x16xf32>,
        %get3A_354 = vector.shape_cast %get3A_353 : vector<1x16xf32> to vector<16xf32>
        %get3A_355 = arith.index_cast %add3A_282 : i32 to index
        %get3A_356 = arith.constant 80 : index
        %get3A_357 = tpu.vector_load %arg15[%get3A_355, %get3A_356] {strides = array<i32>} : memref<200x128xf32, #tpu.memory_space<vmem>>, vector<1x16xf32>,
        %get3A_358 = vector.shape_cast %get3A_357 : vector<1x16xf32> to vector<16xf32>
        %add3A_359 = arith.addf %get3A_354, %get3A_358 : vector<16xf32>
        %swap3A_360 = arith.index_cast %add3A_282 : i32 to index
        %swap3A_361 = arith.constant 80 : index
        %swap3A_362 = tpu.vector_load %arg14[%swap3A_360, %swap3A_361] {strides = array<i32>} : memref<200x128xf32, #tpu.memory_space<vmem>>, vector<1x16xf32>,
        %swap3A_363 = vector.shape_cast %swap3A_362 : vector<1x16xf32> to vector<16xf32>
        %swap3A_364 = vector.shape_cast %add3A_359 : vector<16xf32> to vector<1x16xf32>
        tpu.vector_store %arg14[%swap3A_360, %swap3A_361], %swap3A_364 {strides = array<i32>} : memref<200x128xf32, #tpu.memory_space<vmem>>, vector<1x16xf32>,
        %get3A_365 = arith.index_cast %add3A_282 : i32 to index
        %get3A_366 = arith.constant 96 : index
        %get3A_367 = tpu.vector_load %arg14[%get3A_365, %get3A_366] {strides = array<i32>} : memref<200x128xf32, #tpu.memory_space<vmem>>, vector<1x16xf32>,
        %get3A_368 = vector.shape_cast %get3A_367 : vector<1x16xf32> to vector<16xf32>
        %get3A_369 = arith.index_cast %add3A_282 : i32 to index
        %get3A_370 = arith.constant 96 : index
        %get3A_371 = tpu.vector_load %arg15[%get3A_369, %get3A_370] {strides = array<i32>} : memref<200x128xf32, #tpu.memory_space<vmem>>, vector<1x16xf32>,
        %get3A_372 = vector.shape_cast %get3A_371 : vector<1x16xf32> to vector<16xf32>
        %add3A_373 = arith.addf %get3A_368, %get3A_372 : vector<16xf32>
        %swap3A_374 = arith.index_cast %add3A_282 : i32 to index
        %swap3A_375 = arith.constant 96 : index
        %swap3A_376 = tpu.vector_load %arg14[%swap3A_374, %swap3A_375] {strides = array<i32>} : memref<200x128xf32, #tpu.memory_space<vmem>>, vector<1x16xf32>,
        %swap3A_377 = vector.shape_cast %swap3A_376 : vector<1x16xf32> to vector<16xf32>
        %swap3A_378 = vector.shape_cast %add3A_373 : vector<16xf32> to vector<1x16xf32>
        tpu.vector_store %arg14[%swap3A_374, %swap3A_375], %swap3A_378 {strides = array<i32>} : memref<200x128xf32, #tpu.memory_space<vmem>>, vector<1x16xf32>,
        %get3A_379 = arith.index_cast %add3A_282 : i32 to index
        %get3A_380 = arith.constant 112 : index
        %get3A_381 = tpu.vector_load %arg14[%get3A_379, %get3A_380] {strides = array<i32>} : memref<200x128xf32, #tpu.memory_space<vmem>>, vector<1x16xf32>,
        %get3A_382 = vector.shape_cast %get3A_381 : vector<1x16xf32> to vector<16xf32>
        %get3A_383 = arith.index_cast %add3A_282 : i32 to index
        %get3A_384 = arith.constant 112 : index
        %get3A_385 = tpu.vector_load %arg15[%get3A_383, %get3A_384] {strides = array<i32>} : memref<200x128xf32, #tpu.memory_space<vmem>>, vector<1x16xf32>,
        %get3A_386 = vector.shape_cast %get3A_385 : vector<1x16xf32> to vector<16xf32>
        %add3A_387 = arith.addf %get3A_382, %get3A_386 : vector<16xf32>
        %swap3A_388 = arith.index_cast %add3A_282 : i32 to index
        %swap3A_389 = arith.constant 112 : index
        %swap3A_390 = tpu.vector_load %arg14[%swap3A_388, %swap3A_389] {strides = array<i32>} : memref<200x128xf32, #tpu.memory_space<vmem>>, vector<1x16xf32>,
        %swap3A_391 = vector.shape_cast %swap3A_390 : vector<1x16xf32> to vector<16xf32>
        %swap3A_392 = vector.shape_cast %add3A_387 : vector<16xf32> to vector<1x16xf32>
        tpu.vector_store %arg14[%swap3A_388, %swap3A_389], %swap3A_392 {strides = array<i32>} : memref<200x128xf32, #tpu.memory_space<vmem>>, vector<1x16xf32>,
        %mul3A_393 = arith.constant 2 : i32
        %mul3A_394 = arith.muli %scan3A_278, %mul3A_393 : i32
        %add3A_395 = arith.constant 1 : i32
        %add3A_396 = arith.addi %mul3A_394, %add3A_395 : i32
        %get3A_397 = arith.index_cast %add3A_396 : i32 to index
        %get3A_398 = arith.constant 0 : index
        %get3A_399 = tpu.vector_load %arg14[%get3A_397, %get3A_398] {strides = array<i32>} : memref<200x128xf32, #tpu.memory_space<vmem>>, vector<1x16xf32>,
        %get3A_400 = vector.shape_cast %get3A_399 : vector<1x16xf32> to vector<16xf32>
        %get3A_401 = arith.index_cast %add3A_396 : i32 to index
        %get3A_402 = arith.constant 0 : index
        %get3A_403 = tpu.vector_load %arg15[%get3A_401, %get3A_402] {strides = array<i32>} : memref<200x128xf32, #tpu.memory_space<vmem>>, vector<1x16xf32>,
        %get3A_404 = vector.shape_cast %get3A_403 : vector<1x16xf32> to vector<16xf32>
        %add3A_405 = arith.addf %get3A_400, %get3A_404 : vector<16xf32>
        %swap3A_406 = arith.index_cast %add3A_396 : i32 to index
        %swap3A_407 = arith.constant 0 : index
        %swap3A_408 = tpu.vector_load %arg14[%swap3A_406, %swap3A_407] {strides = array<i32>} : memref<200x128xf32, #tpu.memory_space<vmem>>, vector<1x16xf32>,
        %swap3A_409 = vector.shape_cast %swap3A_408 : vector<1x16xf32> to vector<16xf32>
        %swap3A_410 = vector.shape_cast %add3A_405 : vector<16xf32> to vector<1x16xf32>
        tpu.vector_store %arg14[%swap3A_406, %swap3A_407], %swap3A_410 {strides = array<i32>} : memref<200x128xf32, #tpu.memory_space<vmem>>, vector<1x16xf32>,
        %get3A_411 = arith.index_cast %add3A_396 : i32 to index
        %get3A_412 = arith.constant 16 : index
        %get3A_413 = tpu.vector_load %arg14[%get3A_411, %get3A_412] {strides = array<i32>} : memref<200x128xf32, #tpu.memory_space<vmem>>, vector<1x16xf32>,
        %get3A_414 = vector.shape_cast %get3A_413 : vector<1x16xf32> to vector<16xf32>
        %get3A_415 = arith.index_cast %add3A_396 : i32 to index
        %get3A_416 = arith.constant 16 : index
        %get3A_417 = tpu.vector_load %arg15[%get3A_415, %get3A_416] {strides = array<i32>} : memref<200x128xf32, #tpu.memory_space<vmem>>, vector<1x16xf32>,
        %get3A_418 = vector.shape_cast %get3A_417 : vector<1x16xf32> to vector<16xf32>
        %add3A_419 = arith.addf %get3A_414, %get3A_418 : vector<16xf32>
        %swap3A_420 = arith.index_cast %add3A_396 : i32 to index
        %swap3A_421 = arith.constant 16 : index
        %swap3A_422 = tpu.vector_load %arg14[%swap3A_420, %swap3A_421] {strides = array<i32>} : memref<200x128xf32, #tpu.memory_space<vmem>>, vector<1x16xf32>,
        %swap3A_423 = vector.shape_cast %swap3A_422 : vector<1x16xf32> to vector<16xf32>
        %swap3A_424 = vector.shape_cast %add3A_419 : vector<16xf32> to vector<1x16xf32>
        tpu.vector_store %arg14[%swap3A_420, %swap3A_421], %swap3A_424 {strides = array<i32>} : memref<200x128xf32, #tpu.memory_space<vmem>>, vector<1x16xf32>,
        %get3A_425 = arith.index_cast %add3A_396 : i32 to index
        %get3A_426 = arith.constant 32 : index
        %get3A_427 = tpu.vector_load %arg14[%get3A_425, %get3A_426] {strides = array<i32>} : memref<200x128xf32, #tpu.memory_space<vmem>>, vector<1x16xf32>,
        %get3A_428 = vector.shape_cast %get3A_427 : vector<1x16xf32> to vector<16xf32>
        %get3A_429 = arith.index_cast %add3A_396 : i32 to index
        %get3A_430 = arith.constant 32 : index
        %get3A_431 = tpu.vector_load %arg15[%get3A_429, %get3A_430] {strides = array<i32>} : memref<200x128xf32, #tpu.memory_space<vmem>>, vector<1x16xf32>,
        %get3A_432 = vector.shape_cast %get3A_431 : vector<1x16xf32> to vector<16xf32>
        %add3A_433 = arith.addf %get3A_428, %get3A_432 : vector<16xf32>
        %swap3A_434 = arith.index_cast %add3A_396 : i32 to index
        %swap3A_435 = arith.constant 32 : index
        %swap3A_436 = tpu.vector_load %arg14[%swap3A_434, %swap3A_435] {strides = array<i32>} : memref<200x128xf32, #tpu.memory_space<vmem>>, vector<1x16xf32>,
        %swap3A_437 = vector.shape_cast %swap3A_436 : vector<1x16xf32> to vector<16xf32>
        %swap3A_438 = vector.shape_cast %add3A_433 : vector<16xf32> to vector<1x16xf32>
        tpu.vector_store %arg14[%swap3A_434, %swap3A_435], %swap3A_438 {strides = array<i32>} : memref<200x128xf32, #tpu.memory_space<vmem>>, vector<1x16xf32>,
        %get3A_439 = arith.index_cast %add3A_396 : i32 to index
        %get3A_440 = arith.constant 48 : index
        %get3A_441 = tpu.vector_load %arg14[%get3A_439, %get3A_440] {strides = array<i32>} : memref<200x128xf32, #tpu.memory_space<vmem>>, vector<1x16xf32>,
        %get3A_442 = vector.shape_cast %get3A_441 : vector<1x16xf32> to vector<16xf32>
        %get3A_443 = arith.index_cast %add3A_396 : i32 to index
        %get3A_444 = arith.constant 48 : index
        %get3A_445 = tpu.vector_load %arg15[%get3A_443, %get3A_444] {strides = array<i32>} : memref<200x128xf32, #tpu.memory_space<vmem>>, vector<1x16xf32>,
        %get3A_446 = vector.shape_cast %get3A_445 : vector<1x16xf32> to vector<16xf32>
        %add3A_447 = arith.addf %get3A_442, %get3A_446 : vector<16xf32>
        %swap3A_448 = arith.index_cast %add3A_396 : i32 to index
        %swap3A_449 = arith.constant 48 : index
        %swap3A_450 = tpu.vector_load %arg14[%swap3A_448, %swap3A_449] {strides = array<i32>} : memref<200x128xf32, #tpu.memory_space<vmem>>, vector<1x16xf32>,
        %swap3A_451 = vector.shape_cast %swap3A_450 : vector<1x16xf32> to vector<16xf32>
        %swap3A_452 = vector.shape_cast %add3A_447 : vector<16xf32> to vector<1x16xf32>
        tpu.vector_store %arg14[%swap3A_448, %swap3A_449], %swap3A_452 {strides = array<i32>} : memref<200x128xf32, #tpu.memory_space<vmem>>, vector<1x16xf32>,
        %get3A_453 = arith.index_cast %add3A_396 : i32 to index
        %get3A_454 = arith.constant 64 : index
        %get3A_455 = tpu.vector_load %arg14[%get3A_453, %get3A_454] {strides = array<i32>} : memref<200x128xf32, #tpu.memory_space<vmem>>, vector<1x16xf32>,
        %get3A_456 = vector.shape_cast %get3A_455 : vector<1x16xf32> to vector<16xf32>
        %get3A_457 = arith.index_cast %add3A_396 : i32 to index
        %get3A_458 = arith.constant 64 : index
        %get3A_459 = tpu.vector_load %arg15[%get3A_457, %get3A_458] {strides = array<i32>} : memref<200x128xf32, #tpu.memory_space<vmem>>, vector<1x16xf32>,
        %get3A_460 = vector.shape_cast %get3A_459 : vector<1x16xf32> to vector<16xf32>
        %add3A_461 = arith.addf %get3A_456, %get3A_460 : vector<16xf32>
        %swap3A_462 = arith.index_cast %add3A_396 : i32 to index
        %swap3A_463 = arith.constant 64 : index
        %swap3A_464 = tpu.vector_load %arg14[%swap3A_462, %swap3A_463] {strides = array<i32>} : memref<200x128xf32, #tpu.memory_space<vmem>>, vector<1x16xf32>,
        %swap3A_465 = vector.shape_cast %swap3A_464 : vector<1x16xf32> to vector<16xf32>
        %swap3A_466 = vector.shape_cast %add3A_461 : vector<16xf32> to vector<1x16xf32>
        tpu.vector_store %arg14[%swap3A_462, %swap3A_463], %swap3A_466 {strides = array<i32>} : memref<200x128xf32, #tpu.memory_space<vmem>>, vector<1x16xf32>,
        %get3A_467 = arith.index_cast %add3A_396 : i32 to index
        %get3A_468 = arith.constant 80 : index
        %get3A_469 = tpu.vector_load %arg14[%get3A_467, %get3A_468] {strides = array<i32>} : memref<200x128xf32, #tpu.memory_space<vmem>>, vector<1x16xf32>,
        %get3A_470 = vector.shape_cast %get3A_469 : vector<1x16xf32> to vector<16xf32>
        %get3A_471 = arith.index_cast %add3A_396 : i32 to index
        %get3A_472 = arith.constant 80 : index
        %get3A_473 = tpu.vector_load %arg15[%get3A_471, %get3A_472] {strides = array<i32>} : memref<200x128xf32, #tpu.memory_space<vmem>>, vector<1x16xf32>,
        %get3A_474 = vector.shape_cast %get3A_473 : vector<1x16xf32> to vector<16xf32>
        %add3A_475 = arith.addf %get3A_470, %get3A_474 : vector<16xf32>
        %swap3A_476 = arith.index_cast %add3A_396 : i32 to index
        %swap3A_477 = arith.constant 80 : index
        %swap3A_478 = tpu.vector_load %arg14[%swap3A_476, %swap3A_477] {strides = array<i32>} : memref<200x128xf32, #tpu.memory_space<vmem>>, vector<1x16xf32>,
        %swap3A_479 = vector.shape_cast %swap3A_478 : vector<1x16xf32> to vector<16xf32>
        %swap3A_480 = vector.shape_cast %add3A_475 : vector<16xf32> to vector<1x16xf32>
        tpu.vector_store %arg14[%swap3A_476, %swap3A_477], %swap3A_480 {strides = array<i32>} : memref<200x128xf32, #tpu.memory_space<vmem>>, vector<1x16xf32>,
        %get3A_481 = arith.index_cast %add3A_396 : i32 to index
        %get3A_482 = arith.constant 96 : index
        %get3A_483 = tpu.vector_load %arg14[%get3A_481, %get3A_482] {strides = array<i32>} : memref<200x128xf32, #tpu.memory_space<vmem>>, vector<1x16xf32>,
        %get3A_484 = vector.shape_cast %get3A_483 : vector<1x16xf32> to vector<16xf32>
        %get3A_485 = arith.index_cast %add3A_396 : i32 to index
        %get3A_486 = arith.constant 96 : index
        %get3A_487 = tpu.vector_load %arg15[%get3A_485, %get3A_486] {strides = array<i32>} : memref<200x128xf32, #tpu.memory_space<vmem>>, vector<1x16xf32>,
        %get3A_488 = vector.shape_cast %get3A_487 : vector<1x16xf32> to vector<16xf32>
        %add3A_489 = arith.addf %get3A_484, %get3A_488 : vector<16xf32>
        %swap3A_490 = arith.index_cast %add3A_396 : i32 to index
        %swap3A_491 = arith.constant 96 : index
        %swap3A_492 = tpu.vector_load %arg14[%swap3A_490, %swap3A_491] {strides = array<i32>} : memref<200x128xf32, #tpu.memory_space<vmem>>, vector<1x16xf32>,
        %swap3A_493 = vector.shape_cast %swap3A_492 : vector<1x16xf32> to vector<16xf32>
        %swap3A_494 = vector.shape_cast %add3A_489 : vector<16xf32> to vector<1x16xf32>
        tpu.vector_store %arg14[%swap3A_490, %swap3A_491], %swap3A_494 {strides = array<i32>} : memref<200x128xf32, #tpu.memory_space<vmem>>, vector<1x16xf32>,
        %get3A_495 = arith.index_cast %add3A_396 : i32 to index
        %get3A_496 = arith.constant 112 : index
        %get3A_497 = tpu.vector_load %arg14[%get3A_495, %get3A_496] {strides = array<i32>} : memref<200x128xf32, #tpu.memory_space<vmem>>, vector<1x16xf32>,
        %get3A_498 = vector.shape_cast %get3A_497 : vector<1x16xf32> to vector<16xf32>
        %get3A_499 = arith.index_cast %add3A_396 : i32 to index
        %get3A_500 = arith.constant 112 : index
        %get3A_501 = tpu.vector_load %arg15[%get3A_499, %get3A_500] {strides = array<i32>} : memref<200x128xf32, #tpu.memory_space<vmem>>, vector<1x16xf32>,
        %get3A_502 = vector.shape_cast %get3A_501 : vector<1x16xf32> to vector<16xf32>
        %add3A_503 = arith.addf %get3A_498, %get3A_502 : vector<16xf32>
        %swap3A_504 = arith.index_cast %add3A_396 : i32 to index
        %swap3A_505 = arith.constant 112 : index
        %swap3A_506 = tpu.vector_load %arg14[%swap3A_504, %swap3A_505] {strides = array<i32>} : memref<200x128xf32, #tpu.memory_space<vmem>>, vector<1x16xf32>,
        %swap3A_507 = vector.shape_cast %swap3A_506 : vector<1x16xf32> to vector<16xf32>
        %swap3A_508 = vector.shape_cast %add3A_503 : vector<16xf32> to vector<1x16xf32>
        tpu.vector_store %arg14[%swap3A_504, %swap3A_505], %swap3A_508 {strides = array<i32>} : memref<200x128xf32, #tpu.memory_space<vmem>>, vector<1x16xf32>,
      }
      %scan3A_177 = arith.constant 100 : i32
      %mul3A_178 = arith.constant 200 : i32
      %mul3A_179 = arith.muli %mul3A_97, %mul3A_178 : i32
      %add3A_180 = arith.addi %mul3A_2, %mul3A_179 : i32
      %multiple_of3A_181 = tpu.assume_multiple %add3A_180, 8 : i32
      %dma_start3A_182 = arith.constant 0 : i32
      %dma_start3A_183 = tpu.memref_slice %arg7[%multiple_of3A_181, %dma_start3A_182] : memref<121600x128xf32, #tpu.memory_space<hbm>> -> memref<200x128xf32, #tpu.memory_space<hbm>>
      %dma_start3A_184 = arith.constant 0 : i32
      %dma_start3A_185 = tpu.memref_slice %arg7[%multiple_of3A_181, %dma_start3A_184] : memref<121600x128xf32, #tpu.memory_space<hbm>> -> memref<200x128xf32, #tpu.memory_space<hbm>>
      tpu.enqueue_dma source(%arg14 : memref<200x128xf32, #tpu.memory_space<vmem>>) target(%dma_start3A_185 : memref<200x128xf32, #tpu.memory_space<hbm>>) target_semaphore(%arg21 : memref<!tpu.dma_semaphore, #tpu.memory_space<semaphore_mem>>)
      %dma_wait3A_186 = arith.constant 0 : i32
      %dma_wait3A_187 = tpu.memref_slice %arg7[%mul3A_2, %dma_wait3A_186] : memref<121600x128xf32, #tpu.memory_space<hbm>> -> memref<200x128xf32, #tpu.memory_space<hbm>>
      %dma_wait3A_188 = arith.constant 0 : i32
      %dma_wait3A_189 = tpu.memref_slice %arg7[%mul3A_2, %dma_wait3A_188] : memref<121600x128xf32, #tpu.memory_space<hbm>> -> memref<200x128xf32, #tpu.memory_space<hbm>>
      tpu.wait_dma2 semaphore(%arg21 : memref<!tpu.dma_semaphore, #tpu.memory_space<semaphore_mem>>) src(%arg14 : memref<200x128xf32, #tpu.memory_space<vmem>>) dst(%dma_wait3A_189 : memref<200x128xf32, #tpu.memory_space<hbm>>)
      %add3A_190 = arith.constant 2 : i32
      %add3A_191 = arith.addi %mul3A_97, %add3A_190 : i32
      %add3A_192 = arith.constant 198400 : i32
      %add3A_193 = arith.addi %add3A_192, %mul3A_2 : i32
      %mul3A_194 = arith.constant 200 : i32
      %mul3A_195 = arith.muli %add3A_191, %mul3A_194 : i32
      %add3A_196 = arith.addi %add3A_193, %mul3A_195 : i32
      %multiple_of3A_197 = tpu.assume_multiple %add3A_196, 8 : i32
      "tpu.region"() ({
        %run_scoped3A = tpu.sem_alloc : memref<!tpu.dma_semaphore, #tpu.memory_space<semaphore_mem>>
        %dma_start3A_278 = tpu.memref_slice %arg3[%multiple_of3A_197] : memref<320000xi32, #tpu.memory_space<hbm>> -> memref<200xi32, #tpu.memory_space<hbm>>
        %dma_start3A_279 = tpu.memref_slice %arg3[%multiple_of3A_197] : memref<320000xi32, #tpu.memory_space<hbm>> -> memref<200xi32, #tpu.memory_space<hbm>>
        tpu.enqueue_dma source(%dma_start3A_279 : memref<200xi32, #tpu.memory_space<hbm>>) target(%arg10 : memref<200xi32, #tpu.memory_space<vmem>>) target_semaphore(%run_scoped3A : memref<!tpu.dma_semaphore, #tpu.memory_space<semaphore_mem>>)
        %dma_wait3A_280 = tpu.memref_slice %arg3[%multiple_of3A_197] : memref<320000xi32, #tpu.memory_space<hbm>> -> memref<200xi32, #tpu.memory_space<hbm>>
        %dma_wait3A_281 = tpu.memref_slice %arg3[%multiple_of3A_197] : memref<320000xi32, #tpu.memory_space<hbm>> -> memref<200xi32, #tpu.memory_space<hbm>>
        tpu.wait_dma2 semaphore(%run_scoped3A : memref<!tpu.dma_semaphore, #tpu.memory_space<semaphore_mem>>) src(%dma_wait3A_281 : memref<200xi32, #tpu.memory_space<hbm>>) dst(%arg10 : memref<200xi32, #tpu.memory_space<vmem>>)
        tpu.yield
      }) : () -> ()
      "tpu.region"() ({
        %run_scoped3A = tpu.sem_alloc : memref<!tpu.dma_semaphore, #tpu.memory_space<semaphore_mem>>
        %dma_start3A_278 = tpu.memref_slice %arg4[%multiple_of3A_197] : memref<320000xi32, #tpu.memory_space<hbm>> -> memref<200xi32, #tpu.memory_space<hbm>>
        %dma_start3A_279 = tpu.memref_slice %arg4[%multiple_of3A_197] : memref<320000xi32, #tpu.memory_space<hbm>> -> memref<200xi32, #tpu.memory_space<hbm>>
        tpu.enqueue_dma source(%dma_start3A_279 : memref<200xi32, #tpu.memory_space<hbm>>) target(%arg11 : memref<200xi32, #tpu.memory_space<vmem>>) target_semaphore(%run_scoped3A : memref<!tpu.dma_semaphore, #tpu.memory_space<semaphore_mem>>)
        %dma_wait3A_280 = tpu.memref_slice %arg4[%multiple_of3A_197] : memref<320000xi32, #tpu.memory_space<hbm>> -> memref<200xi32, #tpu.memory_space<hbm>>
        %dma_wait3A_281 = tpu.memref_slice %arg4[%multiple_of3A_197] : memref<320000xi32, #tpu.memory_space<hbm>> -> memref<200xi32, #tpu.memory_space<hbm>>
        tpu.wait_dma2 semaphore(%run_scoped3A : memref<!tpu.dma_semaphore, #tpu.memory_space<semaphore_mem>>) src(%dma_wait3A_281 : memref<200xi32, #tpu.memory_space<hbm>>) dst(%arg11 : memref<200xi32, #tpu.memory_space<vmem>>)
        tpu.yield
      }) : () -> ()
      %dma_start3A_198 = arith.constant 0 : i32
      %dma_start3A_199 = arith.constant 0 : i32
      %dma_start3A_200 = tpu.memref_slice %arg14[%dma_start3A_198, %dma_start3A_199] : memref<200x128xf32, #tpu.memory_space<vmem>> -> memref<104x128xf32, #tpu.memory_space<vmem>>
      %dma_start3A_201 = arith.constant 0 : i32
      %dma_start3A_202 = tpu.memref_slice %arg10[%dma_start3A_201] : memref<200xi32, #tpu.memory_space<vmem>> -> memref<104xi32, #tpu.memory_space<vmem>>
      %dma_start3A_203 = arith.constant 0 : i32
      %dma_start3A_204 = arith.constant 0 : i32
      %dma_start3A_205 = tpu.memref_slice %arg2[%dma_start3A_203, %dma_start3A_204] : memref<10000x128xf32, #tpu.memory_space<hbm>> -> memref<10000x128xf32, #tpu.memory_space<hbm>>
      tpu.enqueue_indirect_dma source(%dma_start3A_205 : memref<10000x128xf32, #tpu.memory_space<hbm>>) target(%dma_start3A_200 : memref<104x128xf32, #tpu.memory_space<vmem>>) offsets(%dma_start3A_202 : memref<104xi32, #tpu.memory_space<vmem>>) semaphore(%arg19 : memref<!tpu.dma_semaphore, #tpu.memory_space<semaphore_mem>>)
      %dma_start3A_206 = arith.constant 0 : i32
      %dma_start3A_207 = arith.constant 0 : i32
      %dma_start3A_208 = tpu.memref_slice %arg15[%dma_start3A_206, %dma_start3A_207] : memref<200x128xf32, #tpu.memory_space<vmem>> -> memref<104x128xf32, #tpu.memory_space<vmem>>
      %dma_start3A_209 = arith.constant 0 : i32
      %dma_start3A_210 = tpu.memref_slice %arg11[%dma_start3A_209] : memref<200xi32, #tpu.memory_space<vmem>> -> memref<104xi32, #tpu.memory_space<vmem>>
      %dma_start3A_211 = arith.constant 0 : i32
      %dma_start3A_212 = arith.constant 0 : i32
      %dma_start3A_213 = tpu.memref_slice %arg2[%dma_start3A_211, %dma_start3A_212] : memref<10000x128xf32, #tpu.memory_space<hbm>> -> memref<10000x128xf32, #tpu.memory_space<hbm>>
      tpu.enqueue_indirect_dma source(%dma_start3A_213 : memref<10000x128xf32, #tpu.memory_space<hbm>>) target(%dma_start3A_208 : memref<104x128xf32, #tpu.memory_space<vmem>>) offsets(%dma_start3A_210 : memref<104xi32, #tpu.memory_space<vmem>>) semaphore(%arg19 : memref<!tpu.dma_semaphore, #tpu.memory_space<semaphore_mem>>)
      %dma_start3A_214 = arith.constant 104 : i32
      %dma_start3A_215 = arith.constant 0 : i32
      %dma_start3A_216 = tpu.memref_slice %arg14[%dma_start3A_214, %dma_start3A_215] : memref<200x128xf32, #tpu.memory_space<vmem>> -> memref<96x128xf32, #tpu.memory_space<vmem>>
      %dma_start3A_217 = arith.constant 104 : i32
      %dma_start3A_218 = tpu.memref_slice %arg10[%dma_start3A_217] : memref<200xi32, #tpu.memory_space<vmem>> -> memref<96xi32, #tpu.memory_space<vmem>>
      %dma_start3A_219 = arith.constant 0 : i32
      %dma_start3A_220 = arith.constant 0 : i32
      %dma_start3A_221 = tpu.memref_slice %arg2[%dma_start3A_219, %dma_start3A_220] : memref<10000x128xf32, #tpu.memory_space<hbm>> -> memref<10000x128xf32, #tpu.memory_space<hbm>>
      tpu.enqueue_indirect_dma source(%dma_start3A_221 : memref<10000x128xf32, #tpu.memory_space<hbm>>) target(%dma_start3A_216 : memref<96x128xf32, #tpu.memory_space<vmem>>) offsets(%dma_start3A_218 : memref<96xi32, #tpu.memory_space<vmem>>) semaphore(%arg19 : memref<!tpu.dma_semaphore, #tpu.memory_space<semaphore_mem>>)
      %dma_start3A_222 = arith.constant 104 : i32
      %dma_start3A_223 = arith.constant 0 : i32
      %dma_start3A_224 = tpu.memref_slice %arg15[%dma_start3A_222, %dma_start3A_223] : memref<200x128xf32, #tpu.memory_space<vmem>> -> memref<96x128xf32, #tpu.memory_space<vmem>>
      %dma_start3A_225 = arith.constant 104 : i32
      %dma_start3A_226 = tpu.memref_slice %arg11[%dma_start3A_225] : memref<200xi32, #tpu.memory_space<vmem>> -> memref<96xi32, #tpu.memory_space<vmem>>
      %dma_start3A_227 = arith.constant 0 : i32
      %dma_start3A_228 = arith.constant 0 : i32
      %dma_start3A_229 = tpu.memref_slice %arg2[%dma_start3A_227, %dma_start3A_228] : memref<10000x128xf32, #tpu.memory_space<hbm>> -> memref<10000x128xf32, #tpu.memory_space<hbm>>
      tpu.enqueue_indirect_dma source(%dma_start3A_229 : memref<10000x128xf32, #tpu.memory_space<hbm>>) target(%dma_start3A_224 : memref<96x128xf32, #tpu.memory_space<vmem>>) offsets(%dma_start3A_226 : memref<96xi32, #tpu.memory_space<vmem>>) semaphore(%arg19 : memref<!tpu.dma_semaphore, #tpu.memory_space<semaphore_mem>>)
      %add3A_230 = arith.constant 1 : i32
      %add3A_231 = arith.addi %mul3A_97, %add3A_230 : i32
      %dma_wait3A_232 = arith.constant 0 : i32
      %dma_wait3A_233 = arith.constant 0 : i32
      %dma_wait3A_234 = tpu.memref_slice %arg16[%dma_wait3A_232, %dma_wait3A_233] : memref<200x128xf32, #tpu.memory_space<vmem>> -> memref<104x128xf32, #tpu.memory_space<vmem>>
      %dma_wait3A_235 = arith.constant 0 : i32
      %dma_wait3A_236 = tpu.memref_slice %arg12[%dma_wait3A_235] : memref<200xi32, #tpu.memory_space<vmem>> -> memref<104xi32, #tpu.memory_space<vmem>>
      %dma_wait3A_237 = arith.constant 0 : i32
      %dma_wait3A_238 = arith.constant 0 : i32
      %dma_wait3A_239 = tpu.memref_slice %arg2[%dma_wait3A_237, %dma_wait3A_238] : memref<10000x128xf32, #tpu.memory_space<hbm>> -> memref<10000x128xf32, #tpu.memory_space<hbm>>
      tpu.wait_indirect_dma semaphore(%arg20 : memref<!tpu.dma_semaphore, #tpu.memory_space<semaphore_mem>>) src(%dma_wait3A_239 : memref<10000x128xf32, #tpu.memory_space<hbm>>) dst(%dma_wait3A_234 : memref<104x128xf32, #tpu.memory_space<vmem>>)
      %dma_wait3A_240 = arith.constant 0 : i32
      %dma_wait3A_241 = arith.constant 0 : i32
      %dma_wait3A_242 = tpu.memref_slice %arg17[%dma_wait3A_240, %dma_wait3A_241] : memref<200x128xf32, #tpu.memory_space<vmem>> -> memref<104x128xf32, #tpu.memory_space<vmem>>
      %dma_wait3A_243 = arith.constant 0 : i32
      %dma_wait3A_244 = tpu.memref_slice %arg13[%dma_wait3A_243] : memref<200xi32, #tpu.memory_space<vmem>> -> memref<104xi32, #tpu.memory_space<vmem>>
      %dma_wait3A_245 = arith.constant 0 : i32
      %dma_wait3A_246 = arith.constant 0 : i32
      %dma_wait3A_247 = tpu.memref_slice %arg2[%dma_wait3A_245, %dma_wait3A_246] : memref<10000x128xf32, #tpu.memory_space<hbm>> -> memref<10000x128xf32, #tpu.memory_space<hbm>>
      tpu.wait_indirect_dma semaphore(%arg20 : memref<!tpu.dma_semaphore, #tpu.memory_space<semaphore_mem>>) src(%dma_wait3A_247 : memref<10000x128xf32, #tpu.memory_space<hbm>>) dst(%dma_wait3A_242 : memref<104x128xf32, #tpu.memory_space<vmem>>)
      %dma_wait3A_248 = arith.constant 104 : i32
      %dma_wait3A_249 = arith.constant 0 : i32
      %dma_wait3A_250 = tpu.memref_slice %arg16[%dma_wait3A_248, %dma_wait3A_249] : memref<200x128xf32, #tpu.memory_space<vmem>> -> memref<96x128xf32, #tpu.memory_space<vmem>>
      %dma_wait3A_251 = arith.constant 104 : i32
      %dma_wait3A_252 = tpu.memref_slice %arg12[%dma_wait3A_251] : memref<200xi32, #tpu.memory_space<vmem>> -> memref<96xi32, #tpu.memory_space<vmem>>
      %dma_wait3A_253 = arith.constant 0 : i32
      %dma_wait3A_254 = arith.constant 0 : i32
      %dma_wait3A_255 = tpu.memref_slice %arg2[%dma_wait3A_253, %dma_wait3A_254] : memref<10000x128xf32, #tpu.memory_space<hbm>> -> memref<10000x128xf32, #tpu.memory_space<hbm>>
      tpu.wait_indirect_dma semaphore(%arg20 : memref<!tpu.dma_semaphore, #tpu.memory_space<semaphore_mem>>) src(%dma_wait3A_255 : memref<10000x128xf32, #tpu.memory_space<hbm>>) dst(%dma_wait3A_250 : memref<96x128xf32, #tpu.memory_space<vmem>>)
      %dma_wait3A_256 = arith.constant 104 : i32
      %dma_wait3A_257 = arith.constant 0 : i32
      %dma_wait3A_258 = tpu.memref_slice %arg17[%dma_wait3A_256, %dma_wait3A_257] : memref<200x128xf32, #tpu.memory_space<vmem>> -> memref<96x128xf32, #tpu.memory_space<vmem>>
      %dma_wait3A_259 = arith.constant 104 : i32
      %dma_wait3A_260 = tpu.memref_slice %arg13[%dma_wait3A_259] : memref<200xi32, #tpu.memory_space<vmem>> -> memref<96xi32, #tpu.memory_space<vmem>>
      %dma_wait3A_261 = arith.constant 0 : i32
      %dma_wait3A_262 = arith.constant 0 : i32
      %dma_wait3A_263 = tpu.memref_slice %arg2[%dma_wait3A_261, %dma_wait3A_262] : memref<10000x128xf32, #tpu.memory_space<hbm>> -> memref<10000x128xf32, #tpu.memory_space<hbm>>
      tpu.wait_indirect_dma semaphore(%arg20 : memref<!tpu.dma_semaphore, #tpu.memory_space<semaphore_mem>>) src(%dma_wait3A_263 : memref<10000x128xf32, #tpu.memory_space<hbm>>) dst(%dma_wait3A_258 : memref<96x128xf32, #tpu.memory_space<vmem>>)
      %scan3A_264 = arith.constant 0 : i32
      %scan3A_265 = arith.constant 0 : i32
      %scan3A_266 = arith.constant 100 : i32
      %scan3A_267 = arith.addi %scan3A_265, %scan3A_266 : i32
      %scan3A_268 = arith.constant 1 : i32
      scf.for %scan3A_278 = %scan3A_265 to %scan3A_267 step %scan3A_268  : i32 {
        %mul3A_279 = arith.constant 2 : i32
        %mul3A_280 = arith.muli %scan3A_278, %mul3A_279 : i32
        %add3A_281 = arith.constant 0 : i32
        %add3A_282 = arith.addi %mul3A_280, %add3A_281 : i32
        %get3A = arith.index_cast %add3A_282 : i32 to index
        %get3A_283 = arith.constant 0 : index
        %get3A_284 = tpu.vector_load %arg16[%get3A, %get3A_283] {strides = array<i32>} : memref<200x128xf32, #tpu.memory_space<vmem>>, vector<1x16xf32>,
        %get3A_285 = vector.shape_cast %get3A_284 : vector<1x16xf32> to vector<16xf32>
        %get3A_286 = arith.index_cast %add3A_282 : i32 to index
        %get3A_287 = arith.constant 0 : index
        %get3A_288 = tpu.vector_load %arg17[%get3A_286, %get3A_287] {strides = array<i32>} : memref<200x128xf32, #tpu.memory_space<vmem>>, vector<1x16xf32>,
        %get3A_289 = vector.shape_cast %get3A_288 : vector<1x16xf32> to vector<16xf32>
        %add3A_290 = arith.addf %get3A_285, %get3A_289 : vector<16xf32>
        %swap3A = arith.index_cast %add3A_282 : i32 to index
        %swap3A_291 = arith.constant 0 : index
        %swap3A_292 = tpu.vector_load %arg16[%swap3A, %swap3A_291] {strides = array<i32>} : memref<200x128xf32, #tpu.memory_space<vmem>>, vector<1x16xf32>,
        %swap3A_293 = vector.shape_cast %swap3A_292 : vector<1x16xf32> to vector<16xf32>
        %swap3A_294 = vector.shape_cast %add3A_290 : vector<16xf32> to vector<1x16xf32>
        tpu.vector_store %arg16[%swap3A, %swap3A_291], %swap3A_294 {strides = array<i32>} : memref<200x128xf32, #tpu.memory_space<vmem>>, vector<1x16xf32>,
        %get3A_295 = arith.index_cast %add3A_282 : i32 to index
        %get3A_296 = arith.constant 16 : index
        %get3A_297 = tpu.vector_load %arg16[%get3A_295, %get3A_296] {strides = array<i32>} : memref<200x128xf32, #tpu.memory_space<vmem>>, vector<1x16xf32>,
        %get3A_298 = vector.shape_cast %get3A_297 : vector<1x16xf32> to vector<16xf32>
        %get3A_299 = arith.index_cast %add3A_282 : i32 to index
        %get3A_300 = arith.constant 16 : index
        %get3A_301 = tpu.vector_load %arg17[%get3A_299, %get3A_300] {strides = array<i32>} : memref<200x128xf32, #tpu.memory_space<vmem>>, vector<1x16xf32>,
        %get3A_302 = vector.shape_cast %get3A_301 : vector<1x16xf32> to vector<16xf32>
        %add3A_303 = arith.addf %get3A_298, %get3A_302 : vector<16xf32>
        %swap3A_304 = arith.index_cast %add3A_282 : i32 to index
        %swap3A_305 = arith.constant 16 : index
        %swap3A_306 = tpu.vector_load %arg16[%swap3A_304, %swap3A_305] {strides = array<i32>} : memref<200x128xf32, #tpu.memory_space<vmem>>, vector<1x16xf32>,
        %swap3A_307 = vector.shape_cast %swap3A_306 : vector<1x16xf32> to vector<16xf32>
        %swap3A_308 = vector.shape_cast %add3A_303 : vector<16xf32> to vector<1x16xf32>
        tpu.vector_store %arg16[%swap3A_304, %swap3A_305], %swap3A_308 {strides = array<i32>} : memref<200x128xf32, #tpu.memory_space<vmem>>, vector<1x16xf32>,
        %get3A_309 = arith.index_cast %add3A_282 : i32 to index
        %get3A_310 = arith.constant 32 : index
        %get3A_311 = tpu.vector_load %arg16[%get3A_309, %get3A_310] {strides = array<i32>} : memref<200x128xf32, #tpu.memory_space<vmem>>, vector<1x16xf32>,
        %get3A_312 = vector.shape_cast %get3A_311 : vector<1x16xf32> to vector<16xf32>
        %get3A_313 = arith.index_cast %add3A_282 : i32 to index
        %get3A_314 = arith.constant 32 : index
        %get3A_315 = tpu.vector_load %arg17[%get3A_313, %get3A_314] {strides = array<i32>} : memref<200x128xf32, #tpu.memory_space<vmem>>, vector<1x16xf32>,
        %get3A_316 = vector.shape_cast %get3A_315 : vector<1x16xf32> to vector<16xf32>
        %add3A_317 = arith.addf %get3A_312, %get3A_316 : vector<16xf32>
        %swap3A_318 = arith.index_cast %add3A_282 : i32 to index
        %swap3A_319 = arith.constant 32 : index
        %swap3A_320 = tpu.vector_load %arg16[%swap3A_318, %swap3A_319] {strides = array<i32>} : memref<200x128xf32, #tpu.memory_space<vmem>>, vector<1x16xf32>,
        %swap3A_321 = vector.shape_cast %swap3A_320 : vector<1x16xf32> to vector<16xf32>
        %swap3A_322 = vector.shape_cast %add3A_317 : vector<16xf32> to vector<1x16xf32>
        tpu.vector_store %arg16[%swap3A_318, %swap3A_319], %swap3A_322 {strides = array<i32>} : memref<200x128xf32, #tpu.memory_space<vmem>>, vector<1x16xf32>,
        %get3A_323 = arith.index_cast %add3A_282 : i32 to index
        %get3A_324 = arith.constant 48 : index
        %get3A_325 = tpu.vector_load %arg16[%get3A_323, %get3A_324] {strides = array<i32>} : memref<200x128xf32, #tpu.memory_space<vmem>>, vector<1x16xf32>,
        %get3A_326 = vector.shape_cast %get3A_325 : vector<1x16xf32> to vector<16xf32>
        %get3A_327 = arith.index_cast %add3A_282 : i32 to index
        %get3A_328 = arith.constant 48 : index
        %get3A_329 = tpu.vector_load %arg17[%get3A_327, %get3A_328] {strides = array<i32>} : memref<200x128xf32, #tpu.memory_space<vmem>>, vector<1x16xf32>,
        %get3A_330 = vector.shape_cast %get3A_329 : vector<1x16xf32> to vector<16xf32>
        %add3A_331 = arith.addf %get3A_326, %get3A_330 : vector<16xf32>
        %swap3A_332 = arith.index_cast %add3A_282 : i32 to index
        %swap3A_333 = arith.constant 48 : index
        %swap3A_334 = tpu.vector_load %arg16[%swap3A_332, %swap3A_333] {strides = array<i32>} : memref<200x128xf32, #tpu.memory_space<vmem>>, vector<1x16xf32>,
        %swap3A_335 = vector.shape_cast %swap3A_334 : vector<1x16xf32> to vector<16xf32>
        %swap3A_336 = vector.shape_cast %add3A_331 : vector<16xf32> to vector<1x16xf32>
        tpu.vector_store %arg16[%swap3A_332, %swap3A_333], %swap3A_336 {strides = array<i32>} : memref<200x128xf32, #tpu.memory_space<vmem>>, vector<1x16xf32>,
        %get3A_337 = arith.index_cast %add3A_282 : i32 to index
        %get3A_338 = arith.constant 64 : index
        %get3A_339 = tpu.vector_load %arg16[%get3A_337, %get3A_338] {strides = array<i32>} : memref<200x128xf32, #tpu.memory_space<vmem>>, vector<1x16xf32>,
        %get3A_340 = vector.shape_cast %get3A_339 : vector<1x16xf32> to vector<16xf32>
        %get3A_341 = arith.index_cast %add3A_282 : i32 to index
        %get3A_342 = arith.constant 64 : index
        %get3A_343 = tpu.vector_load %arg17[%get3A_341, %get3A_342] {strides = array<i32>} : memref<200x128xf32, #tpu.memory_space<vmem>>, vector<1x16xf32>,
        %get3A_344 = vector.shape_cast %get3A_343 : vector<1x16xf32> to vector<16xf32>
        %add3A_345 = arith.addf %get3A_340, %get3A_344 : vector<16xf32>
        %swap3A_346 = arith.index_cast %add3A_282 : i32 to index
        %swap3A_347 = arith.constant 64 : index
        %swap3A_348 = tpu.vector_load %arg16[%swap3A_346, %swap3A_347] {strides = array<i32>} : memref<200x128xf32, #tpu.memory_space<vmem>>, vector<1x16xf32>,
        %swap3A_349 = vector.shape_cast %swap3A_348 : vector<1x16xf32> to vector<16xf32>
        %swap3A_350 = vector.shape_cast %add3A_345 : vector<16xf32> to vector<1x16xf32>
        tpu.vector_store %arg16[%swap3A_346, %swap3A_347], %swap3A_350 {strides = array<i32>} : memref<200x128xf32, #tpu.memory_space<vmem>>, vector<1x16xf32>,
        %get3A_351 = arith.index_cast %add3A_282 : i32 to index
        %get3A_352 = arith.constant 80 : index
        %get3A_353 = tpu.vector_load %arg16[%get3A_351, %get3A_352] {strides = array<i32>} : memref<200x128xf32, #tpu.memory_space<vmem>>, vector<1x16xf32>,
        %get3A_354 = vector.shape_cast %get3A_353 : vector<1x16xf32> to vector<16xf32>
        %get3A_355 = arith.index_cast %add3A_282 : i32 to index
        %get3A_356 = arith.constant 80 : index
        %get3A_357 = tpu.vector_load %arg17[%get3A_355, %get3A_356] {strides = array<i32>} : memref<200x128xf32, #tpu.memory_space<vmem>>, vector<1x16xf32>,
        %get3A_358 = vector.shape_cast %get3A_357 : vector<1x16xf32> to vector<16xf32>
        %add3A_359 = arith.addf %get3A_354, %get3A_358 : vector<16xf32>
        %swap3A_360 = arith.index_cast %add3A_282 : i32 to index
        %swap3A_361 = arith.constant 80 : index
        %swap3A_362 = tpu.vector_load %arg16[%swap3A_360, %swap3A_361] {strides = array<i32>} : memref<200x128xf32, #tpu.memory_space<vmem>>, vector<1x16xf32>,
        %swap3A_363 = vector.shape_cast %swap3A_362 : vector<1x16xf32> to vector<16xf32>
        %swap3A_364 = vector.shape_cast %add3A_359 : vector<16xf32> to vector<1x16xf32>
        tpu.vector_store %arg16[%swap3A_360, %swap3A_361], %swap3A_364 {strides = array<i32>} : memref<200x128xf32, #tpu.memory_space<vmem>>, vector<1x16xf32>,
        %get3A_365 = arith.index_cast %add3A_282 : i32 to index
        %get3A_366 = arith.constant 96 : index
        %get3A_367 = tpu.vector_load %arg16[%get3A_365, %get3A_366] {strides = array<i32>} : memref<200x128xf32, #tpu.memory_space<vmem>>, vector<1x16xf32>,
        %get3A_368 = vector.shape_cast %get3A_367 : vector<1x16xf32> to vector<16xf32>
        %get3A_369 = arith.index_cast %add3A_282 : i32 to index
        %get3A_370 = arith.constant 96 : index
        %get3A_371 = tpu.vector_load %arg17[%get3A_369, %get3A_370] {strides = array<i32>} : memref<200x128xf32, #tpu.memory_space<vmem>>, vector<1x16xf32>,
        %get3A_372 = vector.shape_cast %get3A_371 : vector<1x16xf32> to vector<16xf32>
        %add3A_373 = arith.addf %get3A_368, %get3A_372 : vector<16xf32>
        %swap3A_374 = arith.index_cast %add3A_282 : i32 to index
        %swap3A_375 = arith.constant 96 : index
        %swap3A_376 = tpu.vector_load %arg16[%swap3A_374, %swap3A_375] {strides = array<i32>} : memref<200x128xf32, #tpu.memory_space<vmem>>, vector<1x16xf32>,
        %swap3A_377 = vector.shape_cast %swap3A_376 : vector<1x16xf32> to vector<16xf32>
        %swap3A_378 = vector.shape_cast %add3A_373 : vector<16xf32> to vector<1x16xf32>
        tpu.vector_store %arg16[%swap3A_374, %swap3A_375], %swap3A_378 {strides = array<i32>} : memref<200x128xf32, #tpu.memory_space<vmem>>, vector<1x16xf32>,
        %get3A_379 = arith.index_cast %add3A_282 : i32 to index
        %get3A_380 = arith.constant 112 : index
        %get3A_381 = tpu.vector_load %arg16[%get3A_379, %get3A_380] {strides = array<i32>} : memref<200x128xf32, #tpu.memory_space<vmem>>, vector<1x16xf32>,
        %get3A_382 = vector.shape_cast %get3A_381 : vector<1x16xf32> to vector<16xf32>
        %get3A_383 = arith.index_cast %add3A_282 : i32 to index
        %get3A_384 = arith.constant 112 : index
        %get3A_385 = tpu.vector_load %arg17[%get3A_383, %get3A_384] {strides = array<i32>} : memref<200x128xf32, #tpu.memory_space<vmem>>, vector<1x16xf32>,
        %get3A_386 = vector.shape_cast %get3A_385 : vector<1x16xf32> to vector<16xf32>
        %add3A_387 = arith.addf %get3A_382, %get3A_386 : vector<16xf32>
        %swap3A_388 = arith.index_cast %add3A_282 : i32 to index
        %swap3A_389 = arith.constant 112 : index
        %swap3A_390 = tpu.vector_load %arg16[%swap3A_388, %swap3A_389] {strides = array<i32>} : memref<200x128xf32, #tpu.memory_space<vmem>>, vector<1x16xf32>,
        %swap3A_391 = vector.shape_cast %swap3A_390 : vector<1x16xf32> to vector<16xf32>
        %swap3A_392 = vector.shape_cast %add3A_387 : vector<16xf32> to vector<1x16xf32>
        tpu.vector_store %arg16[%swap3A_388, %swap3A_389], %swap3A_392 {strides = array<i32>} : memref<200x128xf32, #tpu.memory_space<vmem>>, vector<1x16xf32>,
        %mul3A_393 = arith.constant 2 : i32
        %mul3A_394 = arith.muli %scan3A_278, %mul3A_393 : i32
        %add3A_395 = arith.constant 1 : i32
        %add3A_396 = arith.addi %mul3A_394, %add3A_395 : i32
        %get3A_397 = arith.index_cast %add3A_396 : i32 to index
        %get3A_398 = arith.constant 0 : index
        %get3A_399 = tpu.vector_load %arg16[%get3A_397, %get3A_398] {strides = array<i32>} : memref<200x128xf32, #tpu.memory_space<vmem>>, vector<1x16xf32>,
        %get3A_400 = vector.shape_cast %get3A_399 : vector<1x16xf32> to vector<16xf32>
        %get3A_401 = arith.index_cast %add3A_396 : i32 to index
        %get3A_402 = arith.constant 0 : index
        %get3A_403 = tpu.vector_load %arg17[%get3A_401, %get3A_402] {strides = array<i32>} : memref<200x128xf32, #tpu.memory_space<vmem>>, vector<1x16xf32>,
        %get3A_404 = vector.shape_cast %get3A_403 : vector<1x16xf32> to vector<16xf32>
        %add3A_405 = arith.addf %get3A_400, %get3A_404 : vector<16xf32>
        %swap3A_406 = arith.index_cast %add3A_396 : i32 to index
        %swap3A_407 = arith.constant 0 : index
        %swap3A_408 = tpu.vector_load %arg16[%swap3A_406, %swap3A_407] {strides = array<i32>} : memref<200x128xf32, #tpu.memory_space<vmem>>, vector<1x16xf32>,
        %swap3A_409 = vector.shape_cast %swap3A_408 : vector<1x16xf32> to vector<16xf32>
        %swap3A_410 = vector.shape_cast %add3A_405 : vector<16xf32> to vector<1x16xf32>
        tpu.vector_store %arg16[%swap3A_406, %swap3A_407], %swap3A_410 {strides = array<i32>} : memref<200x128xf32, #tpu.memory_space<vmem>>, vector<1x16xf32>,
        %get3A_411 = arith.index_cast %add3A_396 : i32 to index
        %get3A_412 = arith.constant 16 : index
        %get3A_413 = tpu.vector_load %arg16[%get3A_411, %get3A_412] {strides = array<i32>} : memref<200x128xf32, #tpu.memory_space<vmem>>, vector<1x16xf32>,
        %get3A_414 = vector.shape_cast %get3A_413 : vector<1x16xf32> to vector<16xf32>
        %get3A_415 = arith.index_cast %add3A_396 : i32 to index
        %get3A_416 = arith.constant 16 : index
        %get3A_417 = tpu.vector_load %arg17[%get3A_415, %get3A_416] {strides = array<i32>} : memref<200x128xf32, #tpu.memory_space<vmem>>, vector<1x16xf32>,
        %get3A_418 = vector.shape_cast %get3A_417 : vector<1x16xf32> to vector<16xf32>
        %add3A_419 = arith.addf %get3A_414, %get3A_418 : vector<16xf32>
        %swap3A_420 = arith.index_cast %add3A_396 : i32 to index
        %swap3A_421 = arith.constant 16 : index
        %swap3A_422 = tpu.vector_load %arg16[%swap3A_420, %swap3A_421] {strides = array<i32>} : memref<200x128xf32, #tpu.memory_space<vmem>>, vector<1x16xf32>,
        %swap3A_423 = vector.shape_cast %swap3A_422 : vector<1x16xf32> to vector<16xf32>
        %swap3A_424 = vector.shape_cast %add3A_419 : vector<16xf32> to vector<1x16xf32>
        tpu.vector_store %arg16[%swap3A_420, %swap3A_421], %swap3A_424 {strides = array<i32>} : memref<200x128xf32, #tpu.memory_space<vmem>>, vector<1x16xf32>,
        %get3A_425 = arith.index_cast %add3A_396 : i32 to index
        %get3A_426 = arith.constant 32 : index
        %get3A_427 = tpu.vector_load %arg16[%get3A_425, %get3A_426] {strides = array<i32>} : memref<200x128xf32, #tpu.memory_space<vmem>>, vector<1x16xf32>,
        %get3A_428 = vector.shape_cast %get3A_427 : vector<1x16xf32> to vector<16xf32>
        %get3A_429 = arith.index_cast %add3A_396 : i32 to index
        %get3A_430 = arith.constant 32 : index
        %get3A_431 = tpu.vector_load %arg17[%get3A_429, %get3A_430] {strides = array<i32>} : memref<200x128xf32, #tpu.memory_space<vmem>>, vector<1x16xf32>,
        %get3A_432 = vector.shape_cast %get3A_431 : vector<1x16xf32> to vector<16xf32>
        %add3A_433 = arith.addf %get3A_428, %get3A_432 : vector<16xf32>
        %swap3A_434 = arith.index_cast %add3A_396 : i32 to index
        %swap3A_435 = arith.constant 32 : index
        %swap3A_436 = tpu.vector_load %arg16[%swap3A_434, %swap3A_435] {strides = array<i32>} : memref<200x128xf32, #tpu.memory_space<vmem>>, vector<1x16xf32>,
        %swap3A_437 = vector.shape_cast %swap3A_436 : vector<1x16xf32> to vector<16xf32>
        %swap3A_438 = vector.shape_cast %add3A_433 : vector<16xf32> to vector<1x16xf32>
        tpu.vector_store %arg16[%swap3A_434, %swap3A_435], %swap3A_438 {strides = array<i32>} : memref<200x128xf32, #tpu.memory_space<vmem>>, vector<1x16xf32>,
        %get3A_439 = arith.index_cast %add3A_396 : i32 to index
        %get3A_440 = arith.constant 48 : index
        %get3A_441 = tpu.vector_load %arg16[%get3A_439, %get3A_440] {strides = array<i32>} : memref<200x128xf32, #tpu.memory_space<vmem>>, vector<1x16xf32>,
        %get3A_442 = vector.shape_cast %get3A_441 : vector<1x16xf32> to vector<16xf32>
        %get3A_443 = arith.index_cast %add3A_396 : i32 to index
        %get3A_444 = arith.constant 48 : index
        %get3A_445 = tpu.vector_load %arg17[%get3A_443, %get3A_444] {strides = array<i32>} : memref<200x128xf32, #tpu.memory_space<vmem>>, vector<1x16xf32>,
        %get3A_446 = vector.shape_cast %get3A_445 : vector<1x16xf32> to vector<16xf32>
        %add3A_447 = arith.addf %get3A_442, %get3A_446 : vector<16xf32>
        %swap3A_448 = arith.index_cast %add3A_396 : i32 to index
        %swap3A_449 = arith.constant 48 : index
        %swap3A_450 = tpu.vector_load %arg16[%swap3A_448, %swap3A_449] {strides = array<i32>} : memref<200x128xf32, #tpu.memory_space<vmem>>, vector<1x16xf32>,
        %swap3A_451 = vector.shape_cast %swap3A_450 : vector<1x16xf32> to vector<16xf32>
        %swap3A_452 = vector.shape_cast %add3A_447 : vector<16xf32> to vector<1x16xf32>
        tpu.vector_store %arg16[%swap3A_448, %swap3A_449], %swap3A_452 {strides = array<i32>} : memref<200x128xf32, #tpu.memory_space<vmem>>, vector<1x16xf32>,
        %get3A_453 = arith.index_cast %add3A_396 : i32 to index
        %get3A_454 = arith.constant 64 : index
        %get3A_455 = tpu.vector_load %arg16[%get3A_453, %get3A_454] {strides = array<i32>} : memref<200x128xf32, #tpu.memory_space<vmem>>, vector<1x16xf32>,
        %get3A_456 = vector.shape_cast %get3A_455 : vector<1x16xf32> to vector<16xf32>
        %get3A_457 = arith.index_cast %add3A_396 : i32 to index
        %get3A_458 = arith.constant 64 : index
        %get3A_459 = tpu.vector_load %arg17[%get3A_457, %get3A_458] {strides = array<i32>} : memref<200x128xf32, #tpu.memory_space<vmem>>, vector<1x16xf32>,
        %get3A_460 = vector.shape_cast %get3A_459 : vector<1x16xf32> to vector<16xf32>
        %add3A_461 = arith.addf %get3A_456, %get3A_460 : vector<16xf32>
        %swap3A_462 = arith.index_cast %add3A_396 : i32 to index
        %swap3A_463 = arith.constant 64 : index
        %swap3A_464 = tpu.vector_load %arg16[%swap3A_462, %swap3A_463] {strides = array<i32>} : memref<200x128xf32, #tpu.memory_space<vmem>>, vector<1x16xf32>,
        %swap3A_465 = vector.shape_cast %swap3A_464 : vector<1x16xf32> to vector<16xf32>
        %swap3A_466 = vector.shape_cast %add3A_461 : vector<16xf32> to vector<1x16xf32>
        tpu.vector_store %arg16[%swap3A_462, %swap3A_463], %swap3A_466 {strides = array<i32>} : memref<200x128xf32, #tpu.memory_space<vmem>>, vector<1x16xf32>,
        %get3A_467 = arith.index_cast %add3A_396 : i32 to index
        %get3A_468 = arith.constant 80 : index
        %get3A_469 = tpu.vector_load %arg16[%get3A_467, %get3A_468] {strides = array<i32>} : memref<200x128xf32, #tpu.memory_space<vmem>>, vector<1x16xf32>,
        %get3A_470 = vector.shape_cast %get3A_469 : vector<1x16xf32> to vector<16xf32>
        %get3A_471 = arith.index_cast %add3A_396 : i32 to index
        %get3A_472 = arith.constant 80 : index
        %get3A_473 = tpu.vector_load %arg17[%get3A_471, %get3A_472] {strides = array<i32>} : memref<200x128xf32, #tpu.memory_space<vmem>>, vector<1x16xf32>,
        %get3A_474 = vector.shape_cast %get3A_473 : vector<1x16xf32> to vector<16xf32>
        %add3A_475 = arith.addf %get3A_470, %get3A_474 : vector<16xf32>
        %swap3A_476 = arith.index_cast %add3A_396 : i32 to index
        %swap3A_477 = arith.constant 80 : index
        %swap3A_478 = tpu.vector_load %arg16[%swap3A_476, %swap3A_477] {strides = array<i32>} : memref<200x128xf32, #tpu.memory_space<vmem>>, vector<1x16xf32>,
        %swap3A_479 = vector.shape_cast %swap3A_478 : vector<1x16xf32> to vector<16xf32>
        %swap3A_480 = vector.shape_cast %add3A_475 : vector<16xf32> to vector<1x16xf32>
        tpu.vector_store %arg16[%swap3A_476, %swap3A_477], %swap3A_480 {strides = array<i32>} : memref<200x128xf32, #tpu.memory_space<vmem>>, vector<1x16xf32>,
        %get3A_481 = arith.index_cast %add3A_396 : i32 to index
        %get3A_482 = arith.constant 96 : index
        %get3A_483 = tpu.vector_load %arg16[%get3A_481, %get3A_482] {strides = array<i32>} : memref<200x128xf32, #tpu.memory_space<vmem>>, vector<1x16xf32>,
        %get3A_484 = vector.shape_cast %get3A_483 : vector<1x16xf32> to vector<16xf32>
        %get3A_485 = arith.index_cast %add3A_396 : i32 to index
        %get3A_486 = arith.constant 96 : index
        %get3A_487 = tpu.vector_load %arg17[%get3A_485, %get3A_486] {strides = array<i32>} : memref<200x128xf32, #tpu.memory_space<vmem>>, vector<1x16xf32>,
        %get3A_488 = vector.shape_cast %get3A_487 : vector<1x16xf32> to vector<16xf32>
        %add3A_489 = arith.addf %get3A_484, %get3A_488 : vector<16xf32>
        %swap3A_490 = arith.index_cast %add3A_396 : i32 to index
        %swap3A_491 = arith.constant 96 : index
        %swap3A_492 = tpu.vector_load %arg16[%swap3A_490, %swap3A_491] {strides = array<i32>} : memref<200x128xf32, #tpu.memory_space<vmem>>, vector<1x16xf32>,
        %swap3A_493 = vector.shape_cast %swap3A_492 : vector<1x16xf32> to vector<16xf32>
        %swap3A_494 = vector.shape_cast %add3A_489 : vector<16xf32> to vector<1x16xf32>
        tpu.vector_store %arg16[%swap3A_490, %swap3A_491], %swap3A_494 {strides = array<i32>} : memref<200x128xf32, #tpu.memory_space<vmem>>, vector<1x16xf32>,
        %get3A_495 = arith.index_cast %add3A_396 : i32 to index
        %get3A_496 = arith.constant 112 : index
        %get3A_497 = tpu.vector_load %arg16[%get3A_495, %get3A_496] {strides = array<i32>} : memref<200x128xf32, #tpu.memory_space<vmem>>, vector<1x16xf32>,
        %get3A_498 = vector.shape_cast %get3A_497 : vector<1x16xf32> to vector<16xf32>
        %get3A_499 = arith.index_cast %add3A_396 : i32 to index
        %get3A_500 = arith.constant 112 : index
        %get3A_501 = tpu.vector_load %arg17[%get3A_499, %get3A_500] {strides = array<i32>} : memref<200x128xf32, #tpu.memory_space<vmem>>, vector<1x16xf32>,
        %get3A_502 = vector.shape_cast %get3A_501 : vector<1x16xf32> to vector<16xf32>
        %add3A_503 = arith.addf %get3A_498, %get3A_502 : vector<16xf32>
        %swap3A_504 = arith.index_cast %add3A_396 : i32 to index
        %swap3A_505 = arith.constant 112 : index
        %swap3A_506 = tpu.vector_load %arg16[%swap3A_504, %swap3A_505] {strides = array<i32>} : memref<200x128xf32, #tpu.memory_space<vmem>>, vector<1x16xf32>,
        %swap3A_507 = vector.shape_cast %swap3A_506 : vector<1x16xf32> to vector<16xf32>
        %swap3A_508 = vector.shape_cast %add3A_503 : vector<16xf32> to vector<1x16xf32>
        tpu.vector_store %arg16[%swap3A_504, %swap3A_505], %swap3A_508 {strides = array<i32>} : memref<200x128xf32, #tpu.memory_space<vmem>>, vector<1x16xf32>,
      }
      %scan3A_269 = arith.constant 100 : i32
      %mul3A_270 = arith.constant 200 : i32
      %mul3A_271 = arith.muli %add3A_231, %mul3A_270 : i32
      %add3A_272 = arith.addi %mul3A_2, %mul3A_271 : i32
      %multiple_of3A_273 = tpu.assume_multiple %add3A_272, 8 : i32
      %dma_start3A_274 = arith.constant 0 : i32
      %dma_start3A_275 = tpu.memref_slice %arg7[%multiple_of3A_273, %dma_start3A_274] : memref<121600x128xf32, #tpu.memory_space<hbm>> -> memref<200x128xf32, #tpu.memory_space<hbm>>
      %dma_start3A_276 = arith.constant 0 : i32
      %dma_start3A_277 = tpu.memref_slice %arg7[%multiple_of3A_273, %dma_start3A_276] : memref<121600x128xf32, #tpu.memory_space<hbm>> -> memref<200x128xf32, #tpu.memory_space<hbm>>
      tpu.enqueue_dma source(%arg16 : memref<200x128xf32, #tpu.memory_space<vmem>>) target(%dma_start3A_277 : memref<200x128xf32, #tpu.memory_space<hbm>>) target_semaphore(%arg22 : memref<!tpu.dma_semaphore, #tpu.memory_space<semaphore_mem>>)
    }
    %scan3A_42 = arith.constant 9 : i32
    %dma_wait3A = arith.constant 0 : i32
    %dma_wait3A_43 = arith.constant 0 : i32
    %dma_wait3A_44 = tpu.memref_slice %arg14[%dma_wait3A, %dma_wait3A_43] : memref<200x128xf32, #tpu.memory_space<vmem>> -> memref<104x128xf32, #tpu.memory_space<vmem>>
    %dma_wait3A_45 = arith.constant 0 : i32
    %dma_wait3A_46 = tpu.memref_slice %arg10[%dma_wait3A_45] : memref<200xi32, #tpu.memory_space<vmem>> -> memref<104xi32, #tpu.memory_space<vmem>>
    %dma_wait3A_47 = arith.constant 0 : i32
    %dma_wait3A_48 = arith.constant 0 : i32
    %dma_wait3A_49 = tpu.memref_slice %arg2[%dma_wait3A_47, %dma_wait3A_48] : memref<10000x128xf32, #tpu.memory_space<hbm>> -> memref<10000x128xf32, #tpu.memory_space<hbm>>
    tpu.wait_indirect_dma semaphore(%arg19 : memref<!tpu.dma_semaphore, #tpu.memory_space<semaphore_mem>>) src(%dma_wait3A_49 : memref<10000x128xf32, #tpu.memory_space<hbm>>) dst(%dma_wait3A_44 : memref<104x128xf32, #tpu.memory_space<vmem>>)
    %dma_wait3A_50 = arith.constant 0 : i32
    %dma_wait3A_51 = arith.constant 0 : i32
    %dma_wait3A_52 = tpu.memref_slice %arg15[%dma_wait3A_50, %dma_wait3A_51] : memref<200x128xf32, #tpu.memory_space<vmem>> -> memref<104x128xf32, #tpu.memory_space<vmem>>
    %dma_wait3A_53 = arith.constant 0 : i32
    %dma_wait3A_54 = tpu.memref_slice %arg11[%dma_wait3A_53] : memref<200xi32, #tpu.memory_space<vmem>> -> memref<104xi32, #tpu.memory_space<vmem>>
    %dma_wait3A_55 = arith.constant 0 : i32
    %dma_wait3A_56 = arith.constant 0 : i32
    %dma_wait3A_57 = tpu.memref_slice %arg2[%dma_wait3A_55, %dma_wait3A_56] : memref<10000x128xf32, #tpu.memory_space<hbm>> -> memref<10000x128xf32, #tpu.memory_space<hbm>>
    tpu.wait_indirect_dma semaphore(%arg19 : memref<!tpu.dma_semaphore, #tpu.memory_space<semaphore_mem>>) src(%dma_wait3A_57 : memref<10000x128xf32, #tpu.memory_space<hbm>>) dst(%dma_wait3A_52 : memref<104x128xf32, #tpu.memory_space<vmem>>)
    %dma_wait3A_58 = arith.constant 104 : i32
    %dma_wait3A_59 = arith.constant 0 : i32
    %dma_wait3A_60 = tpu.memref_slice %arg14[%dma_wait3A_58, %dma_wait3A_59] : memref<200x128xf32, #tpu.memory_space<vmem>> -> memref<96x128xf32, #tpu.memory_space<vmem>>
    %dma_wait3A_61 = arith.constant 104 : i32
    %dma_wait3A_62 = tpu.memref_slice %arg10[%dma_wait3A_61] : memref<200xi32, #tpu.memory_space<vmem>> -> memref<96xi32, #tpu.memory_space<vmem>>
    %dma_wait3A_63 = arith.constant 0 : i32
    %dma_wait3A_64 = arith.constant 0 : i32
    %dma_wait3A_65 = tpu.memref_slice %arg2[%dma_wait3A_63, %dma_wait3A_64] : memref<10000x128xf32, #tpu.memory_space<hbm>> -> memref<10000x128xf32, #tpu.memory_space<hbm>>
    tpu.wait_indirect_dma semaphore(%arg19 : memref<!tpu.dma_semaphore, #tpu.memory_space<semaphore_mem>>) src(%dma_wait3A_65 : memref<10000x128xf32, #tpu.memory_space<hbm>>) dst(%dma_wait3A_60 : memref<96x128xf32, #tpu.memory_space<vmem>>)
    %dma_wait3A_66 = arith.constant 104 : i32
    %dma_wait3A_67 = arith.constant 0 : i32
    %dma_wait3A_68 = tpu.memref_slice %arg15[%dma_wait3A_66, %dma_wait3A_67] : memref<200x128xf32, #tpu.memory_space<vmem>> -> memref<96x128xf32, #tpu.memory_space<vmem>>
    %dma_wait3A_69 = arith.constant 104 : i32
    %dma_wait3A_70 = tpu.memref_slice %arg11[%dma_wait3A_69] : memref<200xi32, #tpu.memory_space<vmem>> -> memref<96xi32, #tpu.memory_space<vmem>>
    %dma_wait3A_71 = arith.constant 0 : i32
    %dma_wait3A_72 = arith.constant 0 : i32
    %dma_wait3A_73 = tpu.memref_slice %arg2[%dma_wait3A_71, %dma_wait3A_72] : memref<10000x128xf32, #tpu.memory_space<hbm>> -> memref<10000x128xf32, #tpu.memory_space<hbm>>
    tpu.wait_indirect_dma semaphore(%arg19 : memref<!tpu.dma_semaphore, #tpu.memory_space<semaphore_mem>>) src(%dma_wait3A_73 : memref<10000x128xf32, #tpu.memory_space<hbm>>) dst(%dma_wait3A_68 : memref<96x128xf32, #tpu.memory_space<vmem>>)
    %scan3A_74 = arith.constant 0 : i32
    %scan3A_75 = arith.constant 0 : i32
    %scan3A_76 = arith.constant 100 : i32
    %scan3A_77 = arith.addi %scan3A_75, %scan3A_76 : i32
    %scan3A_78 = arith.constant 1 : i32
    scf.for %scan3A_95 = %scan3A_75 to %scan3A_77 step %scan3A_78  : i32 {
      %mul3A_96 = arith.constant 2 : i32
      %mul3A_97 = arith.muli %scan3A_95, %mul3A_96 : i32
      %add3A_98 = arith.constant 0 : i32
      %add3A_99 = arith.addi %mul3A_97, %add3A_98 : i32
      %get3A = arith.index_cast %add3A_99 : i32 to index
      %get3A_100 = arith.constant 0 : index
      %get3A_101 = tpu.vector_load %arg14[%get3A, %get3A_100] {strides = array<i32>} : memref<200x128xf32, #tpu.memory_space<vmem>>, vector<1x16xf32>,
      %get3A_102 = vector.shape_cast %get3A_101 : vector<1x16xf32> to vector<16xf32>
      %get3A_103 = arith.index_cast %add3A_99 : i32 to index
      %get3A_104 = arith.constant 0 : index
      %get3A_105 = tpu.vector_load %arg15[%get3A_103, %get3A_104] {strides = array<i32>} : memref<200x128xf32, #tpu.memory_space<vmem>>, vector<1x16xf32>,
      %get3A_106 = vector.shape_cast %get3A_105 : vector<1x16xf32> to vector<16xf32>
      %add3A_107 = arith.addf %get3A_102, %get3A_106 : vector<16xf32>
      %swap3A = arith.index_cast %add3A_99 : i32 to index
      %swap3A_108 = arith.constant 0 : index
      %swap3A_109 = tpu.vector_load %arg14[%swap3A, %swap3A_108] {strides = array<i32>} : memref<200x128xf32, #tpu.memory_space<vmem>>, vector<1x16xf32>,
      %swap3A_110 = vector.shape_cast %swap3A_109 : vector<1x16xf32> to vector<16xf32>
      %swap3A_111 = vector.shape_cast %add3A_107 : vector<16xf32> to vector<1x16xf32>
      tpu.vector_store %arg14[%swap3A, %swap3A_108], %swap3A_111 {strides = array<i32>} : memref<200x128xf32, #tpu.memory_space<vmem>>, vector<1x16xf32>,
      %get3A_112 = arith.index_cast %add3A_99 : i32 to index
      %get3A_113 = arith.constant 16 : index
      %get3A_114 = tpu.vector_load %arg14[%get3A_112, %get3A_113] {strides = array<i32>} : memref<200x128xf32, #tpu.memory_space<vmem>>, vector<1x16xf32>,
      %get3A_115 = vector.shape_cast %get3A_114 : vector<1x16xf32> to vector<16xf32>
      %get3A_116 = arith.index_cast %add3A_99 : i32 to index
      %get3A_117 = arith.constant 16 : index
      %get3A_118 = tpu.vector_load %arg15[%get3A_116, %get3A_117] {strides = array<i32>} : memref<200x128xf32, #tpu.memory_space<vmem>>, vector<1x16xf32>,
      %get3A_119 = vector.shape_cast %get3A_118 : vector<1x16xf32> to vector<16xf32>
      %add3A_120 = arith.addf %get3A_115, %get3A_119 : vector<16xf32>
      %swap3A_121 = arith.index_cast %add3A_99 : i32 to index
      %swap3A_122 = arith.constant 16 : index
      %swap3A_123 = tpu.vector_load %arg14[%swap3A_121, %swap3A_122] {strides = array<i32>} : memref<200x128xf32, #tpu.memory_space<vmem>>, vector<1x16xf32>,
      %swap3A_124 = vector.shape_cast %swap3A_123 : vector<1x16xf32> to vector<16xf32>
      %swap3A_125 = vector.shape_cast %add3A_120 : vector<16xf32> to vector<1x16xf32>
      tpu.vector_store %arg14[%swap3A_121, %swap3A_122], %swap3A_125 {strides = array<i32>} : memref<200x128xf32, #tpu.memory_space<vmem>>, vector<1x16xf32>,
      %get3A_126 = arith.index_cast %add3A_99 : i32 to index
      %get3A_127 = arith.constant 32 : index
      %get3A_128 = tpu.vector_load %arg14[%get3A_126, %get3A_127] {strides = array<i32>} : memref<200x128xf32, #tpu.memory_space<vmem>>, vector<1x16xf32>,
      %get3A_129 = vector.shape_cast %get3A_128 : vector<1x16xf32> to vector<16xf32>
      %get3A_130 = arith.index_cast %add3A_99 : i32 to index
      %get3A_131 = arith.constant 32 : index
      %get3A_132 = tpu.vector_load %arg15[%get3A_130, %get3A_131] {strides = array<i32>} : memref<200x128xf32, #tpu.memory_space<vmem>>, vector<1x16xf32>,
      %get3A_133 = vector.shape_cast %get3A_132 : vector<1x16xf32> to vector<16xf32>
      %add3A_134 = arith.addf %get3A_129, %get3A_133 : vector<16xf32>
      %swap3A_135 = arith.index_cast %add3A_99 : i32 to index
      %swap3A_136 = arith.constant 32 : index
      %swap3A_137 = tpu.vector_load %arg14[%swap3A_135, %swap3A_136] {strides = array<i32>} : memref<200x128xf32, #tpu.memory_space<vmem>>, vector<1x16xf32>,
      %swap3A_138 = vector.shape_cast %swap3A_137 : vector<1x16xf32> to vector<16xf32>
      %swap3A_139 = vector.shape_cast %add3A_134 : vector<16xf32> to vector<1x16xf32>
      tpu.vector_store %arg14[%swap3A_135, %swap3A_136], %swap3A_139 {strides = array<i32>} : memref<200x128xf32, #tpu.memory_space<vmem>>, vector<1x16xf32>,
      %get3A_140 = arith.index_cast %add3A_99 : i32 to index
      %get3A_141 = arith.constant 48 : index
      %get3A_142 = tpu.vector_load %arg14[%get3A_140, %get3A_141] {strides = array<i32>} : memref<200x128xf32, #tpu.memory_space<vmem>>, vector<1x16xf32>,
      %get3A_143 = vector.shape_cast %get3A_142 : vector<1x16xf32> to vector<16xf32>
      %get3A_144 = arith.index_cast %add3A_99 : i32 to index
      %get3A_145 = arith.constant 48 : index
      %get3A_146 = tpu.vector_load %arg15[%get3A_144, %get3A_145] {strides = array<i32>} : memref<200x128xf32, #tpu.memory_space<vmem>>, vector<1x16xf32>,
      %get3A_147 = vector.shape_cast %get3A_146 : vector<1x16xf32> to vector<16xf32>
      %add3A_148 = arith.addf %get3A_143, %get3A_147 : vector<16xf32>
      %swap3A_149 = arith.index_cast %add3A_99 : i32 to index
      %swap3A_150 = arith.constant 48 : index
      %swap3A_151 = tpu.vector_load %arg14[%swap3A_149, %swap3A_150] {strides = array<i32>} : memref<200x128xf32, #tpu.memory_space<vmem>>, vector<1x16xf32>,
      %swap3A_152 = vector.shape_cast %swap3A_151 : vector<1x16xf32> to vector<16xf32>
      %swap3A_153 = vector.shape_cast %add3A_148 : vector<16xf32> to vector<1x16xf32>
      tpu.vector_store %arg14[%swap3A_149, %swap3A_150], %swap3A_153 {strides = array<i32>} : memref<200x128xf32, #tpu.memory_space<vmem>>, vector<1x16xf32>,
      %get3A_154 = arith.index_cast %add3A_99 : i32 to index
      %get3A_155 = arith.constant 64 : index
      %get3A_156 = tpu.vector_load %arg14[%get3A_154, %get3A_155] {strides = array<i32>} : memref<200x128xf32, #tpu.memory_space<vmem>>, vector<1x16xf32>,
      %get3A_157 = vector.shape_cast %get3A_156 : vector<1x16xf32> to vector<16xf32>
      %get3A_158 = arith.index_cast %add3A_99 : i32 to index
      %get3A_159 = arith.constant 64 : index
      %get3A_160 = tpu.vector_load %arg15[%get3A_158, %get3A_159] {strides = array<i32>} : memref<200x128xf32, #tpu.memory_space<vmem>>, vector<1x16xf32>,
      %get3A_161 = vector.shape_cast %get3A_160 : vector<1x16xf32> to vector<16xf32>
      %add3A_162 = arith.addf %get3A_157, %get3A_161 : vector<16xf32>
      %swap3A_163 = arith.index_cast %add3A_99 : i32 to index
      %swap3A_164 = arith.constant 64 : index
      %swap3A_165 = tpu.vector_load %arg14[%swap3A_163, %swap3A_164] {strides = array<i32>} : memref<200x128xf32, #tpu.memory_space<vmem>>, vector<1x16xf32>,
      %swap3A_166 = vector.shape_cast %swap3A_165 : vector<1x16xf32> to vector<16xf32>
      %swap3A_167 = vector.shape_cast %add3A_162 : vector<16xf32> to vector<1x16xf32>
      tpu.vector_store %arg14[%swap3A_163, %swap3A_164], %swap3A_167 {strides = array<i32>} : memref<200x128xf32, #tpu.memory_space<vmem>>, vector<1x16xf32>,
      %get3A_168 = arith.index_cast %add3A_99 : i32 to index
      %get3A_169 = arith.constant 80 : index
      %get3A_170 = tpu.vector_load %arg14[%get3A_168, %get3A_169] {strides = array<i32>} : memref<200x128xf32, #tpu.memory_space<vmem>>, vector<1x16xf32>,
      %get3A_171 = vector.shape_cast %get3A_170 : vector<1x16xf32> to vector<16xf32>
      %get3A_172 = arith.index_cast %add3A_99 : i32 to index
      %get3A_173 = arith.constant 80 : index
      %get3A_174 = tpu.vector_load %arg15[%get3A_172, %get3A_173] {strides = array<i32>} : memref<200x128xf32, #tpu.memory_space<vmem>>, vector<1x16xf32>,
      %get3A_175 = vector.shape_cast %get3A_174 : vector<1x16xf32> to vector<16xf32>
      %add3A_176 = arith.addf %get3A_171, %get3A_175 : vector<16xf32>
      %swap3A_177 = arith.index_cast %add3A_99 : i32 to index
      %swap3A_178 = arith.constant 80 : index
      %swap3A_179 = tpu.vector_load %arg14[%swap3A_177, %swap3A_178] {strides = array<i32>} : memref<200x128xf32, #tpu.memory_space<vmem>>, vector<1x16xf32>,
      %swap3A_180 = vector.shape_cast %swap3A_179 : vector<1x16xf32> to vector<16xf32>
      %swap3A_181 = vector.shape_cast %add3A_176 : vector<16xf32> to vector<1x16xf32>
      tpu.vector_store %arg14[%swap3A_177, %swap3A_178], %swap3A_181 {strides = array<i32>} : memref<200x128xf32, #tpu.memory_space<vmem>>, vector<1x16xf32>,
      %get3A_182 = arith.index_cast %add3A_99 : i32 to index
      %get3A_183 = arith.constant 96 : index
      %get3A_184 = tpu.vector_load %arg14[%get3A_182, %get3A_183] {strides = array<i32>} : memref<200x128xf32, #tpu.memory_space<vmem>>, vector<1x16xf32>,
      %get3A_185 = vector.shape_cast %get3A_184 : vector<1x16xf32> to vector<16xf32>
      %get3A_186 = arith.index_cast %add3A_99 : i32 to index
      %get3A_187 = arith.constant 96 : index
      %get3A_188 = tpu.vector_load %arg15[%get3A_186, %get3A_187] {strides = array<i32>} : memref<200x128xf32, #tpu.memory_space<vmem>>, vector<1x16xf32>,
      %get3A_189 = vector.shape_cast %get3A_188 : vector<1x16xf32> to vector<16xf32>
      %add3A_190 = arith.addf %get3A_185, %get3A_189 : vector<16xf32>
      %swap3A_191 = arith.index_cast %add3A_99 : i32 to index
      %swap3A_192 = arith.constant 96 : index
      %swap3A_193 = tpu.vector_load %arg14[%swap3A_191, %swap3A_192] {strides = array<i32>} : memref<200x128xf32, #tpu.memory_space<vmem>>, vector<1x16xf32>,
      %swap3A_194 = vector.shape_cast %swap3A_193 : vector<1x16xf32> to vector<16xf32>
      %swap3A_195 = vector.shape_cast %add3A_190 : vector<16xf32> to vector<1x16xf32>
      tpu.vector_store %arg14[%swap3A_191, %swap3A_192], %swap3A_195 {strides = array<i32>} : memref<200x128xf32, #tpu.memory_space<vmem>>, vector<1x16xf32>,
      %get3A_196 = arith.index_cast %add3A_99 : i32 to index
      %get3A_197 = arith.constant 112 : index
      %get3A_198 = tpu.vector_load %arg14[%get3A_196, %get3A_197] {strides = array<i32>} : memref<200x128xf32, #tpu.memory_space<vmem>>, vector<1x16xf32>,
      %get3A_199 = vector.shape_cast %get3A_198 : vector<1x16xf32> to vector<16xf32>
      %get3A_200 = arith.index_cast %add3A_99 : i32 to index
      %get3A_201 = arith.constant 112 : index
      %get3A_202 = tpu.vector_load %arg15[%get3A_200, %get3A_201] {strides = array<i32>} : memref<200x128xf32, #tpu.memory_space<vmem>>, vector<1x16xf32>,
      %get3A_203 = vector.shape_cast %get3A_202 : vector<1x16xf32> to vector<16xf32>
      %add3A_204 = arith.addf %get3A_199, %get3A_203 : vector<16xf32>
      %swap3A_205 = arith.index_cast %add3A_99 : i32 to index
      %swap3A_206 = arith.constant 112 : index
      %swap3A_207 = tpu.vector_load %arg14[%swap3A_205, %swap3A_206] {strides = array<i32>} : memref<200x128xf32, #tpu.memory_space<vmem>>, vector<1x16xf32>,
      %swap3A_208 = vector.shape_cast %swap3A_207 : vector<1x16xf32> to vector<16xf32>
      %swap3A_209 = vector.shape_cast %add3A_204 : vector<16xf32> to vector<1x16xf32>
      tpu.vector_store %arg14[%swap3A_205, %swap3A_206], %swap3A_209 {strides = array<i32>} : memref<200x128xf32, #tpu.memory_space<vmem>>, vector<1x16xf32>,
      %mul3A_210 = arith.constant 2 : i32
      %mul3A_211 = arith.muli %scan3A_95, %mul3A_210 : i32
      %add3A_212 = arith.constant 1 : i32
      %add3A_213 = arith.addi %mul3A_211, %add3A_212 : i32
      %get3A_214 = arith.index_cast %add3A_213 : i32 to index
      %get3A_215 = arith.constant 0 : index
      %get3A_216 = tpu.vector_load %arg14[%get3A_214, %get3A_215] {strides = array<i32>} : memref<200x128xf32, #tpu.memory_space<vmem>>, vector<1x16xf32>,
      %get3A_217 = vector.shape_cast %get3A_216 : vector<1x16xf32> to vector<16xf32>
      %get3A_218 = arith.index_cast %add3A_213 : i32 to index
      %get3A_219 = arith.constant 0 : index
      %get3A_220 = tpu.vector_load %arg15[%get3A_218, %get3A_219] {strides = array<i32>} : memref<200x128xf32, #tpu.memory_space<vmem>>, vector<1x16xf32>,
      %get3A_221 = vector.shape_cast %get3A_220 : vector<1x16xf32> to vector<16xf32>
      %add3A_222 = arith.addf %get3A_217, %get3A_221 : vector<16xf32>
      %swap3A_223 = arith.index_cast %add3A_213 : i32 to index
      %swap3A_224 = arith.constant 0 : index
      %swap3A_225 = tpu.vector_load %arg14[%swap3A_223, %swap3A_224] {strides = array<i32>} : memref<200x128xf32, #tpu.memory_space<vmem>>, vector<1x16xf32>,
      %swap3A_226 = vector.shape_cast %swap3A_225 : vector<1x16xf32> to vector<16xf32>
      %swap3A_227 = vector.shape_cast %add3A_222 : vector<16xf32> to vector<1x16xf32>
      tpu.vector_store %arg14[%swap3A_223, %swap3A_224], %swap3A_227 {strides = array<i32>} : memref<200x128xf32, #tpu.memory_space<vmem>>, vector<1x16xf32>,
      %get3A_228 = arith.index_cast %add3A_213 : i32 to index
      %get3A_229 = arith.constant 16 : index
      %get3A_230 = tpu.vector_load %arg14[%get3A_228, %get3A_229] {strides = array<i32>} : memref<200x128xf32, #tpu.memory_space<vmem>>, vector<1x16xf32>,
      %get3A_231 = vector.shape_cast %get3A_230 : vector<1x16xf32> to vector<16xf32>
      %get3A_232 = arith.index_cast %add3A_213 : i32 to index
      %get3A_233 = arith.constant 16 : index
      %get3A_234 = tpu.vector_load %arg15[%get3A_232, %get3A_233] {strides = array<i32>} : memref<200x128xf32, #tpu.memory_space<vmem>>, vector<1x16xf32>,
      %get3A_235 = vector.shape_cast %get3A_234 : vector<1x16xf32> to vector<16xf32>
      %add3A_236 = arith.addf %get3A_231, %get3A_235 : vector<16xf32>
      %swap3A_237 = arith.index_cast %add3A_213 : i32 to index
      %swap3A_238 = arith.constant 16 : index
      %swap3A_239 = tpu.vector_load %arg14[%swap3A_237, %swap3A_238] {strides = array<i32>} : memref<200x128xf32, #tpu.memory_space<vmem>>, vector<1x16xf32>,
      %swap3A_240 = vector.shape_cast %swap3A_239 : vector<1x16xf32> to vector<16xf32>
      %swap3A_241 = vector.shape_cast %add3A_236 : vector<16xf32> to vector<1x16xf32>
      tpu.vector_store %arg14[%swap3A_237, %swap3A_238], %swap3A_241 {strides = array<i32>} : memref<200x128xf32, #tpu.memory_space<vmem>>, vector<1x16xf32>,
      %get3A_242 = arith.index_cast %add3A_213 : i32 to index
      %get3A_243 = arith.constant 32 : index
      %get3A_244 = tpu.vector_load %arg14[%get3A_242, %get3A_243] {strides = array<i32>} : memref<200x128xf32, #tpu.memory_space<vmem>>, vector<1x16xf32>,
      %get3A_245 = vector.shape_cast %get3A_244 : vector<1x16xf32> to vector<16xf32>
      %get3A_246 = arith.index_cast %add3A_213 : i32 to index
      %get3A_247 = arith.constant 32 : index
      %get3A_248 = tpu.vector_load %arg15[%get3A_246, %get3A_247] {strides = array<i32>} : memref<200x128xf32, #tpu.memory_space<vmem>>, vector<1x16xf32>,
      %get3A_249 = vector.shape_cast %get3A_248 : vector<1x16xf32> to vector<16xf32>
      %add3A_250 = arith.addf %get3A_245, %get3A_249 : vector<16xf32>
      %swap3A_251 = arith.index_cast %add3A_213 : i32 to index
      %swap3A_252 = arith.constant 32 : index
      %swap3A_253 = tpu.vector_load %arg14[%swap3A_251, %swap3A_252] {strides = array<i32>} : memref<200x128xf32, #tpu.memory_space<vmem>>, vector<1x16xf32>,
      %swap3A_254 = vector.shape_cast %swap3A_253 : vector<1x16xf32> to vector<16xf32>
      %swap3A_255 = vector.shape_cast %add3A_250 : vector<16xf32> to vector<1x16xf32>
      tpu.vector_store %arg14[%swap3A_251, %swap3A_252], %swap3A_255 {strides = array<i32>} : memref<200x128xf32, #tpu.memory_space<vmem>>, vector<1x16xf32>,
      %get3A_256 = arith.index_cast %add3A_213 : i32 to index
      %get3A_257 = arith.constant 48 : index
      %get3A_258 = tpu.vector_load %arg14[%get3A_256, %get3A_257] {strides = array<i32>} : memref<200x128xf32, #tpu.memory_space<vmem>>, vector<1x16xf32>,
      %get3A_259 = vector.shape_cast %get3A_258 : vector<1x16xf32> to vector<16xf32>
      %get3A_260 = arith.index_cast %add3A_213 : i32 to index
      %get3A_261 = arith.constant 48 : index
      %get3A_262 = tpu.vector_load %arg15[%get3A_260, %get3A_261] {strides = array<i32>} : memref<200x128xf32, #tpu.memory_space<vmem>>, vector<1x16xf32>,
      %get3A_263 = vector.shape_cast %get3A_262 : vector<1x16xf32> to vector<16xf32>
      %add3A_264 = arith.addf %get3A_259, %get3A_263 : vector<16xf32>
      %swap3A_265 = arith.index_cast %add3A_213 : i32 to index
      %swap3A_266 = arith.constant 48 : index
      %swap3A_267 = tpu.vector_load %arg14[%swap3A_265, %swap3A_266] {strides = array<i32>} : memref<200x128xf32, #tpu.memory_space<vmem>>, vector<1x16xf32>,
      %swap3A_268 = vector.shape_cast %swap3A_267 : vector<1x16xf32> to vector<16xf32>
      %swap3A_269 = vector.shape_cast %add3A_264 : vector<16xf32> to vector<1x16xf32>
      tpu.vector_store %arg14[%swap3A_265, %swap3A_266], %swap3A_269 {strides = array<i32>} : memref<200x128xf32, #tpu.memory_space<vmem>>, vector<1x16xf32>,
      %get3A_270 = arith.index_cast %add3A_213 : i32 to index
      %get3A_271 = arith.constant 64 : index
      %get3A_272 = tpu.vector_load %arg14[%get3A_270, %get3A_271] {strides = array<i32>} : memref<200x128xf32, #tpu.memory_space<vmem>>, vector<1x16xf32>,
      %get3A_273 = vector.shape_cast %get3A_272 : vector<1x16xf32> to vector<16xf32>
      %get3A_274 = arith.index_cast %add3A_213 : i32 to index
      %get3A_275 = arith.constant 64 : index
      %get3A_276 = tpu.vector_load %arg15[%get3A_274, %get3A_275] {strides = array<i32>} : memref<200x128xf32, #tpu.memory_space<vmem>>, vector<1x16xf32>,
      %get3A_277 = vector.shape_cast %get3A_276 : vector<1x16xf32> to vector<16xf32>
      %add3A_278 = arith.addf %get3A_273, %get3A_277 : vector<16xf32>
      %swap3A_279 = arith.index_cast %add3A_213 : i32 to index
      %swap3A_280 = arith.constant 64 : index
      %swap3A_281 = tpu.vector_load %arg14[%swap3A_279, %swap3A_280] {strides = array<i32>} : memref<200x128xf32, #tpu.memory_space<vmem>>, vector<1x16xf32>,
      %swap3A_282 = vector.shape_cast %swap3A_281 : vector<1x16xf32> to vector<16xf32>
      %swap3A_283 = vector.shape_cast %add3A_278 : vector<16xf32> to vector<1x16xf32>
      tpu.vector_store %arg14[%swap3A_279, %swap3A_280], %swap3A_283 {strides = array<i32>} : memref<200x128xf32, #tpu.memory_space<vmem>>, vector<1x16xf32>,
      %get3A_284 = arith.index_cast %add3A_213 : i32 to index
      %get3A_285 = arith.constant 80 : index
      %get3A_286 = tpu.vector_load %arg14[%get3A_284, %get3A_285] {strides = array<i32>} : memref<200x128xf32, #tpu.memory_space<vmem>>, vector<1x16xf32>,
      %get3A_287 = vector.shape_cast %get3A_286 : vector<1x16xf32> to vector<16xf32>
      %get3A_288 = arith.index_cast %add3A_213 : i32 to index
      %get3A_289 = arith.constant 80 : index
      %get3A_290 = tpu.vector_load %arg15[%get3A_288, %get3A_289] {strides = array<i32>} : memref<200x128xf32, #tpu.memory_space<vmem>>, vector<1x16xf32>,
      %get3A_291 = vector.shape_cast %get3A_290 : vector<1x16xf32> to vector<16xf32>
      %add3A_292 = arith.addf %get3A_287, %get3A_291 : vector<16xf32>
      %swap3A_293 = arith.index_cast %add3A_213 : i32 to index
      %swap3A_294 = arith.constant 80 : index
      %swap3A_295 = tpu.vector_load %arg14[%swap3A_293, %swap3A_294] {strides = array<i32>} : memref<200x128xf32, #tpu.memory_space<vmem>>, vector<1x16xf32>,
      %swap3A_296 = vector.shape_cast %swap3A_295 : vector<1x16xf32> to vector<16xf32>
      %swap3A_297 = vector.shape_cast %add3A_292 : vector<16xf32> to vector<1x16xf32>
      tpu.vector_store %arg14[%swap3A_293, %swap3A_294], %swap3A_297 {strides = array<i32>} : memref<200x128xf32, #tpu.memory_space<vmem>>, vector<1x16xf32>,
      %get3A_298 = arith.index_cast %add3A_213 : i32 to index
      %get3A_299 = arith.constant 96 : index
      %get3A_300 = tpu.vector_load %arg14[%get3A_298, %get3A_299] {strides = array<i32>} : memref<200x128xf32, #tpu.memory_space<vmem>>, vector<1x16xf32>,
      %get3A_301 = vector.shape_cast %get3A_300 : vector<1x16xf32> to vector<16xf32>
      %get3A_302 = arith.index_cast %add3A_213 : i32 to index
      %get3A_303 = arith.constant 96 : index
      %get3A_304 = tpu.vector_load %arg15[%get3A_302, %get3A_303] {strides = array<i32>} : memref<200x128xf32, #tpu.memory_space<vmem>>, vector<1x16xf32>,
      %get3A_305 = vector.shape_cast %get3A_304 : vector<1x16xf32> to vector<16xf32>
      %add3A_306 = arith.addf %get3A_301, %get3A_305 : vector<16xf32>
      %swap3A_307 = arith.index_cast %add3A_213 : i32 to index
      %swap3A_308 = arith.constant 96 : index
      %swap3A_309 = tpu.vector_load %arg14[%swap3A_307, %swap3A_308] {strides = array<i32>} : memref<200x128xf32, #tpu.memory_space<vmem>>, vector<1x16xf32>,
      %swap3A_310 = vector.shape_cast %swap3A_309 : vector<1x16xf32> to vector<16xf32>
      %swap3A_311 = vector.shape_cast %add3A_306 : vector<16xf32> to vector<1x16xf32>
      tpu.vector_store %arg14[%swap3A_307, %swap3A_308], %swap3A_311 {strides = array<i32>} : memref<200x128xf32, #tpu.memory_space<vmem>>, vector<1x16xf32>,
      %get3A_312 = arith.index_cast %add3A_213 : i32 to index
      %get3A_313 = arith.constant 112 : index
      %get3A_314 = tpu.vector_load %arg14[%get3A_312, %get3A_313] {strides = array<i32>} : memref<200x128xf32, #tpu.memory_space<vmem>>, vector<1x16xf32>,
      %get3A_315 = vector.shape_cast %get3A_314 : vector<1x16xf32> to vector<16xf32>
      %get3A_316 = arith.index_cast %add3A_213 : i32 to index
      %get3A_317 = arith.constant 112 : index
      %get3A_318 = tpu.vector_load %arg15[%get3A_316, %get3A_317] {strides = array<i32>} : memref<200x128xf32, #tpu.memory_space<vmem>>, vector<1x16xf32>,
      %get3A_319 = vector.shape_cast %get3A_318 : vector<1x16xf32> to vector<16xf32>
      %add3A_320 = arith.addf %get3A_315, %get3A_319 : vector<16xf32>
      %swap3A_321 = arith.index_cast %add3A_213 : i32 to index
      %swap3A_322 = arith.constant 112 : index
      %swap3A_323 = tpu.vector_load %arg14[%swap3A_321, %swap3A_322] {strides = array<i32>} : memref<200x128xf32, #tpu.memory_space<vmem>>, vector<1x16xf32>,
      %swap3A_324 = vector.shape_cast %swap3A_323 : vector<1x16xf32> to vector<16xf32>
      %swap3A_325 = vector.shape_cast %add3A_320 : vector<16xf32> to vector<1x16xf32>
      tpu.vector_store %arg14[%swap3A_321, %swap3A_322], %swap3A_325 {strides = array<i32>} : memref<200x128xf32, #tpu.memory_space<vmem>>, vector<1x16xf32>,
    }
    %scan3A_79 = arith.constant 100 : i32
    %add3A_80 = arith.constant 3600 : i32
    %add3A_81 = arith.addi %mul3A_2, %add3A_80 : i32
    %multiple_of3A_82 = tpu.assume_multiple %add3A_81, 8 : i32
    %dma_start3A_83 = arith.constant 0 : i32
    %dma_start3A_84 = tpu.memref_slice %arg7[%multiple_of3A_82, %dma_start3A_83] : memref<121600x128xf32, #tpu.memory_space<hbm>> -> memref<200x128xf32, #tpu.memory_space<hbm>>
    %dma_start3A_85 = arith.constant 0 : i32
    %dma_start3A_86 = tpu.memref_slice %arg7[%multiple_of3A_82, %dma_start3A_85] : memref<121600x128xf32, #tpu.memory_space<hbm>> -> memref<200x128xf32, #tpu.memory_space<hbm>>
    tpu.enqueue_dma source(%arg14 : memref<200x128xf32, #tpu.memory_space<vmem>>) target(%dma_start3A_86 : memref<200x128xf32, #tpu.memory_space<hbm>>) target_semaphore(%arg21 : memref<!tpu.dma_semaphore, #tpu.memory_space<semaphore_mem>>)
    %dma_wait3A_87 = arith.constant 0 : i32
    %dma_wait3A_88 = tpu.memref_slice %arg7[%mul3A_2, %dma_wait3A_87] : memref<121600x128xf32, #tpu.memory_space<hbm>> -> memref<200x128xf32, #tpu.memory_space<hbm>>
    %dma_wait3A_89 = arith.constant 0 : i32
    %dma_wait3A_90 = tpu.memref_slice %arg7[%mul3A_2, %dma_wait3A_89] : memref<121600x128xf32, #tpu.memory_space<hbm>> -> memref<200x128xf32, #tpu.memory_space<hbm>>
    tpu.wait_dma2 semaphore(%arg21 : memref<!tpu.dma_semaphore, #tpu.memory_space<semaphore_mem>>) src(%arg14 : memref<200x128xf32, #tpu.memory_space<vmem>>) dst(%dma_wait3A_90 : memref<200x128xf32, #tpu.memory_space<hbm>>)
    %dma_wait3A_91 = arith.constant 0 : i32
    %dma_wait3A_92 = tpu.memref_slice %arg7[%mul3A_2, %dma_wait3A_91] : memref<121600x128xf32, #tpu.memory_space<hbm>> -> memref<200x128xf32, #tpu.memory_space<hbm>>
    %dma_wait3A_93 = arith.constant 0 : i32
    %dma_wait3A_94 = tpu.memref_slice %arg7[%mul3A_2, %dma_wait3A_93] : memref<121600x128xf32, #tpu.memory_space<hbm>> -> memref<200x128xf32, #tpu.memory_space<hbm>>
    tpu.wait_dma2 semaphore(%arg22 : memref<!tpu.dma_semaphore, #tpu.memory_space<semaphore_mem>>) src(%arg16 : memref<200x128xf32, #tpu.memory_space<vmem>>) dst(%dma_wait3A_94 : memref<200x128xf32, #tpu.memory_space<hbm>>)
    return
  }
}

#map = affine_map<(d0, d1) -> (0, 0)>
#map1 = affine_map<(d0, d1) -> (0)>
module attributes {stable_mosaic.version = 14 : i64} {
  func.func @_sc_gather_body(%arg0: i32, %arg1: i32, %arg2: memref<10000x128xf32, #tpu.memory_space<hbm>>, %arg3: memref<320000xi32, #tpu.memory_space<hbm>>, %arg4: memref<320000xi32, #tpu.memory_space<hbm>>, %arg5: memref<128xi32, #tpu.memory_space<hbm>>, %arg6: memref<128xi32, #tpu.memory_space<hbm>>, %arg7: memref<198400x128xf32, #tpu.memory_space<hbm>>, %arg8: memref<128x128xf32, #tpu.memory_space<hbm>>, %arg9: memref<128x128xf32, #tpu.memory_space<hbm>>, %arg10: memref<200xi32, #tpu.memory_space<vmem>>, %arg11: memref<200xi32, #tpu.memory_space<vmem>>, %arg12: memref<200xi32, #tpu.memory_space<vmem>>, %arg13: memref<200xi32, #tpu.memory_space<vmem>>, %arg14: memref<200x128xf32, #tpu.memory_space<vmem>>, %arg15: memref<200x128xf32, #tpu.memory_space<vmem>>, %arg16: memref<200x128xf32, #tpu.memory_space<vmem>>, %arg17: memref<200x128xf32, #tpu.memory_space<vmem>>, %arg18: memref<128xi32, #tpu.memory_space<vmem>>, %arg19: memref<!tpu.dma_semaphore, #tpu.memory_space<semaphore_mem>>, %arg20: memref<!tpu.dma_semaphore, #tpu.memory_space<semaphore_mem>>, %arg21: memref<!tpu.dma_semaphore, #tpu.memory_space<semaphore_mem>>, %arg22: memref<!tpu.dma_semaphore, #tpu.memory_space<semaphore_mem>>, %arg23: memref<!tpu.dma_semaphore, #tpu.memory_space<semaphore_mem>>) attributes {dimension_semantics = [#tpu.dimension_semantics<core_parallel>, #tpu.dimension_semantics<subcore_parallel>], iteration_bounds = array<i64: 2, 16>, scalar_prefetch = 0 : i64, scratch_operands = 14 : i64, tpu.core_type = #tpu.core_type<sc_vector_subcore>, window_params = [{transform_indices = #map}, {transform_indices = #map1}, {transform_indices = #map1}, {transform_indices = #map1}, {transform_indices = #map1}, {transform_indices = #map}, {transform_indices = #map}, {transform_indices = #map}]} {
    %mul3A = arith.constant 2 : i32
    %mul3A_0 = arith.muli %arg1, %mul3A : i32
    %add3A = arith.addi %mul3A_0, %arg0 : i32
    %mul3A_1 = arith.constant 6200 : i32
    %mul3A_2 = arith.muli %add3A, %mul3A_1 : i32
    %eq3A = arith.constant 0 : i32
    %eq3A_3 = arith.cmpi eq, %add3A, %eq3A : i32
    %convert_element_type3A = arith.extui %eq3A_3 : i1 to i32
    %cond3A = arith.constant 0 : i32
    %cond3A_4 = arith.cmpi ne, %convert_element_type3A, %cond3A : i32
    scf.if %cond3A_4 {
      "tpu.region"() ({
        %run_scoped3A = tpu.sem_alloc : memref<!tpu.dma_semaphore, #tpu.memory_space<semaphore_mem>>
        tpu.enqueue_dma source(%arg5 : memref<128xi32, #tpu.memory_space<hbm>>) target(%arg18 : memref<128xi32, #tpu.memory_space<vmem>>) target_semaphore(%run_scoped3A : memref<!tpu.dma_semaphore, #tpu.memory_space<semaphore_mem>>)
        tpu.wait_dma2 semaphore(%run_scoped3A : memref<!tpu.dma_semaphore, #tpu.memory_space<semaphore_mem>>) src(%arg5 : memref<128xi32, #tpu.memory_space<hbm>>) dst(%arg18 : memref<128xi32, #tpu.memory_space<vmem>>)
        tpu.yield
      }) : () -> ()
      %dma_start3A_97 = arith.constant 0 : i32
      %dma_start3A_98 = arith.constant 0 : i32
      %dma_start3A_99 = tpu.memref_slice %arg14[%dma_start3A_97, %dma_start3A_98] : memref<200x128xf32, #tpu.memory_space<vmem>> -> memref<128x128xf32, #tpu.memory_space<vmem>>
      %dma_start3A_100 = arith.constant 0 : i32
      %dma_start3A_101 = arith.constant 0 : i32
      %dma_start3A_102 = tpu.memref_slice %arg2[%dma_start3A_100, %dma_start3A_101] : memref<10000x128xf32, #tpu.memory_space<hbm>> -> memref<10000x128xf32, #tpu.memory_space<hbm>>
      tpu.enqueue_indirect_dma source(%dma_start3A_102 : memref<10000x128xf32, #tpu.memory_space<hbm>>) target(%dma_start3A_99 : memref<128x128xf32, #tpu.memory_space<vmem>>) offsets(%arg18 : memref<128xi32, #tpu.memory_space<vmem>>) semaphore(%arg23 : memref<!tpu.dma_semaphore, #tpu.memory_space<semaphore_mem>>)
      %dma_wait3A_103 = arith.constant 0 : i32
      %dma_wait3A_104 = arith.constant 0 : i32
      %dma_wait3A_105 = tpu.memref_slice %arg14[%dma_wait3A_103, %dma_wait3A_104] : memref<200x128xf32, #tpu.memory_space<vmem>> -> memref<128x128xf32, #tpu.memory_space<vmem>>
      %dma_wait3A_106 = arith.constant 0 : i32
      %dma_wait3A_107 = arith.constant 0 : i32
      %dma_wait3A_108 = tpu.memref_slice %arg2[%dma_wait3A_106, %dma_wait3A_107] : memref<10000x128xf32, #tpu.memory_space<hbm>> -> memref<10000x128xf32, #tpu.memory_space<hbm>>
      tpu.wait_indirect_dma semaphore(%arg23 : memref<!tpu.dma_semaphore, #tpu.memory_space<semaphore_mem>>) src(%dma_wait3A_108 : memref<10000x128xf32, #tpu.memory_space<hbm>>) dst(%dma_wait3A_105 : memref<128x128xf32, #tpu.memory_space<vmem>>)
      "tpu.region"() ({
        %run_scoped3A = tpu.sem_alloc : memref<!tpu.dma_semaphore, #tpu.memory_space<semaphore_mem>>
        %dma_start3A_121 = arith.constant 0 : i32
        %dma_start3A_122 = arith.constant 0 : i32
        %dma_start3A_123 = tpu.memref_slice %arg14[%dma_start3A_121, %dma_start3A_122] : memref<200x128xf32, #tpu.memory_space<vmem>> -> memref<128x128xf32, #tpu.memory_space<vmem>>
        %dma_start3A_124 = arith.constant 0 : i32
        %dma_start3A_125 = arith.constant 0 : i32
        %dma_start3A_126 = tpu.memref_slice %arg14[%dma_start3A_124, %dma_start3A_125] : memref<200x128xf32, #tpu.memory_space<vmem>> -> memref<128x128xf32, #tpu.memory_space<vmem>>
        tpu.enqueue_dma source(%dma_start3A_126 : memref<128x128xf32, #tpu.memory_space<vmem>>) target(%arg8 : memref<128x128xf32, #tpu.memory_space<hbm>>) target_semaphore(%run_scoped3A : memref<!tpu.dma_semaphore, #tpu.memory_space<semaphore_mem>>)
        %dma_wait3A_127 = arith.constant 0 : i32
        %dma_wait3A_128 = arith.constant 0 : i32
        %dma_wait3A_129 = tpu.memref_slice %arg14[%dma_wait3A_127, %dma_wait3A_128] : memref<200x128xf32, #tpu.memory_space<vmem>> -> memref<128x128xf32, #tpu.memory_space<vmem>>
        %dma_wait3A_130 = arith.constant 0 : i32
        %dma_wait3A_131 = arith.constant 0 : i32
        %dma_wait3A_132 = tpu.memref_slice %arg14[%dma_wait3A_130, %dma_wait3A_131] : memref<200x128xf32, #tpu.memory_space<vmem>> -> memref<128x128xf32, #tpu.memory_space<vmem>>
        tpu.wait_dma2 semaphore(%run_scoped3A : memref<!tpu.dma_semaphore, #tpu.memory_space<semaphore_mem>>) src(%dma_wait3A_132 : memref<128x128xf32, #tpu.memory_space<vmem>>) dst(%arg8 : memref<128x128xf32, #tpu.memory_space<hbm>>)
        tpu.yield
      }) : () -> ()
      "tpu.region"() ({
        %run_scoped3A = tpu.sem_alloc : memref<!tpu.dma_semaphore, #tpu.memory_space<semaphore_mem>>
        tpu.enqueue_dma source(%arg6 : memref<128xi32, #tpu.memory_space<hbm>>) target(%arg18 : memref<128xi32, #tpu.memory_space<vmem>>) target_semaphore(%run_scoped3A : memref<!tpu.dma_semaphore, #tpu.memory_space<semaphore_mem>>)
        tpu.wait_dma2 semaphore(%run_scoped3A : memref<!tpu.dma_semaphore, #tpu.memory_space<semaphore_mem>>) src(%arg6 : memref<128xi32, #tpu.memory_space<hbm>>) dst(%arg18 : memref<128xi32, #tpu.memory_space<vmem>>)
        tpu.yield
      }) : () -> ()
      %dma_start3A_109 = arith.constant 0 : i32
      %dma_start3A_110 = arith.constant 0 : i32
      %dma_start3A_111 = tpu.memref_slice %arg14[%dma_start3A_109, %dma_start3A_110] : memref<200x128xf32, #tpu.memory_space<vmem>> -> memref<128x128xf32, #tpu.memory_space<vmem>>
      %dma_start3A_112 = arith.constant 0 : i32
      %dma_start3A_113 = arith.constant 0 : i32
      %dma_start3A_114 = tpu.memref_slice %arg2[%dma_start3A_112, %dma_start3A_113] : memref<10000x128xf32, #tpu.memory_space<hbm>> -> memref<10000x128xf32, #tpu.memory_space<hbm>>
      tpu.enqueue_indirect_dma source(%dma_start3A_114 : memref<10000x128xf32, #tpu.memory_space<hbm>>) target(%dma_start3A_111 : memref<128x128xf32, #tpu.memory_space<vmem>>) offsets(%arg18 : memref<128xi32, #tpu.memory_space<vmem>>) semaphore(%arg23 : memref<!tpu.dma_semaphore, #tpu.memory_space<semaphore_mem>>)
      %dma_wait3A_115 = arith.constant 0 : i32
      %dma_wait3A_116 = arith.constant 0 : i32
      %dma_wait3A_117 = tpu.memref_slice %arg14[%dma_wait3A_115, %dma_wait3A_116] : memref<200x128xf32, #tpu.memory_space<vmem>> -> memref<128x128xf32, #tpu.memory_space<vmem>>
      %dma_wait3A_118 = arith.constant 0 : i32
      %dma_wait3A_119 = arith.constant 0 : i32
      %dma_wait3A_120 = tpu.memref_slice %arg2[%dma_wait3A_118, %dma_wait3A_119] : memref<10000x128xf32, #tpu.memory_space<hbm>> -> memref<10000x128xf32, #tpu.memory_space<hbm>>
      tpu.wait_indirect_dma semaphore(%arg23 : memref<!tpu.dma_semaphore, #tpu.memory_space<semaphore_mem>>) src(%dma_wait3A_120 : memref<10000x128xf32, #tpu.memory_space<hbm>>) dst(%dma_wait3A_117 : memref<128x128xf32, #tpu.memory_space<vmem>>)
      "tpu.region"() ({
        %run_scoped3A = tpu.sem_alloc : memref<!tpu.dma_semaphore, #tpu.memory_space<semaphore_mem>>
        %dma_start3A_121 = arith.constant 0 : i32
        %dma_start3A_122 = arith.constant 0 : i32
        %dma_start3A_123 = tpu.memref_slice %arg14[%dma_start3A_121, %dma_start3A_122] : memref<200x128xf32, #tpu.memory_space<vmem>> -> memref<128x128xf32, #tpu.memory_space<vmem>>
        %dma_start3A_124 = arith.constant 0 : i32
        %dma_start3A_125 = arith.constant 0 : i32
        %dma_start3A_126 = tpu.memref_slice %arg14[%dma_start3A_124, %dma_start3A_125] : memref<200x128xf32, #tpu.memory_space<vmem>> -> memref<128x128xf32, #tpu.memory_space<vmem>>
        tpu.enqueue_dma source(%dma_start3A_126 : memref<128x128xf32, #tpu.memory_space<vmem>>) target(%arg9 : memref<128x128xf32, #tpu.memory_space<hbm>>) target_semaphore(%run_scoped3A : memref<!tpu.dma_semaphore, #tpu.memory_space<semaphore_mem>>)
        %dma_wait3A_127 = arith.constant 0 : i32
        %dma_wait3A_128 = arith.constant 0 : i32
        %dma_wait3A_129 = tpu.memref_slice %arg14[%dma_wait3A_127, %dma_wait3A_128] : memref<200x128xf32, #tpu.memory_space<vmem>> -> memref<128x128xf32, #tpu.memory_space<vmem>>
        %dma_wait3A_130 = arith.constant 0 : i32
        %dma_wait3A_131 = arith.constant 0 : i32
        %dma_wait3A_132 = tpu.memref_slice %arg14[%dma_wait3A_130, %dma_wait3A_131] : memref<200x128xf32, #tpu.memory_space<vmem>> -> memref<128x128xf32, #tpu.memory_space<vmem>>
        tpu.wait_dma2 semaphore(%run_scoped3A : memref<!tpu.dma_semaphore, #tpu.memory_space<semaphore_mem>>) src(%dma_wait3A_132 : memref<128x128xf32, #tpu.memory_space<vmem>>) dst(%arg9 : memref<128x128xf32, #tpu.memory_space<hbm>>)
        tpu.yield
      }) : () -> ()
    } else {
    }
    %add3A_5 = arith.constant 0 : i32
    %add3A_6 = arith.addi %add3A_5, %mul3A_2 : i32
    %add3A_7 = arith.constant 0 : i32
    %add3A_8 = arith.addi %add3A_6, %add3A_7 : i32
    %multiple_of3A = tpu.assume_multiple %add3A_8, 8 : i32
    "tpu.region"() ({
      %run_scoped3A = tpu.sem_alloc : memref<!tpu.dma_semaphore, #tpu.memory_space<semaphore_mem>>
      %dma_start3A_97 = tpu.memref_slice %arg3[%multiple_of3A] : memref<320000xi32, #tpu.memory_space<hbm>> -> memref<200xi32, #tpu.memory_space<hbm>>
      %dma_start3A_98 = tpu.memref_slice %arg3[%multiple_of3A] : memref<320000xi32, #tpu.memory_space<hbm>> -> memref<200xi32, #tpu.memory_space<hbm>>
      tpu.enqueue_dma source(%dma_start3A_98 : memref<200xi32, #tpu.memory_space<hbm>>) target(%arg10 : memref<200xi32, #tpu.memory_space<vmem>>) target_semaphore(%run_scoped3A : memref<!tpu.dma_semaphore, #tpu.memory_space<semaphore_mem>>)
      %dma_wait3A_99 = tpu.memref_slice %arg3[%multiple_of3A] : memref<320000xi32, #tpu.memory_space<hbm>> -> memref<200xi32, #tpu.memory_space<hbm>>
      %dma_wait3A_100 = tpu.memref_slice %arg3[%multiple_of3A] : memref<320000xi32, #tpu.memory_space<hbm>> -> memref<200xi32, #tpu.memory_space<hbm>>
      tpu.wait_dma2 semaphore(%run_scoped3A : memref<!tpu.dma_semaphore, #tpu.memory_space<semaphore_mem>>) src(%dma_wait3A_100 : memref<200xi32, #tpu.memory_space<hbm>>) dst(%arg10 : memref<200xi32, #tpu.memory_space<vmem>>)
      tpu.yield
    }) : () -> ()
    "tpu.region"() ({
      %run_scoped3A = tpu.sem_alloc : memref<!tpu.dma_semaphore, #tpu.memory_space<semaphore_mem>>
      %dma_start3A_97 = tpu.memref_slice %arg4[%multiple_of3A] : memref<320000xi32, #tpu.memory_space<hbm>> -> memref<200xi32, #tpu.memory_space<hbm>>
      %dma_start3A_98 = tpu.memref_slice %arg4[%multiple_of3A] : memref<320000xi32, #tpu.memory_space<hbm>> -> memref<200xi32, #tpu.memory_space<hbm>>
      tpu.enqueue_dma source(%dma_start3A_98 : memref<200xi32, #tpu.memory_space<hbm>>) target(%arg11 : memref<200xi32, #tpu.memory_space<vmem>>) target_semaphore(%run_scoped3A : memref<!tpu.dma_semaphore, #tpu.memory_space<semaphore_mem>>)
      %dma_wait3A_99 = tpu.memref_slice %arg4[%multiple_of3A] : memref<320000xi32, #tpu.memory_space<hbm>> -> memref<200xi32, #tpu.memory_space<hbm>>
      %dma_wait3A_100 = tpu.memref_slice %arg4[%multiple_of3A] : memref<320000xi32, #tpu.memory_space<hbm>> -> memref<200xi32, #tpu.memory_space<hbm>>
      tpu.wait_dma2 semaphore(%run_scoped3A : memref<!tpu.dma_semaphore, #tpu.memory_space<semaphore_mem>>) src(%dma_wait3A_100 : memref<200xi32, #tpu.memory_space<hbm>>) dst(%arg11 : memref<200xi32, #tpu.memory_space<vmem>>)
      tpu.yield
    }) : () -> ()
    %dma_start3A = arith.constant 0 : i32
    %dma_start3A_9 = arith.constant 0 : i32
    %dma_start3A_10 = tpu.memref_slice %arg14[%dma_start3A, %dma_start3A_9] : memref<200x128xf32, #tpu.memory_space<vmem>> -> memref<104x128xf32, #tpu.memory_space<vmem>>
    %dma_start3A_11 = arith.constant 0 : i32
    %dma_start3A_12 = tpu.memref_slice %arg10[%dma_start3A_11] : memref<200xi32, #tpu.memory_space<vmem>> -> memref<104xi32, #tpu.memory_space<vmem>>
    %dma_start3A_13 = arith.constant 0 : i32
    %dma_start3A_14 = arith.constant 0 : i32
    %dma_start3A_15 = tpu.memref_slice %arg2[%dma_start3A_13, %dma_start3A_14] : memref<10000x128xf32, #tpu.memory_space<hbm>> -> memref<10000x128xf32, #tpu.memory_space<hbm>>
    tpu.enqueue_indirect_dma source(%dma_start3A_15 : memref<10000x128xf32, #tpu.memory_space<hbm>>) target(%dma_start3A_10 : memref<104x128xf32, #tpu.memory_space<vmem>>) offsets(%dma_start3A_12 : memref<104xi32, #tpu.memory_space<vmem>>) semaphore(%arg19 : memref<!tpu.dma_semaphore, #tpu.memory_space<semaphore_mem>>)
    %dma_start3A_16 = arith.constant 0 : i32
    %dma_start3A_17 = arith.constant 0 : i32
    %dma_start3A_18 = tpu.memref_slice %arg15[%dma_start3A_16, %dma_start3A_17] : memref<200x128xf32, #tpu.memory_space<vmem>> -> memref<104x128xf32, #tpu.memory_space<vmem>>
    %dma_start3A_19 = arith.constant 0 : i32
    %dma_start3A_20 = tpu.memref_slice %arg11[%dma_start3A_19] : memref<200xi32, #tpu.memory_space<vmem>> -> memref<104xi32, #tpu.memory_space<vmem>>
    %dma_start3A_21 = arith.constant 0 : i32
    %dma_start3A_22 = arith.constant 0 : i32
    %dma_start3A_23 = tpu.memref_slice %arg2[%dma_start3A_21, %dma_start3A_22] : memref<10000x128xf32, #tpu.memory_space<hbm>> -> memref<10000x128xf32, #tpu.memory_space<hbm>>
    tpu.enqueue_indirect_dma source(%dma_start3A_23 : memref<10000x128xf32, #tpu.memory_space<hbm>>) target(%dma_start3A_18 : memref<104x128xf32, #tpu.memory_space<vmem>>) offsets(%dma_start3A_20 : memref<104xi32, #tpu.memory_space<vmem>>) semaphore(%arg19 : memref<!tpu.dma_semaphore, #tpu.memory_space<semaphore_mem>>)
    %dma_start3A_24 = arith.constant 104 : i32
    %dma_start3A_25 = arith.constant 0 : i32
    %dma_start3A_26 = tpu.memref_slice %arg14[%dma_start3A_24, %dma_start3A_25] : memref<200x128xf32, #tpu.memory_space<vmem>> -> memref<96x128xf32, #tpu.memory_space<vmem>>
    %dma_start3A_27 = arith.constant 104 : i32
    %dma_start3A_28 = tpu.memref_slice %arg10[%dma_start3A_27] : memref<200xi32, #tpu.memory_space<vmem>> -> memref<96xi32, #tpu.memory_space<vmem>>
    %dma_start3A_29 = arith.constant 0 : i32
    %dma_start3A_30 = arith.constant 0 : i32
    %dma_start3A_31 = tpu.memref_slice %arg2[%dma_start3A_29, %dma_start3A_30] : memref<10000x128xf32, #tpu.memory_space<hbm>> -> memref<10000x128xf32, #tpu.memory_space<hbm>>
    tpu.enqueue_indirect_dma source(%dma_start3A_31 : memref<10000x128xf32, #tpu.memory_space<hbm>>) target(%dma_start3A_26 : memref<96x128xf32, #tpu.memory_space<vmem>>) offsets(%dma_start3A_28 : memref<96xi32, #tpu.memory_space<vmem>>) semaphore(%arg19 : memref<!tpu.dma_semaphore, #tpu.memory_space<semaphore_mem>>)
    %dma_start3A_32 = arith.constant 104 : i32
    %dma_start3A_33 = arith.constant 0 : i32
    %dma_start3A_34 = tpu.memref_slice %arg15[%dma_start3A_32, %dma_start3A_33] : memref<200x128xf32, #tpu.memory_space<vmem>> -> memref<96x128xf32, #tpu.memory_space<vmem>>
    %dma_start3A_35 = arith.constant 104 : i32
    %dma_start3A_36 = tpu.memref_slice %arg11[%dma_start3A_35] : memref<200xi32, #tpu.memory_space<vmem>> -> memref<96xi32, #tpu.memory_space<vmem>>
    %dma_start3A_37 = arith.constant 0 : i32
    %dma_start3A_38 = arith.constant 0 : i32
    %dma_start3A_39 = tpu.memref_slice %arg2[%dma_start3A_37, %dma_start3A_38] : memref<10000x128xf32, #tpu.memory_space<hbm>> -> memref<10000x128xf32, #tpu.memory_space<hbm>>
    tpu.enqueue_indirect_dma source(%dma_start3A_39 : memref<10000x128xf32, #tpu.memory_space<hbm>>) target(%dma_start3A_34 : memref<96x128xf32, #tpu.memory_space<vmem>>) offsets(%dma_start3A_36 : memref<96xi32, #tpu.memory_space<vmem>>) semaphore(%arg19 : memref<!tpu.dma_semaphore, #tpu.memory_space<semaphore_mem>>)
    %scan3A = arith.constant 0 : i32
    %scan3A_40 = arith.constant 0 : i32
    %scan3A_41 = arith.constant 15 : i32
    %scan3A_42 = arith.addi %scan3A_40, %scan3A_41 : i32
    %scan3A_43 = arith.constant 1 : i32
    scf.for %scan3A_97 = %scan3A_40 to %scan3A_42 step %scan3A_43  : i32 {
      %mul3A_98 = arith.constant 2 : i32
      %mul3A_99 = arith.muli %mul3A_98, %scan3A_97 : i32
      %gt3A = arith.constant 0 : i32
      %gt3A_100 = arith.cmpi sgt, %scan3A_97, %gt3A : i32
      %convert_element_type3A_101 = arith.extui %gt3A_100 : i1 to i32
      %cond3A_102 = arith.constant 0 : i32
      %cond3A_103 = arith.cmpi ne, %convert_element_type3A_101, %cond3A_102 : i32
      scf.if %cond3A_103 {
        %dma_wait3A_282 = arith.constant 0 : i32
        %dma_wait3A_283 = tpu.memref_slice %arg7[%mul3A_2, %dma_wait3A_282] : memref<198400x128xf32, #tpu.memory_space<hbm>> -> memref<200x128xf32, #tpu.memory_space<hbm>>
        %dma_wait3A_284 = arith.constant 0 : i32
        %dma_wait3A_285 = tpu.memref_slice %arg7[%mul3A_2, %dma_wait3A_284] : memref<198400x128xf32, #tpu.memory_space<hbm>> -> memref<200x128xf32, #tpu.memory_space<hbm>>
        tpu.wait_dma2 semaphore(%arg22 : memref<!tpu.dma_semaphore, #tpu.memory_space<semaphore_mem>>) src(%arg16 : memref<200x128xf32, #tpu.memory_space<vmem>>) dst(%dma_wait3A_285 : memref<200x128xf32, #tpu.memory_space<hbm>>)
      } else {
      }
      %add3A_104 = arith.constant 1 : i32
      %add3A_105 = arith.addi %mul3A_99, %add3A_104 : i32
      %add3A_106 = arith.constant 0 : i32
      %add3A_107 = arith.addi %add3A_106, %mul3A_2 : i32
      %mul3A_108 = arith.constant 200 : i32
      %mul3A_109 = arith.muli %add3A_105, %mul3A_108 : i32
      %add3A_110 = arith.addi %add3A_107, %mul3A_109 : i32
      %multiple_of3A_111 = tpu.assume_multiple %add3A_110, 8 : i32
      "tpu.region"() ({
        %run_scoped3A = tpu.sem_alloc : memref<!tpu.dma_semaphore, #tpu.memory_space<semaphore_mem>>
        %dma_start3A_282 = tpu.memref_slice %arg3[%multiple_of3A_111] : memref<320000xi32, #tpu.memory_space<hbm>> -> memref<200xi32, #tpu.memory_space<hbm>>
        %dma_start3A_283 = tpu.memref_slice %arg3[%multiple_of3A_111] : memref<320000xi32, #tpu.memory_space<hbm>> -> memref<200xi32, #tpu.memory_space<hbm>>
        tpu.enqueue_dma source(%dma_start3A_283 : memref<200xi32, #tpu.memory_space<hbm>>) target(%arg12 : memref<200xi32, #tpu.memory_space<vmem>>) target_semaphore(%run_scoped3A : memref<!tpu.dma_semaphore, #tpu.memory_space<semaphore_mem>>)
        %dma_wait3A_284 = tpu.memref_slice %arg3[%multiple_of3A_111] : memref<320000xi32, #tpu.memory_space<hbm>> -> memref<200xi32, #tpu.memory_space<hbm>>
        %dma_wait3A_285 = tpu.memref_slice %arg3[%multiple_of3A_111] : memref<320000xi32, #tpu.memory_space<hbm>> -> memref<200xi32, #tpu.memory_space<hbm>>
        tpu.wait_dma2 semaphore(%run_scoped3A : memref<!tpu.dma_semaphore, #tpu.memory_space<semaphore_mem>>) src(%dma_wait3A_285 : memref<200xi32, #tpu.memory_space<hbm>>) dst(%arg12 : memref<200xi32, #tpu.memory_space<vmem>>)
        tpu.yield
      }) : () -> ()
      "tpu.region"() ({
        %run_scoped3A = tpu.sem_alloc : memref<!tpu.dma_semaphore, #tpu.memory_space<semaphore_mem>>
        %dma_start3A_282 = tpu.memref_slice %arg4[%multiple_of3A_111] : memref<320000xi32, #tpu.memory_space<hbm>> -> memref<200xi32, #tpu.memory_space<hbm>>
        %dma_start3A_283 = tpu.memref_slice %arg4[%multiple_of3A_111] : memref<320000xi32, #tpu.memory_space<hbm>> -> memref<200xi32, #tpu.memory_space<hbm>>
        tpu.enqueue_dma source(%dma_start3A_283 : memref<200xi32, #tpu.memory_space<hbm>>) target(%arg13 : memref<200xi32, #tpu.memory_space<vmem>>) target_semaphore(%run_scoped3A : memref<!tpu.dma_semaphore, #tpu.memory_space<semaphore_mem>>)
        %dma_wait3A_284 = tpu.memref_slice %arg4[%multiple_of3A_111] : memref<320000xi32, #tpu.memory_space<hbm>> -> memref<200xi32, #tpu.memory_space<hbm>>
        %dma_wait3A_285 = tpu.memref_slice %arg4[%multiple_of3A_111] : memref<320000xi32, #tpu.memory_space<hbm>> -> memref<200xi32, #tpu.memory_space<hbm>>
        tpu.wait_dma2 semaphore(%run_scoped3A : memref<!tpu.dma_semaphore, #tpu.memory_space<semaphore_mem>>) src(%dma_wait3A_285 : memref<200xi32, #tpu.memory_space<hbm>>) dst(%arg13 : memref<200xi32, #tpu.memory_space<vmem>>)
        tpu.yield
      }) : () -> ()
      %dma_start3A_112 = arith.constant 0 : i32
      %dma_start3A_113 = arith.constant 0 : i32
      %dma_start3A_114 = tpu.memref_slice %arg16[%dma_start3A_112, %dma_start3A_113] : memref<200x128xf32, #tpu.memory_space<vmem>> -> memref<104x128xf32, #tpu.memory_space<vmem>>
      %dma_start3A_115 = arith.constant 0 : i32
      %dma_start3A_116 = tpu.memref_slice %arg12[%dma_start3A_115] : memref<200xi32, #tpu.memory_space<vmem>> -> memref<104xi32, #tpu.memory_space<vmem>>
      %dma_start3A_117 = arith.constant 0 : i32
      %dma_start3A_118 = arith.constant 0 : i32
      %dma_start3A_119 = tpu.memref_slice %arg2[%dma_start3A_117, %dma_start3A_118] : memref<10000x128xf32, #tpu.memory_space<hbm>> -> memref<10000x128xf32, #tpu.memory_space<hbm>>
      tpu.enqueue_indirect_dma source(%dma_start3A_119 : memref<10000x128xf32, #tpu.memory_space<hbm>>) target(%dma_start3A_114 : memref<104x128xf32, #tpu.memory_space<vmem>>) offsets(%dma_start3A_116 : memref<104xi32, #tpu.memory_space<vmem>>) semaphore(%arg20 : memref<!tpu.dma_semaphore, #tpu.memory_space<semaphore_mem>>)
      %dma_start3A_120 = arith.constant 0 : i32
      %dma_start3A_121 = arith.constant 0 : i32
      %dma_start3A_122 = tpu.memref_slice %arg17[%dma_start3A_120, %dma_start3A_121] : memref<200x128xf32, #tpu.memory_space<vmem>> -> memref<104x128xf32, #tpu.memory_space<vmem>>
      %dma_start3A_123 = arith.constant 0 : i32
      %dma_start3A_124 = tpu.memref_slice %arg13[%dma_start3A_123] : memref<200xi32, #tpu.memory_space<vmem>> -> memref<104xi32, #tpu.memory_space<vmem>>
      %dma_start3A_125 = arith.constant 0 : i32
      %dma_start3A_126 = arith.constant 0 : i32
      %dma_start3A_127 = tpu.memref_slice %arg2[%dma_start3A_125, %dma_start3A_126] : memref<10000x128xf32, #tpu.memory_space<hbm>> -> memref<10000x128xf32, #tpu.memory_space<hbm>>
      tpu.enqueue_indirect_dma source(%dma_start3A_127 : memref<10000x128xf32, #tpu.memory_space<hbm>>) target(%dma_start3A_122 : memref<104x128xf32, #tpu.memory_space<vmem>>) offsets(%dma_start3A_124 : memref<104xi32, #tpu.memory_space<vmem>>) semaphore(%arg20 : memref<!tpu.dma_semaphore, #tpu.memory_space<semaphore_mem>>)
      %dma_start3A_128 = arith.constant 104 : i32
      %dma_start3A_129 = arith.constant 0 : i32
      %dma_start3A_130 = tpu.memref_slice %arg16[%dma_start3A_128, %dma_start3A_129] : memref<200x128xf32, #tpu.memory_space<vmem>> -> memref<96x128xf32, #tpu.memory_space<vmem>>
      %dma_start3A_131 = arith.constant 104 : i32
      %dma_start3A_132 = tpu.memref_slice %arg12[%dma_start3A_131] : memref<200xi32, #tpu.memory_space<vmem>> -> memref<96xi32, #tpu.memory_space<vmem>>
      %dma_start3A_133 = arith.constant 0 : i32
      %dma_start3A_134 = arith.constant 0 : i32
      %dma_start3A_135 = tpu.memref_slice %arg2[%dma_start3A_133, %dma_start3A_134] : memref<10000x128xf32, #tpu.memory_space<hbm>> -> memref<10000x128xf32, #tpu.memory_space<hbm>>
      tpu.enqueue_indirect_dma source(%dma_start3A_135 : memref<10000x128xf32, #tpu.memory_space<hbm>>) target(%dma_start3A_130 : memref<96x128xf32, #tpu.memory_space<vmem>>) offsets(%dma_start3A_132 : memref<96xi32, #tpu.memory_space<vmem>>) semaphore(%arg20 : memref<!tpu.dma_semaphore, #tpu.memory_space<semaphore_mem>>)
      %dma_start3A_136 = arith.constant 104 : i32
      %dma_start3A_137 = arith.constant 0 : i32
      %dma_start3A_138 = tpu.memref_slice %arg17[%dma_start3A_136, %dma_start3A_137] : memref<200x128xf32, #tpu.memory_space<vmem>> -> memref<96x128xf32, #tpu.memory_space<vmem>>
      %dma_start3A_139 = arith.constant 104 : i32
      %dma_start3A_140 = tpu.memref_slice %arg13[%dma_start3A_139] : memref<200xi32, #tpu.memory_space<vmem>> -> memref<96xi32, #tpu.memory_space<vmem>>
      %dma_start3A_141 = arith.constant 0 : i32
      %dma_start3A_142 = arith.constant 0 : i32
      %dma_start3A_143 = tpu.memref_slice %arg2[%dma_start3A_141, %dma_start3A_142] : memref<10000x128xf32, #tpu.memory_space<hbm>> -> memref<10000x128xf32, #tpu.memory_space<hbm>>
      tpu.enqueue_indirect_dma source(%dma_start3A_143 : memref<10000x128xf32, #tpu.memory_space<hbm>>) target(%dma_start3A_138 : memref<96x128xf32, #tpu.memory_space<vmem>>) offsets(%dma_start3A_140 : memref<96xi32, #tpu.memory_space<vmem>>) semaphore(%arg20 : memref<!tpu.dma_semaphore, #tpu.memory_space<semaphore_mem>>)
      %dma_wait3A_144 = arith.constant 0 : i32
      %dma_wait3A_145 = arith.constant 0 : i32
      %dma_wait3A_146 = tpu.memref_slice %arg14[%dma_wait3A_144, %dma_wait3A_145] : memref<200x128xf32, #tpu.memory_space<vmem>> -> memref<104x128xf32, #tpu.memory_space<vmem>>
      %dma_wait3A_147 = arith.constant 0 : i32
      %dma_wait3A_148 = tpu.memref_slice %arg10[%dma_wait3A_147] : memref<200xi32, #tpu.memory_space<vmem>> -> memref<104xi32, #tpu.memory_space<vmem>>
      %dma_wait3A_149 = arith.constant 0 : i32
      %dma_wait3A_150 = arith.constant 0 : i32
      %dma_wait3A_151 = tpu.memref_slice %arg2[%dma_wait3A_149, %dma_wait3A_150] : memref<10000x128xf32, #tpu.memory_space<hbm>> -> memref<10000x128xf32, #tpu.memory_space<hbm>>
      tpu.wait_indirect_dma semaphore(%arg19 : memref<!tpu.dma_semaphore, #tpu.memory_space<semaphore_mem>>) src(%dma_wait3A_151 : memref<10000x128xf32, #tpu.memory_space<hbm>>) dst(%dma_wait3A_146 : memref<104x128xf32, #tpu.memory_space<vmem>>)
      %dma_wait3A_152 = arith.constant 0 : i32
      %dma_wait3A_153 = arith.constant 0 : i32
      %dma_wait3A_154 = tpu.memref_slice %arg15[%dma_wait3A_152, %dma_wait3A_153] : memref<200x128xf32, #tpu.memory_space<vmem>> -> memref<104x128xf32, #tpu.memory_space<vmem>>
      %dma_wait3A_155 = arith.constant 0 : i32
      %dma_wait3A_156 = tpu.memref_slice %arg11[%dma_wait3A_155] : memref<200xi32, #tpu.memory_space<vmem>> -> memref<104xi32, #tpu.memory_space<vmem>>
      %dma_wait3A_157 = arith.constant 0 : i32
      %dma_wait3A_158 = arith.constant 0 : i32
      %dma_wait3A_159 = tpu.memref_slice %arg2[%dma_wait3A_157, %dma_wait3A_158] : memref<10000x128xf32, #tpu.memory_space<hbm>> -> memref<10000x128xf32, #tpu.memory_space<hbm>>
      tpu.wait_indirect_dma semaphore(%arg19 : memref<!tpu.dma_semaphore, #tpu.memory_space<semaphore_mem>>) src(%dma_wait3A_159 : memref<10000x128xf32, #tpu.memory_space<hbm>>) dst(%dma_wait3A_154 : memref<104x128xf32, #tpu.memory_space<vmem>>)
      %dma_wait3A_160 = arith.constant 104 : i32
      %dma_wait3A_161 = arith.constant 0 : i32
      %dma_wait3A_162 = tpu.memref_slice %arg14[%dma_wait3A_160, %dma_wait3A_161] : memref<200x128xf32, #tpu.memory_space<vmem>> -> memref<96x128xf32, #tpu.memory_space<vmem>>
      %dma_wait3A_163 = arith.constant 104 : i32
      %dma_wait3A_164 = tpu.memref_slice %arg10[%dma_wait3A_163] : memref<200xi32, #tpu.memory_space<vmem>> -> memref<96xi32, #tpu.memory_space<vmem>>
      %dma_wait3A_165 = arith.constant 0 : i32
      %dma_wait3A_166 = arith.constant 0 : i32
      %dma_wait3A_167 = tpu.memref_slice %arg2[%dma_wait3A_165, %dma_wait3A_166] : memref<10000x128xf32, #tpu.memory_space<hbm>> -> memref<10000x128xf32, #tpu.memory_space<hbm>>
      tpu.wait_indirect_dma semaphore(%arg19 : memref<!tpu.dma_semaphore, #tpu.memory_space<semaphore_mem>>) src(%dma_wait3A_167 : memref<10000x128xf32, #tpu.memory_space<hbm>>) dst(%dma_wait3A_162 : memref<96x128xf32, #tpu.memory_space<vmem>>)
      %dma_wait3A_168 = arith.constant 104 : i32
      %dma_wait3A_169 = arith.constant 0 : i32
      %dma_wait3A_170 = tpu.memref_slice %arg15[%dma_wait3A_168, %dma_wait3A_169] : memref<200x128xf32, #tpu.memory_space<vmem>> -> memref<96x128xf32, #tpu.memory_space<vmem>>
      %dma_wait3A_171 = arith.constant 104 : i32
      %dma_wait3A_172 = tpu.memref_slice %arg11[%dma_wait3A_171] : memref<200xi32, #tpu.memory_space<vmem>> -> memref<96xi32, #tpu.memory_space<vmem>>
      %dma_wait3A_173 = arith.constant 0 : i32
      %dma_wait3A_174 = arith.constant 0 : i32
      %dma_wait3A_175 = tpu.memref_slice %arg2[%dma_wait3A_173, %dma_wait3A_174] : memref<10000x128xf32, #tpu.memory_space<hbm>> -> memref<10000x128xf32, #tpu.memory_space<hbm>>
      tpu.wait_indirect_dma semaphore(%arg19 : memref<!tpu.dma_semaphore, #tpu.memory_space<semaphore_mem>>) src(%dma_wait3A_175 : memref<10000x128xf32, #tpu.memory_space<hbm>>) dst(%dma_wait3A_170 : memref<96x128xf32, #tpu.memory_space<vmem>>)
      %scan3A_176 = arith.constant 0 : i32
      %scan3A_177 = arith.constant 0 : i32
      %scan3A_178 = arith.constant 100 : i32
      %scan3A_179 = arith.addi %scan3A_177, %scan3A_178 : i32
      %scan3A_180 = arith.constant 1 : i32
      scf.for %scan3A_282 = %scan3A_177 to %scan3A_179 step %scan3A_180  : i32 {
        %mul3A_283 = arith.constant 2 : i32
        %mul3A_284 = arith.muli %scan3A_282, %mul3A_283 : i32
        %add3A_285 = arith.constant 0 : i32
        %add3A_286 = arith.addi %mul3A_284, %add3A_285 : i32
        %get3A = arith.index_cast %add3A_286 : i32 to index
        %get3A_287 = arith.constant 0 : index
        %get3A_288 = tpu.vector_load %arg14[%get3A, %get3A_287] {strides = array<i32>} : memref<200x128xf32, #tpu.memory_space<vmem>>, vector<1x16xf32>,
        %get3A_289 = vector.shape_cast %get3A_288 : vector<1x16xf32> to vector<16xf32>
        %get3A_290 = arith.index_cast %add3A_286 : i32 to index
        %get3A_291 = arith.constant 0 : index
        %get3A_292 = tpu.vector_load %arg15[%get3A_290, %get3A_291] {strides = array<i32>} : memref<200x128xf32, #tpu.memory_space<vmem>>, vector<1x16xf32>,
        %get3A_293 = vector.shape_cast %get3A_292 : vector<1x16xf32> to vector<16xf32>
        %add3A_294 = arith.addf %get3A_289, %get3A_293 : vector<16xf32>
        %swap3A = arith.index_cast %add3A_286 : i32 to index
        %swap3A_295 = arith.constant 0 : index
        %swap3A_296 = tpu.vector_load %arg14[%swap3A, %swap3A_295] {strides = array<i32>} : memref<200x128xf32, #tpu.memory_space<vmem>>, vector<1x16xf32>,
        %swap3A_297 = vector.shape_cast %swap3A_296 : vector<1x16xf32> to vector<16xf32>
        %swap3A_298 = vector.shape_cast %add3A_294 : vector<16xf32> to vector<1x16xf32>
        tpu.vector_store %arg14[%swap3A, %swap3A_295], %swap3A_298 {strides = array<i32>} : memref<200x128xf32, #tpu.memory_space<vmem>>, vector<1x16xf32>,
        %get3A_299 = arith.index_cast %add3A_286 : i32 to index
        %get3A_300 = arith.constant 16 : index
        %get3A_301 = tpu.vector_load %arg14[%get3A_299, %get3A_300] {strides = array<i32>} : memref<200x128xf32, #tpu.memory_space<vmem>>, vector<1x16xf32>,
        %get3A_302 = vector.shape_cast %get3A_301 : vector<1x16xf32> to vector<16xf32>
        %get3A_303 = arith.index_cast %add3A_286 : i32 to index
        %get3A_304 = arith.constant 16 : index
        %get3A_305 = tpu.vector_load %arg15[%get3A_303, %get3A_304] {strides = array<i32>} : memref<200x128xf32, #tpu.memory_space<vmem>>, vector<1x16xf32>,
        %get3A_306 = vector.shape_cast %get3A_305 : vector<1x16xf32> to vector<16xf32>
        %add3A_307 = arith.addf %get3A_302, %get3A_306 : vector<16xf32>
        %swap3A_308 = arith.index_cast %add3A_286 : i32 to index
        %swap3A_309 = arith.constant 16 : index
        %swap3A_310 = tpu.vector_load %arg14[%swap3A_308, %swap3A_309] {strides = array<i32>} : memref<200x128xf32, #tpu.memory_space<vmem>>, vector<1x16xf32>,
        %swap3A_311 = vector.shape_cast %swap3A_310 : vector<1x16xf32> to vector<16xf32>
        %swap3A_312 = vector.shape_cast %add3A_307 : vector<16xf32> to vector<1x16xf32>
        tpu.vector_store %arg14[%swap3A_308, %swap3A_309], %swap3A_312 {strides = array<i32>} : memref<200x128xf32, #tpu.memory_space<vmem>>, vector<1x16xf32>,
        %get3A_313 = arith.index_cast %add3A_286 : i32 to index
        %get3A_314 = arith.constant 32 : index
        %get3A_315 = tpu.vector_load %arg14[%get3A_313, %get3A_314] {strides = array<i32>} : memref<200x128xf32, #tpu.memory_space<vmem>>, vector<1x16xf32>,
        %get3A_316 = vector.shape_cast %get3A_315 : vector<1x16xf32> to vector<16xf32>
        %get3A_317 = arith.index_cast %add3A_286 : i32 to index
        %get3A_318 = arith.constant 32 : index
        %get3A_319 = tpu.vector_load %arg15[%get3A_317, %get3A_318] {strides = array<i32>} : memref<200x128xf32, #tpu.memory_space<vmem>>, vector<1x16xf32>,
        %get3A_320 = vector.shape_cast %get3A_319 : vector<1x16xf32> to vector<16xf32>
        %add3A_321 = arith.addf %get3A_316, %get3A_320 : vector<16xf32>
        %swap3A_322 = arith.index_cast %add3A_286 : i32 to index
        %swap3A_323 = arith.constant 32 : index
        %swap3A_324 = tpu.vector_load %arg14[%swap3A_322, %swap3A_323] {strides = array<i32>} : memref<200x128xf32, #tpu.memory_space<vmem>>, vector<1x16xf32>,
        %swap3A_325 = vector.shape_cast %swap3A_324 : vector<1x16xf32> to vector<16xf32>
        %swap3A_326 = vector.shape_cast %add3A_321 : vector<16xf32> to vector<1x16xf32>
        tpu.vector_store %arg14[%swap3A_322, %swap3A_323], %swap3A_326 {strides = array<i32>} : memref<200x128xf32, #tpu.memory_space<vmem>>, vector<1x16xf32>,
        %get3A_327 = arith.index_cast %add3A_286 : i32 to index
        %get3A_328 = arith.constant 48 : index
        %get3A_329 = tpu.vector_load %arg14[%get3A_327, %get3A_328] {strides = array<i32>} : memref<200x128xf32, #tpu.memory_space<vmem>>, vector<1x16xf32>,
        %get3A_330 = vector.shape_cast %get3A_329 : vector<1x16xf32> to vector<16xf32>
        %get3A_331 = arith.index_cast %add3A_286 : i32 to index
        %get3A_332 = arith.constant 48 : index
        %get3A_333 = tpu.vector_load %arg15[%get3A_331, %get3A_332] {strides = array<i32>} : memref<200x128xf32, #tpu.memory_space<vmem>>, vector<1x16xf32>,
        %get3A_334 = vector.shape_cast %get3A_333 : vector<1x16xf32> to vector<16xf32>
        %add3A_335 = arith.addf %get3A_330, %get3A_334 : vector<16xf32>
        %swap3A_336 = arith.index_cast %add3A_286 : i32 to index
        %swap3A_337 = arith.constant 48 : index
        %swap3A_338 = tpu.vector_load %arg14[%swap3A_336, %swap3A_337] {strides = array<i32>} : memref<200x128xf32, #tpu.memory_space<vmem>>, vector<1x16xf32>,
        %swap3A_339 = vector.shape_cast %swap3A_338 : vector<1x16xf32> to vector<16xf32>
        %swap3A_340 = vector.shape_cast %add3A_335 : vector<16xf32> to vector<1x16xf32>
        tpu.vector_store %arg14[%swap3A_336, %swap3A_337], %swap3A_340 {strides = array<i32>} : memref<200x128xf32, #tpu.memory_space<vmem>>, vector<1x16xf32>,
        %get3A_341 = arith.index_cast %add3A_286 : i32 to index
        %get3A_342 = arith.constant 64 : index
        %get3A_343 = tpu.vector_load %arg14[%get3A_341, %get3A_342] {strides = array<i32>} : memref<200x128xf32, #tpu.memory_space<vmem>>, vector<1x16xf32>,
        %get3A_344 = vector.shape_cast %get3A_343 : vector<1x16xf32> to vector<16xf32>
        %get3A_345 = arith.index_cast %add3A_286 : i32 to index
        %get3A_346 = arith.constant 64 : index
        %get3A_347 = tpu.vector_load %arg15[%get3A_345, %get3A_346] {strides = array<i32>} : memref<200x128xf32, #tpu.memory_space<vmem>>, vector<1x16xf32>,
        %get3A_348 = vector.shape_cast %get3A_347 : vector<1x16xf32> to vector<16xf32>
        %add3A_349 = arith.addf %get3A_344, %get3A_348 : vector<16xf32>
        %swap3A_350 = arith.index_cast %add3A_286 : i32 to index
        %swap3A_351 = arith.constant 64 : index
        %swap3A_352 = tpu.vector_load %arg14[%swap3A_350, %swap3A_351] {strides = array<i32>} : memref<200x128xf32, #tpu.memory_space<vmem>>, vector<1x16xf32>,
        %swap3A_353 = vector.shape_cast %swap3A_352 : vector<1x16xf32> to vector<16xf32>
        %swap3A_354 = vector.shape_cast %add3A_349 : vector<16xf32> to vector<1x16xf32>
        tpu.vector_store %arg14[%swap3A_350, %swap3A_351], %swap3A_354 {strides = array<i32>} : memref<200x128xf32, #tpu.memory_space<vmem>>, vector<1x16xf32>,
        %get3A_355 = arith.index_cast %add3A_286 : i32 to index
        %get3A_356 = arith.constant 80 : index
        %get3A_357 = tpu.vector_load %arg14[%get3A_355, %get3A_356] {strides = array<i32>} : memref<200x128xf32, #tpu.memory_space<vmem>>, vector<1x16xf32>,
        %get3A_358 = vector.shape_cast %get3A_357 : vector<1x16xf32> to vector<16xf32>
        %get3A_359 = arith.index_cast %add3A_286 : i32 to index
        %get3A_360 = arith.constant 80 : index
        %get3A_361 = tpu.vector_load %arg15[%get3A_359, %get3A_360] {strides = array<i32>} : memref<200x128xf32, #tpu.memory_space<vmem>>, vector<1x16xf32>,
        %get3A_362 = vector.shape_cast %get3A_361 : vector<1x16xf32> to vector<16xf32>
        %add3A_363 = arith.addf %get3A_358, %get3A_362 : vector<16xf32>
        %swap3A_364 = arith.index_cast %add3A_286 : i32 to index
        %swap3A_365 = arith.constant 80 : index
        %swap3A_366 = tpu.vector_load %arg14[%swap3A_364, %swap3A_365] {strides = array<i32>} : memref<200x128xf32, #tpu.memory_space<vmem>>, vector<1x16xf32>,
        %swap3A_367 = vector.shape_cast %swap3A_366 : vector<1x16xf32> to vector<16xf32>
        %swap3A_368 = vector.shape_cast %add3A_363 : vector<16xf32> to vector<1x16xf32>
        tpu.vector_store %arg14[%swap3A_364, %swap3A_365], %swap3A_368 {strides = array<i32>} : memref<200x128xf32, #tpu.memory_space<vmem>>, vector<1x16xf32>,
        %get3A_369 = arith.index_cast %add3A_286 : i32 to index
        %get3A_370 = arith.constant 96 : index
        %get3A_371 = tpu.vector_load %arg14[%get3A_369, %get3A_370] {strides = array<i32>} : memref<200x128xf32, #tpu.memory_space<vmem>>, vector<1x16xf32>,
        %get3A_372 = vector.shape_cast %get3A_371 : vector<1x16xf32> to vector<16xf32>
        %get3A_373 = arith.index_cast %add3A_286 : i32 to index
        %get3A_374 = arith.constant 96 : index
        %get3A_375 = tpu.vector_load %arg15[%get3A_373, %get3A_374] {strides = array<i32>} : memref<200x128xf32, #tpu.memory_space<vmem>>, vector<1x16xf32>,
        %get3A_376 = vector.shape_cast %get3A_375 : vector<1x16xf32> to vector<16xf32>
        %add3A_377 = arith.addf %get3A_372, %get3A_376 : vector<16xf32>
        %swap3A_378 = arith.index_cast %add3A_286 : i32 to index
        %swap3A_379 = arith.constant 96 : index
        %swap3A_380 = tpu.vector_load %arg14[%swap3A_378, %swap3A_379] {strides = array<i32>} : memref<200x128xf32, #tpu.memory_space<vmem>>, vector<1x16xf32>,
        %swap3A_381 = vector.shape_cast %swap3A_380 : vector<1x16xf32> to vector<16xf32>
        %swap3A_382 = vector.shape_cast %add3A_377 : vector<16xf32> to vector<1x16xf32>
        tpu.vector_store %arg14[%swap3A_378, %swap3A_379], %swap3A_382 {strides = array<i32>} : memref<200x128xf32, #tpu.memory_space<vmem>>, vector<1x16xf32>,
        %get3A_383 = arith.index_cast %add3A_286 : i32 to index
        %get3A_384 = arith.constant 112 : index
        %get3A_385 = tpu.vector_load %arg14[%get3A_383, %get3A_384] {strides = array<i32>} : memref<200x128xf32, #tpu.memory_space<vmem>>, vector<1x16xf32>,
        %get3A_386 = vector.shape_cast %get3A_385 : vector<1x16xf32> to vector<16xf32>
        %get3A_387 = arith.index_cast %add3A_286 : i32 to index
        %get3A_388 = arith.constant 112 : index
        %get3A_389 = tpu.vector_load %arg15[%get3A_387, %get3A_388] {strides = array<i32>} : memref<200x128xf32, #tpu.memory_space<vmem>>, vector<1x16xf32>,
        %get3A_390 = vector.shape_cast %get3A_389 : vector<1x16xf32> to vector<16xf32>
        %add3A_391 = arith.addf %get3A_386, %get3A_390 : vector<16xf32>
        %swap3A_392 = arith.index_cast %add3A_286 : i32 to index
        %swap3A_393 = arith.constant 112 : index
        %swap3A_394 = tpu.vector_load %arg14[%swap3A_392, %swap3A_393] {strides = array<i32>} : memref<200x128xf32, #tpu.memory_space<vmem>>, vector<1x16xf32>,
        %swap3A_395 = vector.shape_cast %swap3A_394 : vector<1x16xf32> to vector<16xf32>
        %swap3A_396 = vector.shape_cast %add3A_391 : vector<16xf32> to vector<1x16xf32>
        tpu.vector_store %arg14[%swap3A_392, %swap3A_393], %swap3A_396 {strides = array<i32>} : memref<200x128xf32, #tpu.memory_space<vmem>>, vector<1x16xf32>,
        %mul3A_397 = arith.constant 2 : i32
        %mul3A_398 = arith.muli %scan3A_282, %mul3A_397 : i32
        %add3A_399 = arith.constant 1 : i32
        %add3A_400 = arith.addi %mul3A_398, %add3A_399 : i32
        %get3A_401 = arith.index_cast %add3A_400 : i32 to index
        %get3A_402 = arith.constant 0 : index
        %get3A_403 = tpu.vector_load %arg14[%get3A_401, %get3A_402] {strides = array<i32>} : memref<200x128xf32, #tpu.memory_space<vmem>>, vector<1x16xf32>,
        %get3A_404 = vector.shape_cast %get3A_403 : vector<1x16xf32> to vector<16xf32>
        %get3A_405 = arith.index_cast %add3A_400 : i32 to index
        %get3A_406 = arith.constant 0 : index
        %get3A_407 = tpu.vector_load %arg15[%get3A_405, %get3A_406] {strides = array<i32>} : memref<200x128xf32, #tpu.memory_space<vmem>>, vector<1x16xf32>,
        %get3A_408 = vector.shape_cast %get3A_407 : vector<1x16xf32> to vector<16xf32>
        %add3A_409 = arith.addf %get3A_404, %get3A_408 : vector<16xf32>
        %swap3A_410 = arith.index_cast %add3A_400 : i32 to index
        %swap3A_411 = arith.constant 0 : index
        %swap3A_412 = tpu.vector_load %arg14[%swap3A_410, %swap3A_411] {strides = array<i32>} : memref<200x128xf32, #tpu.memory_space<vmem>>, vector<1x16xf32>,
        %swap3A_413 = vector.shape_cast %swap3A_412 : vector<1x16xf32> to vector<16xf32>
        %swap3A_414 = vector.shape_cast %add3A_409 : vector<16xf32> to vector<1x16xf32>
        tpu.vector_store %arg14[%swap3A_410, %swap3A_411], %swap3A_414 {strides = array<i32>} : memref<200x128xf32, #tpu.memory_space<vmem>>, vector<1x16xf32>,
        %get3A_415 = arith.index_cast %add3A_400 : i32 to index
        %get3A_416 = arith.constant 16 : index
        %get3A_417 = tpu.vector_load %arg14[%get3A_415, %get3A_416] {strides = array<i32>} : memref<200x128xf32, #tpu.memory_space<vmem>>, vector<1x16xf32>,
        %get3A_418 = vector.shape_cast %get3A_417 : vector<1x16xf32> to vector<16xf32>
        %get3A_419 = arith.index_cast %add3A_400 : i32 to index
        %get3A_420 = arith.constant 16 : index
        %get3A_421 = tpu.vector_load %arg15[%get3A_419, %get3A_420] {strides = array<i32>} : memref<200x128xf32, #tpu.memory_space<vmem>>, vector<1x16xf32>,
        %get3A_422 = vector.shape_cast %get3A_421 : vector<1x16xf32> to vector<16xf32>
        %add3A_423 = arith.addf %get3A_418, %get3A_422 : vector<16xf32>
        %swap3A_424 = arith.index_cast %add3A_400 : i32 to index
        %swap3A_425 = arith.constant 16 : index
        %swap3A_426 = tpu.vector_load %arg14[%swap3A_424, %swap3A_425] {strides = array<i32>} : memref<200x128xf32, #tpu.memory_space<vmem>>, vector<1x16xf32>,
        %swap3A_427 = vector.shape_cast %swap3A_426 : vector<1x16xf32> to vector<16xf32>
        %swap3A_428 = vector.shape_cast %add3A_423 : vector<16xf32> to vector<1x16xf32>
        tpu.vector_store %arg14[%swap3A_424, %swap3A_425], %swap3A_428 {strides = array<i32>} : memref<200x128xf32, #tpu.memory_space<vmem>>, vector<1x16xf32>,
        %get3A_429 = arith.index_cast %add3A_400 : i32 to index
        %get3A_430 = arith.constant 32 : index
        %get3A_431 = tpu.vector_load %arg14[%get3A_429, %get3A_430] {strides = array<i32>} : memref<200x128xf32, #tpu.memory_space<vmem>>, vector<1x16xf32>,
        %get3A_432 = vector.shape_cast %get3A_431 : vector<1x16xf32> to vector<16xf32>
        %get3A_433 = arith.index_cast %add3A_400 : i32 to index
        %get3A_434 = arith.constant 32 : index
        %get3A_435 = tpu.vector_load %arg15[%get3A_433, %get3A_434] {strides = array<i32>} : memref<200x128xf32, #tpu.memory_space<vmem>>, vector<1x16xf32>,
        %get3A_436 = vector.shape_cast %get3A_435 : vector<1x16xf32> to vector<16xf32>
        %add3A_437 = arith.addf %get3A_432, %get3A_436 : vector<16xf32>
        %swap3A_438 = arith.index_cast %add3A_400 : i32 to index
        %swap3A_439 = arith.constant 32 : index
        %swap3A_440 = tpu.vector_load %arg14[%swap3A_438, %swap3A_439] {strides = array<i32>} : memref<200x128xf32, #tpu.memory_space<vmem>>, vector<1x16xf32>,
        %swap3A_441 = vector.shape_cast %swap3A_440 : vector<1x16xf32> to vector<16xf32>
        %swap3A_442 = vector.shape_cast %add3A_437 : vector<16xf32> to vector<1x16xf32>
        tpu.vector_store %arg14[%swap3A_438, %swap3A_439], %swap3A_442 {strides = array<i32>} : memref<200x128xf32, #tpu.memory_space<vmem>>, vector<1x16xf32>,
        %get3A_443 = arith.index_cast %add3A_400 : i32 to index
        %get3A_444 = arith.constant 48 : index
        %get3A_445 = tpu.vector_load %arg14[%get3A_443, %get3A_444] {strides = array<i32>} : memref<200x128xf32, #tpu.memory_space<vmem>>, vector<1x16xf32>,
        %get3A_446 = vector.shape_cast %get3A_445 : vector<1x16xf32> to vector<16xf32>
        %get3A_447 = arith.index_cast %add3A_400 : i32 to index
        %get3A_448 = arith.constant 48 : index
        %get3A_449 = tpu.vector_load %arg15[%get3A_447, %get3A_448] {strides = array<i32>} : memref<200x128xf32, #tpu.memory_space<vmem>>, vector<1x16xf32>,
        %get3A_450 = vector.shape_cast %get3A_449 : vector<1x16xf32> to vector<16xf32>
        %add3A_451 = arith.addf %get3A_446, %get3A_450 : vector<16xf32>
        %swap3A_452 = arith.index_cast %add3A_400 : i32 to index
        %swap3A_453 = arith.constant 48 : index
        %swap3A_454 = tpu.vector_load %arg14[%swap3A_452, %swap3A_453] {strides = array<i32>} : memref<200x128xf32, #tpu.memory_space<vmem>>, vector<1x16xf32>,
        %swap3A_455 = vector.shape_cast %swap3A_454 : vector<1x16xf32> to vector<16xf32>
        %swap3A_456 = vector.shape_cast %add3A_451 : vector<16xf32> to vector<1x16xf32>
        tpu.vector_store %arg14[%swap3A_452, %swap3A_453], %swap3A_456 {strides = array<i32>} : memref<200x128xf32, #tpu.memory_space<vmem>>, vector<1x16xf32>,
        %get3A_457 = arith.index_cast %add3A_400 : i32 to index
        %get3A_458 = arith.constant 64 : index
        %get3A_459 = tpu.vector_load %arg14[%get3A_457, %get3A_458] {strides = array<i32>} : memref<200x128xf32, #tpu.memory_space<vmem>>, vector<1x16xf32>,
        %get3A_460 = vector.shape_cast %get3A_459 : vector<1x16xf32> to vector<16xf32>
        %get3A_461 = arith.index_cast %add3A_400 : i32 to index
        %get3A_462 = arith.constant 64 : index
        %get3A_463 = tpu.vector_load %arg15[%get3A_461, %get3A_462] {strides = array<i32>} : memref<200x128xf32, #tpu.memory_space<vmem>>, vector<1x16xf32>,
        %get3A_464 = vector.shape_cast %get3A_463 : vector<1x16xf32> to vector<16xf32>
        %add3A_465 = arith.addf %get3A_460, %get3A_464 : vector<16xf32>
        %swap3A_466 = arith.index_cast %add3A_400 : i32 to index
        %swap3A_467 = arith.constant 64 : index
        %swap3A_468 = tpu.vector_load %arg14[%swap3A_466, %swap3A_467] {strides = array<i32>} : memref<200x128xf32, #tpu.memory_space<vmem>>, vector<1x16xf32>,
        %swap3A_469 = vector.shape_cast %swap3A_468 : vector<1x16xf32> to vector<16xf32>
        %swap3A_470 = vector.shape_cast %add3A_465 : vector<16xf32> to vector<1x16xf32>
        tpu.vector_store %arg14[%swap3A_466, %swap3A_467], %swap3A_470 {strides = array<i32>} : memref<200x128xf32, #tpu.memory_space<vmem>>, vector<1x16xf32>,
        %get3A_471 = arith.index_cast %add3A_400 : i32 to index
        %get3A_472 = arith.constant 80 : index
        %get3A_473 = tpu.vector_load %arg14[%get3A_471, %get3A_472] {strides = array<i32>} : memref<200x128xf32, #tpu.memory_space<vmem>>, vector<1x16xf32>,
        %get3A_474 = vector.shape_cast %get3A_473 : vector<1x16xf32> to vector<16xf32>
        %get3A_475 = arith.index_cast %add3A_400 : i32 to index
        %get3A_476 = arith.constant 80 : index
        %get3A_477 = tpu.vector_load %arg15[%get3A_475, %get3A_476] {strides = array<i32>} : memref<200x128xf32, #tpu.memory_space<vmem>>, vector<1x16xf32>,
        %get3A_478 = vector.shape_cast %get3A_477 : vector<1x16xf32> to vector<16xf32>
        %add3A_479 = arith.addf %get3A_474, %get3A_478 : vector<16xf32>
        %swap3A_480 = arith.index_cast %add3A_400 : i32 to index
        %swap3A_481 = arith.constant 80 : index
        %swap3A_482 = tpu.vector_load %arg14[%swap3A_480, %swap3A_481] {strides = array<i32>} : memref<200x128xf32, #tpu.memory_space<vmem>>, vector<1x16xf32>,
        %swap3A_483 = vector.shape_cast %swap3A_482 : vector<1x16xf32> to vector<16xf32>
        %swap3A_484 = vector.shape_cast %add3A_479 : vector<16xf32> to vector<1x16xf32>
        tpu.vector_store %arg14[%swap3A_480, %swap3A_481], %swap3A_484 {strides = array<i32>} : memref<200x128xf32, #tpu.memory_space<vmem>>, vector<1x16xf32>,
        %get3A_485 = arith.index_cast %add3A_400 : i32 to index
        %get3A_486 = arith.constant 96 : index
        %get3A_487 = tpu.vector_load %arg14[%get3A_485, %get3A_486] {strides = array<i32>} : memref<200x128xf32, #tpu.memory_space<vmem>>, vector<1x16xf32>,
        %get3A_488 = vector.shape_cast %get3A_487 : vector<1x16xf32> to vector<16xf32>
        %get3A_489 = arith.index_cast %add3A_400 : i32 to index
        %get3A_490 = arith.constant 96 : index
        %get3A_491 = tpu.vector_load %arg15[%get3A_489, %get3A_490] {strides = array<i32>} : memref<200x128xf32, #tpu.memory_space<vmem>>, vector<1x16xf32>,
        %get3A_492 = vector.shape_cast %get3A_491 : vector<1x16xf32> to vector<16xf32>
        %add3A_493 = arith.addf %get3A_488, %get3A_492 : vector<16xf32>
        %swap3A_494 = arith.index_cast %add3A_400 : i32 to index
        %swap3A_495 = arith.constant 96 : index
        %swap3A_496 = tpu.vector_load %arg14[%swap3A_494, %swap3A_495] {strides = array<i32>} : memref<200x128xf32, #tpu.memory_space<vmem>>, vector<1x16xf32>,
        %swap3A_497 = vector.shape_cast %swap3A_496 : vector<1x16xf32> to vector<16xf32>
        %swap3A_498 = vector.shape_cast %add3A_493 : vector<16xf32> to vector<1x16xf32>
        tpu.vector_store %arg14[%swap3A_494, %swap3A_495], %swap3A_498 {strides = array<i32>} : memref<200x128xf32, #tpu.memory_space<vmem>>, vector<1x16xf32>,
        %get3A_499 = arith.index_cast %add3A_400 : i32 to index
        %get3A_500 = arith.constant 112 : index
        %get3A_501 = tpu.vector_load %arg14[%get3A_499, %get3A_500] {strides = array<i32>} : memref<200x128xf32, #tpu.memory_space<vmem>>, vector<1x16xf32>,
        %get3A_502 = vector.shape_cast %get3A_501 : vector<1x16xf32> to vector<16xf32>
        %get3A_503 = arith.index_cast %add3A_400 : i32 to index
        %get3A_504 = arith.constant 112 : index
        %get3A_505 = tpu.vector_load %arg15[%get3A_503, %get3A_504] {strides = array<i32>} : memref<200x128xf32, #tpu.memory_space<vmem>>, vector<1x16xf32>,
        %get3A_506 = vector.shape_cast %get3A_505 : vector<1x16xf32> to vector<16xf32>
        %add3A_507 = arith.addf %get3A_502, %get3A_506 : vector<16xf32>
        %swap3A_508 = arith.index_cast %add3A_400 : i32 to index
        %swap3A_509 = arith.constant 112 : index
        %swap3A_510 = tpu.vector_load %arg14[%swap3A_508, %swap3A_509] {strides = array<i32>} : memref<200x128xf32, #tpu.memory_space<vmem>>, vector<1x16xf32>,
        %swap3A_511 = vector.shape_cast %swap3A_510 : vector<1x16xf32> to vector<16xf32>
        %swap3A_512 = vector.shape_cast %add3A_507 : vector<16xf32> to vector<1x16xf32>
        tpu.vector_store %arg14[%swap3A_508, %swap3A_509], %swap3A_512 {strides = array<i32>} : memref<200x128xf32, #tpu.memory_space<vmem>>, vector<1x16xf32>,
      }
      %scan3A_181 = arith.constant 100 : i32
      %mul3A_182 = arith.constant 200 : i32
      %mul3A_183 = arith.muli %mul3A_99, %mul3A_182 : i32
      %add3A_184 = arith.addi %mul3A_2, %mul3A_183 : i32
      %multiple_of3A_185 = tpu.assume_multiple %add3A_184, 8 : i32
      %dma_start3A_186 = arith.constant 0 : i32
      %dma_start3A_187 = tpu.memref_slice %arg7[%multiple_of3A_185, %dma_start3A_186] : memref<198400x128xf32, #tpu.memory_space<hbm>> -> memref<200x128xf32, #tpu.memory_space<hbm>>
      %dma_start3A_188 = arith.constant 0 : i32
      %dma_start3A_189 = tpu.memref_slice %arg7[%multiple_of3A_185, %dma_start3A_188] : memref<198400x128xf32, #tpu.memory_space<hbm>> -> memref<200x128xf32, #tpu.memory_space<hbm>>
      tpu.enqueue_dma source(%arg14 : memref<200x128xf32, #tpu.memory_space<vmem>>) target(%dma_start3A_189 : memref<200x128xf32, #tpu.memory_space<hbm>>) target_semaphore(%arg21 : memref<!tpu.dma_semaphore, #tpu.memory_space<semaphore_mem>>)
      %dma_wait3A_190 = arith.constant 0 : i32
      %dma_wait3A_191 = tpu.memref_slice %arg7[%mul3A_2, %dma_wait3A_190] : memref<198400x128xf32, #tpu.memory_space<hbm>> -> memref<200x128xf32, #tpu.memory_space<hbm>>
      %dma_wait3A_192 = arith.constant 0 : i32
      %dma_wait3A_193 = tpu.memref_slice %arg7[%mul3A_2, %dma_wait3A_192] : memref<198400x128xf32, #tpu.memory_space<hbm>> -> memref<200x128xf32, #tpu.memory_space<hbm>>
      tpu.wait_dma2 semaphore(%arg21 : memref<!tpu.dma_semaphore, #tpu.memory_space<semaphore_mem>>) src(%arg14 : memref<200x128xf32, #tpu.memory_space<vmem>>) dst(%dma_wait3A_193 : memref<200x128xf32, #tpu.memory_space<hbm>>)
      %add3A_194 = arith.constant 2 : i32
      %add3A_195 = arith.addi %mul3A_99, %add3A_194 : i32
      %add3A_196 = arith.constant 0 : i32
      %add3A_197 = arith.addi %add3A_196, %mul3A_2 : i32
      %mul3A_198 = arith.constant 200 : i32
      %mul3A_199 = arith.muli %add3A_195, %mul3A_198 : i32
      %add3A_200 = arith.addi %add3A_197, %mul3A_199 : i32
      %multiple_of3A_201 = tpu.assume_multiple %add3A_200, 8 : i32
      "tpu.region"() ({
        %run_scoped3A = tpu.sem_alloc : memref<!tpu.dma_semaphore, #tpu.memory_space<semaphore_mem>>
        %dma_start3A_282 = tpu.memref_slice %arg3[%multiple_of3A_201] : memref<320000xi32, #tpu.memory_space<hbm>> -> memref<200xi32, #tpu.memory_space<hbm>>
        %dma_start3A_283 = tpu.memref_slice %arg3[%multiple_of3A_201] : memref<320000xi32, #tpu.memory_space<hbm>> -> memref<200xi32, #tpu.memory_space<hbm>>
        tpu.enqueue_dma source(%dma_start3A_283 : memref<200xi32, #tpu.memory_space<hbm>>) target(%arg10 : memref<200xi32, #tpu.memory_space<vmem>>) target_semaphore(%run_scoped3A : memref<!tpu.dma_semaphore, #tpu.memory_space<semaphore_mem>>)
        %dma_wait3A_284 = tpu.memref_slice %arg3[%multiple_of3A_201] : memref<320000xi32, #tpu.memory_space<hbm>> -> memref<200xi32, #tpu.memory_space<hbm>>
        %dma_wait3A_285 = tpu.memref_slice %arg3[%multiple_of3A_201] : memref<320000xi32, #tpu.memory_space<hbm>> -> memref<200xi32, #tpu.memory_space<hbm>>
        tpu.wait_dma2 semaphore(%run_scoped3A : memref<!tpu.dma_semaphore, #tpu.memory_space<semaphore_mem>>) src(%dma_wait3A_285 : memref<200xi32, #tpu.memory_space<hbm>>) dst(%arg10 : memref<200xi32, #tpu.memory_space<vmem>>)
        tpu.yield
      }) : () -> ()
      "tpu.region"() ({
        %run_scoped3A = tpu.sem_alloc : memref<!tpu.dma_semaphore, #tpu.memory_space<semaphore_mem>>
        %dma_start3A_282 = tpu.memref_slice %arg4[%multiple_of3A_201] : memref<320000xi32, #tpu.memory_space<hbm>> -> memref<200xi32, #tpu.memory_space<hbm>>
        %dma_start3A_283 = tpu.memref_slice %arg4[%multiple_of3A_201] : memref<320000xi32, #tpu.memory_space<hbm>> -> memref<200xi32, #tpu.memory_space<hbm>>
        tpu.enqueue_dma source(%dma_start3A_283 : memref<200xi32, #tpu.memory_space<hbm>>) target(%arg11 : memref<200xi32, #tpu.memory_space<vmem>>) target_semaphore(%run_scoped3A : memref<!tpu.dma_semaphore, #tpu.memory_space<semaphore_mem>>)
        %dma_wait3A_284 = tpu.memref_slice %arg4[%multiple_of3A_201] : memref<320000xi32, #tpu.memory_space<hbm>> -> memref<200xi32, #tpu.memory_space<hbm>>
        %dma_wait3A_285 = tpu.memref_slice %arg4[%multiple_of3A_201] : memref<320000xi32, #tpu.memory_space<hbm>> -> memref<200xi32, #tpu.memory_space<hbm>>
        tpu.wait_dma2 semaphore(%run_scoped3A : memref<!tpu.dma_semaphore, #tpu.memory_space<semaphore_mem>>) src(%dma_wait3A_285 : memref<200xi32, #tpu.memory_space<hbm>>) dst(%arg11 : memref<200xi32, #tpu.memory_space<vmem>>)
        tpu.yield
      }) : () -> ()
      %dma_start3A_202 = arith.constant 0 : i32
      %dma_start3A_203 = arith.constant 0 : i32
      %dma_start3A_204 = tpu.memref_slice %arg14[%dma_start3A_202, %dma_start3A_203] : memref<200x128xf32, #tpu.memory_space<vmem>> -> memref<104x128xf32, #tpu.memory_space<vmem>>
      %dma_start3A_205 = arith.constant 0 : i32
      %dma_start3A_206 = tpu.memref_slice %arg10[%dma_start3A_205] : memref<200xi32, #tpu.memory_space<vmem>> -> memref<104xi32, #tpu.memory_space<vmem>>
      %dma_start3A_207 = arith.constant 0 : i32
      %dma_start3A_208 = arith.constant 0 : i32
      %dma_start3A_209 = tpu.memref_slice %arg2[%dma_start3A_207, %dma_start3A_208] : memref<10000x128xf32, #tpu.memory_space<hbm>> -> memref<10000x128xf32, #tpu.memory_space<hbm>>
      tpu.enqueue_indirect_dma source(%dma_start3A_209 : memref<10000x128xf32, #tpu.memory_space<hbm>>) target(%dma_start3A_204 : memref<104x128xf32, #tpu.memory_space<vmem>>) offsets(%dma_start3A_206 : memref<104xi32, #tpu.memory_space<vmem>>) semaphore(%arg19 : memref<!tpu.dma_semaphore, #tpu.memory_space<semaphore_mem>>)
      %dma_start3A_210 = arith.constant 0 : i32
      %dma_start3A_211 = arith.constant 0 : i32
      %dma_start3A_212 = tpu.memref_slice %arg15[%dma_start3A_210, %dma_start3A_211] : memref<200x128xf32, #tpu.memory_space<vmem>> -> memref<104x128xf32, #tpu.memory_space<vmem>>
      %dma_start3A_213 = arith.constant 0 : i32
      %dma_start3A_214 = tpu.memref_slice %arg11[%dma_start3A_213] : memref<200xi32, #tpu.memory_space<vmem>> -> memref<104xi32, #tpu.memory_space<vmem>>
      %dma_start3A_215 = arith.constant 0 : i32
      %dma_start3A_216 = arith.constant 0 : i32
      %dma_start3A_217 = tpu.memref_slice %arg2[%dma_start3A_215, %dma_start3A_216] : memref<10000x128xf32, #tpu.memory_space<hbm>> -> memref<10000x128xf32, #tpu.memory_space<hbm>>
      tpu.enqueue_indirect_dma source(%dma_start3A_217 : memref<10000x128xf32, #tpu.memory_space<hbm>>) target(%dma_start3A_212 : memref<104x128xf32, #tpu.memory_space<vmem>>) offsets(%dma_start3A_214 : memref<104xi32, #tpu.memory_space<vmem>>) semaphore(%arg19 : memref<!tpu.dma_semaphore, #tpu.memory_space<semaphore_mem>>)
      %dma_start3A_218 = arith.constant 104 : i32
      %dma_start3A_219 = arith.constant 0 : i32
      %dma_start3A_220 = tpu.memref_slice %arg14[%dma_start3A_218, %dma_start3A_219] : memref<200x128xf32, #tpu.memory_space<vmem>> -> memref<96x128xf32, #tpu.memory_space<vmem>>
      %dma_start3A_221 = arith.constant 104 : i32
      %dma_start3A_222 = tpu.memref_slice %arg10[%dma_start3A_221] : memref<200xi32, #tpu.memory_space<vmem>> -> memref<96xi32, #tpu.memory_space<vmem>>
      %dma_start3A_223 = arith.constant 0 : i32
      %dma_start3A_224 = arith.constant 0 : i32
      %dma_start3A_225 = tpu.memref_slice %arg2[%dma_start3A_223, %dma_start3A_224] : memref<10000x128xf32, #tpu.memory_space<hbm>> -> memref<10000x128xf32, #tpu.memory_space<hbm>>
      tpu.enqueue_indirect_dma source(%dma_start3A_225 : memref<10000x128xf32, #tpu.memory_space<hbm>>) target(%dma_start3A_220 : memref<96x128xf32, #tpu.memory_space<vmem>>) offsets(%dma_start3A_222 : memref<96xi32, #tpu.memory_space<vmem>>) semaphore(%arg19 : memref<!tpu.dma_semaphore, #tpu.memory_space<semaphore_mem>>)
      %dma_start3A_226 = arith.constant 104 : i32
      %dma_start3A_227 = arith.constant 0 : i32
      %dma_start3A_228 = tpu.memref_slice %arg15[%dma_start3A_226, %dma_start3A_227] : memref<200x128xf32, #tpu.memory_space<vmem>> -> memref<96x128xf32, #tpu.memory_space<vmem>>
      %dma_start3A_229 = arith.constant 104 : i32
      %dma_start3A_230 = tpu.memref_slice %arg11[%dma_start3A_229] : memref<200xi32, #tpu.memory_space<vmem>> -> memref<96xi32, #tpu.memory_space<vmem>>
      %dma_start3A_231 = arith.constant 0 : i32
      %dma_start3A_232 = arith.constant 0 : i32
      %dma_start3A_233 = tpu.memref_slice %arg2[%dma_start3A_231, %dma_start3A_232] : memref<10000x128xf32, #tpu.memory_space<hbm>> -> memref<10000x128xf32, #tpu.memory_space<hbm>>
      tpu.enqueue_indirect_dma source(%dma_start3A_233 : memref<10000x128xf32, #tpu.memory_space<hbm>>) target(%dma_start3A_228 : memref<96x128xf32, #tpu.memory_space<vmem>>) offsets(%dma_start3A_230 : memref<96xi32, #tpu.memory_space<vmem>>) semaphore(%arg19 : memref<!tpu.dma_semaphore, #tpu.memory_space<semaphore_mem>>)
      %add3A_234 = arith.constant 1 : i32
      %add3A_235 = arith.addi %mul3A_99, %add3A_234 : i32
      %dma_wait3A_236 = arith.constant 0 : i32
      %dma_wait3A_237 = arith.constant 0 : i32
      %dma_wait3A_238 = tpu.memref_slice %arg16[%dma_wait3A_236, %dma_wait3A_237] : memref<200x128xf32, #tpu.memory_space<vmem>> -> memref<104x128xf32, #tpu.memory_space<vmem>>
      %dma_wait3A_239 = arith.constant 0 : i32
      %dma_wait3A_240 = tpu.memref_slice %arg12[%dma_wait3A_239] : memref<200xi32, #tpu.memory_space<vmem>> -> memref<104xi32, #tpu.memory_space<vmem>>
      %dma_wait3A_241 = arith.constant 0 : i32
      %dma_wait3A_242 = arith.constant 0 : i32
      %dma_wait3A_243 = tpu.memref_slice %arg2[%dma_wait3A_241, %dma_wait3A_242] : memref<10000x128xf32, #tpu.memory_space<hbm>> -> memref<10000x128xf32, #tpu.memory_space<hbm>>
      tpu.wait_indirect_dma semaphore(%arg20 : memref<!tpu.dma_semaphore, #tpu.memory_space<semaphore_mem>>) src(%dma_wait3A_243 : memref<10000x128xf32, #tpu.memory_space<hbm>>) dst(%dma_wait3A_238 : memref<104x128xf32, #tpu.memory_space<vmem>>)
      %dma_wait3A_244 = arith.constant 0 : i32
      %dma_wait3A_245 = arith.constant 0 : i32
      %dma_wait3A_246 = tpu.memref_slice %arg17[%dma_wait3A_244, %dma_wait3A_245] : memref<200x128xf32, #tpu.memory_space<vmem>> -> memref<104x128xf32, #tpu.memory_space<vmem>>
      %dma_wait3A_247 = arith.constant 0 : i32
      %dma_wait3A_248 = tpu.memref_slice %arg13[%dma_wait3A_247] : memref<200xi32, #tpu.memory_space<vmem>> -> memref<104xi32, #tpu.memory_space<vmem>>
      %dma_wait3A_249 = arith.constant 0 : i32
      %dma_wait3A_250 = arith.constant 0 : i32
      %dma_wait3A_251 = tpu.memref_slice %arg2[%dma_wait3A_249, %dma_wait3A_250] : memref<10000x128xf32, #tpu.memory_space<hbm>> -> memref<10000x128xf32, #tpu.memory_space<hbm>>
      tpu.wait_indirect_dma semaphore(%arg20 : memref<!tpu.dma_semaphore, #tpu.memory_space<semaphore_mem>>) src(%dma_wait3A_251 : memref<10000x128xf32, #tpu.memory_space<hbm>>) dst(%dma_wait3A_246 : memref<104x128xf32, #tpu.memory_space<vmem>>)
      %dma_wait3A_252 = arith.constant 104 : i32
      %dma_wait3A_253 = arith.constant 0 : i32
      %dma_wait3A_254 = tpu.memref_slice %arg16[%dma_wait3A_252, %dma_wait3A_253] : memref<200x128xf32, #tpu.memory_space<vmem>> -> memref<96x128xf32, #tpu.memory_space<vmem>>
      %dma_wait3A_255 = arith.constant 104 : i32
      %dma_wait3A_256 = tpu.memref_slice %arg12[%dma_wait3A_255] : memref<200xi32, #tpu.memory_space<vmem>> -> memref<96xi32, #tpu.memory_space<vmem>>
      %dma_wait3A_257 = arith.constant 0 : i32
      %dma_wait3A_258 = arith.constant 0 : i32
      %dma_wait3A_259 = tpu.memref_slice %arg2[%dma_wait3A_257, %dma_wait3A_258] : memref<10000x128xf32, #tpu.memory_space<hbm>> -> memref<10000x128xf32, #tpu.memory_space<hbm>>
      tpu.wait_indirect_dma semaphore(%arg20 : memref<!tpu.dma_semaphore, #tpu.memory_space<semaphore_mem>>) src(%dma_wait3A_259 : memref<10000x128xf32, #tpu.memory_space<hbm>>) dst(%dma_wait3A_254 : memref<96x128xf32, #tpu.memory_space<vmem>>)
      %dma_wait3A_260 = arith.constant 104 : i32
      %dma_wait3A_261 = arith.constant 0 : i32
      %dma_wait3A_262 = tpu.memref_slice %arg17[%dma_wait3A_260, %dma_wait3A_261] : memref<200x128xf32, #tpu.memory_space<vmem>> -> memref<96x128xf32, #tpu.memory_space<vmem>>
      %dma_wait3A_263 = arith.constant 104 : i32
      %dma_wait3A_264 = tpu.memref_slice %arg13[%dma_wait3A_263] : memref<200xi32, #tpu.memory_space<vmem>> -> memref<96xi32, #tpu.memory_space<vmem>>
      %dma_wait3A_265 = arith.constant 0 : i32
      %dma_wait3A_266 = arith.constant 0 : i32
      %dma_wait3A_267 = tpu.memref_slice %arg2[%dma_wait3A_265, %dma_wait3A_266] : memref<10000x128xf32, #tpu.memory_space<hbm>> -> memref<10000x128xf32, #tpu.memory_space<hbm>>
      tpu.wait_indirect_dma semaphore(%arg20 : memref<!tpu.dma_semaphore, #tpu.memory_space<semaphore_mem>>) src(%dma_wait3A_267 : memref<10000x128xf32, #tpu.memory_space<hbm>>) dst(%dma_wait3A_262 : memref<96x128xf32, #tpu.memory_space<vmem>>)
      %scan3A_268 = arith.constant 0 : i32
      %scan3A_269 = arith.constant 0 : i32
      %scan3A_270 = arith.constant 100 : i32
      %scan3A_271 = arith.addi %scan3A_269, %scan3A_270 : i32
      %scan3A_272 = arith.constant 1 : i32
      scf.for %scan3A_282 = %scan3A_269 to %scan3A_271 step %scan3A_272  : i32 {
        %mul3A_283 = arith.constant 2 : i32
        %mul3A_284 = arith.muli %scan3A_282, %mul3A_283 : i32
        %add3A_285 = arith.constant 0 : i32
        %add3A_286 = arith.addi %mul3A_284, %add3A_285 : i32
        %get3A = arith.index_cast %add3A_286 : i32 to index
        %get3A_287 = arith.constant 0 : index
        %get3A_288 = tpu.vector_load %arg16[%get3A, %get3A_287] {strides = array<i32>} : memref<200x128xf32, #tpu.memory_space<vmem>>, vector<1x16xf32>,
        %get3A_289 = vector.shape_cast %get3A_288 : vector<1x16xf32> to vector<16xf32>
        %get3A_290 = arith.index_cast %add3A_286 : i32 to index
        %get3A_291 = arith.constant 0 : index
        %get3A_292 = tpu.vector_load %arg17[%get3A_290, %get3A_291] {strides = array<i32>} : memref<200x128xf32, #tpu.memory_space<vmem>>, vector<1x16xf32>,
        %get3A_293 = vector.shape_cast %get3A_292 : vector<1x16xf32> to vector<16xf32>
        %add3A_294 = arith.addf %get3A_289, %get3A_293 : vector<16xf32>
        %swap3A = arith.index_cast %add3A_286 : i32 to index
        %swap3A_295 = arith.constant 0 : index
        %swap3A_296 = tpu.vector_load %arg16[%swap3A, %swap3A_295] {strides = array<i32>} : memref<200x128xf32, #tpu.memory_space<vmem>>, vector<1x16xf32>,
        %swap3A_297 = vector.shape_cast %swap3A_296 : vector<1x16xf32> to vector<16xf32>
        %swap3A_298 = vector.shape_cast %add3A_294 : vector<16xf32> to vector<1x16xf32>
        tpu.vector_store %arg16[%swap3A, %swap3A_295], %swap3A_298 {strides = array<i32>} : memref<200x128xf32, #tpu.memory_space<vmem>>, vector<1x16xf32>,
        %get3A_299 = arith.index_cast %add3A_286 : i32 to index
        %get3A_300 = arith.constant 16 : index
        %get3A_301 = tpu.vector_load %arg16[%get3A_299, %get3A_300] {strides = array<i32>} : memref<200x128xf32, #tpu.memory_space<vmem>>, vector<1x16xf32>,
        %get3A_302 = vector.shape_cast %get3A_301 : vector<1x16xf32> to vector<16xf32>
        %get3A_303 = arith.index_cast %add3A_286 : i32 to index
        %get3A_304 = arith.constant 16 : index
        %get3A_305 = tpu.vector_load %arg17[%get3A_303, %get3A_304] {strides = array<i32>} : memref<200x128xf32, #tpu.memory_space<vmem>>, vector<1x16xf32>,
        %get3A_306 = vector.shape_cast %get3A_305 : vector<1x16xf32> to vector<16xf32>
        %add3A_307 = arith.addf %get3A_302, %get3A_306 : vector<16xf32>
        %swap3A_308 = arith.index_cast %add3A_286 : i32 to index
        %swap3A_309 = arith.constant 16 : index
        %swap3A_310 = tpu.vector_load %arg16[%swap3A_308, %swap3A_309] {strides = array<i32>} : memref<200x128xf32, #tpu.memory_space<vmem>>, vector<1x16xf32>,
        %swap3A_311 = vector.shape_cast %swap3A_310 : vector<1x16xf32> to vector<16xf32>
        %swap3A_312 = vector.shape_cast %add3A_307 : vector<16xf32> to vector<1x16xf32>
        tpu.vector_store %arg16[%swap3A_308, %swap3A_309], %swap3A_312 {strides = array<i32>} : memref<200x128xf32, #tpu.memory_space<vmem>>, vector<1x16xf32>,
        %get3A_313 = arith.index_cast %add3A_286 : i32 to index
        %get3A_314 = arith.constant 32 : index
        %get3A_315 = tpu.vector_load %arg16[%get3A_313, %get3A_314] {strides = array<i32>} : memref<200x128xf32, #tpu.memory_space<vmem>>, vector<1x16xf32>,
        %get3A_316 = vector.shape_cast %get3A_315 : vector<1x16xf32> to vector<16xf32>
        %get3A_317 = arith.index_cast %add3A_286 : i32 to index
        %get3A_318 = arith.constant 32 : index
        %get3A_319 = tpu.vector_load %arg17[%get3A_317, %get3A_318] {strides = array<i32>} : memref<200x128xf32, #tpu.memory_space<vmem>>, vector<1x16xf32>,
        %get3A_320 = vector.shape_cast %get3A_319 : vector<1x16xf32> to vector<16xf32>
        %add3A_321 = arith.addf %get3A_316, %get3A_320 : vector<16xf32>
        %swap3A_322 = arith.index_cast %add3A_286 : i32 to index
        %swap3A_323 = arith.constant 32 : index
        %swap3A_324 = tpu.vector_load %arg16[%swap3A_322, %swap3A_323] {strides = array<i32>} : memref<200x128xf32, #tpu.memory_space<vmem>>, vector<1x16xf32>,
        %swap3A_325 = vector.shape_cast %swap3A_324 : vector<1x16xf32> to vector<16xf32>
        %swap3A_326 = vector.shape_cast %add3A_321 : vector<16xf32> to vector<1x16xf32>
        tpu.vector_store %arg16[%swap3A_322, %swap3A_323], %swap3A_326 {strides = array<i32>} : memref<200x128xf32, #tpu.memory_space<vmem>>, vector<1x16xf32>,
        %get3A_327 = arith.index_cast %add3A_286 : i32 to index
        %get3A_328 = arith.constant 48 : index
        %get3A_329 = tpu.vector_load %arg16[%get3A_327, %get3A_328] {strides = array<i32>} : memref<200x128xf32, #tpu.memory_space<vmem>>, vector<1x16xf32>,
        %get3A_330 = vector.shape_cast %get3A_329 : vector<1x16xf32> to vector<16xf32>
        %get3A_331 = arith.index_cast %add3A_286 : i32 to index
        %get3A_332 = arith.constant 48 : index
        %get3A_333 = tpu.vector_load %arg17[%get3A_331, %get3A_332] {strides = array<i32>} : memref<200x128xf32, #tpu.memory_space<vmem>>, vector<1x16xf32>,
        %get3A_334 = vector.shape_cast %get3A_333 : vector<1x16xf32> to vector<16xf32>
        %add3A_335 = arith.addf %get3A_330, %get3A_334 : vector<16xf32>
        %swap3A_336 = arith.index_cast %add3A_286 : i32 to index
        %swap3A_337 = arith.constant 48 : index
        %swap3A_338 = tpu.vector_load %arg16[%swap3A_336, %swap3A_337] {strides = array<i32>} : memref<200x128xf32, #tpu.memory_space<vmem>>, vector<1x16xf32>,
        %swap3A_339 = vector.shape_cast %swap3A_338 : vector<1x16xf32> to vector<16xf32>
        %swap3A_340 = vector.shape_cast %add3A_335 : vector<16xf32> to vector<1x16xf32>
        tpu.vector_store %arg16[%swap3A_336, %swap3A_337], %swap3A_340 {strides = array<i32>} : memref<200x128xf32, #tpu.memory_space<vmem>>, vector<1x16xf32>,
        %get3A_341 = arith.index_cast %add3A_286 : i32 to index
        %get3A_342 = arith.constant 64 : index
        %get3A_343 = tpu.vector_load %arg16[%get3A_341, %get3A_342] {strides = array<i32>} : memref<200x128xf32, #tpu.memory_space<vmem>>, vector<1x16xf32>,
        %get3A_344 = vector.shape_cast %get3A_343 : vector<1x16xf32> to vector<16xf32>
        %get3A_345 = arith.index_cast %add3A_286 : i32 to index
        %get3A_346 = arith.constant 64 : index
        %get3A_347 = tpu.vector_load %arg17[%get3A_345, %get3A_346] {strides = array<i32>} : memref<200x128xf32, #tpu.memory_space<vmem>>, vector<1x16xf32>,
        %get3A_348 = vector.shape_cast %get3A_347 : vector<1x16xf32> to vector<16xf32>
        %add3A_349 = arith.addf %get3A_344, %get3A_348 : vector<16xf32>
        %swap3A_350 = arith.index_cast %add3A_286 : i32 to index
        %swap3A_351 = arith.constant 64 : index
        %swap3A_352 = tpu.vector_load %arg16[%swap3A_350, %swap3A_351] {strides = array<i32>} : memref<200x128xf32, #tpu.memory_space<vmem>>, vector<1x16xf32>,
        %swap3A_353 = vector.shape_cast %swap3A_352 : vector<1x16xf32> to vector<16xf32>
        %swap3A_354 = vector.shape_cast %add3A_349 : vector<16xf32> to vector<1x16xf32>
        tpu.vector_store %arg16[%swap3A_350, %swap3A_351], %swap3A_354 {strides = array<i32>} : memref<200x128xf32, #tpu.memory_space<vmem>>, vector<1x16xf32>,
        %get3A_355 = arith.index_cast %add3A_286 : i32 to index
        %get3A_356 = arith.constant 80 : index
        %get3A_357 = tpu.vector_load %arg16[%get3A_355, %get3A_356] {strides = array<i32>} : memref<200x128xf32, #tpu.memory_space<vmem>>, vector<1x16xf32>,
        %get3A_358 = vector.shape_cast %get3A_357 : vector<1x16xf32> to vector<16xf32>
        %get3A_359 = arith.index_cast %add3A_286 : i32 to index
        %get3A_360 = arith.constant 80 : index
        %get3A_361 = tpu.vector_load %arg17[%get3A_359, %get3A_360] {strides = array<i32>} : memref<200x128xf32, #tpu.memory_space<vmem>>, vector<1x16xf32>,
        %get3A_362 = vector.shape_cast %get3A_361 : vector<1x16xf32> to vector<16xf32>
        %add3A_363 = arith.addf %get3A_358, %get3A_362 : vector<16xf32>
        %swap3A_364 = arith.index_cast %add3A_286 : i32 to index
        %swap3A_365 = arith.constant 80 : index
        %swap3A_366 = tpu.vector_load %arg16[%swap3A_364, %swap3A_365] {strides = array<i32>} : memref<200x128xf32, #tpu.memory_space<vmem>>, vector<1x16xf32>,
        %swap3A_367 = vector.shape_cast %swap3A_366 : vector<1x16xf32> to vector<16xf32>
        %swap3A_368 = vector.shape_cast %add3A_363 : vector<16xf32> to vector<1x16xf32>
        tpu.vector_store %arg16[%swap3A_364, %swap3A_365], %swap3A_368 {strides = array<i32>} : memref<200x128xf32, #tpu.memory_space<vmem>>, vector<1x16xf32>,
        %get3A_369 = arith.index_cast %add3A_286 : i32 to index
        %get3A_370 = arith.constant 96 : index
        %get3A_371 = tpu.vector_load %arg16[%get3A_369, %get3A_370] {strides = array<i32>} : memref<200x128xf32, #tpu.memory_space<vmem>>, vector<1x16xf32>,
        %get3A_372 = vector.shape_cast %get3A_371 : vector<1x16xf32> to vector<16xf32>
        %get3A_373 = arith.index_cast %add3A_286 : i32 to index
        %get3A_374 = arith.constant 96 : index
        %get3A_375 = tpu.vector_load %arg17[%get3A_373, %get3A_374] {strides = array<i32>} : memref<200x128xf32, #tpu.memory_space<vmem>>, vector<1x16xf32>,
        %get3A_376 = vector.shape_cast %get3A_375 : vector<1x16xf32> to vector<16xf32>
        %add3A_377 = arith.addf %get3A_372, %get3A_376 : vector<16xf32>
        %swap3A_378 = arith.index_cast %add3A_286 : i32 to index
        %swap3A_379 = arith.constant 96 : index
        %swap3A_380 = tpu.vector_load %arg16[%swap3A_378, %swap3A_379] {strides = array<i32>} : memref<200x128xf32, #tpu.memory_space<vmem>>, vector<1x16xf32>,
        %swap3A_381 = vector.shape_cast %swap3A_380 : vector<1x16xf32> to vector<16xf32>
        %swap3A_382 = vector.shape_cast %add3A_377 : vector<16xf32> to vector<1x16xf32>
        tpu.vector_store %arg16[%swap3A_378, %swap3A_379], %swap3A_382 {strides = array<i32>} : memref<200x128xf32, #tpu.memory_space<vmem>>, vector<1x16xf32>,
        %get3A_383 = arith.index_cast %add3A_286 : i32 to index
        %get3A_384 = arith.constant 112 : index
        %get3A_385 = tpu.vector_load %arg16[%get3A_383, %get3A_384] {strides = array<i32>} : memref<200x128xf32, #tpu.memory_space<vmem>>, vector<1x16xf32>,
        %get3A_386 = vector.shape_cast %get3A_385 : vector<1x16xf32> to vector<16xf32>
        %get3A_387 = arith.index_cast %add3A_286 : i32 to index
        %get3A_388 = arith.constant 112 : index
        %get3A_389 = tpu.vector_load %arg17[%get3A_387, %get3A_388] {strides = array<i32>} : memref<200x128xf32, #tpu.memory_space<vmem>>, vector<1x16xf32>,
        %get3A_390 = vector.shape_cast %get3A_389 : vector<1x16xf32> to vector<16xf32>
        %add3A_391 = arith.addf %get3A_386, %get3A_390 : vector<16xf32>
        %swap3A_392 = arith.index_cast %add3A_286 : i32 to index
        %swap3A_393 = arith.constant 112 : index
        %swap3A_394 = tpu.vector_load %arg16[%swap3A_392, %swap3A_393] {strides = array<i32>} : memref<200x128xf32, #tpu.memory_space<vmem>>, vector<1x16xf32>,
        %swap3A_395 = vector.shape_cast %swap3A_394 : vector<1x16xf32> to vector<16xf32>
        %swap3A_396 = vector.shape_cast %add3A_391 : vector<16xf32> to vector<1x16xf32>
        tpu.vector_store %arg16[%swap3A_392, %swap3A_393], %swap3A_396 {strides = array<i32>} : memref<200x128xf32, #tpu.memory_space<vmem>>, vector<1x16xf32>,
        %mul3A_397 = arith.constant 2 : i32
        %mul3A_398 = arith.muli %scan3A_282, %mul3A_397 : i32
        %add3A_399 = arith.constant 1 : i32
        %add3A_400 = arith.addi %mul3A_398, %add3A_399 : i32
        %get3A_401 = arith.index_cast %add3A_400 : i32 to index
        %get3A_402 = arith.constant 0 : index
        %get3A_403 = tpu.vector_load %arg16[%get3A_401, %get3A_402] {strides = array<i32>} : memref<200x128xf32, #tpu.memory_space<vmem>>, vector<1x16xf32>,
        %get3A_404 = vector.shape_cast %get3A_403 : vector<1x16xf32> to vector<16xf32>
        %get3A_405 = arith.index_cast %add3A_400 : i32 to index
        %get3A_406 = arith.constant 0 : index
        %get3A_407 = tpu.vector_load %arg17[%get3A_405, %get3A_406] {strides = array<i32>} : memref<200x128xf32, #tpu.memory_space<vmem>>, vector<1x16xf32>,
        %get3A_408 = vector.shape_cast %get3A_407 : vector<1x16xf32> to vector<16xf32>
        %add3A_409 = arith.addf %get3A_404, %get3A_408 : vector<16xf32>
        %swap3A_410 = arith.index_cast %add3A_400 : i32 to index
        %swap3A_411 = arith.constant 0 : index
        %swap3A_412 = tpu.vector_load %arg16[%swap3A_410, %swap3A_411] {strides = array<i32>} : memref<200x128xf32, #tpu.memory_space<vmem>>, vector<1x16xf32>,
        %swap3A_413 = vector.shape_cast %swap3A_412 : vector<1x16xf32> to vector<16xf32>
        %swap3A_414 = vector.shape_cast %add3A_409 : vector<16xf32> to vector<1x16xf32>
        tpu.vector_store %arg16[%swap3A_410, %swap3A_411], %swap3A_414 {strides = array<i32>} : memref<200x128xf32, #tpu.memory_space<vmem>>, vector<1x16xf32>,
        %get3A_415 = arith.index_cast %add3A_400 : i32 to index
        %get3A_416 = arith.constant 16 : index
        %get3A_417 = tpu.vector_load %arg16[%get3A_415, %get3A_416] {strides = array<i32>} : memref<200x128xf32, #tpu.memory_space<vmem>>, vector<1x16xf32>,
        %get3A_418 = vector.shape_cast %get3A_417 : vector<1x16xf32> to vector<16xf32>
        %get3A_419 = arith.index_cast %add3A_400 : i32 to index
        %get3A_420 = arith.constant 16 : index
        %get3A_421 = tpu.vector_load %arg17[%get3A_419, %get3A_420] {strides = array<i32>} : memref<200x128xf32, #tpu.memory_space<vmem>>, vector<1x16xf32>,
        %get3A_422 = vector.shape_cast %get3A_421 : vector<1x16xf32> to vector<16xf32>
        %add3A_423 = arith.addf %get3A_418, %get3A_422 : vector<16xf32>
        %swap3A_424 = arith.index_cast %add3A_400 : i32 to index
        %swap3A_425 = arith.constant 16 : index
        %swap3A_426 = tpu.vector_load %arg16[%swap3A_424, %swap3A_425] {strides = array<i32>} : memref<200x128xf32, #tpu.memory_space<vmem>>, vector<1x16xf32>,
        %swap3A_427 = vector.shape_cast %swap3A_426 : vector<1x16xf32> to vector<16xf32>
        %swap3A_428 = vector.shape_cast %add3A_423 : vector<16xf32> to vector<1x16xf32>
        tpu.vector_store %arg16[%swap3A_424, %swap3A_425], %swap3A_428 {strides = array<i32>} : memref<200x128xf32, #tpu.memory_space<vmem>>, vector<1x16xf32>,
        %get3A_429 = arith.index_cast %add3A_400 : i32 to index
        %get3A_430 = arith.constant 32 : index
        %get3A_431 = tpu.vector_load %arg16[%get3A_429, %get3A_430] {strides = array<i32>} : memref<200x128xf32, #tpu.memory_space<vmem>>, vector<1x16xf32>,
        %get3A_432 = vector.shape_cast %get3A_431 : vector<1x16xf32> to vector<16xf32>
        %get3A_433 = arith.index_cast %add3A_400 : i32 to index
        %get3A_434 = arith.constant 32 : index
        %get3A_435 = tpu.vector_load %arg17[%get3A_433, %get3A_434] {strides = array<i32>} : memref<200x128xf32, #tpu.memory_space<vmem>>, vector<1x16xf32>,
        %get3A_436 = vector.shape_cast %get3A_435 : vector<1x16xf32> to vector<16xf32>
        %add3A_437 = arith.addf %get3A_432, %get3A_436 : vector<16xf32>
        %swap3A_438 = arith.index_cast %add3A_400 : i32 to index
        %swap3A_439 = arith.constant 32 : index
        %swap3A_440 = tpu.vector_load %arg16[%swap3A_438, %swap3A_439] {strides = array<i32>} : memref<200x128xf32, #tpu.memory_space<vmem>>, vector<1x16xf32>,
        %swap3A_441 = vector.shape_cast %swap3A_440 : vector<1x16xf32> to vector<16xf32>
        %swap3A_442 = vector.shape_cast %add3A_437 : vector<16xf32> to vector<1x16xf32>
        tpu.vector_store %arg16[%swap3A_438, %swap3A_439], %swap3A_442 {strides = array<i32>} : memref<200x128xf32, #tpu.memory_space<vmem>>, vector<1x16xf32>,
        %get3A_443 = arith.index_cast %add3A_400 : i32 to index
        %get3A_444 = arith.constant 48 : index
        %get3A_445 = tpu.vector_load %arg16[%get3A_443, %get3A_444] {strides = array<i32>} : memref<200x128xf32, #tpu.memory_space<vmem>>, vector<1x16xf32>,
        %get3A_446 = vector.shape_cast %get3A_445 : vector<1x16xf32> to vector<16xf32>
        %get3A_447 = arith.index_cast %add3A_400 : i32 to index
        %get3A_448 = arith.constant 48 : index
        %get3A_449 = tpu.vector_load %arg17[%get3A_447, %get3A_448] {strides = array<i32>} : memref<200x128xf32, #tpu.memory_space<vmem>>, vector<1x16xf32>,
        %get3A_450 = vector.shape_cast %get3A_449 : vector<1x16xf32> to vector<16xf32>
        %add3A_451 = arith.addf %get3A_446, %get3A_450 : vector<16xf32>
        %swap3A_452 = arith.index_cast %add3A_400 : i32 to index
        %swap3A_453 = arith.constant 48 : index
        %swap3A_454 = tpu.vector_load %arg16[%swap3A_452, %swap3A_453] {strides = array<i32>} : memref<200x128xf32, #tpu.memory_space<vmem>>, vector<1x16xf32>,
        %swap3A_455 = vector.shape_cast %swap3A_454 : vector<1x16xf32> to vector<16xf32>
        %swap3A_456 = vector.shape_cast %add3A_451 : vector<16xf32> to vector<1x16xf32>
        tpu.vector_store %arg16[%swap3A_452, %swap3A_453], %swap3A_456 {strides = array<i32>} : memref<200x128xf32, #tpu.memory_space<vmem>>, vector<1x16xf32>,
        %get3A_457 = arith.index_cast %add3A_400 : i32 to index
        %get3A_458 = arith.constant 64 : index
        %get3A_459 = tpu.vector_load %arg16[%get3A_457, %get3A_458] {strides = array<i32>} : memref<200x128xf32, #tpu.memory_space<vmem>>, vector<1x16xf32>,
        %get3A_460 = vector.shape_cast %get3A_459 : vector<1x16xf32> to vector<16xf32>
        %get3A_461 = arith.index_cast %add3A_400 : i32 to index
        %get3A_462 = arith.constant 64 : index
        %get3A_463 = tpu.vector_load %arg17[%get3A_461, %get3A_462] {strides = array<i32>} : memref<200x128xf32, #tpu.memory_space<vmem>>, vector<1x16xf32>,
        %get3A_464 = vector.shape_cast %get3A_463 : vector<1x16xf32> to vector<16xf32>
        %add3A_465 = arith.addf %get3A_460, %get3A_464 : vector<16xf32>
        %swap3A_466 = arith.index_cast %add3A_400 : i32 to index
        %swap3A_467 = arith.constant 64 : index
        %swap3A_468 = tpu.vector_load %arg16[%swap3A_466, %swap3A_467] {strides = array<i32>} : memref<200x128xf32, #tpu.memory_space<vmem>>, vector<1x16xf32>,
        %swap3A_469 = vector.shape_cast %swap3A_468 : vector<1x16xf32> to vector<16xf32>
        %swap3A_470 = vector.shape_cast %add3A_465 : vector<16xf32> to vector<1x16xf32>
        tpu.vector_store %arg16[%swap3A_466, %swap3A_467], %swap3A_470 {strides = array<i32>} : memref<200x128xf32, #tpu.memory_space<vmem>>, vector<1x16xf32>,
        %get3A_471 = arith.index_cast %add3A_400 : i32 to index
        %get3A_472 = arith.constant 80 : index
        %get3A_473 = tpu.vector_load %arg16[%get3A_471, %get3A_472] {strides = array<i32>} : memref<200x128xf32, #tpu.memory_space<vmem>>, vector<1x16xf32>,
        %get3A_474 = vector.shape_cast %get3A_473 : vector<1x16xf32> to vector<16xf32>
        %get3A_475 = arith.index_cast %add3A_400 : i32 to index
        %get3A_476 = arith.constant 80 : index
        %get3A_477 = tpu.vector_load %arg17[%get3A_475, %get3A_476] {strides = array<i32>} : memref<200x128xf32, #tpu.memory_space<vmem>>, vector<1x16xf32>,
        %get3A_478 = vector.shape_cast %get3A_477 : vector<1x16xf32> to vector<16xf32>
        %add3A_479 = arith.addf %get3A_474, %get3A_478 : vector<16xf32>
        %swap3A_480 = arith.index_cast %add3A_400 : i32 to index
        %swap3A_481 = arith.constant 80 : index
        %swap3A_482 = tpu.vector_load %arg16[%swap3A_480, %swap3A_481] {strides = array<i32>} : memref<200x128xf32, #tpu.memory_space<vmem>>, vector<1x16xf32>,
        %swap3A_483 = vector.shape_cast %swap3A_482 : vector<1x16xf32> to vector<16xf32>
        %swap3A_484 = vector.shape_cast %add3A_479 : vector<16xf32> to vector<1x16xf32>
        tpu.vector_store %arg16[%swap3A_480, %swap3A_481], %swap3A_484 {strides = array<i32>} : memref<200x128xf32, #tpu.memory_space<vmem>>, vector<1x16xf32>,
        %get3A_485 = arith.index_cast %add3A_400 : i32 to index
        %get3A_486 = arith.constant 96 : index
        %get3A_487 = tpu.vector_load %arg16[%get3A_485, %get3A_486] {strides = array<i32>} : memref<200x128xf32, #tpu.memory_space<vmem>>, vector<1x16xf32>,
        %get3A_488 = vector.shape_cast %get3A_487 : vector<1x16xf32> to vector<16xf32>
        %get3A_489 = arith.index_cast %add3A_400 : i32 to index
        %get3A_490 = arith.constant 96 : index
        %get3A_491 = tpu.vector_load %arg17[%get3A_489, %get3A_490] {strides = array<i32>} : memref<200x128xf32, #tpu.memory_space<vmem>>, vector<1x16xf32>,
        %get3A_492 = vector.shape_cast %get3A_491 : vector<1x16xf32> to vector<16xf32>
        %add3A_493 = arith.addf %get3A_488, %get3A_492 : vector<16xf32>
        %swap3A_494 = arith.index_cast %add3A_400 : i32 to index
        %swap3A_495 = arith.constant 96 : index
        %swap3A_496 = tpu.vector_load %arg16[%swap3A_494, %swap3A_495] {strides = array<i32>} : memref<200x128xf32, #tpu.memory_space<vmem>>, vector<1x16xf32>,
        %swap3A_497 = vector.shape_cast %swap3A_496 : vector<1x16xf32> to vector<16xf32>
        %swap3A_498 = vector.shape_cast %add3A_493 : vector<16xf32> to vector<1x16xf32>
        tpu.vector_store %arg16[%swap3A_494, %swap3A_495], %swap3A_498 {strides = array<i32>} : memref<200x128xf32, #tpu.memory_space<vmem>>, vector<1x16xf32>,
        %get3A_499 = arith.index_cast %add3A_400 : i32 to index
        %get3A_500 = arith.constant 112 : index
        %get3A_501 = tpu.vector_load %arg16[%get3A_499, %get3A_500] {strides = array<i32>} : memref<200x128xf32, #tpu.memory_space<vmem>>, vector<1x16xf32>,
        %get3A_502 = vector.shape_cast %get3A_501 : vector<1x16xf32> to vector<16xf32>
        %get3A_503 = arith.index_cast %add3A_400 : i32 to index
        %get3A_504 = arith.constant 112 : index
        %get3A_505 = tpu.vector_load %arg17[%get3A_503, %get3A_504] {strides = array<i32>} : memref<200x128xf32, #tpu.memory_space<vmem>>, vector<1x16xf32>,
        %get3A_506 = vector.shape_cast %get3A_505 : vector<1x16xf32> to vector<16xf32>
        %add3A_507 = arith.addf %get3A_502, %get3A_506 : vector<16xf32>
        %swap3A_508 = arith.index_cast %add3A_400 : i32 to index
        %swap3A_509 = arith.constant 112 : index
        %swap3A_510 = tpu.vector_load %arg16[%swap3A_508, %swap3A_509] {strides = array<i32>} : memref<200x128xf32, #tpu.memory_space<vmem>>, vector<1x16xf32>,
        %swap3A_511 = vector.shape_cast %swap3A_510 : vector<1x16xf32> to vector<16xf32>
        %swap3A_512 = vector.shape_cast %add3A_507 : vector<16xf32> to vector<1x16xf32>
        tpu.vector_store %arg16[%swap3A_508, %swap3A_509], %swap3A_512 {strides = array<i32>} : memref<200x128xf32, #tpu.memory_space<vmem>>, vector<1x16xf32>,
      }
      %scan3A_273 = arith.constant 100 : i32
      %mul3A_274 = arith.constant 200 : i32
      %mul3A_275 = arith.muli %add3A_235, %mul3A_274 : i32
      %add3A_276 = arith.addi %mul3A_2, %mul3A_275 : i32
      %multiple_of3A_277 = tpu.assume_multiple %add3A_276, 8 : i32
      %dma_start3A_278 = arith.constant 0 : i32
      %dma_start3A_279 = tpu.memref_slice %arg7[%multiple_of3A_277, %dma_start3A_278] : memref<198400x128xf32, #tpu.memory_space<hbm>> -> memref<200x128xf32, #tpu.memory_space<hbm>>
      %dma_start3A_280 = arith.constant 0 : i32
      %dma_start3A_281 = tpu.memref_slice %arg7[%multiple_of3A_277, %dma_start3A_280] : memref<198400x128xf32, #tpu.memory_space<hbm>> -> memref<200x128xf32, #tpu.memory_space<hbm>>
      tpu.enqueue_dma source(%arg16 : memref<200x128xf32, #tpu.memory_space<vmem>>) target(%dma_start3A_281 : memref<200x128xf32, #tpu.memory_space<hbm>>) target_semaphore(%arg22 : memref<!tpu.dma_semaphore, #tpu.memory_space<semaphore_mem>>)
    }
    %scan3A_44 = arith.constant 15 : i32
    %dma_wait3A = arith.constant 0 : i32
    %dma_wait3A_45 = arith.constant 0 : i32
    %dma_wait3A_46 = tpu.memref_slice %arg14[%dma_wait3A, %dma_wait3A_45] : memref<200x128xf32, #tpu.memory_space<vmem>> -> memref<104x128xf32, #tpu.memory_space<vmem>>
    %dma_wait3A_47 = arith.constant 0 : i32
    %dma_wait3A_48 = tpu.memref_slice %arg10[%dma_wait3A_47] : memref<200xi32, #tpu.memory_space<vmem>> -> memref<104xi32, #tpu.memory_space<vmem>>
    %dma_wait3A_49 = arith.constant 0 : i32
    %dma_wait3A_50 = arith.constant 0 : i32
    %dma_wait3A_51 = tpu.memref_slice %arg2[%dma_wait3A_49, %dma_wait3A_50] : memref<10000x128xf32, #tpu.memory_space<hbm>> -> memref<10000x128xf32, #tpu.memory_space<hbm>>
    tpu.wait_indirect_dma semaphore(%arg19 : memref<!tpu.dma_semaphore, #tpu.memory_space<semaphore_mem>>) src(%dma_wait3A_51 : memref<10000x128xf32, #tpu.memory_space<hbm>>) dst(%dma_wait3A_46 : memref<104x128xf32, #tpu.memory_space<vmem>>)
    %dma_wait3A_52 = arith.constant 0 : i32
    %dma_wait3A_53 = arith.constant 0 : i32
    %dma_wait3A_54 = tpu.memref_slice %arg15[%dma_wait3A_52, %dma_wait3A_53] : memref<200x128xf32, #tpu.memory_space<vmem>> -> memref<104x128xf32, #tpu.memory_space<vmem>>
    %dma_wait3A_55 = arith.constant 0 : i32
    %dma_wait3A_56 = tpu.memref_slice %arg11[%dma_wait3A_55] : memref<200xi32, #tpu.memory_space<vmem>> -> memref<104xi32, #tpu.memory_space<vmem>>
    %dma_wait3A_57 = arith.constant 0 : i32
    %dma_wait3A_58 = arith.constant 0 : i32
    %dma_wait3A_59 = tpu.memref_slice %arg2[%dma_wait3A_57, %dma_wait3A_58] : memref<10000x128xf32, #tpu.memory_space<hbm>> -> memref<10000x128xf32, #tpu.memory_space<hbm>>
    tpu.wait_indirect_dma semaphore(%arg19 : memref<!tpu.dma_semaphore, #tpu.memory_space<semaphore_mem>>) src(%dma_wait3A_59 : memref<10000x128xf32, #tpu.memory_space<hbm>>) dst(%dma_wait3A_54 : memref<104x128xf32, #tpu.memory_space<vmem>>)
    %dma_wait3A_60 = arith.constant 104 : i32
    %dma_wait3A_61 = arith.constant 0 : i32
    %dma_wait3A_62 = tpu.memref_slice %arg14[%dma_wait3A_60, %dma_wait3A_61] : memref<200x128xf32, #tpu.memory_space<vmem>> -> memref<96x128xf32, #tpu.memory_space<vmem>>
    %dma_wait3A_63 = arith.constant 104 : i32
    %dma_wait3A_64 = tpu.memref_slice %arg10[%dma_wait3A_63] : memref<200xi32, #tpu.memory_space<vmem>> -> memref<96xi32, #tpu.memory_space<vmem>>
    %dma_wait3A_65 = arith.constant 0 : i32
    %dma_wait3A_66 = arith.constant 0 : i32
    %dma_wait3A_67 = tpu.memref_slice %arg2[%dma_wait3A_65, %dma_wait3A_66] : memref<10000x128xf32, #tpu.memory_space<hbm>> -> memref<10000x128xf32, #tpu.memory_space<hbm>>
    tpu.wait_indirect_dma semaphore(%arg19 : memref<!tpu.dma_semaphore, #tpu.memory_space<semaphore_mem>>) src(%dma_wait3A_67 : memref<10000x128xf32, #tpu.memory_space<hbm>>) dst(%dma_wait3A_62 : memref<96x128xf32, #tpu.memory_space<vmem>>)
    %dma_wait3A_68 = arith.constant 104 : i32
    %dma_wait3A_69 = arith.constant 0 : i32
    %dma_wait3A_70 = tpu.memref_slice %arg15[%dma_wait3A_68, %dma_wait3A_69] : memref<200x128xf32, #tpu.memory_space<vmem>> -> memref<96x128xf32, #tpu.memory_space<vmem>>
    %dma_wait3A_71 = arith.constant 104 : i32
    %dma_wait3A_72 = tpu.memref_slice %arg11[%dma_wait3A_71] : memref<200xi32, #tpu.memory_space<vmem>> -> memref<96xi32, #tpu.memory_space<vmem>>
    %dma_wait3A_73 = arith.constant 0 : i32
    %dma_wait3A_74 = arith.constant 0 : i32
    %dma_wait3A_75 = tpu.memref_slice %arg2[%dma_wait3A_73, %dma_wait3A_74] : memref<10000x128xf32, #tpu.memory_space<hbm>> -> memref<10000x128xf32, #tpu.memory_space<hbm>>
    tpu.wait_indirect_dma semaphore(%arg19 : memref<!tpu.dma_semaphore, #tpu.memory_space<semaphore_mem>>) src(%dma_wait3A_75 : memref<10000x128xf32, #tpu.memory_space<hbm>>) dst(%dma_wait3A_70 : memref<96x128xf32, #tpu.memory_space<vmem>>)
    %scan3A_76 = arith.constant 0 : i32
    %scan3A_77 = arith.constant 0 : i32
    %scan3A_78 = arith.constant 100 : i32
    %scan3A_79 = arith.addi %scan3A_77, %scan3A_78 : i32
    %scan3A_80 = arith.constant 1 : i32
    scf.for %scan3A_97 = %scan3A_77 to %scan3A_79 step %scan3A_80  : i32 {
      %mul3A_98 = arith.constant 2 : i32
      %mul3A_99 = arith.muli %scan3A_97, %mul3A_98 : i32
      %add3A_100 = arith.constant 0 : i32
      %add3A_101 = arith.addi %mul3A_99, %add3A_100 : i32
      %get3A = arith.index_cast %add3A_101 : i32 to index
      %get3A_102 = arith.constant 0 : index
      %get3A_103 = tpu.vector_load %arg14[%get3A, %get3A_102] {strides = array<i32>} : memref<200x128xf32, #tpu.memory_space<vmem>>, vector<1x16xf32>,
      %get3A_104 = vector.shape_cast %get3A_103 : vector<1x16xf32> to vector<16xf32>
      %get3A_105 = arith.index_cast %add3A_101 : i32 to index
      %get3A_106 = arith.constant 0 : index
      %get3A_107 = tpu.vector_load %arg15[%get3A_105, %get3A_106] {strides = array<i32>} : memref<200x128xf32, #tpu.memory_space<vmem>>, vector<1x16xf32>,
      %get3A_108 = vector.shape_cast %get3A_107 : vector<1x16xf32> to vector<16xf32>
      %add3A_109 = arith.addf %get3A_104, %get3A_108 : vector<16xf32>
      %swap3A = arith.index_cast %add3A_101 : i32 to index
      %swap3A_110 = arith.constant 0 : index
      %swap3A_111 = tpu.vector_load %arg14[%swap3A, %swap3A_110] {strides = array<i32>} : memref<200x128xf32, #tpu.memory_space<vmem>>, vector<1x16xf32>,
      %swap3A_112 = vector.shape_cast %swap3A_111 : vector<1x16xf32> to vector<16xf32>
      %swap3A_113 = vector.shape_cast %add3A_109 : vector<16xf32> to vector<1x16xf32>
      tpu.vector_store %arg14[%swap3A, %swap3A_110], %swap3A_113 {strides = array<i32>} : memref<200x128xf32, #tpu.memory_space<vmem>>, vector<1x16xf32>,
      %get3A_114 = arith.index_cast %add3A_101 : i32 to index
      %get3A_115 = arith.constant 16 : index
      %get3A_116 = tpu.vector_load %arg14[%get3A_114, %get3A_115] {strides = array<i32>} : memref<200x128xf32, #tpu.memory_space<vmem>>, vector<1x16xf32>,
      %get3A_117 = vector.shape_cast %get3A_116 : vector<1x16xf32> to vector<16xf32>
      %get3A_118 = arith.index_cast %add3A_101 : i32 to index
      %get3A_119 = arith.constant 16 : index
      %get3A_120 = tpu.vector_load %arg15[%get3A_118, %get3A_119] {strides = array<i32>} : memref<200x128xf32, #tpu.memory_space<vmem>>, vector<1x16xf32>,
      %get3A_121 = vector.shape_cast %get3A_120 : vector<1x16xf32> to vector<16xf32>
      %add3A_122 = arith.addf %get3A_117, %get3A_121 : vector<16xf32>
      %swap3A_123 = arith.index_cast %add3A_101 : i32 to index
      %swap3A_124 = arith.constant 16 : index
      %swap3A_125 = tpu.vector_load %arg14[%swap3A_123, %swap3A_124] {strides = array<i32>} : memref<200x128xf32, #tpu.memory_space<vmem>>, vector<1x16xf32>,
      %swap3A_126 = vector.shape_cast %swap3A_125 : vector<1x16xf32> to vector<16xf32>
      %swap3A_127 = vector.shape_cast %add3A_122 : vector<16xf32> to vector<1x16xf32>
      tpu.vector_store %arg14[%swap3A_123, %swap3A_124], %swap3A_127 {strides = array<i32>} : memref<200x128xf32, #tpu.memory_space<vmem>>, vector<1x16xf32>,
      %get3A_128 = arith.index_cast %add3A_101 : i32 to index
      %get3A_129 = arith.constant 32 : index
      %get3A_130 = tpu.vector_load %arg14[%get3A_128, %get3A_129] {strides = array<i32>} : memref<200x128xf32, #tpu.memory_space<vmem>>, vector<1x16xf32>,
      %get3A_131 = vector.shape_cast %get3A_130 : vector<1x16xf32> to vector<16xf32>
      %get3A_132 = arith.index_cast %add3A_101 : i32 to index
      %get3A_133 = arith.constant 32 : index
      %get3A_134 = tpu.vector_load %arg15[%get3A_132, %get3A_133] {strides = array<i32>} : memref<200x128xf32, #tpu.memory_space<vmem>>, vector<1x16xf32>,
      %get3A_135 = vector.shape_cast %get3A_134 : vector<1x16xf32> to vector<16xf32>
      %add3A_136 = arith.addf %get3A_131, %get3A_135 : vector<16xf32>
      %swap3A_137 = arith.index_cast %add3A_101 : i32 to index
      %swap3A_138 = arith.constant 32 : index
      %swap3A_139 = tpu.vector_load %arg14[%swap3A_137, %swap3A_138] {strides = array<i32>} : memref<200x128xf32, #tpu.memory_space<vmem>>, vector<1x16xf32>,
      %swap3A_140 = vector.shape_cast %swap3A_139 : vector<1x16xf32> to vector<16xf32>
      %swap3A_141 = vector.shape_cast %add3A_136 : vector<16xf32> to vector<1x16xf32>
      tpu.vector_store %arg14[%swap3A_137, %swap3A_138], %swap3A_141 {strides = array<i32>} : memref<200x128xf32, #tpu.memory_space<vmem>>, vector<1x16xf32>,
      %get3A_142 = arith.index_cast %add3A_101 : i32 to index
      %get3A_143 = arith.constant 48 : index
      %get3A_144 = tpu.vector_load %arg14[%get3A_142, %get3A_143] {strides = array<i32>} : memref<200x128xf32, #tpu.memory_space<vmem>>, vector<1x16xf32>,
      %get3A_145 = vector.shape_cast %get3A_144 : vector<1x16xf32> to vector<16xf32>
      %get3A_146 = arith.index_cast %add3A_101 : i32 to index
      %get3A_147 = arith.constant 48 : index
      %get3A_148 = tpu.vector_load %arg15[%get3A_146, %get3A_147] {strides = array<i32>} : memref<200x128xf32, #tpu.memory_space<vmem>>, vector<1x16xf32>,
      %get3A_149 = vector.shape_cast %get3A_148 : vector<1x16xf32> to vector<16xf32>
      %add3A_150 = arith.addf %get3A_145, %get3A_149 : vector<16xf32>
      %swap3A_151 = arith.index_cast %add3A_101 : i32 to index
      %swap3A_152 = arith.constant 48 : index
      %swap3A_153 = tpu.vector_load %arg14[%swap3A_151, %swap3A_152] {strides = array<i32>} : memref<200x128xf32, #tpu.memory_space<vmem>>, vector<1x16xf32>,
      %swap3A_154 = vector.shape_cast %swap3A_153 : vector<1x16xf32> to vector<16xf32>
      %swap3A_155 = vector.shape_cast %add3A_150 : vector<16xf32> to vector<1x16xf32>
      tpu.vector_store %arg14[%swap3A_151, %swap3A_152], %swap3A_155 {strides = array<i32>} : memref<200x128xf32, #tpu.memory_space<vmem>>, vector<1x16xf32>,
      %get3A_156 = arith.index_cast %add3A_101 : i32 to index
      %get3A_157 = arith.constant 64 : index
      %get3A_158 = tpu.vector_load %arg14[%get3A_156, %get3A_157] {strides = array<i32>} : memref<200x128xf32, #tpu.memory_space<vmem>>, vector<1x16xf32>,
      %get3A_159 = vector.shape_cast %get3A_158 : vector<1x16xf32> to vector<16xf32>
      %get3A_160 = arith.index_cast %add3A_101 : i32 to index
      %get3A_161 = arith.constant 64 : index
      %get3A_162 = tpu.vector_load %arg15[%get3A_160, %get3A_161] {strides = array<i32>} : memref<200x128xf32, #tpu.memory_space<vmem>>, vector<1x16xf32>,
      %get3A_163 = vector.shape_cast %get3A_162 : vector<1x16xf32> to vector<16xf32>
      %add3A_164 = arith.addf %get3A_159, %get3A_163 : vector<16xf32>
      %swap3A_165 = arith.index_cast %add3A_101 : i32 to index
      %swap3A_166 = arith.constant 64 : index
      %swap3A_167 = tpu.vector_load %arg14[%swap3A_165, %swap3A_166] {strides = array<i32>} : memref<200x128xf32, #tpu.memory_space<vmem>>, vector<1x16xf32>,
      %swap3A_168 = vector.shape_cast %swap3A_167 : vector<1x16xf32> to vector<16xf32>
      %swap3A_169 = vector.shape_cast %add3A_164 : vector<16xf32> to vector<1x16xf32>
      tpu.vector_store %arg14[%swap3A_165, %swap3A_166], %swap3A_169 {strides = array<i32>} : memref<200x128xf32, #tpu.memory_space<vmem>>, vector<1x16xf32>,
      %get3A_170 = arith.index_cast %add3A_101 : i32 to index
      %get3A_171 = arith.constant 80 : index
      %get3A_172 = tpu.vector_load %arg14[%get3A_170, %get3A_171] {strides = array<i32>} : memref<200x128xf32, #tpu.memory_space<vmem>>, vector<1x16xf32>,
      %get3A_173 = vector.shape_cast %get3A_172 : vector<1x16xf32> to vector<16xf32>
      %get3A_174 = arith.index_cast %add3A_101 : i32 to index
      %get3A_175 = arith.constant 80 : index
      %get3A_176 = tpu.vector_load %arg15[%get3A_174, %get3A_175] {strides = array<i32>} : memref<200x128xf32, #tpu.memory_space<vmem>>, vector<1x16xf32>,
      %get3A_177 = vector.shape_cast %get3A_176 : vector<1x16xf32> to vector<16xf32>
      %add3A_178 = arith.addf %get3A_173, %get3A_177 : vector<16xf32>
      %swap3A_179 = arith.index_cast %add3A_101 : i32 to index
      %swap3A_180 = arith.constant 80 : index
      %swap3A_181 = tpu.vector_load %arg14[%swap3A_179, %swap3A_180] {strides = array<i32>} : memref<200x128xf32, #tpu.memory_space<vmem>>, vector<1x16xf32>,
      %swap3A_182 = vector.shape_cast %swap3A_181 : vector<1x16xf32> to vector<16xf32>
      %swap3A_183 = vector.shape_cast %add3A_178 : vector<16xf32> to vector<1x16xf32>
      tpu.vector_store %arg14[%swap3A_179, %swap3A_180], %swap3A_183 {strides = array<i32>} : memref<200x128xf32, #tpu.memory_space<vmem>>, vector<1x16xf32>,
      %get3A_184 = arith.index_cast %add3A_101 : i32 to index
      %get3A_185 = arith.constant 96 : index
      %get3A_186 = tpu.vector_load %arg14[%get3A_184, %get3A_185] {strides = array<i32>} : memref<200x128xf32, #tpu.memory_space<vmem>>, vector<1x16xf32>,
      %get3A_187 = vector.shape_cast %get3A_186 : vector<1x16xf32> to vector<16xf32>
      %get3A_188 = arith.index_cast %add3A_101 : i32 to index
      %get3A_189 = arith.constant 96 : index
      %get3A_190 = tpu.vector_load %arg15[%get3A_188, %get3A_189] {strides = array<i32>} : memref<200x128xf32, #tpu.memory_space<vmem>>, vector<1x16xf32>,
      %get3A_191 = vector.shape_cast %get3A_190 : vector<1x16xf32> to vector<16xf32>
      %add3A_192 = arith.addf %get3A_187, %get3A_191 : vector<16xf32>
      %swap3A_193 = arith.index_cast %add3A_101 : i32 to index
      %swap3A_194 = arith.constant 96 : index
      %swap3A_195 = tpu.vector_load %arg14[%swap3A_193, %swap3A_194] {strides = array<i32>} : memref<200x128xf32, #tpu.memory_space<vmem>>, vector<1x16xf32>,
      %swap3A_196 = vector.shape_cast %swap3A_195 : vector<1x16xf32> to vector<16xf32>
      %swap3A_197 = vector.shape_cast %add3A_192 : vector<16xf32> to vector<1x16xf32>
      tpu.vector_store %arg14[%swap3A_193, %swap3A_194], %swap3A_197 {strides = array<i32>} : memref<200x128xf32, #tpu.memory_space<vmem>>, vector<1x16xf32>,
      %get3A_198 = arith.index_cast %add3A_101 : i32 to index
      %get3A_199 = arith.constant 112 : index
      %get3A_200 = tpu.vector_load %arg14[%get3A_198, %get3A_199] {strides = array<i32>} : memref<200x128xf32, #tpu.memory_space<vmem>>, vector<1x16xf32>,
      %get3A_201 = vector.shape_cast %get3A_200 : vector<1x16xf32> to vector<16xf32>
      %get3A_202 = arith.index_cast %add3A_101 : i32 to index
      %get3A_203 = arith.constant 112 : index
      %get3A_204 = tpu.vector_load %arg15[%get3A_202, %get3A_203] {strides = array<i32>} : memref<200x128xf32, #tpu.memory_space<vmem>>, vector<1x16xf32>,
      %get3A_205 = vector.shape_cast %get3A_204 : vector<1x16xf32> to vector<16xf32>
      %add3A_206 = arith.addf %get3A_201, %get3A_205 : vector<16xf32>
      %swap3A_207 = arith.index_cast %add3A_101 : i32 to index
      %swap3A_208 = arith.constant 112 : index
      %swap3A_209 = tpu.vector_load %arg14[%swap3A_207, %swap3A_208] {strides = array<i32>} : memref<200x128xf32, #tpu.memory_space<vmem>>, vector<1x16xf32>,
      %swap3A_210 = vector.shape_cast %swap3A_209 : vector<1x16xf32> to vector<16xf32>
      %swap3A_211 = vector.shape_cast %add3A_206 : vector<16xf32> to vector<1x16xf32>
      tpu.vector_store %arg14[%swap3A_207, %swap3A_208], %swap3A_211 {strides = array<i32>} : memref<200x128xf32, #tpu.memory_space<vmem>>, vector<1x16xf32>,
      %mul3A_212 = arith.constant 2 : i32
      %mul3A_213 = arith.muli %scan3A_97, %mul3A_212 : i32
      %add3A_214 = arith.constant 1 : i32
      %add3A_215 = arith.addi %mul3A_213, %add3A_214 : i32
      %get3A_216 = arith.index_cast %add3A_215 : i32 to index
      %get3A_217 = arith.constant 0 : index
      %get3A_218 = tpu.vector_load %arg14[%get3A_216, %get3A_217] {strides = array<i32>} : memref<200x128xf32, #tpu.memory_space<vmem>>, vector<1x16xf32>,
      %get3A_219 = vector.shape_cast %get3A_218 : vector<1x16xf32> to vector<16xf32>
      %get3A_220 = arith.index_cast %add3A_215 : i32 to index
      %get3A_221 = arith.constant 0 : index
      %get3A_222 = tpu.vector_load %arg15[%get3A_220, %get3A_221] {strides = array<i32>} : memref<200x128xf32, #tpu.memory_space<vmem>>, vector<1x16xf32>,
      %get3A_223 = vector.shape_cast %get3A_222 : vector<1x16xf32> to vector<16xf32>
      %add3A_224 = arith.addf %get3A_219, %get3A_223 : vector<16xf32>
      %swap3A_225 = arith.index_cast %add3A_215 : i32 to index
      %swap3A_226 = arith.constant 0 : index
      %swap3A_227 = tpu.vector_load %arg14[%swap3A_225, %swap3A_226] {strides = array<i32>} : memref<200x128xf32, #tpu.memory_space<vmem>>, vector<1x16xf32>,
      %swap3A_228 = vector.shape_cast %swap3A_227 : vector<1x16xf32> to vector<16xf32>
      %swap3A_229 = vector.shape_cast %add3A_224 : vector<16xf32> to vector<1x16xf32>
      tpu.vector_store %arg14[%swap3A_225, %swap3A_226], %swap3A_229 {strides = array<i32>} : memref<200x128xf32, #tpu.memory_space<vmem>>, vector<1x16xf32>,
      %get3A_230 = arith.index_cast %add3A_215 : i32 to index
      %get3A_231 = arith.constant 16 : index
      %get3A_232 = tpu.vector_load %arg14[%get3A_230, %get3A_231] {strides = array<i32>} : memref<200x128xf32, #tpu.memory_space<vmem>>, vector<1x16xf32>,
      %get3A_233 = vector.shape_cast %get3A_232 : vector<1x16xf32> to vector<16xf32>
      %get3A_234 = arith.index_cast %add3A_215 : i32 to index
      %get3A_235 = arith.constant 16 : index
      %get3A_236 = tpu.vector_load %arg15[%get3A_234, %get3A_235] {strides = array<i32>} : memref<200x128xf32, #tpu.memory_space<vmem>>, vector<1x16xf32>,
      %get3A_237 = vector.shape_cast %get3A_236 : vector<1x16xf32> to vector<16xf32>
      %add3A_238 = arith.addf %get3A_233, %get3A_237 : vector<16xf32>
      %swap3A_239 = arith.index_cast %add3A_215 : i32 to index
      %swap3A_240 = arith.constant 16 : index
      %swap3A_241 = tpu.vector_load %arg14[%swap3A_239, %swap3A_240] {strides = array<i32>} : memref<200x128xf32, #tpu.memory_space<vmem>>, vector<1x16xf32>,
      %swap3A_242 = vector.shape_cast %swap3A_241 : vector<1x16xf32> to vector<16xf32>
      %swap3A_243 = vector.shape_cast %add3A_238 : vector<16xf32> to vector<1x16xf32>
      tpu.vector_store %arg14[%swap3A_239, %swap3A_240], %swap3A_243 {strides = array<i32>} : memref<200x128xf32, #tpu.memory_space<vmem>>, vector<1x16xf32>,
      %get3A_244 = arith.index_cast %add3A_215 : i32 to index
      %get3A_245 = arith.constant 32 : index
      %get3A_246 = tpu.vector_load %arg14[%get3A_244, %get3A_245] {strides = array<i32>} : memref<200x128xf32, #tpu.memory_space<vmem>>, vector<1x16xf32>,
      %get3A_247 = vector.shape_cast %get3A_246 : vector<1x16xf32> to vector<16xf32>
      %get3A_248 = arith.index_cast %add3A_215 : i32 to index
      %get3A_249 = arith.constant 32 : index
      %get3A_250 = tpu.vector_load %arg15[%get3A_248, %get3A_249] {strides = array<i32>} : memref<200x128xf32, #tpu.memory_space<vmem>>, vector<1x16xf32>,
      %get3A_251 = vector.shape_cast %get3A_250 : vector<1x16xf32> to vector<16xf32>
      %add3A_252 = arith.addf %get3A_247, %get3A_251 : vector<16xf32>
      %swap3A_253 = arith.index_cast %add3A_215 : i32 to index
      %swap3A_254 = arith.constant 32 : index
      %swap3A_255 = tpu.vector_load %arg14[%swap3A_253, %swap3A_254] {strides = array<i32>} : memref<200x128xf32, #tpu.memory_space<vmem>>, vector<1x16xf32>,
      %swap3A_256 = vector.shape_cast %swap3A_255 : vector<1x16xf32> to vector<16xf32>
      %swap3A_257 = vector.shape_cast %add3A_252 : vector<16xf32> to vector<1x16xf32>
      tpu.vector_store %arg14[%swap3A_253, %swap3A_254], %swap3A_257 {strides = array<i32>} : memref<200x128xf32, #tpu.memory_space<vmem>>, vector<1x16xf32>,
      %get3A_258 = arith.index_cast %add3A_215 : i32 to index
      %get3A_259 = arith.constant 48 : index
      %get3A_260 = tpu.vector_load %arg14[%get3A_258, %get3A_259] {strides = array<i32>} : memref<200x128xf32, #tpu.memory_space<vmem>>, vector<1x16xf32>,
      %get3A_261 = vector.shape_cast %get3A_260 : vector<1x16xf32> to vector<16xf32>
      %get3A_262 = arith.index_cast %add3A_215 : i32 to index
      %get3A_263 = arith.constant 48 : index
      %get3A_264 = tpu.vector_load %arg15[%get3A_262, %get3A_263] {strides = array<i32>} : memref<200x128xf32, #tpu.memory_space<vmem>>, vector<1x16xf32>,
      %get3A_265 = vector.shape_cast %get3A_264 : vector<1x16xf32> to vector<16xf32>
      %add3A_266 = arith.addf %get3A_261, %get3A_265 : vector<16xf32>
      %swap3A_267 = arith.index_cast %add3A_215 : i32 to index
      %swap3A_268 = arith.constant 48 : index
      %swap3A_269 = tpu.vector_load %arg14[%swap3A_267, %swap3A_268] {strides = array<i32>} : memref<200x128xf32, #tpu.memory_space<vmem>>, vector<1x16xf32>,
      %swap3A_270 = vector.shape_cast %swap3A_269 : vector<1x16xf32> to vector<16xf32>
      %swap3A_271 = vector.shape_cast %add3A_266 : vector<16xf32> to vector<1x16xf32>
      tpu.vector_store %arg14[%swap3A_267, %swap3A_268], %swap3A_271 {strides = array<i32>} : memref<200x128xf32, #tpu.memory_space<vmem>>, vector<1x16xf32>,
      %get3A_272 = arith.index_cast %add3A_215 : i32 to index
      %get3A_273 = arith.constant 64 : index
      %get3A_274 = tpu.vector_load %arg14[%get3A_272, %get3A_273] {strides = array<i32>} : memref<200x128xf32, #tpu.memory_space<vmem>>, vector<1x16xf32>,
      %get3A_275 = vector.shape_cast %get3A_274 : vector<1x16xf32> to vector<16xf32>
      %get3A_276 = arith.index_cast %add3A_215 : i32 to index
      %get3A_277 = arith.constant 64 : index
      %get3A_278 = tpu.vector_load %arg15[%get3A_276, %get3A_277] {strides = array<i32>} : memref<200x128xf32, #tpu.memory_space<vmem>>, vector<1x16xf32>,
      %get3A_279 = vector.shape_cast %get3A_278 : vector<1x16xf32> to vector<16xf32>
      %add3A_280 = arith.addf %get3A_275, %get3A_279 : vector<16xf32>
      %swap3A_281 = arith.index_cast %add3A_215 : i32 to index
      %swap3A_282 = arith.constant 64 : index
      %swap3A_283 = tpu.vector_load %arg14[%swap3A_281, %swap3A_282] {strides = array<i32>} : memref<200x128xf32, #tpu.memory_space<vmem>>, vector<1x16xf32>,
      %swap3A_284 = vector.shape_cast %swap3A_283 : vector<1x16xf32> to vector<16xf32>
      %swap3A_285 = vector.shape_cast %add3A_280 : vector<16xf32> to vector<1x16xf32>
      tpu.vector_store %arg14[%swap3A_281, %swap3A_282], %swap3A_285 {strides = array<i32>} : memref<200x128xf32, #tpu.memory_space<vmem>>, vector<1x16xf32>,
      %get3A_286 = arith.index_cast %add3A_215 : i32 to index
      %get3A_287 = arith.constant 80 : index
      %get3A_288 = tpu.vector_load %arg14[%get3A_286, %get3A_287] {strides = array<i32>} : memref<200x128xf32, #tpu.memory_space<vmem>>, vector<1x16xf32>,
      %get3A_289 = vector.shape_cast %get3A_288 : vector<1x16xf32> to vector<16xf32>
      %get3A_290 = arith.index_cast %add3A_215 : i32 to index
      %get3A_291 = arith.constant 80 : index
      %get3A_292 = tpu.vector_load %arg15[%get3A_290, %get3A_291] {strides = array<i32>} : memref<200x128xf32, #tpu.memory_space<vmem>>, vector<1x16xf32>,
      %get3A_293 = vector.shape_cast %get3A_292 : vector<1x16xf32> to vector<16xf32>
      %add3A_294 = arith.addf %get3A_289, %get3A_293 : vector<16xf32>
      %swap3A_295 = arith.index_cast %add3A_215 : i32 to index
      %swap3A_296 = arith.constant 80 : index
      %swap3A_297 = tpu.vector_load %arg14[%swap3A_295, %swap3A_296] {strides = array<i32>} : memref<200x128xf32, #tpu.memory_space<vmem>>, vector<1x16xf32>,
      %swap3A_298 = vector.shape_cast %swap3A_297 : vector<1x16xf32> to vector<16xf32>
      %swap3A_299 = vector.shape_cast %add3A_294 : vector<16xf32> to vector<1x16xf32>
      tpu.vector_store %arg14[%swap3A_295, %swap3A_296], %swap3A_299 {strides = array<i32>} : memref<200x128xf32, #tpu.memory_space<vmem>>, vector<1x16xf32>,
      %get3A_300 = arith.index_cast %add3A_215 : i32 to index
      %get3A_301 = arith.constant 96 : index
      %get3A_302 = tpu.vector_load %arg14[%get3A_300, %get3A_301] {strides = array<i32>} : memref<200x128xf32, #tpu.memory_space<vmem>>, vector<1x16xf32>,
      %get3A_303 = vector.shape_cast %get3A_302 : vector<1x16xf32> to vector<16xf32>
      %get3A_304 = arith.index_cast %add3A_215 : i32 to index
      %get3A_305 = arith.constant 96 : index
      %get3A_306 = tpu.vector_load %arg15[%get3A_304, %get3A_305] {strides = array<i32>} : memref<200x128xf32, #tpu.memory_space<vmem>>, vector<1x16xf32>,
      %get3A_307 = vector.shape_cast %get3A_306 : vector<1x16xf32> to vector<16xf32>
      %add3A_308 = arith.addf %get3A_303, %get3A_307 : vector<16xf32>
      %swap3A_309 = arith.index_cast %add3A_215 : i32 to index
      %swap3A_310 = arith.constant 96 : index
      %swap3A_311 = tpu.vector_load %arg14[%swap3A_309, %swap3A_310] {strides = array<i32>} : memref<200x128xf32, #tpu.memory_space<vmem>>, vector<1x16xf32>,
      %swap3A_312 = vector.shape_cast %swap3A_311 : vector<1x16xf32> to vector<16xf32>
      %swap3A_313 = vector.shape_cast %add3A_308 : vector<16xf32> to vector<1x16xf32>
      tpu.vector_store %arg14[%swap3A_309, %swap3A_310], %swap3A_313 {strides = array<i32>} : memref<200x128xf32, #tpu.memory_space<vmem>>, vector<1x16xf32>,
      %get3A_314 = arith.index_cast %add3A_215 : i32 to index
      %get3A_315 = arith.constant 112 : index
      %get3A_316 = tpu.vector_load %arg14[%get3A_314, %get3A_315] {strides = array<i32>} : memref<200x128xf32, #tpu.memory_space<vmem>>, vector<1x16xf32>,
      %get3A_317 = vector.shape_cast %get3A_316 : vector<1x16xf32> to vector<16xf32>
      %get3A_318 = arith.index_cast %add3A_215 : i32 to index
      %get3A_319 = arith.constant 112 : index
      %get3A_320 = tpu.vector_load %arg15[%get3A_318, %get3A_319] {strides = array<i32>} : memref<200x128xf32, #tpu.memory_space<vmem>>, vector<1x16xf32>,
      %get3A_321 = vector.shape_cast %get3A_320 : vector<1x16xf32> to vector<16xf32>
      %add3A_322 = arith.addf %get3A_317, %get3A_321 : vector<16xf32>
      %swap3A_323 = arith.index_cast %add3A_215 : i32 to index
      %swap3A_324 = arith.constant 112 : index
      %swap3A_325 = tpu.vector_load %arg14[%swap3A_323, %swap3A_324] {strides = array<i32>} : memref<200x128xf32, #tpu.memory_space<vmem>>, vector<1x16xf32>,
      %swap3A_326 = vector.shape_cast %swap3A_325 : vector<1x16xf32> to vector<16xf32>
      %swap3A_327 = vector.shape_cast %add3A_322 : vector<16xf32> to vector<1x16xf32>
      tpu.vector_store %arg14[%swap3A_323, %swap3A_324], %swap3A_327 {strides = array<i32>} : memref<200x128xf32, #tpu.memory_space<vmem>>, vector<1x16xf32>,
    }
    %scan3A_81 = arith.constant 100 : i32
    %add3A_82 = arith.constant 6000 : i32
    %add3A_83 = arith.addi %mul3A_2, %add3A_82 : i32
    %multiple_of3A_84 = tpu.assume_multiple %add3A_83, 8 : i32
    %dma_start3A_85 = arith.constant 0 : i32
    %dma_start3A_86 = tpu.memref_slice %arg7[%multiple_of3A_84, %dma_start3A_85] : memref<198400x128xf32, #tpu.memory_space<hbm>> -> memref<200x128xf32, #tpu.memory_space<hbm>>
    %dma_start3A_87 = arith.constant 0 : i32
    %dma_start3A_88 = tpu.memref_slice %arg7[%multiple_of3A_84, %dma_start3A_87] : memref<198400x128xf32, #tpu.memory_space<hbm>> -> memref<200x128xf32, #tpu.memory_space<hbm>>
    tpu.enqueue_dma source(%arg14 : memref<200x128xf32, #tpu.memory_space<vmem>>) target(%dma_start3A_88 : memref<200x128xf32, #tpu.memory_space<hbm>>) target_semaphore(%arg21 : memref<!tpu.dma_semaphore, #tpu.memory_space<semaphore_mem>>)
    %dma_wait3A_89 = arith.constant 0 : i32
    %dma_wait3A_90 = tpu.memref_slice %arg7[%mul3A_2, %dma_wait3A_89] : memref<198400x128xf32, #tpu.memory_space<hbm>> -> memref<200x128xf32, #tpu.memory_space<hbm>>
    %dma_wait3A_91 = arith.constant 0 : i32
    %dma_wait3A_92 = tpu.memref_slice %arg7[%mul3A_2, %dma_wait3A_91] : memref<198400x128xf32, #tpu.memory_space<hbm>> -> memref<200x128xf32, #tpu.memory_space<hbm>>
    tpu.wait_dma2 semaphore(%arg21 : memref<!tpu.dma_semaphore, #tpu.memory_space<semaphore_mem>>) src(%arg14 : memref<200x128xf32, #tpu.memory_space<vmem>>) dst(%dma_wait3A_92 : memref<200x128xf32, #tpu.memory_space<hbm>>)
    %dma_wait3A_93 = arith.constant 0 : i32
    %dma_wait3A_94 = tpu.memref_slice %arg7[%mul3A_2, %dma_wait3A_93] : memref<198400x128xf32, #tpu.memory_space<hbm>> -> memref<200x128xf32, #tpu.memory_space<hbm>>
    %dma_wait3A_95 = arith.constant 0 : i32
    %dma_wait3A_96 = tpu.memref_slice %arg7[%mul3A_2, %dma_wait3A_95] : memref<198400x128xf32, #tpu.memory_space<hbm>> -> memref<200x128xf32, #tpu.memory_space<hbm>>
    tpu.wait_dma2 semaphore(%arg22 : memref<!tpu.dma_semaphore, #tpu.memory_space<semaphore_mem>>) src(%arg16 : memref<200x128xf32, #tpu.memory_space<vmem>>) dst(%dma_wait3A_96 : memref<200x128xf32, #tpu.memory_space<hbm>>)
    return
  }
}

module attributes {stable_mosaic.version = 14 : i64} {
  func.func @_tc_body(%arg0: i32, %arg1: memref<6400x128xf32, #tpu.memory_space<vmem>>, %arg2: memref<128x128xf32, #tpu.memory_space<vmem>>, %arg3: memref<128x128xf32, #tpu.memory_space<vmem>>, %arg4: memref<2x128xi32, #tpu.memory_space<vmem>>, %arg5: memref<1x6400xf32, #tpu.memory_space<vmem>>, %arg6: memref<1x6400xi32, #tpu.memory_space<vmem>>, %arg7: memref<2x6400xi32, #tpu.memory_space<vmem>>) attributes {dimension_semantics = [#tpu.dimension_semantics<arbitrary>], iteration_bounds = array<i64: 19>, scalar_prefetch = 0 : i64, scratch_operands = 0 : i64, tpu.core_type = #tpu.core_type<tc>, window_params = [{transform_indices = @transform_0, window_bounds = array<i64: 6400, 128>}, {pipeline_mode = #tpu.pipeline_mode<synchronous>, transform_indices = @transform_1, window_bounds = array<i64: 128, 128>}, {pipeline_mode = #tpu.pipeline_mode<synchronous>, transform_indices = @transform_2, window_bounds = array<i64: 128, 128>}, {pipeline_mode = #tpu.pipeline_mode<synchronous>, transform_indices = @transform_3, window_bounds = array<i64: 2, 128>}, {transform_indices = @transform_4, window_bounds = array<i64: 1, 6400>}, {transform_indices = @transform_5, window_bounds = array<i64: 1, 6400>}, {transform_indices = @transform_6, window_bounds = array<i64: 2, 6400>}]} {
    %get3A = arith.constant 0 : index
    %get3A_0 = arith.constant 0 : index
    %get3A_1 = vector.load %arg1[%get3A, %get3A_0] : memref<6400x128xf32, #tpu.memory_space<vmem>>, vector<6400x128xf32>
    %mul3A = arith.constant 5.000000e-01 : f32
    %mul3A_2 = vector.broadcast %mul3A : f32 to vector<6400x128xf32>
    %mul3A_3 = arith.mulf %get3A_1, %mul3A_2 : vector<6400x128xf32>
    %get3A_4 = arith.constant 0 : index
    %get3A_5 = arith.constant 0 : index
    %get3A_6 = vector.load %arg2[%get3A_4, %get3A_5] : memref<128x128xf32, #tpu.memory_space<vmem>>, vector<128x128xf32>
    %get3A_7 = arith.constant 0 : index
    %get3A_8 = arith.constant 0 : index
    %get3A_9 = vector.load %arg3[%get3A_7, %get3A_8] : memref<128x128xf32, #tpu.memory_space<vmem>>, vector<128x128xf32>
    %add3A = arith.addf %get3A_6, %get3A_9 : vector<128x128xf32>
    %mul3A_10 = arith.constant 5.000000e-01 : f32
    %mul3A_11 = vector.broadcast %mul3A_10 : f32 to vector<128x128xf32>
    %mul3A_12 = arith.mulf %add3A, %mul3A_11 : vector<128x128xf32>
    %mul3A_13 = arith.mulf %mul3A_12, %mul3A_12 : vector<128x128xf32>
    %reduce_sum3A = arith.constant dense<0.000000e+00> : vector<128xf32>
    %reduce_sum3A_14 = vector.multi_reduction <add>, %mul3A_13, %reduce_sum3A [1] : vector<128x128xf32> to vector<128xf32>
    %broadcast_in_dim3A = vector.shape_cast %reduce_sum3A_14 : vector<128xf32> to vector<128x1xf32>
    %dot_general3A = arith.constant dense<0.000000e+00> : vector<128x6400xf32>
    %dot_general3A_15 = tpu.matmul %mul3A_12, %mul3A_3, %dot_general3A {dimension_numbers = #tpu.dot_dimension_numbers<[1], [1], [0], [0], [0, 0, 1, 0], [], []>, transpose_lhs_hint = false} : vector<128x128xf32>, vector<6400x128xf32>, vector<128x6400xf32> -> vector<128x6400xf32>
    %broadcast_in_dim3A_16 = arith.constant 1.000000e+00 : f32
    %broadcast_in_dim3A_17 = vector.broadcast %broadcast_in_dim3A_16 : f32 to vector<1x128xf32>
    %mul3A_18 = arith.mulf %mul3A_3, %mul3A_3 : vector<6400x128xf32>
    %dot_general3A_19 = arith.constant dense<0.000000e+00> : vector<1x6400xf32>
    %dot_general3A_20 = tpu.matmul %broadcast_in_dim3A_17, %mul3A_18, %dot_general3A_19 {dimension_numbers = #tpu.dot_dimension_numbers<[1], [1], [0], [0], [0, 0, 1, 0], [], []>, transpose_lhs_hint = false} : vector<1x128xf32>, vector<6400x128xf32>, vector<1x6400xf32> -> vector<1x6400xf32>
    %add3A_21 = vector.broadcast %broadcast_in_dim3A : vector<128x1xf32> to vector<128x6400xf32>
    %add3A_22 = vector.broadcast %dot_general3A_20 : vector<1x6400xf32> to vector<128x6400xf32>
    %add3A_23 = arith.addf %add3A_21, %add3A_22 : vector<128x6400xf32>
    %mul3A_24 = arith.constant 2.000000e+00 : f32
    %mul3A_25 = vector.broadcast %mul3A_24 : f32 to vector<128x6400xf32>
    %mul3A_26 = arith.mulf %mul3A_25, %dot_general3A_15 : vector<128x6400xf32>
    %sub3A = arith.subf %add3A_23, %mul3A_26 : vector<128x6400xf32>
    %max3A = arith.constant 9.99999996E-13 : f32
    %max3A_27 = vector.broadcast %max3A : f32 to vector<128x6400xf32>
    %max3A_28 = arith.maximumf %sub3A, %max3A_27 : vector<128x6400xf32>
    %reduce_min3A = arith.constant dense<0x7F800000> : vector<6400xf32>
    %reduce_min3A_29 = vector.multi_reduction <minimumf>, %max3A_28, %reduce_min3A [0] : vector<128x6400xf32> to vector<6400xf32>
    %broadcast_in_dim3A_30 = vector.shape_cast %reduce_min3A_29 : vector<6400xf32> to vector<1x6400xf32>
    %iota3A = tpu.iota {dimensions = array<i32: 0>} : vector<128x6400xi32>
    %eq3A = vector.broadcast %broadcast_in_dim3A_30 : vector<1x6400xf32> to vector<128x6400xf32>
    %eq3A_31 = arith.cmpf oeq, %max3A_28, %eq3A : vector<128x6400xf32>
    %jit3A = arith.constant 128 : i32
    %broadcast_in_dim3A_32 = vector.broadcast %jit3A : i32 to vector<128x6400xi32>
    %select_n3A = arith.select %eq3A_31, %iota3A, %broadcast_in_dim3A_32 : vector<128x6400xi1>, vector<128x6400xi32>
    %reduce_min3A_33 = arith.constant dense<2147483647> : vector<6400xi32>
    %reduce_min3A_34 = vector.multi_reduction <minsi>, %select_n3A, %reduce_min3A_33 [0] : vector<128x6400xi32> to vector<6400xi32>
    %broadcast_in_dim3A_35 = vector.shape_cast %reduce_min3A_34 : vector<6400xi32> to vector<1x6400xi32>
    %eq3A_36 = vector.broadcast %broadcast_in_dim3A_35 : vector<1x6400xi32> to vector<128x6400xi32>
    %eq3A_37 = arith.cmpi eq, %iota3A, %eq3A_36 : vector<128x6400xi32>
    %convert_element_type3A = arith.extui %eq3A_37 : vector<128x6400xi1> to vector<128x6400xi32>
    %convert_element_type3A_38 = arith.sitofp %convert_element_type3A : vector<128x6400xi32> to vector<128x6400xf32>
    %get3A_39 = arith.constant 0 : index
    %get3A_40 = arith.constant 0 : index
    %get3A_41 = vector.load %arg4[%get3A_39, %get3A_40] : memref<2x128xi32, #tpu.memory_space<vmem>>, vector<2x128xi32>
    %convert_element_type3A_42 = arith.sitofp %get3A_41 : vector<2x128xi32> to vector<2x128xf32>
    %dot_general3A_43 = arith.constant dense<0.000000e+00> : vector<2x6400xf32>
    %dot_general3A_44 = tpu.matmul %convert_element_type3A_42, %convert_element_type3A_38, %dot_general3A_43 {dimension_numbers = #tpu.dot_dimension_numbers<[1], [0], [0], [1], [0, 0, 1, 1], [], []>, transpose_lhs_hint = false} : vector<2x128xf32>, vector<128x6400xf32>, vector<2x6400xf32> -> vector<2x6400xf32>
    %sqrt3A = math.sqrt %broadcast_in_dim3A_30 : vector<1x6400xf32>
    %neg3A = arith.constant 0.000000e+00 : f32
    %neg3A_45 = vector.broadcast %neg3A : f32 to vector<1x6400xf32>
    %neg3A_46 = arith.subf %neg3A_45, %sqrt3A : vector<1x6400xf32>
    %swap3A = arith.constant 0 : index
    %swap3A_47 = arith.constant 0 : index
    %swap3A_48 = vector.load %arg5[%swap3A, %swap3A_47] : memref<1x6400xf32, #tpu.memory_space<vmem>>, vector<1x6400xf32>
    tpu.vector_store %arg5[%swap3A, %swap3A_47], %neg3A_46 {strides = array<i32>} : memref<1x6400xf32, #tpu.memory_space<vmem>>, vector<1x6400xf32>,
    %swap3A_49 = arith.constant 0 : index
    %swap3A_50 = arith.constant 0 : index
    %swap3A_51 = vector.load %arg6[%swap3A_49, %swap3A_50] : memref<1x6400xi32, #tpu.memory_space<vmem>>, vector<1x6400xi32>
    tpu.vector_store %arg6[%swap3A_49, %swap3A_50], %broadcast_in_dim3A_35 {strides = array<i32>} : memref<1x6400xi32, #tpu.memory_space<vmem>>, vector<1x6400xi32>,
    %convert_element_type3A_52 = arith.fptosi %dot_general3A_44 : vector<2x6400xf32> to vector<2x6400xi32>
    %swap3A_53 = arith.constant 0 : index
    %swap3A_54 = arith.constant 0 : index
    %swap3A_55 = vector.load %arg7[%swap3A_53, %swap3A_54] : memref<2x6400xi32, #tpu.memory_space<vmem>>, vector<2x6400xi32>
    tpu.vector_store %arg7[%swap3A_53, %swap3A_54], %convert_element_type3A_52 {strides = array<i32>} : memref<2x6400xi32, #tpu.memory_space<vmem>>, vector<2x6400xi32>,
    return
  }
  func.func @transform_0(%arg0: i32) -> (i32, i32) {
    %c0_i32 = arith.constant 0 : i32
    %c0_i32_0 = arith.constant 0 : i32
    return %arg0, %c0_i32 : i32, i32
  }
  func.func @transform_1(%arg0: i32) -> (i32, i32) {
    %c0_i32 = arith.constant 0 : i32
    %c0_i32_0 = arith.constant 0 : i32
    %c0_i32_1 = arith.constant 0 : i32
    return %c0_i32, %c0_i32_0 : i32, i32
  }
  func.func @transform_2(%arg0: i32) -> (i32, i32) {
    %c0_i32 = arith.constant 0 : i32
    %c0_i32_0 = arith.constant 0 : i32
    %c0_i32_1 = arith.constant 0 : i32
    return %c0_i32, %c0_i32_0 : i32, i32
  }
  func.func @transform_3(%arg0: i32) -> (i32, i32) {
    %c0_i32 = arith.constant 0 : i32
    %c0_i32_0 = arith.constant 0 : i32
    %c0_i32_1 = arith.constant 0 : i32
    return %c0_i32, %c0_i32_0 : i32, i32
  }
  func.func @transform_4(%arg0: i32) -> (i32, i32) {
    %c0_i32 = arith.constant 0 : i32
    %c0_i32_0 = arith.constant 0 : i32
    return %c0_i32, %arg0 : i32, i32
  }
  func.func @transform_5(%arg0: i32) -> (i32, i32) {
    %c0_i32 = arith.constant 0 : i32
    %c0_i32_0 = arith.constant 0 : i32
    return %c0_i32, %arg0 : i32, i32
  }
  func.func @transform_6(%arg0: i32) -> (i32, i32) {
    %c0_i32 = arith.constant 0 : i32
    %c0_i32_0 = arith.constant 0 : i32
    return %c0_i32, %arg0 : i32, i32
  }
}

module attributes {stable_mosaic.version = 14 : i64} {
  func.func @_tc_body(%arg0: i32, %arg1: memref<6400x128xf32, #tpu.memory_space<vmem>>, %arg2: memref<128x128xf32, #tpu.memory_space<vmem>>, %arg3: memref<128x128xf32, #tpu.memory_space<vmem>>, %arg4: memref<2x128xi32, #tpu.memory_space<vmem>>, %arg5: memref<1x6400xf32, #tpu.memory_space<vmem>>, %arg6: memref<1x6400xi32, #tpu.memory_space<vmem>>, %arg7: memref<2x6400xi32, #tpu.memory_space<vmem>>) attributes {dimension_semantics = [#tpu.dimension_semantics<arbitrary>], iteration_bounds = array<i64: 31>, scalar_prefetch = 0 : i64, scratch_operands = 0 : i64, tpu.core_type = #tpu.core_type<tc>, window_params = [{transform_indices = @transform_0, window_bounds = array<i64: 6400, 128>}, {pipeline_mode = #tpu.pipeline_mode<synchronous>, transform_indices = @transform_1, window_bounds = array<i64: 128, 128>}, {pipeline_mode = #tpu.pipeline_mode<synchronous>, transform_indices = @transform_2, window_bounds = array<i64: 128, 128>}, {pipeline_mode = #tpu.pipeline_mode<synchronous>, transform_indices = @transform_3, window_bounds = array<i64: 2, 128>}, {transform_indices = @transform_4, window_bounds = array<i64: 1, 6400>}, {transform_indices = @transform_5, window_bounds = array<i64: 1, 6400>}, {transform_indices = @transform_6, window_bounds = array<i64: 2, 6400>}]} {
    %get3A = arith.constant 0 : index
    %get3A_0 = arith.constant 0 : index
    %get3A_1 = vector.load %arg1[%get3A, %get3A_0] : memref<6400x128xf32, #tpu.memory_space<vmem>>, vector<6400x128xf32>
    %mul3A = arith.constant 5.000000e-01 : f32
    %mul3A_2 = vector.broadcast %mul3A : f32 to vector<6400x128xf32>
    %mul3A_3 = arith.mulf %get3A_1, %mul3A_2 : vector<6400x128xf32>
    %get3A_4 = arith.constant 0 : index
    %get3A_5 = arith.constant 0 : index
    %get3A_6 = vector.load %arg2[%get3A_4, %get3A_5] : memref<128x128xf32, #tpu.memory_space<vmem>>, vector<128x128xf32>
    %get3A_7 = arith.constant 0 : index
    %get3A_8 = arith.constant 0 : index
    %get3A_9 = vector.load %arg3[%get3A_7, %get3A_8] : memref<128x128xf32, #tpu.memory_space<vmem>>, vector<128x128xf32>
    %add3A = arith.addf %get3A_6, %get3A_9 : vector<128x128xf32>
    %mul3A_10 = arith.constant 5.000000e-01 : f32
    %mul3A_11 = vector.broadcast %mul3A_10 : f32 to vector<128x128xf32>
    %mul3A_12 = arith.mulf %add3A, %mul3A_11 : vector<128x128xf32>
    %mul3A_13 = arith.mulf %mul3A_12, %mul3A_12 : vector<128x128xf32>
    %reduce_sum3A = arith.constant dense<0.000000e+00> : vector<128xf32>
    %reduce_sum3A_14 = vector.multi_reduction <add>, %mul3A_13, %reduce_sum3A [1] : vector<128x128xf32> to vector<128xf32>
    %broadcast_in_dim3A = vector.shape_cast %reduce_sum3A_14 : vector<128xf32> to vector<128x1xf32>
    %dot_general3A = arith.constant dense<0.000000e+00> : vector<128x6400xf32>
    %dot_general3A_15 = tpu.matmul %mul3A_12, %mul3A_3, %dot_general3A {dimension_numbers = #tpu.dot_dimension_numbers<[1], [1], [0], [0], [0, 0, 1, 0], [], []>, transpose_lhs_hint = false} : vector<128x128xf32>, vector<6400x128xf32>, vector<128x6400xf32> -> vector<128x6400xf32>
    %broadcast_in_dim3A_16 = arith.constant 1.000000e+00 : f32
    %broadcast_in_dim3A_17 = vector.broadcast %broadcast_in_dim3A_16 : f32 to vector<1x128xf32>
    %mul3A_18 = arith.mulf %mul3A_3, %mul3A_3 : vector<6400x128xf32>
    %dot_general3A_19 = arith.constant dense<0.000000e+00> : vector<1x6400xf32>
    %dot_general3A_20 = tpu.matmul %broadcast_in_dim3A_17, %mul3A_18, %dot_general3A_19 {dimension_numbers = #tpu.dot_dimension_numbers<[1], [1], [0], [0], [0, 0, 1, 0], [], []>, transpose_lhs_hint = false} : vector<1x128xf32>, vector<6400x128xf32>, vector<1x6400xf32> -> vector<1x6400xf32>
    %add3A_21 = vector.broadcast %broadcast_in_dim3A : vector<128x1xf32> to vector<128x6400xf32>
    %add3A_22 = vector.broadcast %dot_general3A_20 : vector<1x6400xf32> to vector<128x6400xf32>
    %add3A_23 = arith.addf %add3A_21, %add3A_22 : vector<128x6400xf32>
    %mul3A_24 = arith.constant 2.000000e+00 : f32
    %mul3A_25 = vector.broadcast %mul3A_24 : f32 to vector<128x6400xf32>
    %mul3A_26 = arith.mulf %mul3A_25, %dot_general3A_15 : vector<128x6400xf32>
    %sub3A = arith.subf %add3A_23, %mul3A_26 : vector<128x6400xf32>
    %max3A = arith.constant 9.99999996E-13 : f32
    %max3A_27 = vector.broadcast %max3A : f32 to vector<128x6400xf32>
    %max3A_28 = arith.maximumf %sub3A, %max3A_27 : vector<128x6400xf32>
    %reduce_min3A = arith.constant dense<0x7F800000> : vector<6400xf32>
    %reduce_min3A_29 = vector.multi_reduction <minimumf>, %max3A_28, %reduce_min3A [0] : vector<128x6400xf32> to vector<6400xf32>
    %broadcast_in_dim3A_30 = vector.shape_cast %reduce_min3A_29 : vector<6400xf32> to vector<1x6400xf32>
    %iota3A = tpu.iota {dimensions = array<i32: 0>} : vector<128x6400xi32>
    %eq3A = vector.broadcast %broadcast_in_dim3A_30 : vector<1x6400xf32> to vector<128x6400xf32>
    %eq3A_31 = arith.cmpf oeq, %max3A_28, %eq3A : vector<128x6400xf32>
    %jit3A = arith.constant 128 : i32
    %broadcast_in_dim3A_32 = vector.broadcast %jit3A : i32 to vector<128x6400xi32>
    %select_n3A = arith.select %eq3A_31, %iota3A, %broadcast_in_dim3A_32 : vector<128x6400xi1>, vector<128x6400xi32>
    %reduce_min3A_33 = arith.constant dense<2147483647> : vector<6400xi32>
    %reduce_min3A_34 = vector.multi_reduction <minsi>, %select_n3A, %reduce_min3A_33 [0] : vector<128x6400xi32> to vector<6400xi32>
    %broadcast_in_dim3A_35 = vector.shape_cast %reduce_min3A_34 : vector<6400xi32> to vector<1x6400xi32>
    %eq3A_36 = vector.broadcast %broadcast_in_dim3A_35 : vector<1x6400xi32> to vector<128x6400xi32>
    %eq3A_37 = arith.cmpi eq, %iota3A, %eq3A_36 : vector<128x6400xi32>
    %convert_element_type3A = arith.extui %eq3A_37 : vector<128x6400xi1> to vector<128x6400xi32>
    %convert_element_type3A_38 = arith.sitofp %convert_element_type3A : vector<128x6400xi32> to vector<128x6400xf32>
    %get3A_39 = arith.constant 0 : index
    %get3A_40 = arith.constant 0 : index
    %get3A_41 = vector.load %arg4[%get3A_39, %get3A_40] : memref<2x128xi32, #tpu.memory_space<vmem>>, vector<2x128xi32>
    %convert_element_type3A_42 = arith.sitofp %get3A_41 : vector<2x128xi32> to vector<2x128xf32>
    %dot_general3A_43 = arith.constant dense<0.000000e+00> : vector<2x6400xf32>
    %dot_general3A_44 = tpu.matmul %convert_element_type3A_42, %convert_element_type3A_38, %dot_general3A_43 {dimension_numbers = #tpu.dot_dimension_numbers<[1], [0], [0], [1], [0, 0, 1, 1], [], []>, transpose_lhs_hint = false} : vector<2x128xf32>, vector<128x6400xf32>, vector<2x6400xf32> -> vector<2x6400xf32>
    %sqrt3A = math.sqrt %broadcast_in_dim3A_30 : vector<1x6400xf32>
    %neg3A = arith.constant 0.000000e+00 : f32
    %neg3A_45 = vector.broadcast %neg3A : f32 to vector<1x6400xf32>
    %neg3A_46 = arith.subf %neg3A_45, %sqrt3A : vector<1x6400xf32>
    %swap3A = arith.constant 0 : index
    %swap3A_47 = arith.constant 0 : index
    %swap3A_48 = vector.load %arg5[%swap3A, %swap3A_47] : memref<1x6400xf32, #tpu.memory_space<vmem>>, vector<1x6400xf32>
    tpu.vector_store %arg5[%swap3A, %swap3A_47], %neg3A_46 {strides = array<i32>} : memref<1x6400xf32, #tpu.memory_space<vmem>>, vector<1x6400xf32>,
    %swap3A_49 = arith.constant 0 : index
    %swap3A_50 = arith.constant 0 : index
    %swap3A_51 = vector.load %arg6[%swap3A_49, %swap3A_50] : memref<1x6400xi32, #tpu.memory_space<vmem>>, vector<1x6400xi32>
    tpu.vector_store %arg6[%swap3A_49, %swap3A_50], %broadcast_in_dim3A_35 {strides = array<i32>} : memref<1x6400xi32, #tpu.memory_space<vmem>>, vector<1x6400xi32>,
    %convert_element_type3A_52 = arith.fptosi %dot_general3A_44 : vector<2x6400xf32> to vector<2x6400xi32>
    %swap3A_53 = arith.constant 0 : index
    %swap3A_54 = arith.constant 0 : index
    %swap3A_55 = vector.load %arg7[%swap3A_53, %swap3A_54] : memref<2x6400xi32, #tpu.memory_space<vmem>>, vector<2x6400xi32>
    tpu.vector_store %arg7[%swap3A_53, %swap3A_54], %convert_element_type3A_52 {strides = array<i32>} : memref<2x6400xi32, #tpu.memory_space<vmem>>, vector<2x6400xi32>,
    return
  }
  func.func @transform_0(%arg0: i32) -> (i32, i32) {
    %c0_i32 = arith.constant 0 : i32
    %c0_i32_0 = arith.constant 0 : i32
    return %arg0, %c0_i32 : i32, i32
  }
  func.func @transform_1(%arg0: i32) -> (i32, i32) {
    %c0_i32 = arith.constant 0 : i32
    %c0_i32_0 = arith.constant 0 : i32
    %c0_i32_1 = arith.constant 0 : i32
    return %c0_i32, %c0_i32_0 : i32, i32
  }
  func.func @transform_2(%arg0: i32) -> (i32, i32) {
    %c0_i32 = arith.constant 0 : i32
    %c0_i32_0 = arith.constant 0 : i32
    %c0_i32_1 = arith.constant 0 : i32
    return %c0_i32, %c0_i32_0 : i32, i32
  }
  func.func @transform_3(%arg0: i32) -> (i32, i32) {
    %c0_i32 = arith.constant 0 : i32
    %c0_i32_0 = arith.constant 0 : i32
    %c0_i32_1 = arith.constant 0 : i32
    return %c0_i32, %c0_i32_0 : i32, i32
  }
  func.func @transform_4(%arg0: i32) -> (i32, i32) {
    %c0_i32 = arith.constant 0 : i32
    %c0_i32_0 = arith.constant 0 : i32
    return %c0_i32, %arg0 : i32, i32
  }
  func.func @transform_5(%arg0: i32) -> (i32, i32) {
    %c0_i32 = arith.constant 0 : i32
    %c0_i32_0 = arith.constant 0 : i32
    return %c0_i32, %arg0 : i32, i32
  }
  func.func @transform_6(%arg0: i32) -> (i32, i32) {
    %c0_i32 = arith.constant 0 : i32
    %c0_i32_0 = arith.constant 0 : i32
    return %c0_i32, %arg0 : i32, i32
  }
}

</mosaic_0001>

<sc_bundles>
// kernel: kernel.6.cloned.1.call-start
scs
__scs_entry_jumppad:
0x0: {  	(pc) =	sbr.rel $0x88, $3  }
0x1: {  	(tag) =	ssettag $0x0;
	lr =	simm.s32 $0x1  }
0x2: {  	[smem:$0x3F9E] =	sst lr;
	_ =	strace $0xD0000000  }
0x3: {  	_ = 	snop  }
0x4: {  	_ = 	snop  }
0x5: {  	_ = 	snop  }
0x6: {  	_ = 	snop  }
0x7: {  	_ = 	snop  }
__scs_overlays_trampoline_lowered:
0x8: {  	[smem:$0x3FAD] =	sst s0  }
0x9: {  	[smem:$0x3FAE] =	sst s1  }
0xa: {  	[smem:$0x3FAF] =	sst s2  }
0xb: {  	[smem:$0x3FB0] =	sst s3  }
0xc: {  	[smem:$0x3FB1] =	sst s4  }
0xd: {  	[smem:$0x3FB2] =	sst s5  }
0xe: {  	[smem:$0x3FB3] =	sst s6  }
0xf: {  	[smem:$0x3FB4] =	sst s7  }
0x10: {  	[smem:$0x3FB5] =	sst s8  }
0x11: {  	[smem:$0x3FB6] =	sst s9;
	s0 =	simm.s32 @!p0 $0x0  }
0x12: {  	s1 =	sld [smem:$0x3F9C];
	s0 =	simm.s32 @p0 $0x1  }
0x13: {  	[smem:$0x3FB7] =	sst s0;
	s0 =	simm.s32 @!p1 $0x0  }
0x14: {  	s2 =	sld [smem:$0x3F9B];
	s0 =	simm.s32 @p1 $0x1  }
0x15: {  	[smem:$0x3FB8] =	sst s0;
	s0 =	simm.s32 @!p2 $0x0  }
0x16: {  	s3 =	sld [smem:$0x3FDB];
	s0 =	simm.s32 @p2 $0x1  }
0x17: {  	s4 =	simm.s32 $0x1BF5;
	[smem:$0x3FBA] =	sst s0  }
0x18: {  	s0 =	sld [smem:$0x3F9D];
	_ =	swait.ge [sflag:s4], $0x0  }
0x19: {  	s7 =	sld [smem:$0x3F9E]  }
0x1a: {  	s8 =	sadd.s32 $0xFFFFE003, lr  }
0x1b: {  	s9 =	sadd.s32 $0xFFFFFEF7, lr;
	s5 =	simm.s32 $0xFFFFFFFF;
	p2 =	slt.u32 s8, $0xFFFFF086  }
0x1c: {  	p1 =	slt.u32 s9, $0xF7A;
	s5 =	simm.s32 @!p2 $0x0  }
0x1d: {  	s5 =	simm.s32 @p1 $0x1;
	p0 =	seq.s32 s7, s2  }
0x1e: {  	s7 =	smul.u32 @!p0 $0xF7A, s2;
	p2 =	seq.s32 @!p0 s5, $0x0  }
0x1f: {  	s9 =	smul.u32 $0xF7A, s1;
	s8 =	simm.s32 @!p0 $0x1BF5;
	p2 =	por !p2, p0  }
0x20: {  	[sflag:s8] =	ssyncset.s32 @!p0 $0xFFFFF086;
	s6 =	sadd.s32 @!p0 s3, s7;
	s7 =	simm.s32 @!p0 $0x108  }
0x21: {  	s3 =	sadd.s32 s3, s9;
	s6 =	sadd.s32 @!p0 $0x88, s6;
	s7 =	simm.s32 @p2 $0x1082  }
0x22: {  	[simem:s7], [sflag:s8] =	dma.local @!p0 [hbm:s6], $0xF7A  }
0x23: {  	s9 =	sor.u32 $0xD0000000, s2;
	s6 =	simm.s32 $0x108;
	_ =	swait.ge @!p0 [sflag:s8], $0x0  }
0x24: {  	s3 =	sadd.s32 $0x88, s3;
	s6 =	simm.s32 @!p1 $0x1082;
	[sflag:s4] =	ssyncset.s32 $0xFFFFF086  }
0x25: {  	[simem:s6], [sflag:s4] =	dma.local [hbm:s3], $0xF7A  }
0x26: {  	[smem:$0x3F9E] =	sst s1;
	(tag) =	ssettag s2;
	_ =	strace s9  }
0x27: {  	s1 =	sld [smem:$0x3FAE]  }
0x28: {  	s2 =	sld [smem:$0x3FAF]  }
0x29: {  	s4 =	sld [smem:$0x3FB1]  }
0x2a: {  	p0 =	seq.s32 s5, $0x0;
	s5 =	sld [smem:$0x3FB2]  }
0x2b: {  	s6 =	sld [smem:$0x3FB3]  }
0x2c: {  	s7 =	sld [smem:$0x3FB4]  }
0x2d: {  	s3 =	simm.s32 $0x108;
	s8 =	sld [smem:$0x3FB5]  }
0x2e: {  	s3 =	simm.s32 @!p0 $0x1082;
	s9 =	sld [smem:$0x3FB6]  }
0x2f: {  	lr =	sadd.s32 s0, s3;
	s0 =	sld [smem:$0x3FAD]  }
0x30: {  	s3 =	sld [smem:$0x3FB0]  }
0x31: {  	[smem:$0x3FB9] =	sst s10  }
0x32: {  	s10 =	sld [smem:$0x3FB7];
	_ =	sdelay $0x3  }
0x33: {  	p0 =	seq.s32 s10, $0x1;
	s10 =	sld [smem:$0x3FB9];
	_ =	sdelay $0x3  }
0x34: {  	[smem:$0x3FB9] =	sst s10  }
0x35: {  	s10 =	sld [smem:$0x3FB8];
	_ =	sdelay $0x3  }
0x36: {  	p1 =	seq.s32 s10, $0x1;
	s10 =	sld [smem:$0x3FB9];
	_ =	sdelay $0x3  }
0x37: {  	[smem:$0x3FB9] =	sst s10  }
0x38: {  	s10 =	sld [smem:$0x3FBA]  }
0x39: {  	_ = 	snop;
	(pc) =	sbr.ind lr, $3  }
0x3a: {  	_ = 	snop  }
0x3b: {  	_ = 	snop  }
0x3c: {  	p2 =	seq.s32 s10, $0x1;
	s10 =	sld [smem:$0x3FB9]  }
0x3d: {  	_ =	shalt  }
0x3e: {  	_ =	shalt  }
0x3f: {  	_ =	shalt  }
0x40: {  	_ =	shalt  }
0x41: {  	_ =	shalt  }
0x42: {  	_ =	shalt  }
0x43: {  	_ =	shalt  }
0x44: {  	_ =	shalt  }
0x45: {  	_ =	shalt  }
0x46: {  	_ =	shalt  }
0x47: {  	_ =	shalt  }
0x48: {  	_ =	shalt  }
0x49: {  	_ =	shalt  }
0x4a: {  	_ =	shalt  }
0x4b: {  	_ =	shalt  }
0x4c: {  	_ =	shalt  }
0x4d: {  	_ =	shalt  }
0x4e: {  	_ =	shalt  }
0x4f: {  	_ =	shalt  }
0x50: {  	_ =	shalt  }
0x51: {  	_ =	shalt  }
0x52: {  	_ =	shalt  }
0x53: {  	_ =	shalt  }
0x54: {  	_ =	shalt  }
0x55: {  	_ =	shalt  }
0x56: {  	_ =	shalt  }
0x57: {  	_ =	shalt  }
0x58: {  	_ =	shalt  }
0x59: {  	_ =	shalt  }
0x5a: {  	_ =	shalt  }
0x5b: {  	_ =	shalt  }
0x5c: {  	_ =	shalt  }
0x5d: {  	_ =	shalt  }
0x5e: {  	_ =	shalt  }
0x5f: {  	_ =	shalt  }
0x60: {  	_ =	shalt  }
0x61: {  	_ =	shalt  }
0x62: {  	_ =	shalt  }
0x63: {  	_ =	shalt  }
0x64: {  	_ =	shalt  }
0x65: {  	_ =	shalt  }
0x66: {  	_ =	shalt  }
0x67: {  	_ =	shalt  }
0x68: {  	_ =	shalt  }
0x69: {  	_ =	shalt  }
0x6a: {  	_ =	shalt  }
0x6b: {  	_ =	shalt  }
0x6c: {  	_ =	shalt  }
0x6d: {  	_ =	shalt  }
0x6e: {  	_ =	shalt  }
0x6f: {  	_ =	shalt  }
0x70: {  	_ =	shalt  }
0x71: {  	_ =	shalt  }
0x72: {  	_ =	shalt  }
0x73: {  	_ =	shalt  }
0x74: {  	_ =	shalt  }
0x75: {  	_ =	shalt  }
0x76: {  	_ =	shalt  }
0x77: {  	_ =	shalt  }
0x78: {  	_ =	shalt  }
0x79: {  	_ =	shalt  }
0x7a: {  	_ =	shalt  }
0x7b: {  	_ =	shalt  }
0x7c: {  	_ =	shalt  }
0x7d: {  	_ =	shalt  }
0x7e: {  	_ =	shalt  }
0x7f: {  	_ =	shalt  }
0x80: {  	_ =	shalt  }
0x81: {  	_ =	shalt  }
0x82: {  	_ =	shalt  }
0x83: {  	_ =	shalt  }
0x84: {  	_ =	shalt  }
0x85: {  	_ =	shalt  }
0x86: {  	_ =	shalt  }
0x87: {  	_ =	shalt  }
.Lfunc_end0:
.L_simem_size_0:
called_computation_lowered:
.L_overlay_start_0:
0x88: {  	s2 =	sld [smem:$0x3FD9]  }
0x89: {  	s3 =	sld [smem:$0x3FFE];
	_ =	sdelay $0x1  }
0x8a: {  	s1 =	srdreg.scid  }
0x8b: {  	s0 =	sand.u32 $0x1, s1  }
0x8c: {  	s14 =	sshll.u32 s0, $0xA;
	s2 =	sadd.s32 s3, s2  }
0x8d: {  	s2 =	sadd.s32 s2, s14  }
0x8e: {  	[smem:$0x3FC5] =	sst s2  }
0x8f: {  	_ = 	snop  }
0x90: {  	s2 =	sld [smem:$0x3FD0];
	_ =	sdelay $0x2  }
0x91: {  	s4 =	simm.s32 $0xB;
	s5 =	simm.s32 $0x10;
	s15 =	sld [smem:$0x3FC9]  }
0x92: {  	[smem:s5], [sflag:s4] =	dma.local [hbm:s2], $0x1  }
0x93: {  	_ =	swait.eq [sflag:s4], $0x1  }
0x94: {  	[sflag:s4] =	ssyncset.done $0x0  }
0x95: {  	s16 =	sld [smem:$0x10];
	[sflag:s4] =	ssyncadd.s32 $0xFFFFFFFF  }
0x96: {  	s17 =	sld [smem:$0x11];
	(tm) =	ssettm $0x1  }
0x97: {  	s18 =	sld [smem:$0x3FFB];
	_ =	sdelay $0x3  }
0x98: {  	_ =	strace s18  }
0x99: {  	s5 =	sld [smem:$0x3FFC];
	_ =	sdelay $0x3  }
0x9a: {  	_ =	strace s5  }
0x9b: {  	s5 =	sld [smem:$0x3FFD];
	_ =	sdelay $0x3  }
0x9c: {  	_ =	strace s5  }
0x9d: {  	_ =	strace $0x8FFFFFFF  }
0x9e: {  	s19 =	sld [smem:$0x3FDB];
	_ =	sdelay $0x1  }
0x9f: {  	s6 =	simm.s32 $_scs_section_size  }
0xa0: {  	s7 =	simm.s32 $_size__tile_overlayer_lowered;
	s8 =	simm.s32 $_tile_overlayer_lowered  }
0xa1: {  	s22 =	simm.s32 $0x1BFF;
	s21 =	sshll.u32 s8, $0x1;
	s5 =	sadd.s32 s6, s19  }
0xa2: {  	s9 =	simm.s32 $0x0;
	s20 =	sshll.u32 s7, $0x1;
	s7 =	sadd.s32 s21, s5  }
0xa3: {  	[timem:s9], [sflag:s22] =	dma.local [hbm:s7], s20  }
0xa4: {  	_ =	swait.ge [sflag:s22], s20  }
0xa5: {  	s6 =	ssub.s32 $0x0, s20;
	[sflag:s22] =	ssyncset.done $0x0  }
0xa6: {  	[sflag:s22] =	ssyncadd.s32 s6;
	_ =	sdelay $0x1  }
0xa7: {  	s23 =	simm.s32 $0x1B8B  }
0xa8: {  	_ =	swait.ge [sflag:s23], $0x1  }
0xa9: {  	[sflag:s23] =	ssyncset.done $0x0  }
0xaa: {  	s25 =	simm.s32 $0x1B8E;
	s24 =	sld [smem:$0x3FFE];
	[sflag:s23] =	ssyncadd.s32 $0xFFFFFFFF  }
0xab: {  	s26 =	simm.s32 $execute0_lowered;
	[smem:$0x3FD2] =	sst s25  }
0xac: {  	s7 =	sshll.u32 s26, $0x1;
	_ =	strace $0x80000046;
	[dreg:$0x1] =	wrdreg $0xFFFFFFFF  }
0xad: {  	s28 =	simm.s32 $_size_execute0_lowered;
	s5 =	sadd.s32 s5, s7;
	[dreg:$0x0] =	wrdreg $0x0  }
0xae: {  	s7 =	sshll.u32 s28, $0x1;
	[dreg:$0x2] =	wrdreg s5  }
0xaf: {  	[dreg:$0x3] =	wrdreg s7  }
0xb0: {  	[dreg:$0x4] =	wrdreg $0xC0  }
0xb1: {  	_ =	task [dreg:s9], $0x5FFFF  }
0xb2: {  	[dreg:$0x1] =	wrdreg $0xFFFFFFFF  }
0xb3: {  	[dreg:$0x0] =	wrdreg $0x60  }
0xb4: {  	[dreg:$0x2] =	wrdreg s15  }
0xb5: {  	[dreg:$0x3] =	wrdreg s16  }
0xb6: {  	[dreg:$0x4] =	wrdreg s17  }
0xb7: {  	[dreg:$0x5] =	wrdreg s24  }
0xb8: {  	[dreg:$0x6] =	wrdreg $0x9  }
0xb9: {  	_ =	task.clear_ibuf [dreg:s9], $0x7FFFF;
	_ =	strace $0x90000046  }
0xba: {  	s29 =	simm.s32 $0x9;
	_ =	strace $0x80000048  }
0xbb: {  	_ =	swait.ge [sflag:s29], $0x1  }
0xbc: {  	[sflag:s29] =	ssyncadd.s32 $0xFFFFFFFF  }
0xbd: {  	_ =	strace $0x90000048  }
0xbe: {  	_ =	sfence  }
0xbf: {  	s30 =	sld [smem:$0x0];
	_ =	sdelay $0x2  }
0xc0: {  	s31 =	sshll.u32 s1, $0xD;
	s1 =	sshrl.u32 s1, $0x2  }
0xc1: {  	s3 =	sand.u32 $0x4000, s31;
	s1 =	sadd.s32 s1, s30  }
0xc2: {  	s0 =	sor.u32 s3, s0;
	s1 =	sshll.u32 s1, $0x11  }
0xc3: {  	s0 =	sor.u32 s1, s0  }
0xc4: {  	s0 =	sadd.s32 $0x8F2B, s0  }
0xc5: {  	[sflag:s0] =	ssyncadd.remote.s32 $0x1  }
0xc6: {  	_ =	sfence.sel $0xFFFF  }
0xc7: {  	[dreg:$0x0] =	wrdreg $0xFFFFFFFF;
	(pc) =	sbr.abs _section_cstart, $3  }
0xc8: {  	[dreg:$0x1] =	wrdreg $0xFFFFFFFF  }
0xc9: {  	_ =	task.clear_ibuf [dreg:s9], $0x2FFFF;
	_ =	strace $0x9FFFFFFF  }
0xca: {  	(tm) =	ssettm $0x7FFFFFFF  }
0xcb: {  	_ =	shalt  }
tec
execute0_lowered:
.L_overlay_start_1:
0x0: {  	(tag) =	ssettag $0x1  }
0x1: {  	s1 =	rddreg [dreg:$0x0]  }
0x2: {  	s2 =	rddreg [dreg:$0x1]  }
0x3: {  	s3 =	rddreg [dreg:$0x2]  }
0x4: {  	s0 =	rddreg [dreg:$0x3];
	s5 =	simm.s32 $0x0;
	s4 =	srdreg.scid  }
0x5: {  	s6 =	stileid.u32;
	s18 =	simm.s32 $0x6;
	s19 =	simm.s32 $0x100  }
0x6: {  	s20 =	simm.s32 $0x68;
	s21 =	simm.s32 $0x400;
	s28 =	simm.s32 $0x200  }
0x7: {  	s29 =	simm.s32 $0x300;
	s30 =	simm.s32 $0xCC00;
	s11 =	simm.s32 $0x3  }
0x8: {  	s12 =	simm.s32 $0x2;
	[smem:$0x7FF] =	sst s5;
	s4 =	sand.u32 $0x1, s4  }
0x9: {  	s6 =	sshll.u32 s6, $0x1;
	s7 =	sadd.s32 $0xA00, s0;
	s22 =	sadd.s32 $0x800, s0  }
0xa: {  	s9 =	sadd.s32 $0x1C00, s0;
	_ =	strace $0x80000047;
	[dreg:$0x5] =	wrdreg s7  }
0xb: {  	s10 =	sadd.s32 $0xC00, s0;
	s0 =	sadd.s32 $0x1400, s0;
	[dreg:$0x6] =	wrdreg s22  }
0xc: {  	s6 =	sor.u32 s4, s6;
	s4 =	ssub.s32 $0x2, s4;
	[dreg:$0x7] =	wrdreg s10  }
0xd: {  	[dreg:$0x8] =	wrdreg s0;
	s22 =	simm.s32 $0x6800;
	s8 =	smul.u32 $0x1838, s6  }
0xe: {  	s10 =	simm.s32 $0x1;
	s23 =	smul.u32 $0xC1C00, s6;
	s24 =	sshrl.u32 s4, $0x1  }
0xf: {  	p0 =	sne.s32 s6, $0x0;
	s6 =	simm.s32 $0x0;
	s0 =	ssub.s32 s4, s24  }
0x10: {  	s24 =	simm.s32 $0x3800;
	s25 =	sshrl.u32 s8, $0x3;
	s7 =	sshrl.u32 s23, $0x3  }
0x11: {  	s14 =	sadd.s32 $0xC8, s8;
	s15 =	sadd.s32 $0x190, s8;
	s0 =	smax.u32 s0, $0x1  }
0x12: {  	s23 =	simm.s32 $0x60;
	s26 =	sadd.s32 s2, s25;
	[dreg:$0xc] =	wrdreg s0  }
0x13: {  	s4 =	sadd.s32 s3, s25;
	s31 =	sadd.s32 s9, s7;
	[dreg:$0x9] =	wrdreg s26  }
0x14: {  	s25 =	simm.s32 $0x168;
	[dreg:$0xa] =	wrdreg s4;
	s4 =	sadd.s32 $0x17700, s31  }
0x15: {  	s7 =	simm.s32 $0x16400;
	s26 =	simm.s32 $0x9C00;
	[dreg:$0xb] =	wrdreg s4  }
.LBB2_1:
0x16: {  	[dreg:$0xd] =	wrdreg s6;
	s0 =	simm.s32 @!p0 $0x0  }
0x17: {  	s13 =	simm.s32 @!p0 $0x19400;
	s4 =	rddreg [dreg:$0x5];
	s16 =	simm.s32 @!p0 $0x6  }
0x18: {  	[tilespmem:s13], [sflag:$0x6] =	stream.linear.gather @!p0 [hbm4b:s4+s0], $0x80, $0x38;
	[tilespmem:$0x19480] =	vst v63  }
0x19: {  	_ =	swait.ge @!p0 [sflag:s16], $0x80  }
0x1a: {  	s17 =	simm.s32 @!p0 $0x80;
	[sflag:s16] =	ssyncset.done @!p0 $0x0  }
0x1b: {  	s31 =	simm.s32 @!p0 $0x400;
	s4 =	simm.s32 @!p0 $0x5;
	[sflag:s16] =	ssyncadd.s32 @!p0 $0xFFFFFF80  }
0x1c: {  	[tilespmem:s31], [sflag:$0x5] =	stream.indirect.gather @!p0 [hbm4b:s1+s17], $0x80, s13, s17, $0xb8;
	[tilespmem:$0x19480] =	vst v63  }
0x1d: {  	_ =	swait.ge @!p0 [sflag:s4], $0x4000  }
0x1e: {  	[sflag:s4] =	ssyncset.done @!p0 $0x0  }
0x1f: {  	s6 =	rddreg [dreg:$0x7];
	[sflag:s4] =	ssyncadd.s32 @!p0 $0xFFFFC000  }
0x20: {  	[hbm4b:s6+s0] =	stream.linear.scatter @!p0 [tilespmem:s31], [sflag:$0x6], $0x4000, $0x38;
	[tilespmem:$0x19480] =	vst v63  }
0x21: {  	_ =	swait.ge @!p0 [sflag:s16], $0x4000  }
0x22: {  	[sflag:s16] =	ssyncset.done @!p0 $0x0  }
0x23: {  	s6 =	rddreg [dreg:$0x6];
	[sflag:s16] =	ssyncadd.s32 @!p0 $0xFFFFC000  }
0x24: {  	[tilespmem:s13], [sflag:$0x6] =	stream.linear.gather @!p0 [hbm4b:s6+s0], $0x80, $0x38;
	[tilespmem:$0x19480] =	vst v63  }
0x25: {  	_ =	swait.ge @!p0 [sflag:s16], $0x80  }
0x26: {  	[sflag:s16] =	ssyncset.done @!p0 $0x0  }
0x27: {  	[sflag:s16] =	ssyncadd.s32 @!p0 $0xFFFFFF80  }
0x28: {  	[tilespmem:s31], [sflag:$0x5] =	stream.indirect.gather @!p0 [hbm4b:s1+s17], $0x80, s13, s17, $0xb8;
	[tilespmem:$0x19480] =	vst v63  }
0x29: {  	_ =	swait.ge @!p0 [sflag:s4], $0x4000  }
0x2a: {  	[sflag:s4] =	ssyncset.done @!p0 $0x0  }
0x2b: {  	[sflag:s4] =	ssyncadd.s32 @!p0 $0xFFFFC000;
	s4 =	rddreg [dreg:$0x8]  }
0x2c: {  	[hbm4b:s4+s0] =	stream.linear.scatter @!p0 [tilespmem:s31], [sflag:$0x6], $0x4000, $0x38;
	[tilespmem:$0x19480] =	vst v63  }
0x2d: {  	_ =	swait.ge @!p0 [sflag:s16], $0x4000  }
0x2e: {  	[sflag:s16] =	ssyncset.done @!p0 $0x0  }
0x2f: {  	s17 =	rddreg [dreg:$0x9];
	[sflag:s16] =	ssyncadd.s32 @!p0 $0xFFFFC000  }
0x30: {  	[tilespmem:s5], [sflag:$0x6] =	stream.linear.gather [hbm4b:s17+s5], $0xC8, $0x38;
	[tilespmem:$0x19480] =	vst v63  }
0x31: {  	_ =	swait.ge [sflag:s18], $0xC8  }
0x32: {  	[sflag:s18] =	ssyncset.done $0x0  }
0x33: {  	s31 =	rddreg [dreg:$0xa];
	[sflag:s18] =	ssyncadd.s32 $0xFFFFFF38  }
0x34: {  	[tilespmem:s19], [sflag:$0x6] =	stream.linear.gather [hbm4b:s31+s5], $0xC8, $0x38;
	[tilespmem:$0x19480] =	vst v63  }
0x35: {  	_ =	swait.ge [sflag:s18], $0xC8  }
0x36: {  	[sflag:s18] =	ssyncset.done $0x0  }
0x37: {  	[sflag:s18] =	ssyncadd.s32 $0xFFFFFF38  }
0x38: {  	[tilespmem:s21], [sflag:$0x1] =	stream.indirect.gather [hbm4b:s1+s20], $0x80, s5, s20, $0xb8;
	[tilespmem:$0x19480] =	vst v63  }
0x39: {  	_ = 	snop  }
0x3a: {  	[tilespmem:s22], [sflag:$0x1] =	stream.indirect.gather [hbm4b:s1+s20], $0x80, s19, s20, $0xb8;
	[tilespmem:$0x19480] =	vst v63  }
0x3b: {  	_ = 	snop  }
0x3c: {  	[tilespmem:s24], [sflag:$0x1] =	stream.indirect.gather [hbm4b:s1+s23], $0x80, s20, s23, $0xb8;
	[tilespmem:$0x19480] =	vst v63  }
0x3d: {  	s6 =	simm.s32 $0x13000;
	s17 =	simm.s32 $0x0  }
0x3e: {  	[tilespmem:s26], [sflag:$0x1] =	stream.indirect.gather [hbm4b:s1+s23], $0x80, s25, s23, $0xb8;
	[tilespmem:$0x19480] =	vst v63  }
.LBB2_2:
0x3f: {  	p1 =	seq.s32 s17, $0x0;
	s16 =	smul.u32 $0x190, s17  }
0x40: {  	s0 =	simm.s32 @!p1 $0x4  }
0x41: {  	_ =	swait.ge @!p1 [sflag:s0], $0x6400;
	s13 =	sadd.s32 s16, s14  }
0x42: {  	[sflag:s0] =	ssyncset.done @!p1 $0x0;
	s4 =	sshrl.u32 s13, $0x3  }
0x43: {  	[sflag:s0] =	ssyncadd.s32 @!p1 $0xFFFF9C00;
	s0 =	sadd.s32 s2, s4  }
0x44: {  	[tilespmem:s28], [sflag:$0x6] =	stream.linear.gather [hbm4b:s0+s5], $0xC8, $0x38;
	[tilespmem:$0x19480] =	vst v63  }
0x45: {  	_ =	swait.ge [sflag:s18], $0xC8  }
0x46: {  	[sflag:s18] =	ssyncset.done $0x0  }
0x47: {  	s4 =	sadd.s32 s3, s4;
	[sflag:s18] =	ssyncadd.s32 $0xFFFFFF38  }
0x48: {  	[tilespmem:s29], [sflag:$0x6] =	stream.linear.gather [hbm4b:s4+s5], $0xC8, $0x38;
	[tilespmem:$0x19480] =	vst v63  }
0x49: {  	_ =	swait.ge [sflag:s18], $0xC8  }
0x4a: {  	[sflag:s18] =	ssyncset.done $0x0  }
0x4b: {  	[sflag:s18] =	ssyncadd.s32 $0xFFFFFF38  }
0x4c: {  	[tilespmem:s30], [sflag:$0x2] =	stream.indirect.gather [hbm4b:s1+s20], $0x80, s28, s20, $0xb8;
	[tilespmem:$0x19480] =	vst v63  }
0x4d: {  	_ = 	snop  }
0x4e: {  	[tilespmem:s6], [sflag:$0x2] =	stream.indirect.gather [hbm4b:s1+s20], $0x80, s29, s20, $0xb8;
	[tilespmem:$0x19480] =	vst v63  }
0x4f: {  	s0 =	simm.s32 $0x268;
	s4 =	simm.s32 $0x10000  }
0x50: {  	[tilespmem:s4], [sflag:$0x2] =	stream.indirect.gather [hbm4b:s1+s23], $0x80, s0, s23, $0xb8;
	[tilespmem:$0x19480] =	vst v63  }
0x51: {  	s4 =	simm.s32 $0x368  }
0x52: {  	[tilespmem:s7], [sflag:$0x2] =	stream.indirect.gather [hbm4b:s1+s23], $0x80, s4, s23, $0xb8;
	[tilespmem:$0x19480] =	vst v63  }
0x53: {  	_ =	swait.ge [sflag:s10], $0x3400  }
0x54: {  	[sflag:s10] =	ssyncset.done $0x0  }
0x55: {  	[sflag:s10] =	ssyncadd.s32 $0xFFFFCC00  }
0x56: {  	_ =	swait.ge [sflag:s10], $0x3400  }
0x57: {  	[sflag:s10] =	ssyncset.done $0x0  }
0x58: {  	[sflag:s10] =	ssyncadd.s32 $0xFFFFCC00  }
0x59: {  	_ =	swait.ge [sflag:s10], $0x3000  }
0x5a: {  	[sflag:s10] =	ssyncset.done $0x0  }
0x5b: {  	[sflag:s10] =	ssyncadd.s32 $0xFFFFD000  }
0x5c: {  	_ =	swait.ge [sflag:s10], $0x3000  }
0x5d: {  	[sflag:s10] =	ssyncset.done $0x0  }
0x5e: {  	s31 =	simm.s32 $0xF0;
	[sflag:s10] =	ssyncadd.s32 $0xFFFFD000  }
0x5f: {  	v6 =	vld [tilespmem:s31+$0x6710]  }
0x60: {  	v7 =	vld [tilespmem:s31+$0x6720]  }
0x61: {  	v8 =	vld [tilespmem:s31+$0x6730]  }
0x62: {  	v9 =	vld [tilespmem:s31+$0x6740]  }
0x63: {  	v10 =	vld [tilespmem:s31+$0x6750]  }
0x64: {  	v11 =	vld [tilespmem:s31+$0x6760]  }
0x65: {  	v12 =	vld [tilespmem:s31+$0x6770]  }
0x66: {  	v13 =	vld [tilespmem:s31+$0x6780]  }
0x67: {  	v14 =	vld [tilespmem:s31+$0x6790]  }
0x68: {  	v15 =	vld [tilespmem:s31+$0x67A0]  }
0x69: {  	v5 =	vld [tilespmem:s31+$0x67B0]  }
0x6a: {  	v4 =	vld [tilespmem:s31+$0x67C0]  }
0x6b: {  	v3 =	vld [tilespmem:s31+$0x67D0]  }
0x6c: {  	v2 =	vld [tilespmem:s31+$0x67E0]  }
0x6d: {  	v1 =	vld [tilespmem:s31+$0x67F0]  }
0x6e: {  	v0 =	vld [tilespmem:s31+$0x6800]  }
0x6f: {  	v16 =	vld [tilespmem:s31+$0x310]  }
0x70: {  	v17 =	vld [tilespmem:s31+$0x320]  }
0x71: {  	v18 =	vld [tilespmem:s31+$0x330]  }
0x72: {  	v19 =	vld [tilespmem:s31+$0x340]  }
0x73: {  	v20 =	vld [tilespmem:s31+$0x350]  }
0x74: {  	v60 =	vld [tilespmem:s31+$0x360];
	v6 =	vadd.f32 v6, v16  }
0x75: {  	v21 =	vld [tilespmem:s31+$0x370];
	v7 =	vadd.f32 v7, v17  }
0x76: {  	v61 =	vld [tilespmem:s31+$0x380];
	[tilespmem:s31+$0x310] =	vst v6;
	v6 =	vadd.f32 v8, v18  }
0x77: {  	v62 =	vld [tilespmem:s31+$0x390];
	[tilespmem:s31+$0x320] =	vst v7;
	v7 =	vadd.f32 v9, v19  }
0x78: {  	v63 =	vld [tilespmem:s31+$0x3A0];
	[tilespmem:s31+$0x330] =	vst v6;
	v6 =	vadd.f32 v10, v20  }
0x79: {  	v8 =	vadd.f32 v11, v60;
	[tilespmem:s31+$0x340] =	vst v7;
	v7 =	vld [tilespmem:s31+$0x3B0]  }
0x7a: {  	v9 =	vadd.f32 v12, v21;
	[tilespmem:s31+$0x350] =	vst v6;
	v6 =	vld [tilespmem:s31+$0x3C0]  }
0x7b: {  	[tilespmem:s31+$0x360] =	vst v8;
	v8 =	vld [tilespmem:s31+$0x3D0];
	v10 =	vadd.f32 v13, v61  }
0x7c: {  	v12 =	vadd.f32 v14, v62;
	[tilespmem:s31+$0x370] =	vst v9;
	v9 =	vld [tilespmem:s31+$0x3E0]  }
0x7d: {  	s0 =	simm.s32 $0x7C0;
	v11 =	vadd.f32 v15, v63;
	[tilespmem:s31+$0x380] =	vst v10;
	v10 =	vld [tilespmem:s31+$0x3F0]  }
.LBB2_3:
0x7e: {  	s4 =	sshra.s32 s0, $0x2;
	p1 =	sne.s32 s0, $0x18FC0;
	[tilespmem:s31+$0x390] =	vst v12;
	v5 =	vadd.f32 v5, v7;
	v7 =	vld [tilespmem:s31+$0x400]  }
0x7f: {  	v12 =	vld [tilespmem:s4+$0x6710];
	[tilespmem:s31+$0x3A0] =	vst v11;
	v4 =	vadd.f32 v4, v6  }
0x80: {  	v6 =	vld [tilespmem:s4+$0x6720];
	[tilespmem:s31+$0x3B0] =	vst v5;
	v3 =	vadd.f32 v3, v8  }
0x81: {  	v8 =	vld [tilespmem:s4+$0x6730];
	[tilespmem:s31+$0x3C0] =	vst v4;
	v2 =	vadd.f32 v2, v9  }
0x82: {  	v9 =	vld [tilespmem:s4+$0x6740];
	[tilespmem:s31+$0x3D0] =	vst v3;
	v1 =	vadd.f32 v1, v10  }
0x83: {  	v10 =	vld [tilespmem:s4+$0x6750];
	[tilespmem:s31+$0x3E0] =	vst v2;
	v0 =	vadd.f32 v0, v7  }
0x84: {  	v7 =	vld [tilespmem:s4+$0x6760];
	[tilespmem:s31+$0x3F0] =	vst v1  }
0x85: {  	v11 =	vld [tilespmem:s4+$0x6770];
	[tilespmem:s31+$0x400] =	vst v0;
	s31 =	smov.u32 s4  }
0x86: {  	v13 =	vld [tilespmem:s31+$0x6780]  }
0x87: {  	v14 =	vld [tilespmem:s31+$0x6790]  }
0x88: {  	v15 =	vld [tilespmem:s31+$0x67A0]  }
0x89: {  	v5 =	vld [tilespmem:s31+$0x67B0]  }
0x8a: {  	v4 =	vld [tilespmem:s31+$0x67C0]  }
0x8b: {  	v3 =	vld [tilespmem:s31+$0x67D0]  }
0x8c: {  	v2 =	vld [tilespmem:s31+$0x67E0]  }
0x8d: {  	v1 =	vld [tilespmem:s31+$0x67F0]  }
0x8e: {  	v0 =	vld [tilespmem:s31+$0x6800]  }
0x8f: {  	v16 =	vld [tilespmem:s31+$0x310]  }
0x90: {  	v17 =	vld [tilespmem:s31+$0x320]  }
0x91: {  	v18 =	vld [tilespmem:s31+$0x330]  }
0x92: {  	v19 =	vld [tilespmem:s31+$0x340]  }
0x93: {  	v20 =	vld [tilespmem:s31+$0x350]  }
0x94: {  	v12 =	vadd.f32 v12, v16;
	v16 =	vld [tilespmem:s31+$0x360]  }
0x95: {  	v6 =	vadd.f32 v6, v17;
	v17 =	vld [tilespmem:s31+$0x370]  }
0x96: {  	[tilespmem:s31+$0x310] =	vst v12;
	v8 =	vadd.f32 v8, v18;
	v12 =	vld [tilespmem:s31+$0x380]  }
0x97: {  	[tilespmem:s31+$0x320] =	vst v6;
	v6 =	vadd.f32 v9, v19;
	v9 =	vld [tilespmem:s31+$0x390]  }
0x98: {  	[tilespmem:s31+$0x330] =	vst v8;
	v8 =	vadd.f32 v10, v20;
	v10 =	vld [tilespmem:s31+$0x3A0]  }
.Ltmp0:
0x99: {  	[tilespmem:s31+$0x340] =	vst v6;
	v16 =	vadd.f32 v7, v16;
	v7 =	vld [tilespmem:s31+$0x3B0];
	(pc) =	sbr.rel @p1 .LBB2_3-.Ltmp0, $4  }
0x9a: {  	[tilespmem:s31+$0x350] =	vst v8;
	v11 =	vadd.f32 v11, v17;
	v6 =	vld [tilespmem:s31+$0x3C0]  }
0x9b: {  	[tilespmem:s31+$0x360] =	vst v16;
	v13 =	vadd.f32 v13, v12;
	v8 =	vld [tilespmem:s31+$0x3D0]  }
0x9c: {  	[tilespmem:s31+$0x370] =	vst v11;
	v12 =	vadd.f32 v14, v9;
	v9 =	vld [tilespmem:s31+$0x3E0]  }
0x9d: {  	s0 =	sadd.s32 $0x400, s0;
	[tilespmem:s31+$0x380] =	vst v13;
	v11 =	vadd.f32 v15, v10;
	v10 =	vld [tilespmem:s31+$0x3F0]  }
0x9e: {  	[tilespmem:s31+$0x390] =	vst v12;
	v5 =	vadd.f32 v5, v7;
	v7 =	vld [tilespmem:s31+$0x400]  }
0x9f: {  	[tilespmem:s31+$0x3A0] =	vst v11;
	v4 =	vadd.f32 v4, v6  }
0xa0: {  	[tilespmem:s31+$0x3B0] =	vst v5;
	v3 =	vadd.f32 v3, v8  }
0xa1: {  	[tilespmem:s31+$0x3C0] =	vst v4;
	v2 =	vadd.f32 v2, v9  }
0xa2: {  	[tilespmem:s31+$0x3D0] =	vst v3;
	v1 =	vadd.f32 v1, v10  }
0xa3: {  	s0 =	sadd.s32 s8, s16;
	[tilespmem:s31+$0x3E0] =	vst v2;
	v0 =	vadd.f32 v0, v7  }
0xa4: {  	s0 =	sshll.u32 s0, $0x4;
	[tilespmem:s31+$0x3F0] =	vst v1  }
0xa5: {  	s0 =	sadd.s32 s9, s0;
	[tilespmem:s31+$0x400] =	vst v0  }
0xa6: {  	[hbm4b:s0+s5] =	stream.linear.scatter [tilespmem:s21], [sflag:$0x3], $0x6400, $0x38;
	[tilespmem:$0x19480] =	vst v63  }
0xa7: {  	s31 =	sadd.s32 s16, s15;
	_ =	swait.ge [sflag:s11], $0x6400  }
0xa8: {  	s0 =	sshrl.u32 s31, $0x3;
	[sflag:s11] =	ssyncset.done $0x0  }
0xa9: {  	s4 =	sadd.s32 s2, s0;
	[sflag:s11] =	ssyncadd.s32 $0xFFFF9C00  }
0xaa: {  	[tilespmem:s5], [sflag:$0x6] =	stream.linear.gather [hbm4b:s4+s5], $0xC8, $0x38;
	[tilespmem:$0x19480] =	vst v63  }
0xab: {  	_ =	swait.ge [sflag:s18], $0xC8  }
0xac: {  	[sflag:s18] =	ssyncset.done $0x0  }
0xad: {  	s0 =	sadd.s32 s3, s0;
	[sflag:s18] =	ssyncadd.s32 $0xFFFFFF38  }
0xae: {  	[tilespmem:s19], [sflag:$0x6] =	stream.linear.gather [hbm4b:s0+s5], $0xC8, $0x38;
	[tilespmem:$0x19480] =	vst v63  }
0xaf: {  	_ =	swait.ge [sflag:s18], $0xC8  }
0xb0: {  	[sflag:s18] =	ssyncset.done $0x0  }
0xb1: {  	[sflag:s18] =	ssyncadd.s32 $0xFFFFFF38  }
0xb2: {  	[tilespmem:s21], [sflag:$0x1] =	stream.indirect.gather [hbm4b:s1+s20], $0x80, s5, s20, $0xb8;
	[tilespmem:$0x19480] =	vst v63  }
0xb3: {  	_ = 	snop  }
0xb4: {  	[tilespmem:s22], [sflag:$0x1] =	stream.indirect.gather [hbm4b:s1+s20], $0x80, s19, s20, $0xb8;
	[tilespmem:$0x19480] =	vst v63  }
0xb5: {  	_ = 	snop  }
0xb6: {  	[tilespmem:s24], [sflag:$0x1] =	stream.indirect.gather [hbm4b:s1+s23], $0x80, s20, s23, $0xb8;
	[tilespmem:$0x19480] =	vst v63  }
0xb7: {  	_ = 	snop  }
0xb8: {  	[tilespmem:s26], [sflag:$0x1] =	stream.indirect.gather [hbm4b:s1+s23], $0x80, s25, s23, $0xb8;
	[tilespmem:$0x19480] =	vst v63  }
0xb9: {  	_ =	swait.ge [sflag:s12], $0x3400  }
0xba: {  	[sflag:s12] =	ssyncset.done $0x0  }
0xbb: {  	[sflag:s12] =	ssyncadd.s32 $0xFFFFCC00  }
0xbc: {  	_ =	swait.ge [sflag:s12], $0x3400  }
0xbd: {  	[sflag:s12] =	ssyncset.done $0x0  }
0xbe: {  	[sflag:s12] =	ssyncadd.s32 $0xFFFFCC00  }
0xbf: {  	_ =	swait.ge [sflag:s12], $0x3000  }
0xc0: {  	[sflag:s12] =	ssyncset.done $0x0  }
0xc1: {  	[sflag:s12] =	ssyncadd.s32 $0xFFFFD000  }
0xc2: {  	_ =	swait.ge [sflag:s12], $0x3000  }
0xc3: {  	[sflag:s12] =	ssyncset.done $0x0  }
0xc4: {  	s16 =	simm.s32 $0xF0;
	[sflag:s12] =	ssyncadd.s32 $0xFFFFD000  }
0xc5: {  	v6 =	vld [tilespmem:s16+$0x12F10]  }
0xc6: {  	v7 =	vld [tilespmem:s16+$0x12F20]  }
0xc7: {  	v8 =	vld [tilespmem:s16+$0x12F30]  }
0xc8: {  	v9 =	vld [tilespmem:s16+$0x12F40]  }
0xc9: {  	v10 =	vld [tilespmem:s16+$0x12F50]  }
0xca: {  	v11 =	vld [tilespmem:s16+$0x12F60]  }
0xcb: {  	v12 =	vld [tilespmem:s16+$0x12F70]  }
0xcc: {  	v13 =	vld [tilespmem:s16+$0x12F80]  }
0xcd: {  	v14 =	vld [tilespmem:s16+$0x12F90]  }
0xce: {  	v15 =	vld [tilespmem:s16+$0x12FA0]  }
0xcf: {  	v5 =	vld [tilespmem:s16+$0x12FB0]  }
0xd0: {  	v4 =	vld [tilespmem:s16+$0x12FC0]  }
0xd1: {  	v3 =	vld [tilespmem:s16+$0x12FD0]  }
0xd2: {  	v2 =	vld [tilespmem:s16+$0x12FE0]  }
0xd3: {  	v1 =	vld [tilespmem:s16+$0x12FF0]  }
0xd4: {  	v0 =	vld [tilespmem:s16+$0x13000]  }
0xd5: {  	v16 =	vld [tilespmem:s16+$0xCB10]  }
0xd6: {  	v17 =	vld [tilespmem:s16+$0xCB20]  }
0xd7: {  	v18 =	vld [tilespmem:s16+$0xCB30]  }
0xd8: {  	v19 =	vld [tilespmem:s16+$0xCB40]  }
0xd9: {  	v20 =	vld [tilespmem:s16+$0xCB50]  }
0xda: {  	v60 =	vld [tilespmem:s16+$0xCB60];
	v6 =	vadd.f32 v6, v16  }
0xdb: {  	v21 =	vld [tilespmem:s16+$0xCB70];
	v7 =	vadd.f32 v7, v17  }
0xdc: {  	v61 =	vld [tilespmem:s16+$0xCB80];
	[tilespmem:s16+$0xCB10] =	vst v6;
	v6 =	vadd.f32 v8, v18  }
0xdd: {  	v62 =	vld [tilespmem:s16+$0xCB90];
	[tilespmem:s16+$0xCB20] =	vst v7;
	v7 =	vadd.f32 v9, v19  }
0xde: {  	v63 =	vld [tilespmem:s16+$0xCBA0];
	[tilespmem:s16+$0xCB30] =	vst v6;
	v6 =	vadd.f32 v10, v20  }
0xdf: {  	v8 =	vadd.f32 v11, v60;
	[tilespmem:s16+$0xCB40] =	vst v7;
	v7 =	vld [tilespmem:s16+$0xCBB0]  }
0xe0: {  	v9 =	vadd.f32 v12, v21;
	[tilespmem:s16+$0xCB50] =	vst v6;
	v6 =	vld [tilespmem:s16+$0xCBC0]  }
0xe1: {  	[tilespmem:s16+$0xCB60] =	vst v8;
	v8 =	vld [tilespmem:s16+$0xCBD0];
	v10 =	vadd.f32 v13, v61  }
0xe2: {  	v12 =	vadd.f32 v14, v62;
	[tilespmem:s16+$0xCB70] =	vst v9;
	v9 =	vld [tilespmem:s16+$0xCBE0]  }
0xe3: {  	s0 =	simm.s32 $0x7C0;
	v11 =	vadd.f32 v15, v63;
	[tilespmem:s16+$0xCB80] =	vst v10;
	v10 =	vld [tilespmem:s16+$0xCBF0]  }
.LBB2_5:
0xe4: {  	s4 =	sshra.s32 s0, $0x2;
	p1 =	sne.s32 s0, $0x18FC0;
	[tilespmem:s16+$0xCB90] =	vst v12;
	v5 =	vadd.f32 v5, v7;
	v7 =	vld [tilespmem:s16+$0xCC00]  }
0xe5: {  	v12 =	vld [tilespmem:s4+$0x12F10];
	[tilespmem:s16+$0xCBA0] =	vst v11;
	v4 =	vadd.f32 v4, v6  }
0xe6: {  	v6 =	vld [tilespmem:s4+$0x12F20];
	[tilespmem:s16+$0xCBB0] =	vst v5;
	v3 =	vadd.f32 v3, v8  }
0xe7: {  	v8 =	vld [tilespmem:s4+$0x12F30];
	[tilespmem:s16+$0xCBC0] =	vst v4;
	v2 =	vadd.f32 v2, v9  }
0xe8: {  	v9 =	vld [tilespmem:s4+$0x12F40];
	[tilespmem:s16+$0xCBD0] =	vst v3;
	v1 =	vadd.f32 v1, v10  }
0xe9: {  	v10 =	vld [tilespmem:s4+$0x12F50];
	[tilespmem:s16+$0xCBE0] =	vst v2;
	v0 =	vadd.f32 v0, v7  }
0xea: {  	v7 =	vld [tilespmem:s4+$0x12F60];
	[tilespmem:s16+$0xCBF0] =	vst v1  }
0xeb: {  	v11 =	vld [tilespmem:s4+$0x12F70];
	[tilespmem:s16+$0xCC00] =	vst v0;
	s16 =	smov.u32 s4  }
0xec: {  	v13 =	vld [tilespmem:s16+$0x12F80]  }
0xed: {  	v14 =	vld [tilespmem:s16+$0x12F90]  }
0xee: {  	v15 =	vld [tilespmem:s16+$0x12FA0]  }
0xef: {  	v5 =	vld [tilespmem:s16+$0x12FB0]  }
0xf0: {  	v4 =	vld [tilespmem:s16+$0x12FC0]  }
0xf1: {  	v3 =	vld [tilespmem:s16+$0x12FD0]  }
0xf2: {  	v2 =	vld [tilespmem:s16+$0x12FE0]  }
0xf3: {  	v1 =	vld [tilespmem:s16+$0x12FF0]  }
0xf4: {  	v0 =	vld [tilespmem:s16+$0x13000]  }
0xf5: {  	v16 =	vld [tilespmem:s16+$0xCB10]  }
0xf6: {  	v17 =	vld [tilespmem:s16+$0xCB20]  }
0xf7: {  	v18 =	vld [tilespmem:s16+$0xCB30]  }
0xf8: {  	v19 =	vld [tilespmem:s16+$0xCB40]  }
0xf9: {  	v20 =	vld [tilespmem:s16+$0xCB50]  }
0xfa: {  	v12 =	vadd.f32 v12, v16;
	v16 =	vld [tilespmem:s16+$0xCB60]  }
0xfb: {  	v6 =	vadd.f32 v6, v17;
	v17 =	vld [tilespmem:s16+$0xCB70]  }
0xfc: {  	[tilespmem:s16+$0xCB10] =	vst v12;
	v8 =	vadd.f32 v8, v18;
	v12 =	vld [tilespmem:s16+$0xCB80]  }
0xfd: {  	[tilespmem:s16+$0xCB20] =	vst v6;
	v6 =	vadd.f32 v9, v19;
	v9 =	vld [tilespmem:s16+$0xCB90]  }
0xfe: {  	[tilespmem:s16+$0xCB30] =	vst v8;
	v8 =	vadd.f32 v10, v20;
	v10 =	vld [tilespmem:s16+$0xCBA0]  }
.Ltmp1:
0xff: {  	[tilespmem:s16+$0xCB40] =	vst v6;
	v16 =	vadd.f32 v7, v16;
	v7 =	vld [tilespmem:s16+$0xCBB0];
	(pc) =	sbr.rel @p1 .LBB2_5-.Ltmp1, $4  }
0x100: {  	[tilespmem:s16+$0xCB50] =	vst v8;
	v11 =	vadd.f32 v11, v17;
	v6 =	vld [tilespmem:s16+$0xCBC0]  }
0x101: {  	[tilespmem:s16+$0xCB60] =	vst v16;
	v13 =	vadd.f32 v13, v12;
	v8 =	vld [tilespmem:s16+$0xCBD0]  }
0x102: {  	[tilespmem:s16+$0xCB70] =	vst v11;
	v12 =	vadd.f32 v14, v9;
	v9 =	vld [tilespmem:s16+$0xCBE0]  }
0x103: {  	s0 =	sadd.s32 $0x400, s0;
	[tilespmem:s16+$0xCB80] =	vst v13;
	v11 =	vadd.f32 v15, v10;
	v10 =	vld [tilespmem:s16+$0xCBF0]  }
0x104: {  	[tilespmem:s16+$0xCB90] =	vst v12;
	v5 =	vadd.f32 v5, v7;
	v63 =	vld [tilespmem:s16+$0xCC00]  }
0x105: {  	[tilespmem:s16+$0xCBA0] =	vst v11;
	v4 =	vadd.f32 v4, v6  }
0x106: {  	s17 =	sadd.s32 $0x1, s17;
	[tilespmem:s16+$0xCBB0] =	vst v5;
	v3 =	vadd.f32 v3, v8  }
0x107: {  	p1 =	sne.s32 s17, $0xF;
	[tilespmem:s16+$0xCBC0] =	vst v4;
	v2 =	vadd.f32 v2, v9  }
.Ltmp2:
0x108: {  	[tilespmem:s16+$0xCBD0] =	vst v3;
	v1 =	vadd.f32 v1, v10;
	(pc) =	sbr.rel @p1 .LBB2_2-.Ltmp2, $4  }
0x109: {  	[tilespmem:s16+$0xCBE0] =	vst v2;
	v0 =	vadd.f32 v0, v63  }
0x10a: {  	s0 =	sshll.u32 s13, $0x4;
	[tilespmem:s16+$0xCBF0] =	vst v1  }
0x10b: {  	s0 =	sadd.s32 s9, s0;
	[tilespmem:s16+$0xCC00] =	vst v0  }
0x10c: {  	[hbm4b:s0+s5] =	stream.linear.scatter [tilespmem:s30], [sflag:$0x4], $0x6400, $0x38;
	[tilespmem:$0x19480] =	vst v63  }
0x10d: {  	_ =	swait.ge [sflag:s10], $0x3400  }
0x10e: {  	[sflag:s10] =	ssyncset.done $0x0  }
0x10f: {  	[sflag:s10] =	ssyncadd.s32 $0xFFFFCC00  }
0x110: {  	_ =	swait.ge [sflag:s10], $0x3400  }
0x111: {  	[sflag:s10] =	ssyncset.done $0x0  }
0x112: {  	[sflag:s10] =	ssyncadd.s32 $0xFFFFCC00  }
0x113: {  	_ =	swait.ge [sflag:s10], $0x3000  }
0x114: {  	[sflag:s10] =	ssyncset.done $0x0  }
0x115: {  	[sflag:s10] =	ssyncadd.s32 $0xFFFFD000  }
0x116: {  	_ =	swait.ge [sflag:s10], $0x3000  }
0x117: {  	[sflag:s10] =	ssyncset.done $0x0  }
0x118: {  	s13 =	simm.s32 $0xF0;
	[sflag:s10] =	ssyncadd.s32 $0xFFFFD000  }
0x119: {  	v6 =	vld [tilespmem:s13+$0x6710]  }
0x11a: {  	v7 =	vld [tilespmem:s13+$0x6720]  }
0x11b: {  	v8 =	vld [tilespmem:s13+$0x6730]  }
0x11c: {  	v9 =	vld [tilespmem:s13+$0x6740]  }
0x11d: {  	v10 =	vld [tilespmem:s13+$0x6750]  }
0x11e: {  	v11 =	vld [tilespmem:s13+$0x6760]  }
0x11f: {  	v12 =	vld [tilespmem:s13+$0x6770]  }
0x120: {  	v13 =	vld [tilespmem:s13+$0x6780]  }
0x121: {  	v14 =	vld [tilespmem:s13+$0x6790]  }
0x122: {  	v15 =	vld [tilespmem:s13+$0x67A0]  }
0x123: {  	v5 =	vld [tilespmem:s13+$0x67B0]  }
0x124: {  	v4 =	vld [tilespmem:s13+$0x67C0]  }
0x125: {  	v3 =	vld [tilespmem:s13+$0x67D0]  }
0x126: {  	v2 =	vld [tilespmem:s13+$0x67E0]  }
0x127: {  	v1 =	vld [tilespmem:s13+$0x67F0]  }
0x128: {  	v0 =	vld [tilespmem:s13+$0x6800]  }
0x129: {  	v16 =	vld [tilespmem:s13+$0x310]  }
0x12a: {  	v17 =	vld [tilespmem:s13+$0x320]  }
0x12b: {  	v18 =	vld [tilespmem:s13+$0x330]  }
0x12c: {  	v19 =	vld [tilespmem:s13+$0x340]  }
0x12d: {  	v20 =	vld [tilespmem:s13+$0x350]  }
0x12e: {  	v60 =	vld [tilespmem:s13+$0x360];
	v6 =	vadd.f32 v6, v16  }
0x12f: {  	v21 =	vld [tilespmem:s13+$0x370];
	v7 =	vadd.f32 v7, v17  }
0x130: {  	v61 =	vld [tilespmem:s13+$0x380];
	[tilespmem:s13+$0x310] =	vst v6;
	v6 =	vadd.f32 v8, v18  }
0x131: {  	v62 =	vld [tilespmem:s13+$0x390];
	[tilespmem:s13+$0x320] =	vst v7;
	v7 =	vadd.f32 v9, v19  }
0x132: {  	v63 =	vld [tilespmem:s13+$0x3A0];
	[tilespmem:s13+$0x330] =	vst v6;
	v6 =	vadd.f32 v10, v20  }
0x133: {  	v8 =	vadd.f32 v11, v60;
	[tilespmem:s13+$0x340] =	vst v7;
	v7 =	vld [tilespmem:s13+$0x3B0]  }
0x134: {  	v9 =	vadd.f32 v12, v21;
	[tilespmem:s13+$0x350] =	vst v6;
	v6 =	vld [tilespmem:s13+$0x3C0]  }
0x135: {  	[tilespmem:s13+$0x360] =	vst v8;
	v8 =	vld [tilespmem:s13+$0x3D0];
	v10 =	vadd.f32 v13, v61  }
0x136: {  	v12 =	vadd.f32 v14, v62;
	[tilespmem:s13+$0x370] =	vst v9;
	v9 =	vld [tilespmem:s13+$0x3E0]  }
0x137: {  	s0 =	simm.s32 $0x7C0;
	v11 =	vadd.f32 v15, v63;
	[tilespmem:s13+$0x380] =	vst v10;
	v10 =	vld [tilespmem:s13+$0x3F0]  }
.LBB2_8:
0x138: {  	s4 =	sshra.s32 s0, $0x2;
	p1 =	sne.s32 s0, $0x18FC0;
	[tilespmem:s13+$0x390] =	vst v12;
	v5 =	vadd.f32 v5, v7;
	v7 =	vld [tilespmem:s13+$0x400]  }
0x139: {  	v12 =	vld [tilespmem:s4+$0x6710];
	[tilespmem:s13+$0x3A0] =	vst v11;
	v4 =	vadd.f32 v4, v6  }
0x13a: {  	v6 =	vld [tilespmem:s4+$0x6720];
	[tilespmem:s13+$0x3B0] =	vst v5;
	v3 =	vadd.f32 v3, v8  }
0x13b: {  	v8 =	vld [tilespmem:s4+$0x6730];
	[tilespmem:s13+$0x3C0] =	vst v4;
	v2 =	vadd.f32 v2, v9  }
0x13c: {  	v9 =	vld [tilespmem:s4+$0x6740];
	[tilespmem:s13+$0x3D0] =	vst v3;
	v1 =	vadd.f32 v1, v10  }
0x13d: {  	v10 =	vld [tilespmem:s4+$0x6750];
	[tilespmem:s13+$0x3E0] =	vst v2;
	v0 =	vadd.f32 v0, v7  }
0x13e: {  	v7 =	vld [tilespmem:s4+$0x6760];
	[tilespmem:s13+$0x3F0] =	vst v1  }
0x13f: {  	v11 =	vld [tilespmem:s4+$0x6770];
	[tilespmem:s13+$0x400] =	vst v0;
	s13 =	smov.u32 s4  }
0x140: {  	v13 =	vld [tilespmem:s13+$0x6780]  }
0x141: {  	v14 =	vld [tilespmem:s13+$0x6790]  }
0x142: {  	v15 =	vld [tilespmem:s13+$0x67A0]  }
0x143: {  	v5 =	vld [tilespmem:s13+$0x67B0]  }
0x144: {  	v4 =	vld [tilespmem:s13+$0x67C0]  }
0x145: {  	v3 =	vld [tilespmem:s13+$0x67D0]  }
0x146: {  	v2 =	vld [tilespmem:s13+$0x67E0]  }
0x147: {  	v1 =	vld [tilespmem:s13+$0x67F0]  }
0x148: {  	v0 =	vld [tilespmem:s13+$0x6800]  }
0x149: {  	v16 =	vld [tilespmem:s13+$0x310]  }
0x14a: {  	v17 =	vld [tilespmem:s13+$0x320]  }
0x14b: {  	v18 =	vld [tilespmem:s13+$0x330]  }
0x14c: {  	v19 =	vld [tilespmem:s13+$0x340]  }
0x14d: {  	v20 =	vld [tilespmem:s13+$0x350]  }
0x14e: {  	v12 =	vadd.f32 v12, v16;
	v16 =	vld [tilespmem:s13+$0x360]  }
0x14f: {  	v6 =	vadd.f32 v6, v17;
	v17 =	vld [tilespmem:s13+$0x370]  }
0x150: {  	[tilespmem:s13+$0x310] =	vst v12;
	v8 =	vadd.f32 v8, v18;
	v12 =	vld [tilespmem:s13+$0x380]  }
0x151: {  	[tilespmem:s13+$0x320] =	vst v6;
	v6 =	vadd.f32 v9, v19;
	v9 =	vld [tilespmem:s13+$0x390]  }
0x152: {  	[tilespmem:s13+$0x330] =	vst v8;
	v8 =	vadd.f32 v10, v20;
	v10 =	vld [tilespmem:s13+$0x3A0]  }
.Ltmp3:
0x153: {  	[tilespmem:s13+$0x340] =	vst v6;
	v16 =	vadd.f32 v7, v16;
	v7 =	vld [tilespmem:s13+$0x3B0];
	(pc) =	sbr.rel @p1 .LBB2_8-.Ltmp3, $4  }
0x154: {  	[tilespmem:s13+$0x350] =	vst v8;
	v11 =	vadd.f32 v11, v17;
	v6 =	vld [tilespmem:s13+$0x3C0]  }
0x155: {  	[tilespmem:s13+$0x360] =	vst v16;
	v13 =	vadd.f32 v13, v12;
	v8 =	vld [tilespmem:s13+$0x3D0]  }
0x156: {  	[tilespmem:s13+$0x370] =	vst v11;
	v12 =	vadd.f32 v14, v9;
	v9 =	vld [tilespmem:s13+$0x3E0]  }
0x157: {  	s0 =	sadd.s32 $0x400, s0;
	[tilespmem:s13+$0x380] =	vst v13;
	v11 =	vadd.f32 v15, v10;
	v10 =	vld [tilespmem:s13+$0x3F0]  }
0x158: {  	[tilespmem:s13+$0x390] =	vst v12;
	v5 =	vadd.f32 v5, v7;
	v63 =	vld [tilespmem:s13+$0x400]  }
0x159: {  	[tilespmem:s13+$0x3A0] =	vst v11;
	v4 =	vadd.f32 v4, v6  }
0x15a: {  	[tilespmem:s13+$0x3B0] =	vst v5;
	v3 =	vadd.f32 v3, v8  }
0x15b: {  	[tilespmem:s13+$0x3C0] =	vst v4;
	v2 =	vadd.f32 v2, v9  }
0x15c: {  	[tilespmem:s13+$0x3D0] =	vst v3;
	v1 =	vadd.f32 v1, v10  }
0x15d: {  	[tilespmem:s13+$0x3E0] =	vst v2;
	v0 =	vadd.f32 v0, v63  }
0x15e: {  	[tilespmem:s13+$0x3F0] =	vst v1  }
0x15f: {  	s0 =	rddreg [dreg:$0xb];
	[tilespmem:s13+$0x400] =	vst v0  }
0x160: {  	[hbm4b:s0+s5] =	stream.linear.scatter [tilespmem:s21], [sflag:$0x3], $0x6400, $0x38;
	[tilespmem:$0x19480] =	vst v63  }
0x161: {  	_ =	swait.ge [sflag:s11], $0x6400  }
0x162: {  	[sflag:s11] =	ssyncset.done $0x0  }
0x163: {  	s4 =	simm.s32 $0x4;
	[sflag:s11] =	ssyncadd.s32 $0xFFFF9C00  }
0x164: {  	_ =	swait.ge [sflag:s4], $0x6400  }
0x165: {  	s6 =	rddreg [dreg:$0xd]  }
0x166: {  	s31 =	rddreg [dreg:$0xc];
	s6 =	sadd.s32 $0x1, s6  }
0x167: {  	p1 =	sne.s32 s6, s31  }
.Ltmp4:
0x168: {  	_ = 	snop;
	(pc) =	sbr.rel @p1 .LBB2_1-.Ltmp4, $3  }
0x169: {  	_ =	sdelay $0x1  }
0x16a: {  	[sflag:s4] =	ssyncset.done $0x0  }
0x16b: {  	[sflag:s4] =	ssyncadd.s32 $0xFFFF9C00  }
0x16c: {  	_ =	sfence.sel $0x180000  }
0x16d: {  	[bflag:$0x0] =	sbarrier.arrive $0xFFFF  }
0x16e: {  	_ =	strace $0x90000047  }
0x16f: {  	s0 =	stileid.u32;
	[bflag:$0x2] =	sbarrier.arrive $0xFFFF  }
0x170: {  	p0 =	sne.s32 s0, $0x0;
	s0 =	rddreg [dreg:$0x4]  }
0x171: {  	s0 =	sadd.s32 @!p0 $0x100000, s0  }
0x172: {  	[sflag:s0] =	ssyncadd.tile.s32 @!p0 $0x1;
	_ =	shalt  }
.Lfunc_end2:
_tile_overlayer_lowered:
.L_overlay_start_2:
0x173: {  	(tag) =	ssettag $0x2  }
0x174: {  	s0 =	rddreg [dreg:$0x0];
	s2 =	stileid.u32  }
0x175: {  	s1 =	rddreg [dreg:$0x1];
	p0 =	sne.s32 s2, $0x0  }
0x176: {  	s3 =	rddreg [dreg:$0x2];
	[bflag:$0x3] =	sbarrier.arrive $0xFFFF;
	s2 =	simm.s32 @!p0 $0x1C06  }
0x177: {  	[timem:s3], [sflag:s2] =	dma.local @!p0 [hbm:s0], s1  }
0x178: {  	s0 =	simm.s32 @!p0 $0x6  }
0x179: {  	_ =	swait.ge @!p0 [sflag:s0], s1  }
0x17a: {  	s1 =	ssub.s32 @!p0 $0x0, s1;
	[sflag:s0] =	ssyncset.done @!p0 $0x0  }
0x17b: {  	[sflag:s0] =	ssyncadd.s32 @!p0 s1  }
0x17c: {  	[bflag:$0x3] =	sbarrier.arrive $0xFFFF  }
0x17d: {  	_ =	shalt  }

// kernel: kernel.9.cloned.1.call-start
scs
__scs_entry_jumppad:
0x0: {  	(pc) =	sbr.rel $0x88, $3  }
0x1: {  	(tag) =	ssettag $0x0;
	lr =	simm.s32 $0x1  }
0x2: {  	[smem:$0x3F9E] =	sst lr;
	_ =	strace $0xD0000000  }
0x3: {  	_ = 	snop  }
0x4: {  	_ = 	snop  }
0x5: {  	_ = 	snop  }
0x6: {  	_ = 	snop  }
0x7: {  	_ = 	snop  }
__scs_overlays_trampoline_lowered:
0x8: {  	[smem:$0x3FAD] =	sst s0  }
0x9: {  	[smem:$0x3FAE] =	sst s1  }
0xa: {  	[smem:$0x3FAF] =	sst s2  }
0xb: {  	[smem:$0x3FB0] =	sst s3  }
0xc: {  	[smem:$0x3FB1] =	sst s4  }
0xd: {  	[smem:$0x3FB2] =	sst s5  }
0xe: {  	[smem:$0x3FB3] =	sst s6  }
0xf: {  	[smem:$0x3FB4] =	sst s7  }
0x10: {  	[smem:$0x3FB5] =	sst s8  }
0x11: {  	[smem:$0x3FB6] =	sst s9;
	s0 =	simm.s32 @!p0 $0x0  }
0x12: {  	s1 =	sld [smem:$0x3F9C];
	s0 =	simm.s32 @p0 $0x1  }
0x13: {  	[smem:$0x3FB7] =	sst s0;
	s0 =	simm.s32 @!p1 $0x0  }
0x14: {  	s2 =	sld [smem:$0x3F9B];
	s0 =	simm.s32 @p1 $0x1  }
0x15: {  	[smem:$0x3FB8] =	sst s0;
	s0 =	simm.s32 @!p2 $0x0  }
0x16: {  	s3 =	sld [smem:$0x3FDB];
	s0 =	simm.s32 @p2 $0x1  }
0x17: {  	s4 =	simm.s32 $0x1BF5;
	[smem:$0x3FBA] =	sst s0  }
0x18: {  	s0 =	sld [smem:$0x3F9D];
	_ =	swait.ge [sflag:s4], $0x0  }
0x19: {  	s7 =	sld [smem:$0x3F9E]  }
0x1a: {  	s8 =	sadd.s32 $0xFFFFE003, lr  }
0x1b: {  	s9 =	sadd.s32 $0xFFFFFEF7, lr;
	s5 =	simm.s32 $0xFFFFFFFF;
	p2 =	slt.u32 s8, $0xFFFFF086  }
0x1c: {  	p1 =	slt.u32 s9, $0xF7A;
	s5 =	simm.s32 @!p2 $0x0  }
0x1d: {  	s5 =	simm.s32 @p1 $0x1;
	p0 =	seq.s32 s7, s2  }
0x1e: {  	s7 =	smul.u32 @!p0 $0xF7A, s2;
	p2 =	seq.s32 @!p0 s5, $0x0  }
0x1f: {  	s9 =	smul.u32 $0xF7A, s1;
	s8 =	simm.s32 @!p0 $0x1BF5;
	p2 =	por !p2, p0  }
0x20: {  	[sflag:s8] =	ssyncset.s32 @!p0 $0xFFFFF086;
	s6 =	sadd.s32 @!p0 s3, s7;
	s7 =	simm.s32 @!p0 $0x108  }
0x21: {  	s3 =	sadd.s32 s3, s9;
	s6 =	sadd.s32 @!p0 $0x88, s6;
	s7 =	simm.s32 @p2 $0x1082  }
0x22: {  	[simem:s7], [sflag:s8] =	dma.local @!p0 [hbm:s6], $0xF7A  }
0x23: {  	s9 =	sor.u32 $0xD0000000, s2;
	s6 =	simm.s32 $0x108;
	_ =	swait.ge @!p0 [sflag:s8], $0x0  }
0x24: {  	s3 =	sadd.s32 $0x88, s3;
	s6 =	simm.s32 @!p1 $0x1082;
	[sflag:s4] =	ssyncset.s32 $0xFFFFF086  }
0x25: {  	[simem:s6], [sflag:s4] =	dma.local [hbm:s3], $0xF7A  }
0x26: {  	[smem:$0x3F9E] =	sst s1;
	(tag) =	ssettag s2;
	_ =	strace s9  }
0x27: {  	s1 =	sld [smem:$0x3FAE]  }
0x28: {  	s2 =	sld [smem:$0x3FAF]  }
0x29: {  	s4 =	sld [smem:$0x3FB1]  }
0x2a: {  	p0 =	seq.s32 s5, $0x0;
	s5 =	sld [smem:$0x3FB2]  }
0x2b: {  	s6 =	sld [smem:$0x3FB3]  }
0x2c: {  	s7 =	sld [smem:$0x3FB4]  }
0x2d: {  	s3 =	simm.s32 $0x108;
	s8 =	sld [smem:$0x3FB5]  }
0x2e: {  	s3 =	simm.s32 @!p0 $0x1082;
	s9 =	sld [smem:$0x3FB6]  }
0x2f: {  	lr =	sadd.s32 s0, s3;
	s0 =	sld [smem:$0x3FAD]  }
0x30: {  	s3 =	sld [smem:$0x3FB0]  }
0x31: {  	[smem:$0x3FB9] =	sst s10  }
0x32: {  	s10 =	sld [smem:$0x3FB7];
	_ =	sdelay $0x3  }
0x33: {  	p0 =	seq.s32 s10, $0x1;
	s10 =	sld [smem:$0x3FB9];
	_ =	sdelay $0x3  }
0x34: {  	[smem:$0x3FB9] =	sst s10  }
0x35: {  	s10 =	sld [smem:$0x3FB8];
	_ =	sdelay $0x3  }
0x36: {  	p1 =	seq.s32 s10, $0x1;
	s10 =	sld [smem:$0x3FB9];
	_ =	sdelay $0x3  }
0x37: {  	[smem:$0x3FB9] =	sst s10  }
0x38: {  	s10 =	sld [smem:$0x3FBA]  }
0x39: {  	_ = 	snop;
	(pc) =	sbr.ind lr, $3  }
0x3a: {  	_ = 	snop  }
0x3b: {  	_ = 	snop  }
0x3c: {  	p2 =	seq.s32 s10, $0x1;
	s10 =	sld [smem:$0x3FB9]  }
0x3d: {  	_ =	shalt  }
0x3e: {  	_ =	shalt  }
0x3f: {  	_ =	shalt  }
0x40: {  	_ =	shalt  }
0x41: {  	_ =	shalt  }
0x42: {  	_ =	shalt  }
0x43: {  	_ =	shalt  }
0x44: {  	_ =	shalt  }
0x45: {  	_ =	shalt  }
0x46: {  	_ =	shalt  }
0x47: {  	_ =	shalt  }
0x48: {  	_ =	shalt  }
0x49: {  	_ =	shalt  }
0x4a: {  	_ =	shalt  }
0x4b: {  	_ =	shalt  }
0x4c: {  	_ =	shalt  }
0x4d: {  	_ =	shalt  }
0x4e: {  	_ =	shalt  }
0x4f: {  	_ =	shalt  }
0x50: {  	_ =	shalt  }
0x51: {  	_ =	shalt  }
0x52: {  	_ =	shalt  }
0x53: {  	_ =	shalt  }
0x54: {  	_ =	shalt  }
0x55: {  	_ =	shalt  }
0x56: {  	_ =	shalt  }
0x57: {  	_ =	shalt  }
0x58: {  	_ =	shalt  }
0x59: {  	_ =	shalt  }
0x5a: {  	_ =	shalt  }
0x5b: {  	_ =	shalt  }
0x5c: {  	_ =	shalt  }
0x5d: {  	_ =	shalt  }
0x5e: {  	_ =	shalt  }
0x5f: {  	_ =	shalt  }
0x60: {  	_ =	shalt  }
0x61: {  	_ =	shalt  }
0x62: {  	_ =	shalt  }
0x63: {  	_ =	shalt  }
0x64: {  	_ =	shalt  }
0x65: {  	_ =	shalt  }
0x66: {  	_ =	shalt  }
0x67: {  	_ =	shalt  }
0x68: {  	_ =	shalt  }
0x69: {  	_ =	shalt  }
0x6a: {  	_ =	shalt  }
0x6b: {  	_ =	shalt  }
0x6c: {  	_ =	shalt  }
0x6d: {  	_ =	shalt  }
0x6e: {  	_ =	shalt  }
0x6f: {  	_ =	shalt  }
0x70: {  	_ =	shalt  }
0x71: {  	_ =	shalt  }
0x72: {  	_ =	shalt  }
0x73: {  	_ =	shalt  }
0x74: {  	_ =	shalt  }
0x75: {  	_ =	shalt  }
0x76: {  	_ =	shalt  }
0x77: {  	_ =	shalt  }
0x78: {  	_ =	shalt  }
0x79: {  	_ =	shalt  }
0x7a: {  	_ =	shalt  }
0x7b: {  	_ =	shalt  }
0x7c: {  	_ =	shalt  }
0x7d: {  	_ =	shalt  }
0x7e: {  	_ =	shalt  }
0x7f: {  	_ =	shalt  }
0x80: {  	_ =	shalt  }
0x81: {  	_ =	shalt  }
0x82: {  	_ =	shalt  }
0x83: {  	_ =	shalt  }
0x84: {  	_ =	shalt  }
0x85: {  	_ =	shalt  }
0x86: {  	_ =	shalt  }
0x87: {  	_ =	shalt  }
.Lfunc_end0:
.L_simem_size_0:
called_computation.1_lowered:
.L_overlay_start_0:
0x88: {  	s2 =	sld [smem:$0x3FD9]  }
0x89: {  	s3 =	sld [smem:$0x3FFE];
	_ =	sdelay $0x1  }
0x8a: {  	s1 =	srdreg.scid  }
0x8b: {  	s0 =	sand.u32 $0x1, s1  }
0x8c: {  	s15 =	sshll.u32 s0, $0xA;
	s2 =	sadd.s32 s3, s2  }
0x8d: {  	s2 =	sadd.s32 s2, s15  }
0x8e: {  	[smem:$0x3FC5] =	sst s2  }
0x8f: {  	_ = 	snop  }
0x90: {  	s16 =	sld [smem:$0x3FD0];
	_ =	sdelay $0x2  }
0x91: {  	s5 =	simm.s32 $0xB;
	s4 =	simm.s32 $0x10;
	s2 =	sld [smem:$0x3FC9]  }
0x92: {  	[smem:s4], [sflag:s5] =	dma.local [hbm:s16], $0x1  }
0x93: {  	_ =	swait.eq [sflag:s5], $0x1  }
0x94: {  	[sflag:s5] =	ssyncset.done $0x0  }
0x95: {  	s17 =	sld [smem:$0x10];
	[sflag:s5] =	ssyncadd.s32 $0xFFFFFFFF  }
0x96: {  	s18 =	sld [smem:$0x11];
	(tm) =	ssettm $0x1  }
0x97: {  	s19 =	sld [smem:$0x3FFB];
	_ =	sdelay $0x3  }
0x98: {  	_ =	strace s19  }
0x99: {  	s3 =	sld [smem:$0x3FFC];
	_ =	sdelay $0x3  }
0x9a: {  	_ =	strace s3  }
0x9b: {  	s3 =	sld [smem:$0x3FFD];
	_ =	sdelay $0x3  }
0x9c: {  	_ =	strace s3  }
0x9d: {  	_ =	strace $0x8FFFFFFF  }
0x9e: {  	s20 =	sld [smem:$0x3FDB];
	_ =	sdelay $0x1  }
0x9f: {  	s6 =	simm.s32 $_scs_section_size  }
0xa0: {  	s7 =	simm.s32 $_size__tile_overlayer_lowered;
	s8 =	simm.s32 $_tile_overlayer_lowered  }
0xa1: {  	s9 =	simm.s32 $0x1BFF;
	s21 =	sshll.u32 s8, $0x1;
	s6 =	sadd.s32 s6, s20  }
0xa2: {  	s22 =	simm.s32 $0x0;
	s7 =	sshll.u32 s7, $0x1;
	s8 =	sadd.s32 s21, s6  }
0xa3: {  	[timem:s22], [sflag:s9] =	dma.local [hbm:s8], s7  }
0xa4: {  	_ =	swait.ge [sflag:s9], s7  }
0xa5: {  	s7 =	ssub.s32 $0x0, s7;
	[sflag:s9] =	ssyncset.done $0x0  }
0xa6: {  	[sflag:s9] =	ssyncadd.s32 s7;
	_ =	sdelay $0x1  }
0xa7: {  	s23 =	simm.s32 $0x1B8B  }
0xa8: {  	_ =	swait.ge [sflag:s23], $0x1  }
0xa9: {  	[sflag:s23] =	ssyncset.done $0x0  }
0xaa: {  	[sflag:s23] =	ssyncadd.s32 $0xFFFFFFFF  }
0xab: {  	s7 =	sld [smem:$0x0]  }
0xac: {  	s8 =	sand.u32 $0xFFFFFFFE, s1  }
0xad: {  	p0 =	sne.s32 s1, s8  }
0xae: {  	s8 =	sshll.u32 @p0 s8, $0xE  }
0xaf: {  	s8 =	sadd.s32 @p0 $0x11B8D, s8;
	s9 =	sshll.u32 @p0 s7, $0x11  }
0xb0: {  	s8 =	sor.u32 @p0 s9, s8  }
0xb1: {  	[sflag:s8] =	ssyncadd.remote.s32 @p0 $0x1;
	_ =	sdelay $0x1  }
0xb2: {  	s8 =	simm.s32 @p0 $0x1B8D  }
0xb3: {  	_ =	swait.eq @p0 [sflag:s8], $0x1  }
0xb4: {  	[sflag:s8] =	ssyncadd.s32 @p0 $0xFFFFFFFF  }
0xb5: {  	s9 =	sshll.u32 @!p0 s1, $0xE  }
0xb6: {  	s9 =	sor.u32 @!p0 $0x4000, s9;
	s8 =	simm.s32 @!p0 $0x1B8D  }
0xb7: {  	s7 =	sshll.u32 @!p0 s7, $0x11;
	s9 =	sadd.s32 @!p0 $0x11B8D, s9;
	_ =	swait.eq @!p0 [sflag:s8], $0x1  }
0xb8: {  	s7 =	sor.u32 @!p0 s7, s9;
	[sflag:s8] =	ssyncadd.s32 @!p0 $0xFFFFFFFF  }
0xb9: {  	s25 =	simm.s32 $0x1B8E;
	s24 =	sld [smem:$0x3FFE];
	[sflag:s7] =	ssyncadd.remote.s32 @!p0 $0x1  }
0xba: {  	s26 =	simm.s32 $execute0_lowered;
	[smem:$0x3FD2] =	sst s25  }
0xbb: {  	s8 =	sshll.u32 s26, $0x1;
	_ =	strace $0x80000049;
	[dreg:$0x1] =	wrdreg $0xFFFFFFFF  }
0xbc: {  	s28 =	simm.s32 $_size_execute0_lowered;
	s6 =	sadd.s32 s6, s8;
	[dreg:$0x0] =	wrdreg $0x0  }
0xbd: {  	s8 =	sshll.u32 s28, $0x1;
	[dreg:$0x2] =	wrdreg s6  }
0xbe: {  	[dreg:$0x3] =	wrdreg s8  }
0xbf: {  	[dreg:$0x4] =	wrdreg $0xC0  }
0xc0: {  	_ =	task [dreg:s22], $0x5FFFF  }
0xc1: {  	[dreg:$0x1] =	wrdreg $0xFFFFFFFF  }
0xc2: {  	[dreg:$0x0] =	wrdreg $0x60  }
0xc3: {  	[dreg:$0x2] =	wrdreg s2  }
0xc4: {  	[dreg:$0x3] =	wrdreg s17  }
0xc5: {  	[dreg:$0x4] =	wrdreg s18  }
0xc6: {  	[dreg:$0x5] =	wrdreg s24  }
0xc7: {  	[dreg:$0x6] =	wrdreg $0xA  }
0xc8: {  	_ =	task.clear_ibuf [dreg:s22], $0x7FFFF;
	_ =	strace $0x90000049  }
0xc9: {  	s29 =	simm.s32 $0xA;
	_ =	strace $0x8000004B  }
0xca: {  	_ =	swait.ge [sflag:s29], $0x1  }
0xcb: {  	[sflag:s29] =	ssyncadd.s32 $0xFFFFFFFF  }
0xcc: {  	_ =	strace $0x9000004B  }
0xcd: {  	_ =	sfence  }
0xce: {  	s30 =	sld [smem:$0x0];
	_ =	sdelay $0x2  }
0xcf: {  	s31 =	sshll.u32 s1, $0xD;
	s1 =	sshrl.u32 s1, $0x2  }
0xd0: {  	s4 =	sand.u32 $0x4000, s31;
	s1 =	sadd.s32 s1, s30  }
0xd1: {  	s0 =	sor.u32 s4, s0;
	s1 =	sshll.u32 s1, $0x11  }
0xd2: {  	s0 =	sor.u32 s1, s0  }
0xd3: {  	s0 =	sadd.s32 $0x8F2B, s0  }
0xd4: {  	[sflag:s0] =	ssyncadd.remote.s32 $0x1  }
0xd5: {  	_ =	sfence.sel $0xFFFF  }
0xd6: {  	[dreg:$0x0] =	wrdreg $0xFFFFFFFF;
	(pc) =	sbr.abs _section_cstart, $3  }
0xd7: {  	[dreg:$0x1] =	wrdreg $0xFFFFFFFF  }
0xd8: {  	_ =	task.clear_ibuf [dreg:s22], $0x2FFFF;
	_ =	strace $0x9FFFFFFF  }
0xd9: {  	(tm) =	ssettm $0x7FFFFFFF  }
tec
execute0_lowered:
.L_overlay_start_1:
0x0: {  	(tag) =	ssettag $0x1  }
0x1: {  	s1 =	rddreg [dreg:$0x0]  }
0x2: {  	s2 =	rddreg [dreg:$0x1]  }
0x3: {  	s4 =	rddreg [dreg:$0x2];
	s0 =	srdreg.scid  }
0x4: {  	s5 =	stileid.u32;
	s3 =	rddreg [dreg:$0x3];
	s14 =	simm.s32 $0x5  }
0x5: {  	s15 =	simm.s32 $0x100;
	s16 =	simm.s32 $0x68;
	s17 =	simm.s32 $0x400  }
0x6: {  	s18 =	simm.s32 $0x6800;
	s19 =	simm.s32 $0x60;
	s20 =	simm.s32 $0x3800  }
0x7: {  	s21 =	simm.s32 $0x168;
	s22 =	simm.s32 $0x9C00;
	s23 =	simm.s32 $0x200  }
0x8: {  	s24 =	simm.s32 $0x300;
	s30 =	simm.s32 $0x368;
	s31 =	simm.s32 $0x16400  }
0x9: {  	s0 =	sand.u32 $0x1, s0;
	s6 =	sshll.u32 s5, $0x1;
	s5 =	simm.s32 $0x0  }
0xa: {  	s13 =	simm.s32 $0x0;
	s8 =	sor.u32 s0, s6;
	[smem:$0x7FF] =	sst s5  }
0xb: {  	s0 =	ssub.s32 $0x2, s0;
	s6 =	smul.u32 $0xED8, s8;
	_ =	strace $0x8000004A  }
0xc: {  	s9 =	smul.u32 $0x76C00, s8;
	s8 =	sadd.s32 $0x309400, s3;
	s25 =	sshrl.u32 s0, $0x1  }
0xd: {  	s0 =	ssub.s32 s0, s25;
	s25 =	simm.s32 $0xCC00;
	s7 =	sadd.s32 $0x30700, s6  }
0xe: {  	s28 =	sshrl.u32 s9, $0x3;
	s0 =	smax.u32 s0, $0x1;
	s10 =	sshrl.u32 s7, $0x3  }
0xf: {  	s11 =	sadd.s32 $0x30890, s6;
	[dreg:$0x8] =	wrdreg s0;
	s26 =	sadd.s32 s2, s10  }
0x10: {  	s3 =	sadd.s32 s8, s28;
	s29 =	sadd.s32 s4, s10;
	[dreg:$0x5] =	wrdreg s26  }
0x11: {  	s9 =	simm.s32 $0x2;
	s3 =	sadd.s32 $0xE100, s3;
	[dreg:$0x6] =	wrdreg s29  }
0x12: {  	s0 =	simm.s32 $0x3;
	[dreg:$0x7] =	wrdreg s3;
	s3 =	simm.s32 $0x1  }
.LBB2_1:
0x13: {  	[dreg:$0x9] =	wrdreg s13  }
0x14: {  	s10 =	rddreg [dreg:$0x5]  }
0x15: {  	[tilespmem:s5], [sflag:$0x5] =	stream.linear.gather [hbm4b:s10+s5], $0xC8, $0x38;
	[tilespmem:$0x19400] =	vst v63  }
0x16: {  	_ =	swait.ge [sflag:s14], $0xC8  }
0x17: {  	[sflag:s14] =	ssyncset.done $0x0  }
0x18: {  	s29 =	rddreg [dreg:$0x6];
	[sflag:s14] =	ssyncadd.s32 $0xFFFFFF38  }
0x19: {  	[tilespmem:s15], [sflag:$0x5] =	stream.linear.gather [hbm4b:s29+s5], $0xC8, $0x38;
	[tilespmem:$0x19400] =	vst v63  }
0x1a: {  	_ =	swait.ge [sflag:s14], $0xC8  }
0x1b: {  	[sflag:s14] =	ssyncset.done $0x0  }
0x1c: {  	[sflag:s14] =	ssyncadd.s32 $0xFFFFFF38  }
0x1d: {  	[tilespmem:s17], [sflag:$0x1] =	stream.indirect.gather [hbm4b:s1+s16], $0x80, s5, s16, $0xb8;
	[tilespmem:$0x19400] =	vst v63  }
0x1e: {  	_ = 	snop  }
0x1f: {  	[tilespmem:s18], [sflag:$0x1] =	stream.indirect.gather [hbm4b:s1+s16], $0x80, s15, s16, $0xb8;
	[tilespmem:$0x19400] =	vst v63  }
0x20: {  	_ = 	snop  }
0x21: {  	[tilespmem:s20], [sflag:$0x1] =	stream.indirect.gather [hbm4b:s1+s19], $0x80, s16, s19, $0xb8;
	[tilespmem:$0x19400] =	vst v63  }
0x22: {  	s13 =	simm.s32 $0x0  }
0x23: {  	[tilespmem:s22], [sflag:$0x1] =	stream.indirect.gather [hbm4b:s1+s19], $0x80, s21, s19, $0xb8;
	[tilespmem:$0x19400] =	vst v63  }
.LBB2_2:
0x24: {  	s12 =	smul.u32 $0x190, s13  }
0x25: {  	p0 =	seq.s32 s13, $0x0  }
0x26: {  	s26 =	simm.s32 @!p0 $0x4;
	s10 =	sadd.s32 $0xC8, s12  }
0x27: {  	_ =	swait.ge @!p0 [sflag:s26], $0x6400;
	s28 =	sadd.s32 s7, s10  }
0x28: {  	[sflag:s26] =	ssyncset.done @!p0 $0x0;
	s28 =	sshrl.u32 s28, $0x3  }
0x29: {  	[sflag:s26] =	ssyncadd.s32 @!p0 $0xFFFF9C00;
	s29 =	sadd.s32 s2, s28  }
0x2a: {  	[tilespmem:s23], [sflag:$0x5] =	stream.linear.gather [hbm4b:s29+s5], $0xC8, $0x38;
	[tilespmem:$0x19400] =	vst v63  }
0x2b: {  	_ =	swait.ge [sflag:s14], $0xC8  }
0x2c: {  	[sflag:s14] =	ssyncset.done $0x0  }
0x2d: {  	s29 =	sadd.s32 s4, s28;
	[sflag:s14] =	ssyncadd.s32 $0xFFFFFF38  }
0x2e: {  	[tilespmem:s24], [sflag:$0x5] =	stream.linear.gather [hbm4b:s29+s5], $0xC8, $0x38;
	[tilespmem:$0x19400] =	vst v63  }
0x2f: {  	_ =	swait.ge [sflag:s14], $0xC8  }
0x30: {  	[sflag:s14] =	ssyncset.done $0x0  }
0x31: {  	[sflag:s14] =	ssyncadd.s32 $0xFFFFFF38  }
0x32: {  	[tilespmem:s25], [sflag:$0x2] =	stream.indirect.gather [hbm4b:s1+s16], $0x80, s23, s16, $0xb8;
	[tilespmem:$0x19400] =	vst v63  }
0x33: {  	s29 =	simm.s32 $0x13000  }
0x34: {  	[tilespmem:s29], [sflag:$0x2] =	stream.indirect.gather [hbm4b:s1+s16], $0x80, s24, s16, $0xb8;
	[tilespmem:$0x19400] =	vst v63  }
0x35: {  	s28 =	simm.s32 $0x10000;
	s29 =	simm.s32 $0x268  }
0x36: {  	[tilespmem:s28], [sflag:$0x2] =	stream.indirect.gather [hbm4b:s1+s19], $0x80, s29, s19, $0xb8;
	[tilespmem:$0x19400] =	vst v63  }
0x37: {  	_ = 	snop  }
0x38: {  	[tilespmem:s31], [sflag:$0x2] =	stream.indirect.gather [hbm4b:s1+s19], $0x80, s30, s19, $0xb8;
	[tilespmem:$0x19400] =	vst v63  }
0x39: {  	_ =	swait.ge [sflag:s3], $0x3400  }
0x3a: {  	[sflag:s3] =	ssyncset.done $0x0  }
0x3b: {  	[sflag:s3] =	ssyncadd.s32 $0xFFFFCC00  }
0x3c: {  	_ =	swait.ge [sflag:s3], $0x3400  }
0x3d: {  	[sflag:s3] =	ssyncset.done $0x0  }
0x3e: {  	[sflag:s3] =	ssyncadd.s32 $0xFFFFCC00  }
0x3f: {  	_ =	swait.ge [sflag:s3], $0x3000  }
0x40: {  	[sflag:s3] =	ssyncset.done $0x0  }
0x41: {  	[sflag:s3] =	ssyncadd.s32 $0xFFFFD000  }
0x42: {  	_ =	swait.ge [sflag:s3], $0x3000  }
0x43: {  	[sflag:s3] =	ssyncset.done $0x0  }
0x44: {  	s26 =	simm.s32 $0xF0;
	[sflag:s3] =	ssyncadd.s32 $0xFFFFD000  }
0x45: {  	v6 =	vld [tilespmem:s26+$0x6710]  }
0x46: {  	v7 =	vld [tilespmem:s26+$0x6720]  }
0x47: {  	v8 =	vld [tilespmem:s26+$0x6730]  }
0x48: {  	v9 =	vld [tilespmem:s26+$0x6740]  }
0x49: {  	v10 =	vld [tilespmem:s26+$0x6750]  }
0x4a: {  	v11 =	vld [tilespmem:s26+$0x6760]  }
0x4b: {  	v12 =	vld [tilespmem:s26+$0x6770]  }
0x4c: {  	v13 =	vld [tilespmem:s26+$0x6780]  }
0x4d: {  	v14 =	vld [tilespmem:s26+$0x6790]  }
0x4e: {  	v15 =	vld [tilespmem:s26+$0x67A0]  }
0x4f: {  	v5 =	vld [tilespmem:s26+$0x67B0]  }
0x50: {  	v4 =	vld [tilespmem:s26+$0x67C0]  }
0x51: {  	v3 =	vld [tilespmem:s26+$0x67D0]  }
0x52: {  	v2 =	vld [tilespmem:s26+$0x67E0]  }
0x53: {  	v1 =	vld [tilespmem:s26+$0x67F0]  }
0x54: {  	v0 =	vld [tilespmem:s26+$0x6800]  }
0x55: {  	v16 =	vld [tilespmem:s26+$0x310]  }
0x56: {  	v17 =	vld [tilespmem:s26+$0x320]  }
0x57: {  	v18 =	vld [tilespmem:s26+$0x330]  }
0x58: {  	v19 =	vld [tilespmem:s26+$0x340]  }
0x59: {  	v20 =	vld [tilespmem:s26+$0x350]  }
0x5a: {  	v60 =	vld [tilespmem:s26+$0x360];
	v6 =	vadd.f32 v6, v16  }
0x5b: {  	v21 =	vld [tilespmem:s26+$0x370];
	v7 =	vadd.f32 v7, v17  }
0x5c: {  	v61 =	vld [tilespmem:s26+$0x380];
	[tilespmem:s26+$0x310] =	vst v6;
	v6 =	vadd.f32 v8, v18  }
0x5d: {  	v62 =	vld [tilespmem:s26+$0x390];
	[tilespmem:s26+$0x320] =	vst v7;
	v7 =	vadd.f32 v9, v19  }
0x5e: {  	v63 =	vld [tilespmem:s26+$0x3A0];
	[tilespmem:s26+$0x330] =	vst v6;
	v6 =	vadd.f32 v10, v20  }
0x5f: {  	v8 =	vadd.f32 v11, v60;
	[tilespmem:s26+$0x340] =	vst v7;
	v7 =	vld [tilespmem:s26+$0x3B0]  }
0x60: {  	v9 =	vadd.f32 v12, v21;
	[tilespmem:s26+$0x350] =	vst v6;
	v6 =	vld [tilespmem:s26+$0x3C0]  }
0x61: {  	[tilespmem:s26+$0x360] =	vst v8;
	v8 =	vld [tilespmem:s26+$0x3D0];
	v10 =	vadd.f32 v13, v61  }
0x62: {  	v12 =	vadd.f32 v14, v62;
	[tilespmem:s26+$0x370] =	vst v9;
	v9 =	vld [tilespmem:s26+$0x3E0]  }
0x63: {  	s28 =	simm.s32 $0x7C0;
	v11 =	vadd.f32 v15, v63;
	[tilespmem:s26+$0x380] =	vst v10;
	v10 =	vld [tilespmem:s26+$0x3F0]  }
.LBB2_3:
0x64: {  	s29 =	sshra.s32 s28, $0x2;
	p0 =	sne.s32 s28, $0x18FC0;
	[tilespmem:s26+$0x390] =	vst v12;
	v5 =	vadd.f32 v5, v7;
	v7 =	vld [tilespmem:s26+$0x400]  }
0x65: {  	v12 =	vld [tilespmem:s29+$0x6710];
	[tilespmem:s26+$0x3A0] =	vst v11;
	v4 =	vadd.f32 v4, v6  }
0x66: {  	v6 =	vld [tilespmem:s29+$0x6720];
	[tilespmem:s26+$0x3B0] =	vst v5;
	v3 =	vadd.f32 v3, v8  }
0x67: {  	v8 =	vld [tilespmem:s29+$0x6730];
	[tilespmem:s26+$0x3C0] =	vst v4;
	v2 =	vadd.f32 v2, v9  }
0x68: {  	v9 =	vld [tilespmem:s29+$0x6740];
	[tilespmem:s26+$0x3D0] =	vst v3;
	v1 =	vadd.f32 v1, v10  }
0x69: {  	v10 =	vld [tilespmem:s29+$0x6750];
	[tilespmem:s26+$0x3E0] =	vst v2;
	v0 =	vadd.f32 v0, v7  }
0x6a: {  	v7 =	vld [tilespmem:s29+$0x6760];
	[tilespmem:s26+$0x3F0] =	vst v1  }
0x6b: {  	v11 =	vld [tilespmem:s29+$0x6770];
	[tilespmem:s26+$0x400] =	vst v0;
	s26 =	smov.u32 s29  }
0x6c: {  	v13 =	vld [tilespmem:s26+$0x6780]  }
0x6d: {  	v14 =	vld [tilespmem:s26+$0x6790]  }
0x6e: {  	v15 =	vld [tilespmem:s26+$0x67A0]  }
0x6f: {  	v5 =	vld [tilespmem:s26+$0x67B0]  }
0x70: {  	v4 =	vld [tilespmem:s26+$0x67C0]  }
0x71: {  	v3 =	vld [tilespmem:s26+$0x67D0]  }
0x72: {  	v2 =	vld [tilespmem:s26+$0x67E0]  }
0x73: {  	v1 =	vld [tilespmem:s26+$0x67F0]  }
0x74: {  	v0 =	vld [tilespmem:s26+$0x6800]  }
0x75: {  	v16 =	vld [tilespmem:s26+$0x310]  }
0x76: {  	v17 =	vld [tilespmem:s26+$0x320]  }
0x77: {  	v18 =	vld [tilespmem:s26+$0x330]  }
0x78: {  	v19 =	vld [tilespmem:s26+$0x340]  }
0x79: {  	v20 =	vld [tilespmem:s26+$0x350]  }
0x7a: {  	v12 =	vadd.f32 v12, v16;
	v16 =	vld [tilespmem:s26+$0x360]  }
0x7b: {  	v6 =	vadd.f32 v6, v17;
	v17 =	vld [tilespmem:s26+$0x370]  }
0x7c: {  	[tilespmem:s26+$0x310] =	vst v12;
	v8 =	vadd.f32 v8, v18;
	v12 =	vld [tilespmem:s26+$0x380]  }
0x7d: {  	[tilespmem:s26+$0x320] =	vst v6;
	v6 =	vadd.f32 v9, v19;
	v9 =	vld [tilespmem:s26+$0x390]  }
0x7e: {  	[tilespmem:s26+$0x330] =	vst v8;
	v8 =	vadd.f32 v10, v20;
	v10 =	vld [tilespmem:s26+$0x3A0]  }
.Ltmp0:
0x7f: {  	[tilespmem:s26+$0x340] =	vst v6;
	v16 =	vadd.f32 v7, v16;
	v7 =	vld [tilespmem:s26+$0x3B0];
	(pc) =	sbr.rel @p0 .LBB2_3-.Ltmp0, $4  }
0x80: {  	[tilespmem:s26+$0x350] =	vst v8;
	v11 =	vadd.f32 v11, v17;
	v6 =	vld [tilespmem:s26+$0x3C0]  }
0x81: {  	[tilespmem:s26+$0x360] =	vst v16;
	v13 =	vadd.f32 v13, v12;
	v8 =	vld [tilespmem:s26+$0x3D0]  }
0x82: {  	[tilespmem:s26+$0x370] =	vst v11;
	v12 =	vadd.f32 v14, v9;
	v9 =	vld [tilespmem:s26+$0x3E0]  }
0x83: {  	s28 =	sadd.s32 $0x400, s28;
	[tilespmem:s26+$0x380] =	vst v13;
	v11 =	vadd.f32 v15, v10;
	v10 =	vld [tilespmem:s26+$0x3F0]  }
0x84: {  	[tilespmem:s26+$0x390] =	vst v12;
	v5 =	vadd.f32 v5, v7;
	v7 =	vld [tilespmem:s26+$0x400]  }
0x85: {  	[tilespmem:s26+$0x3A0] =	vst v11;
	v4 =	vadd.f32 v4, v6  }
0x86: {  	[tilespmem:s26+$0x3B0] =	vst v5;
	v3 =	vadd.f32 v3, v8  }
0x87: {  	[tilespmem:s26+$0x3C0] =	vst v4;
	v2 =	vadd.f32 v2, v9  }
0x88: {  	[tilespmem:s26+$0x3D0] =	vst v3;
	v1 =	vadd.f32 v1, v10  }
0x89: {  	s28 =	sadd.s32 s6, s12;
	[tilespmem:s26+$0x3E0] =	vst v2;
	v0 =	vadd.f32 v0, v7  }
0x8a: {  	s28 =	sshll.u32 s28, $0x4;
	[tilespmem:s26+$0x3F0] =	vst v1  }
0x8b: {  	s29 =	sadd.s32 s8, s28;
	[tilespmem:s26+$0x400] =	vst v0  }
0x8c: {  	[hbm4b:s29+s5] =	stream.linear.scatter [tilespmem:s17], [sflag:$0x3], $0x6400, $0x38;
	[tilespmem:$0x19400] =	vst v63  }
0x8d: {  	s28 =	sadd.s32 s12, s11;
	_ =	swait.ge [sflag:s0], $0x6400  }
0x8e: {  	s12 =	sshrl.u32 s28, $0x3;
	[sflag:s0] =	ssyncset.done $0x0  }
0x8f: {  	s29 =	sadd.s32 s2, s12;
	[sflag:s0] =	ssyncadd.s32 $0xFFFF9C00  }
0x90: {  	[tilespmem:s5], [sflag:$0x5] =	stream.linear.gather [hbm4b:s29+s5], $0xC8, $0x38;
	[tilespmem:$0x19400] =	vst v63  }
0x91: {  	_ =	swait.ge [sflag:s14], $0xC8  }
0x92: {  	[sflag:s14] =	ssyncset.done $0x0  }
0x93: {  	s12 =	sadd.s32 s4, s12;
	[sflag:s14] =	ssyncadd.s32 $0xFFFFFF38  }
0x94: {  	[tilespmem:s15], [sflag:$0x5] =	stream.linear.gather [hbm4b:s12+s5], $0xC8, $0x38;
	[tilespmem:$0x19400] =	vst v63  }
0x95: {  	_ =	swait.ge [sflag:s14], $0xC8  }
0x96: {  	[sflag:s14] =	ssyncset.done $0x0  }
0x97: {  	[sflag:s14] =	ssyncadd.s32 $0xFFFFFF38  }
0x98: {  	[tilespmem:s17], [sflag:$0x1] =	stream.indirect.gather [hbm4b:s1+s16], $0x80, s5, s16, $0xb8;
	[tilespmem:$0x19400] =	vst v63  }
0x99: {  	_ = 	snop  }
0x9a: {  	[tilespmem:s18], [sflag:$0x1] =	stream.indirect.gather [hbm4b:s1+s16], $0x80, s15, s16, $0xb8;
	[tilespmem:$0x19400] =	vst v63  }
0x9b: {  	_ = 	snop  }
0x9c: {  	[tilespmem:s20], [sflag:$0x1] =	stream.indirect.gather [hbm4b:s1+s19], $0x80, s16, s19, $0xb8;
	[tilespmem:$0x19400] =	vst v63  }
0x9d: {  	_ = 	snop  }
0x9e: {  	[tilespmem:s22], [sflag:$0x1] =	stream.indirect.gather [hbm4b:s1+s19], $0x80, s21, s19, $0xb8;
	[tilespmem:$0x19400] =	vst v63  }
0x9f: {  	_ =	swait.ge [sflag:s9], $0x3400  }
0xa0: {  	[sflag:s9] =	ssyncset.done $0x0  }
0xa1: {  	[sflag:s9] =	ssyncadd.s32 $0xFFFFCC00  }
0xa2: {  	_ =	swait.ge [sflag:s9], $0x3400  }
0xa3: {  	[sflag:s9] =	ssyncset.done $0x0  }
0xa4: {  	[sflag:s9] =	ssyncadd.s32 $0xFFFFCC00  }
0xa5: {  	_ =	swait.ge [sflag:s9], $0x3000  }
0xa6: {  	[sflag:s9] =	ssyncset.done $0x0  }
0xa7: {  	[sflag:s9] =	ssyncadd.s32 $0xFFFFD000  }
0xa8: {  	_ =	swait.ge [sflag:s9], $0x3000  }
0xa9: {  	[sflag:s9] =	ssyncset.done $0x0  }
0xaa: {  	s12 =	simm.s32 $0xF0;
	[sflag:s9] =	ssyncadd.s32 $0xFFFFD000  }
0xab: {  	v6 =	vld [tilespmem:s12+$0x12F10]  }
0xac: {  	v7 =	vld [tilespmem:s12+$0x12F20]  }
0xad: {  	v8 =	vld [tilespmem:s12+$0x12F30]  }
0xae: {  	v9 =	vld [tilespmem:s12+$0x12F40]  }
0xaf: {  	v10 =	vld [tilespmem:s12+$0x12F50]  }
0xb0: {  	v11 =	vld [tilespmem:s12+$0x12F60]  }
0xb1: {  	v12 =	vld [tilespmem:s12+$0x12F70]  }
0xb2: {  	v13 =	vld [tilespmem:s12+$0x12F80]  }
0xb3: {  	v14 =	vld [tilespmem:s12+$0x12F90]  }
0xb4: {  	v15 =	vld [tilespmem:s12+$0x12FA0]  }
0xb5: {  	v5 =	vld [tilespmem:s12+$0x12FB0]  }
0xb6: {  	v4 =	vld [tilespmem:s12+$0x12FC0]  }
0xb7: {  	v3 =	vld [tilespmem:s12+$0x12FD0]  }
0xb8: {  	v2 =	vld [tilespmem:s12+$0x12FE0]  }
0xb9: {  	v1 =	vld [tilespmem:s12+$0x12FF0]  }
0xba: {  	v0 =	vld [tilespmem:s12+$0x13000]  }
0xbb: {  	v16 =	vld [tilespmem:s12+$0xCB10]  }
0xbc: {  	v17 =	vld [tilespmem:s12+$0xCB20]  }
0xbd: {  	v18 =	vld [tilespmem:s12+$0xCB30]  }
0xbe: {  	v19 =	vld [tilespmem:s12+$0xCB40]  }
0xbf: {  	v20 =	vld [tilespmem:s12+$0xCB50]  }
0xc0: {  	v60 =	vld [tilespmem:s12+$0xCB60];
	v6 =	vadd.f32 v6, v16  }
0xc1: {  	v21 =	vld [tilespmem:s12+$0xCB70];
	v7 =	vadd.f32 v7, v17  }
0xc2: {  	v61 =	vld [tilespmem:s12+$0xCB80];
	[tilespmem:s12+$0xCB10] =	vst v6;
	v6 =	vadd.f32 v8, v18  }
0xc3: {  	v62 =	vld [tilespmem:s12+$0xCB90];
	[tilespmem:s12+$0xCB20] =	vst v7;
	v7 =	vadd.f32 v9, v19  }
0xc4: {  	v63 =	vld [tilespmem:s12+$0xCBA0];
	[tilespmem:s12+$0xCB30] =	vst v6;
	v6 =	vadd.f32 v10, v20  }
0xc5: {  	v8 =	vadd.f32 v11, v60;
	[tilespmem:s12+$0xCB40] =	vst v7;
	v7 =	vld [tilespmem:s12+$0xCBB0]  }
0xc6: {  	v9 =	vadd.f32 v12, v21;
	[tilespmem:s12+$0xCB50] =	vst v6;
	v6 =	vld [tilespmem:s12+$0xCBC0]  }
0xc7: {  	[tilespmem:s12+$0xCB60] =	vst v8;
	v8 =	vld [tilespmem:s12+$0xCBD0];
	v10 =	vadd.f32 v13, v61  }
0xc8: {  	v12 =	vadd.f32 v14, v62;
	[tilespmem:s12+$0xCB70] =	vst v9;
	v9 =	vld [tilespmem:s12+$0xCBE0]  }
0xc9: {  	s26 =	simm.s32 $0x7C0;
	v11 =	vadd.f32 v15, v63;
	[tilespmem:s12+$0xCB80] =	vst v10;
	v10 =	vld [tilespmem:s12+$0xCBF0]  }
.LBB2_5:
0xca: {  	s28 =	sshra.s32 s26, $0x2;
	p0 =	sne.s32 s26, $0x18FC0;
	[tilespmem:s12+$0xCB90] =	vst v12;
	v5 =	vadd.f32 v5, v7;
	v7 =	vld [tilespmem:s12+$0xCC00]  }
0xcb: {  	v12 =	vld [tilespmem:s28+$0x12F10];
	[tilespmem:s12+$0xCBA0] =	vst v11;
	v4 =	vadd.f32 v4, v6  }
0xcc: {  	v6 =	vld [tilespmem:s28+$0x12F20];
	[tilespmem:s12+$0xCBB0] =	vst v5;
	v3 =	vadd.f32 v3, v8  }
0xcd: {  	v8 =	vld [tilespmem:s28+$0x12F30];
	[tilespmem:s12+$0xCBC0] =	vst v4;
	v2 =	vadd.f32 v2, v9  }
0xce: {  	v9 =	vld [tilespmem:s28+$0x12F40];
	[tilespmem:s12+$0xCBD0] =	vst v3;
	v1 =	vadd.f32 v1, v10  }
0xcf: {  	v10 =	vld [tilespmem:s28+$0x12F50];
	[tilespmem:s12+$0xCBE0] =	vst v2;
	v0 =	vadd.f32 v0, v7  }
0xd0: {  	v7 =	vld [tilespmem:s28+$0x12F60];
	[tilespmem:s12+$0xCBF0] =	vst v1  }
0xd1: {  	v11 =	vld [tilespmem:s28+$0x12F70];
	[tilespmem:s12+$0xCC00] =	vst v0;
	s12 =	smov.u32 s28  }
0xd2: {  	v13 =	vld [tilespmem:s12+$0x12F80]  }
0xd3: {  	v14 =	vld [tilespmem:s12+$0x12F90]  }
0xd4: {  	v15 =	vld [tilespmem:s12+$0x12FA0]  }
0xd5: {  	v5 =	vld [tilespmem:s12+$0x12FB0]  }
0xd6: {  	v4 =	vld [tilespmem:s12+$0x12FC0]  }
0xd7: {  	v3 =	vld [tilespmem:s12+$0x12FD0]  }
0xd8: {  	v2 =	vld [tilespmem:s12+$0x12FE0]  }
0xd9: {  	v1 =	vld [tilespmem:s12+$0x12FF0]  }
0xda: {  	v0 =	vld [tilespmem:s12+$0x13000]  }
0xdb: {  	v16 =	vld [tilespmem:s12+$0xCB10]  }
0xdc: {  	v17 =	vld [tilespmem:s12+$0xCB20]  }
0xdd: {  	v18 =	vld [tilespmem:s12+$0xCB30]  }
0xde: {  	v19 =	vld [tilespmem:s12+$0xCB40]  }
0xdf: {  	v20 =	vld [tilespmem:s12+$0xCB50]  }
0xe0: {  	v12 =	vadd.f32 v12, v16;
	v16 =	vld [tilespmem:s12+$0xCB60]  }
0xe1: {  	v6 =	vadd.f32 v6, v17;
	v17 =	vld [tilespmem:s12+$0xCB70]  }
0xe2: {  	[tilespmem:s12+$0xCB10] =	vst v12;
	v8 =	vadd.f32 v8, v18;
	v12 =	vld [tilespmem:s12+$0xCB80]  }
0xe3: {  	[tilespmem:s12+$0xCB20] =	vst v6;
	v6 =	vadd.f32 v9, v19;
	v9 =	vld [tilespmem:s12+$0xCB90]  }
0xe4: {  	[tilespmem:s12+$0xCB30] =	vst v8;
	v8 =	vadd.f32 v10, v20;
	v10 =	vld [tilespmem:s12+$0xCBA0]  }
.Ltmp1:
0xe5: {  	[tilespmem:s12+$0xCB40] =	vst v6;
	v16 =	vadd.f32 v7, v16;
	v7 =	vld [tilespmem:s12+$0xCBB0];
	(pc) =	sbr.rel @p0 .LBB2_5-.Ltmp1, $4  }
0xe6: {  	[tilespmem:s12+$0xCB50] =	vst v8;
	v11 =	vadd.f32 v11, v17;
	v6 =	vld [tilespmem:s12+$0xCBC0]  }
0xe7: {  	[tilespmem:s12+$0xCB60] =	vst v16;
	v13 =	vadd.f32 v13, v12;
	v8 =	vld [tilespmem:s12+$0xCBD0]  }
0xe8: {  	[tilespmem:s12+$0xCB70] =	vst v11;
	v12 =	vadd.f32 v14, v9;
	v9 =	vld [tilespmem:s12+$0xCBE0]  }
0xe9: {  	s26 =	sadd.s32 $0x400, s26;
	[tilespmem:s12+$0xCB80] =	vst v13;
	v11 =	vadd.f32 v15, v10;
	v10 =	vld [tilespmem:s12+$0xCBF0]  }
0xea: {  	[tilespmem:s12+$0xCB90] =	vst v12;
	v5 =	vadd.f32 v5, v7;
	v63 =	vld [tilespmem:s12+$0xCC00]  }
0xeb: {  	[tilespmem:s12+$0xCBA0] =	vst v11;
	v4 =	vadd.f32 v4, v6  }
0xec: {  	s13 =	sadd.s32 $0x1, s13;
	[tilespmem:s12+$0xCBB0] =	vst v5;
	v3 =	vadd.f32 v3, v8  }
0xed: {  	p0 =	sne.s32 s13, $0x9;
	[tilespmem:s12+$0xCBC0] =	vst v4;
	v2 =	vadd.f32 v2, v9  }
.Ltmp2:
0xee: {  	[tilespmem:s12+$0xCBD0] =	vst v3;
	v1 =	vadd.f32 v1, v10;
	(pc) =	sbr.rel @p0 .LBB2_2-.Ltmp2, $4  }
0xef: {  	s10 =	sadd.s32 s6, s10;
	[tilespmem:s12+$0xCBE0] =	vst v2;
	v0 =	vadd.f32 v0, v63  }
0xf0: {  	s10 =	sshll.u32 s10, $0x4;
	[tilespmem:s12+$0xCBF0] =	vst v1  }
0xf1: {  	s10 =	sadd.s32 s8, s10;
	[tilespmem:s12+$0xCC00] =	vst v0  }
0xf2: {  	[hbm4b:s10+s5] =	stream.linear.scatter [tilespmem:s25], [sflag:$0x4], $0x6400, $0x38;
	[tilespmem:$0x19400] =	vst v63  }
0xf3: {  	_ =	swait.ge [sflag:s3], $0x3400  }
0xf4: {  	[sflag:s3] =	ssyncset.done $0x0  }
0xf5: {  	[sflag:s3] =	ssyncadd.s32 $0xFFFFCC00  }
0xf6: {  	_ =	swait.ge [sflag:s3], $0x3400  }
0xf7: {  	[sflag:s3] =	ssyncset.done $0x0  }
0xf8: {  	[sflag:s3] =	ssyncadd.s32 $0xFFFFCC00  }
0xf9: {  	_ =	swait.ge [sflag:s3], $0x3000  }
0xfa: {  	[sflag:s3] =	ssyncset.done $0x0  }
0xfb: {  	[sflag:s3] =	ssyncadd.s32 $0xFFFFD000  }
0xfc: {  	_ =	swait.ge [sflag:s3], $0x3000  }
0xfd: {  	[sflag:s3] =	ssyncset.done $0x0  }
0xfe: {  	s10 =	simm.s32 $0xF0;
	[sflag:s3] =	ssyncadd.s32 $0xFFFFD000  }
0xff: {  	v6 =	vld [tilespmem:s10+$0x6710]  }
0x100: {  	v7 =	vld [tilespmem:s10+$0x6720]  }
0x101: {  	v8 =	vld [tilespmem:s10+$0x6730]  }
0x102: {  	v9 =	vld [tilespmem:s10+$0x6740]  }
0x103: {  	v10 =	vld [tilespmem:s10+$0x6750]  }
0x104: {  	v11 =	vld [tilespmem:s10+$0x6760]  }
0x105: {  	v12 =	vld [tilespmem:s10+$0x6770]  }
0x106: {  	v13 =	vld [tilespmem:s10+$0x6780]  }
0x107: {  	v14 =	vld [tilespmem:s10+$0x6790]  }
0x108: {  	v15 =	vld [tilespmem:s10+$0x67A0]  }
0x109: {  	v5 =	vld [tilespmem:s10+$0x67B0]  }
0x10a: {  	v4 =	vld [tilespmem:s10+$0x67C0]  }
0x10b: {  	v3 =	vld [tilespmem:s10+$0x67D0]  }
0x10c: {  	v2 =	vld [tilespmem:s10+$0x67E0]  }
0x10d: {  	v1 =	vld [tilespmem:s10+$0x67F0]  }
0x10e: {  	v0 =	vld [tilespmem:s10+$0x6800]  }
0x10f: {  	v16 =	vld [tilespmem:s10+$0x310]  }
0x110: {  	v17 =	vld [tilespmem:s10+$0x320]  }
0x111: {  	v18 =	vld [tilespmem:s10+$0x330]  }
0x112: {  	v19 =	vld [tilespmem:s10+$0x340]  }
0x113: {  	v20 =	vld [tilespmem:s10+$0x350]  }
0x114: {  	v60 =	vld [tilespmem:s10+$0x360];
	v6 =	vadd.f32 v6, v16  }
0x115: {  	v21 =	vld [tilespmem:s10+$0x370];
	v7 =	vadd.f32 v7, v17  }
0x116: {  	v61 =	vld [tilespmem:s10+$0x380];
	[tilespmem:s10+$0x310] =	vst v6;
	v6 =	vadd.f32 v8, v18  }
0x117: {  	v62 =	vld [tilespmem:s10+$0x390];
	[tilespmem:s10+$0x320] =	vst v7;
	v7 =	vadd.f32 v9, v19  }
0x118: {  	v63 =	vld [tilespmem:s10+$0x3A0];
	[tilespmem:s10+$0x330] =	vst v6;
	v6 =	vadd.f32 v10, v20  }
0x119: {  	v8 =	vadd.f32 v11, v60;
	[tilespmem:s10+$0x340] =	vst v7;
	v7 =	vld [tilespmem:s10+$0x3B0]  }
0x11a: {  	v9 =	vadd.f32 v12, v21;
	[tilespmem:s10+$0x350] =	vst v6;
	v6 =	vld [tilespmem:s10+$0x3C0]  }
0x11b: {  	[tilespmem:s10+$0x360] =	vst v8;
	v8 =	vld [tilespmem:s10+$0x3D0];
	v10 =	vadd.f32 v13, v61  }
0x11c: {  	v12 =	vadd.f32 v14, v62;
	[tilespmem:s10+$0x370] =	vst v9;
	v9 =	vld [tilespmem:s10+$0x3E0]  }
0x11d: {  	s12 =	simm.s32 $0x7C0;
	v11 =	vadd.f32 v15, v63;
	[tilespmem:s10+$0x380] =	vst v10;
	v10 =	vld [tilespmem:s10+$0x3F0]  }
.LBB2_8:
0x11e: {  	s13 =	sshra.s32 s12, $0x2;
	p0 =	sne.s32 s12, $0x18FC0;
	[tilespmem:s10+$0x390] =	vst v12;
	v5 =	vadd.f32 v5, v7;
	v7 =	vld [tilespmem:s10+$0x400]  }
0x11f: {  	v12 =	vld [tilespmem:s13+$0x6710];
	[tilespmem:s10+$0x3A0] =	vst v11;
	v4 =	vadd.f32 v4, v6  }
0x120: {  	v6 =	vld [tilespmem:s13+$0x6720];
	[tilespmem:s10+$0x3B0] =	vst v5;
	v3 =	vadd.f32 v3, v8  }
0x121: {  	v8 =	vld [tilespmem:s13+$0x6730];
	[tilespmem:s10+$0x3C0] =	vst v4;
	v2 =	vadd.f32 v2, v9  }
0x122: {  	v9 =	vld [tilespmem:s13+$0x6740];
	[tilespmem:s10+$0x3D0] =	vst v3;
	v1 =	vadd.f32 v1, v10  }
0x123: {  	v10 =	vld [tilespmem:s13+$0x6750];
	[tilespmem:s10+$0x3E0] =	vst v2;
	v0 =	vadd.f32 v0, v7  }
0x124: {  	v7 =	vld [tilespmem:s13+$0x6760];
	[tilespmem:s10+$0x3F0] =	vst v1  }
0x125: {  	v11 =	vld [tilespmem:s13+$0x6770];
	[tilespmem:s10+$0x400] =	vst v0;
	s10 =	smov.u32 s13  }
0x126: {  	v13 =	vld [tilespmem:s10+$0x6780]  }
0x127: {  	v14 =	vld [tilespmem:s10+$0x6790]  }
0x128: {  	v15 =	vld [tilespmem:s10+$0x67A0]  }
0x129: {  	v5 =	vld [tilespmem:s10+$0x67B0]  }
0x12a: {  	v4 =	vld [tilespmem:s10+$0x67C0]  }
0x12b: {  	v3 =	vld [tilespmem:s10+$0x67D0]  }
0x12c: {  	v2 =	vld [tilespmem:s10+$0x67E0]  }
0x12d: {  	v1 =	vld [tilespmem:s10+$0x67F0]  }
0x12e: {  	v0 =	vld [tilespmem:s10+$0x6800]  }
0x12f: {  	v16 =	vld [tilespmem:s10+$0x310]  }
0x130: {  	v17 =	vld [tilespmem:s10+$0x320]  }
0x131: {  	v18 =	vld [tilespmem:s10+$0x330]  }
0x132: {  	v19 =	vld [tilespmem:s10+$0x340]  }
0x133: {  	v20 =	vld [tilespmem:s10+$0x350]  }
0x134: {  	v12 =	vadd.f32 v12, v16;
	v16 =	vld [tilespmem:s10+$0x360]  }
0x135: {  	v6 =	vadd.f32 v6, v17;
	v17 =	vld [tilespmem:s10+$0x370]  }
0x136: {  	[tilespmem:s10+$0x310] =	vst v12;
	v8 =	vadd.f32 v8, v18;
	v12 =	vld [tilespmem:s10+$0x380]  }
0x137: {  	[tilespmem:s10+$0x320] =	vst v6;
	v6 =	vadd.f32 v9, v19;
	v9 =	vld [tilespmem:s10+$0x390]  }
0x138: {  	[tilespmem:s10+$0x330] =	vst v8;
	v8 =	vadd.f32 v10, v20;
	v10 =	vld [tilespmem:s10+$0x3A0]  }
.Ltmp3:
0x139: {  	[tilespmem:s10+$0x340] =	vst v6;
	v16 =	vadd.f32 v7, v16;
	v7 =	vld [tilespmem:s10+$0x3B0];
	(pc) =	sbr.rel @p0 .LBB2_8-.Ltmp3, $4  }
0x13a: {  	[tilespmem:s10+$0x350] =	vst v8;
	v11 =	vadd.f32 v11, v17;
	v6 =	vld [tilespmem:s10+$0x3C0]  }
0x13b: {  	[tilespmem:s10+$0x360] =	vst v16;
	v13 =	vadd.f32 v13, v12;
	v8 =	vld [tilespmem:s10+$0x3D0]  }
0x13c: {  	[tilespmem:s10+$0x370] =	vst v11;
	v12 =	vadd.f32 v14, v9;
	v9 =	vld [tilespmem:s10+$0x3E0]  }
0x13d: {  	s12 =	sadd.s32 $0x400, s12;
	[tilespmem:s10+$0x380] =	vst v13;
	v11 =	vadd.f32 v15, v10;
	v10 =	vld [tilespmem:s10+$0x3F0]  }
0x13e: {  	[tilespmem:s10+$0x390] =	vst v12;
	v5 =	vadd.f32 v5, v7;
	v63 =	vld [tilespmem:s10+$0x400]  }
0x13f: {  	[tilespmem:s10+$0x3A0] =	vst v11;
	v4 =	vadd.f32 v4, v6  }
0x140: {  	[tilespmem:s10+$0x3B0] =	vst v5;
	v3 =	vadd.f32 v3, v8  }
0x141: {  	[tilespmem:s10+$0x3C0] =	vst v4;
	v2 =	vadd.f32 v2, v9  }
0x142: {  	[tilespmem:s10+$0x3D0] =	vst v3;
	v1 =	vadd.f32 v1, v10  }
0x143: {  	[tilespmem:s10+$0x3E0] =	vst v2;
	v0 =	vadd.f32 v0, v63  }
0x144: {  	[tilespmem:s10+$0x3F0] =	vst v1  }
0x145: {  	s28 =	rddreg [dreg:$0x7];
	[tilespmem:s10+$0x400] =	vst v0  }
0x146: {  	[hbm4b:s28+s5] =	stream.linear.scatter [tilespmem:s17], [sflag:$0x3], $0x6400, $0x38;
	[tilespmem:$0x19400] =	vst v63  }
0x147: {  	_ =	swait.ge [sflag:s0], $0x6400  }
0x148: {  	[sflag:s0] =	ssyncset.done $0x0  }
0x149: {  	s12 =	simm.s32 $0x4;
	[sflag:s0] =	ssyncadd.s32 $0xFFFF9C00  }
0x14a: {  	_ =	swait.ge [sflag:s12], $0x6400  }
0x14b: {  	s13 =	rddreg [dreg:$0x9]  }
0x14c: {  	s29 =	rddreg [dreg:$0x8];
	s13 =	sadd.s32 $0x1, s13  }
0x14d: {  	p0 =	sne.s32 s13, s29  }
.Ltmp4:
0x14e: {  	_ = 	snop;
	(pc) =	sbr.rel @p0 .LBB2_1-.Ltmp4, $3  }
0x14f: {  	_ =	sdelay $0x1  }
0x150: {  	[sflag:s12] =	ssyncset.done $0x0  }
0x151: {  	[sflag:s12] =	ssyncadd.s32 $0xFFFF9C00  }
0x152: {  	_ =	sfence.sel $0x180000  }
0x153: {  	[bflag:$0x0] =	sbarrier.arrive $0xFFFF  }
0x154: {  	_ =	strace $0x9000004A  }
0x155: {  	s0 =	stileid.u32;
	[bflag:$0x2] =	sbarrier.arrive $0xFFFF  }
0x156: {  	p0 =	sne.s32 s0, $0x0;
	s0 =	rddreg [dreg:$0x4]  }
0x157: {  	s0 =	sadd.s32 @!p0 $0x100000, s0  }
0x158: {  	[sflag:s0] =	ssyncadd.tile.s32 @!p0 $0x1;
	_ =	shalt  }
.Lfunc_end2:
_tile_overlayer_lowered:
.L_overlay_start_2:
0x159: {  	(tag) =	ssettag $0x2  }
0x15a: {  	s0 =	rddreg [dreg:$0x0];
	s2 =	stileid.u32  }
0x15b: {  	s1 =	rddreg [dreg:$0x1];
	p0 =	sne.s32 s2, $0x0  }
0x15c: {  	s3 =	rddreg [dreg:$0x2];
	[bflag:$0x3] =	sbarrier.arrive $0xFFFF;
	s2 =	simm.s32 @!p0 $0x1C05  }
0x15d: {  	[timem:s3], [sflag:s2] =	dma.local @!p0 [hbm:s0], s1  }
0x15e: {  	s0 =	simm.s32 @!p0 $0x5  }
0x15f: {  	_ =	swait.ge @!p0 [sflag:s0], s1  }
0x160: {  	s1 =	ssub.s32 @!p0 $0x0, s1;
	[sflag:s0] =	ssyncset.done @!p0 $0x0  }
0x161: {  	[sflag:s0] =	ssyncadd.s32 @!p0 s1  }
0x162: {  	[bflag:$0x3] =	sbarrier.arrive $0xFFFF  }
0x163: {  	_ =	shalt  }

</sc_bundles>
